<compile_context>
chip_gen: v7x
topology: tpu7x:2x2x1
jax: 0.10.2.dev20260603
libtpu: 0.0.44.dev20260713+nightly
codegen_flags: <defaults>
</compile_context>

<pallas_src>
import functools

import jax
import jax.numpy as jnp
from jax import lax
from jax.experimental import pallas as pl
from jax.experimental.pallas import tpu as pltpu
from jax.experimental.pallas import tpu_sc as plsc

N = 10000
E = 320000
DIM = 256
NC = 10
NG = 64

NTILE = 16
K = 64
CH = 320
SBI = 32
NBUF = 4
EPAD = NTILE * CH * K
NPAD = 10240
ROWS_PER_TILE = NPAD // NTILE
OUT_ROWS_PER_TILE = N // NTILE


def _sc_prologue(zeros_hbm, agg, sid):
    pltpu.sync_copy(zeros_hbm, agg.at[pl.ds(sid * ROWS_PER_TILE, ROWS_PER_TILE)])
    plsc.subcore_barrier()


def _sc_run(x_hbm, out_hbm, src_hbm, dst_hbm, srcv, dstv, bufs, gsems, ssems,
            agg, sid, chunk0, nchunks):
    def gather(j, b):
        return pltpu.make_async_copy(x_hbm.at[srcv.at[j]], bufs[b], gsems[b])

    def scatter(j, b):
        return pltpu.make_async_copy(bufs[b], agg.at[dstv.at[j]], ssems[b])

    @pl.loop(0, nchunks // SBI)
    def _(blk):
        row0 = chunk0 + blk * SBI
        pltpu.sync_copy(src_hbm.at[pl.ds(row0, SBI)], srcv)
        pltpu.sync_copy(dst_hbm.at[pl.ds(row0, SBI)], dstv)
        gather(0, 0).start()
        gather(1, 1).start()
        gather(0, 0).wait()
        scatter(0, 0).start(add=True)
        gather(2, 2).start()
        gather(1, 1).wait()
        scatter(1, 1).start(add=True)
        gather(3, 3).start()

        @pl.loop(0, (SBI - 4) // NBUF)
        def _(g):
            for t in range(NBUF):
                j = g * NBUF + t + 2
                bj = (t + 2) % NBUF
                gather(j, bj).wait()
                scatter(j, bj).start(add=True)
                scatter(j - 2, t).wait()
                gather(j + 2, t).start()

        for j, bj in ((SBI - 2, (SBI - 2) % NBUF), (SBI - 1, (SBI - 1) % NBUF)):
            gather(j, bj).wait()
            scatter(j, bj).start(add=True)
        for j in range(SBI - 4, SBI):
            scatter(j, j % NBUF).wait()

    plsc.subcore_barrier()
    base = sid * ROWS_PER_TILE
    pltpu.sync_copy(agg.at[pl.ds(base, ROWS_PER_TILE)],
                    out_hbm.at[pl.ds(base, ROWS_PER_TILE)])


def _make_sc_mesh():
    return plsc.VectorSubcoreMesh(core_axis_name="c", subcore_axis_name="s")


def _make_sc_seg_featsplit():
    fh = DIM // 2

    @functools.partial(
        pl.kernel,
        out_type=(
            jax.ShapeDtypeStruct((NPAD, fh), jnp.float32),
            jax.ShapeDtypeStruct((NPAD, fh), jnp.float32),
        ),
        mesh=_make_sc_mesh(),
        scratch_types=(
            [pltpu.VMEM((SBI, K), jnp.int32),
             pltpu.VMEM((SBI, K), jnp.int32)]
            + [pltpu.VMEM((K, fh), jnp.float32)] * NBUF
            + [pltpu.SemaphoreType.DMA] * (2 * NBUF)
            + [pltpu.VMEM_SHARED((NPAD, fh), jnp.float32)]
        ),
    )
    def sc_seg(xl_hbm, xh_hbm, src_hbm, dst_hbm, zeros_hbm,
               outl_hbm, outh_hbm,
               srcv, dstv, b0, b1, b2, b3,
               gs0, gs1, gs2, gs3, ss0, ss1, ss2, ss3, agg):
        bufs = (b0, b1, b2, b3)
        gsems = (gs0, gs1, gs2, gs3)
        ssems = (ss0, ss1, ss2, ss3)
        cid = lax.axis_index("c")
        sid = lax.axis_index("s")
        _sc_prologue(zeros_hbm, agg, sid)

        @pl.when(cid == 0)
        def _():
            _sc_run(xl_hbm, outl_hbm, src_hbm, dst_hbm, srcv, dstv,
                    bufs, gsems, ssems, agg, sid, sid * CH, CH)

        @pl.when(cid == 1)
        def _():
            _sc_run(xh_hbm, outh_hbm, src_hbm, dst_hbm, srcv, dstv,
                    bufs, gsems, ssems, agg, sid, sid * CH, CH)

    return sc_seg


def _make_sc_seg_edgesplit(fw):

    @functools.partial(
        pl.kernel,
        out_type=(
            jax.ShapeDtypeStruct((NPAD, fw), jnp.float32),
            jax.ShapeDtypeStruct((NPAD, fw), jnp.float32),
        ),
        mesh=_make_sc_mesh(),
        scratch_types=(
            [pltpu.VMEM((SBI, K), jnp.int32),
             pltpu.VMEM((SBI, K), jnp.int32)]
            + [pltpu.VMEM((K, fw), jnp.float32)] * NBUF
            + [pltpu.SemaphoreType.DMA] * (2 * NBUF)
            + [pltpu.VMEM_SHARED((NPAD, fw), jnp.float32)]
        ),
    )
    def sc_seg(x_hbm, src_hbm, dst_hbm, zeros_hbm,
               out0_hbm, out1_hbm,
               srcv, dstv, b0, b1, b2, b3,
               gs0, gs1, gs2, gs3, ss0, ss1, ss2, ss3, agg):
        bufs = (b0, b1, b2, b3)
        gsems = (gs0, gs1, gs2, gs3)
        ssems = (ss0, ss1, ss2, ss3)
        cid = lax.axis_index("c")
        sid = lax.axis_index("s")
        _sc_prologue(zeros_hbm, agg, sid)

        @pl.when(cid == 0)
        def _():
            _sc_run(x_hbm, out0_hbm, src_hbm, dst_hbm, srcv, dstv,
                    bufs, gsems, ssems, agg, sid, sid * CH, CH // 2)

        @pl.when(cid == 1)
        def _():
            _sc_run(x_hbm, out1_hbm, src_hbm, dst_hbm, srcv, dstv,
                    bufs, gsems, ssems, agg, sid,
                    sid * CH + CH // 2, CH // 2)

    return sc_seg


_sc_seg_feat = _make_sc_seg_featsplit()
_sc_seg_edge = _make_sc_seg_edgesplit(128)


def _tc_layer1_body(p0_ref, p1_ref, x_ref, wrel_ref, brel_ref, wroot_ref,
                    g_ref, bt_ref, outl_ref, outh_ref):
    f32 = jnp.float32
    agg = p0_ref[:N, :] + p1_ref[:N, :]
    h = (jnp.dot(agg, wrel_ref[...], preferred_element_type=f32)
         + jnp.dot(x_ref[...], wroot_ref[...], preferred_element_type=f32)
         + brel_ref[...])
    m = jnp.mean(h, axis=0, keepdims=True)
    c = h - m
    v = jnp.mean(c * c, axis=0, keepdims=True)
    y = jnp.maximum(c * lax.rsqrt(v + 1e-5) * g_ref[...] + bt_ref[...], 0.0)
    half = DIM // 2
    outl_ref[...] = y[:, :half]
    outh_ref[...] = y[:, half:]


def _tc_layer1(p0, p1, x, w_rel, b_rel, w_root, gamma, beta):
    out_shape = (jax.ShapeDtypeStruct((N, DIM // 2), jnp.float32),
                 jax.ShapeDtypeStruct((N, DIM // 2), jnp.float32))
    return pl.pallas_call(
        _tc_layer1_body,
        out_shape=out_shape,
    )(p0, p1, x, w_rel, b_rel.reshape(1, DIM), w_root,
      gamma.reshape(1, DIM), beta.reshape(1, DIM))


def _tc_layer_body(residual, aggl_ref, aggh_ref, xl_ref, xh_ref,
                   wrel_ref, brel_ref, wroot_ref, g_ref, bt_ref,
                   outl_ref, outh_ref):
    fh = aggl_ref.shape[1]
    f32 = jnp.float32
    h = (jnp.dot(aggl_ref[:N, :], wrel_ref[:fh, :], preferred_element_type=f32)
         + jnp.dot(aggh_ref[:N, :], wrel_ref[fh:, :], preferred_element_type=f32)
         + jnp.dot(xl_ref[...], wroot_ref[:fh, :], preferred_element_type=f32)
         + jnp.dot(xh_ref[...], wroot_ref[fh:, :], preferred_element_type=f32)
         + brel_ref[...])
    m = jnp.mean(h, axis=0, keepdims=True)
    c = h - m
    v = jnp.mean(c * c, axis=0, keepdims=True)
    y = jnp.maximum(c * lax.rsqrt(v + 1e-5) * g_ref[...] + bt_ref[...], 0.0)
    half = DIM // 2
    if residual:
        outl_ref[...] = y[:, :half] + xl_ref[...]
        outh_ref[...] = y[:, half:] + xh_ref[...]
    else:
        outl_ref[...] = y[:, :half]
        outh_ref[...] = y[:, half:]


def _tc_layer(aggl, aggh, xl, xh, w_rel, b_rel, w_root, gamma, beta, residual):
    out_shape = (jax.ShapeDtypeStruct((N, DIM // 2), jnp.float32),
                 jax.ShapeDtypeStruct((N, DIM // 2), jnp.float32))
    return pl.pallas_call(
        functools.partial(_tc_layer_body, residual),
        out_shape=out_shape,
    )(aggl, aggh, xl, xh, w_rel, b_rel.reshape(1, DIM), w_root,
      gamma.reshape(1, DIM), beta.reshape(1, DIM))


def _tc_pool_body(xl_ref, xh_ref, batch_ref, wl1_ref, bl1_ref,
                  wl2_ref, bl2_ref, out_ref):
    f32 = jnp.float32
    groups = lax.broadcasted_iota(jnp.int32, (NG, N), 0)
    onehot = (batch_ref[...] == groups).astype(f32)
    pooled_l = jnp.dot(onehot, xl_ref[...], preferred_element_type=f32)
    pooled_h = jnp.dot(onehot, xh_ref[...], preferred_element_type=f32)
    pooled = jnp.concatenate([pooled_l, pooled_h], axis=1)
    h = jnp.maximum(
        jnp.dot(pooled, wl1_ref[...], preferred_element_type=f32) + bl1_ref[...],
        0.0)
    o = jnp.dot(h, wl2_ref[...], preferred_element_type=f32) + bl2_ref[...]
    shifted = o - jnp.max(o, axis=-1, keepdims=True)
    lse = jnp.log(jnp.sum(jnp.exp(shifted), axis=-1, keepdims=True))
    out_ref[...] = shifted - lse


def _tc_pool(xl, xh, batch, w_l1, b_l1, w_l2, b_l2):
    return pl.pallas_call(
        _tc_pool_body,
        out_shape=jax.ShapeDtypeStruct((NG, NC), jnp.float32),
    )(xl, xh, batch.reshape(1, N).astype(jnp.int32), w_l1,
      b_l1.reshape(1, DIM), w_l2, b_l2.reshape(1, NC))


def kernel(x, edge_index, batch,
           W_rel1, b_rel1, W_root1, gamma1, beta1,
           W_rel2, b_rel2, W_root2, gamma2, beta2,
           W_rel3, b_rel3, W_root3, gamma3, beta3,
           W_rel4, b_rel4, W_root4, gamma4, beta4,
           W_l1, b_l1, W_l2, b_l2):
    src = edge_index[0].astype(jnp.int32)
    dst = edge_index[1].astype(jnp.int32)
    pad = EPAD - E
    src_tiles = jnp.concatenate(
        [src, jnp.zeros((pad,), jnp.int32)]).reshape(NTILE * CH, K)
    dst_tiles = jnp.concatenate(
        [dst, jnp.full((pad,), N, jnp.int32)]).reshape(NTILE * CH, K)

    zeros = jnp.zeros((ROWS_PER_TILE, DIM // 2), jnp.float32)

    p0, p1 = _sc_seg_edge(x, src_tiles, dst_tiles, zeros)
    xl, xh = _tc_layer1(p0, p1, x, W_rel1, b_rel1, W_root1, gamma1, beta1)

    layers = (
        (W_rel2, b_rel2, W_root2, gamma2, beta2),
        (W_rel3, b_rel3, W_root3, gamma3, beta3),
        (W_rel4, b_rel4, W_root4, gamma4, beta4),
    )
    for w_rel, b_rel, w_root, gamma, beta in layers:
        aggl, aggh = _sc_seg_feat(xl, xh, src_tiles, dst_tiles, zeros)
        xl, xh = _tc_layer(aggl, aggh, xl, xh, w_rel, b_rel, w_root,
                           gamma, beta, True)

    return _tc_pool(xl, xh, batch, W_l1, b_l1, W_l2, b_l2)

# --- scband reference (transcript-rebuilt; emitter-appended) ---
"""Pipeline reference for scband-graph-conv-residual-net-15178414424610 (READ-ONLY COPY).

The authoritative reference and input builder live on the scoring server;
editing this copy changes nothing except your own understanding.
"""

import jax, jax.numpy as jnp
import numpy as np

N = 10000
E = 320000
FIN = 128
DIM = 256
NC = 10
NG = 64


def setup_inputs(seed: int = 0):
    key = jax.random.key(seed)
    ks = jax.random.split(key, 32)
    inp = {}
    inp["x"] = jax.random.normal(ks[0], (N, FIN), dtype=jnp.float32)
    inp["edge_index"] = jax.random.randint(ks[1], (2, E), 0, N)
    inp["batch"] = jnp.sort(jax.random.randint(ks[2], (N,), 0, NG))
    dims = [(FIN, DIM), (DIM, DIM), (DIM, DIM), (DIM, DIM)]
    for i, (fi, fo) in enumerate(dims, start=1):
        s = 1.0 / np.sqrt(fi)
        inp[f"W_rel{i}"] = jax.random.normal(ks[2 + 3 * i], (fi, fo), dtype=jnp.float32) * s
        inp[f"b_rel{i}"] = jnp.zeros((fo,), dtype=jnp.float32)
        inp[f"W_root{i}"] = jax.random.normal(ks[3 + 3 * i], (fi, fo), dtype=jnp.float32) * s
        inp[f"gamma{i}"] = jnp.ones((fo,), dtype=jnp.float32)
        inp[f"beta{i}"] = jnp.zeros((fo,), dtype=jnp.float32)
    s = 1.0 / np.sqrt(DIM)
    inp["W_l1"] = jax.random.normal(ks[20], (DIM, DIM), dtype=jnp.float32) * s
    inp["b_l1"] = jnp.zeros((DIM,), dtype=jnp.float32)
    inp["W_l2"] = jax.random.normal(ks[21], (DIM, NC), dtype=jnp.float32) * s
    inp["b_l2"] = jnp.zeros((NC,), dtype=jnp.float32)
    return inp


def _graph_conv(x, edge_index, W_rel, b_rel, W_root):
    # PyG GraphConv (aggr='add'): out = lin_rel(sum_{j->i} x_j) + lin_root(x_i)
    src = edge_index[0]
    dst = edge_index[1]
    msg = jnp.take(x, src, axis=0)
    agg = jax.ops.segment_sum(msg, dst, num_segments=x.shape[0])
    return agg @ W_rel + b_rel + x @ W_root


def _bn(x, gamma, beta):
    # BatchNorm1d, training-mode batch statistics (dropout omitted: deterministic)
    m = jnp.mean(x, axis=0)
    v = jnp.var(x, axis=0)
    return (x - m) / jnp.sqrt(v + 1e-5) * gamma + beta


def reference(x, edge_index, batch,
              W_rel1, b_rel1, W_root1, gamma1, beta1,
              W_rel2, b_rel2, W_root2, gamma2, beta2,
              W_rel3, b_rel3, W_root3, gamma3, beta3,
              W_rel4, b_rel4, W_root4, gamma4, beta4,
              W_l1, b_l1, W_l2, b_l2):
    x1 = jax.nn.relu(_bn(_graph_conv(x, edge_index, W_rel1, b_rel1, W_root1), gamma1, beta1))
    x2 = jax.nn.relu(_bn(_graph_conv(x1, edge_index, W_rel2, b_rel2, W_root2), gamma2, beta2)) + x1
    x3 = jax.nn.relu(_bn(_graph_conv(x2, edge_index, W_rel3, b_rel3, W_root3), gamma3, beta3)) + x2
    x4 = jax.nn.relu(_bn(_graph_conv(x3, edge_index, W_rel4, b_rel4, W_root4), gamma4, beta4)) + x3
    pooled = jax.ops.segment_sum(x4, batch, num_segments=NG)
    h = jax.nn.relu(pooled @ W_l1 + b_l1)
    o = h @ W_l2 + b_l2
    return jax.nn.log_softmax(o, axis=-1)

if __name__ == "__main__":
    import jax
    _d = setup_inputs()
    print(jax.jit(kernel)(*tuple(_d.values())))

</pallas_src>

<mosaic_0001>
#map = affine_map<(d0, d1) -> (0, 0)>
module attributes {stable_mosaic.version = 14 : i64} {
  func.func @sc_seg(%arg0: i32, %arg1: i32, %arg2: memref<10000x128xf32, #tpu.memory_space<hbm>>, %arg3: memref<10000x128xf32, #tpu.memory_space<hbm>>, %arg4: memref<5120x64xi32, #tpu.memory_space<hbm>>, %arg5: memref<5120x64xi32, #tpu.memory_space<hbm>>, %arg6: memref<640x128xf32, #tpu.memory_space<hbm>>, %arg7: memref<10240x128xf32, #tpu.memory_space<hbm>>, %arg8: memref<10240x128xf32, #tpu.memory_space<hbm>>, %arg9: memref<32x64xi32, #tpu.memory_space<vmem>>, %arg10: memref<32x64xi32, #tpu.memory_space<vmem>>, %arg11: memref<64x128xf32, #tpu.memory_space<vmem>>, %arg12: memref<64x128xf32, #tpu.memory_space<vmem>>, %arg13: memref<64x128xf32, #tpu.memory_space<vmem>>, %arg14: memref<64x128xf32, #tpu.memory_space<vmem>>, %arg15: memref<!tpu.dma_semaphore, #tpu.memory_space<semaphore_mem>>, %arg16: memref<!tpu.dma_semaphore, #tpu.memory_space<semaphore_mem>>, %arg17: memref<!tpu.dma_semaphore, #tpu.memory_space<semaphore_mem>>, %arg18: memref<!tpu.dma_semaphore, #tpu.memory_space<semaphore_mem>>, %arg19: memref<!tpu.dma_semaphore, #tpu.memory_space<semaphore_mem>>, %arg20: memref<!tpu.dma_semaphore, #tpu.memory_space<semaphore_mem>>, %arg21: memref<!tpu.dma_semaphore, #tpu.memory_space<semaphore_mem>>, %arg22: memref<!tpu.dma_semaphore, #tpu.memory_space<semaphore_mem>>, %arg23: memref<10240x128xf32, #tpu.memory_space<vmem_shared>>) attributes {dimension_semantics = [#tpu.dimension_semantics<core_parallel>, #tpu.dimension_semantics<subcore_parallel>], iteration_bounds = array<i64: 2, 16>, scalar_prefetch = 0 : i64, scratch_operands = 15 : i64, tpu.core_type = #tpu.core_type<sc_vector_subcore>, window_params = [{transform_indices = #map}, {transform_indices = #map}, {transform_indices = #map}, {transform_indices = #map}, {transform_indices = #map}, {transform_indices = #map}, {transform_indices = #map}]} {
    %mul3A = arith.constant 640 : i32
    %mul3A_0 = arith.muli %arg1, %mul3A : i32
    "tpu.region"() ({
      %run_scoped3A = tpu.sem_alloc : memref<!tpu.dma_semaphore, #tpu.memory_space<semaphore_mem>>
      %dma_start3A = arith.constant 0 : i32
      %dma_start3A_8 = tpu.memref_slice %arg23[%mul3A_0, %dma_start3A] : memref<10240x128xf32, #tpu.memory_space<vmem_shared>> -> memref<640x128xf32, #tpu.memory_space<vmem_shared>>
      tpu.enqueue_dma source(%arg6 : memref<640x128xf32, #tpu.memory_space<hbm>>) target(%dma_start3A_8 : memref<640x128xf32, #tpu.memory_space<vmem_shared>>) target_semaphore(%run_scoped3A : memref<!tpu.dma_semaphore, #tpu.memory_space<semaphore_mem>>)
      %dma_wait3A = arith.constant 0 : i32
      %dma_wait3A_9 = tpu.memref_slice %arg23[%mul3A_0, %dma_wait3A] : memref<10240x128xf32, #tpu.memory_space<vmem_shared>> -> memref<640x128xf32, #tpu.memory_space<vmem_shared>>
      tpu.wait_dma2 semaphore(%run_scoped3A : memref<!tpu.dma_semaphore, #tpu.memory_space<semaphore_mem>>) src(%arg6 : memref<640x128xf32, #tpu.memory_space<hbm>>) dst(%dma_wait3A_9 : memref<640x128xf32, #tpu.memory_space<vmem_shared>>)
      tpu.yield
    }) : () -> ()
    %barrier3A = arith.constant 0 : index
    tpu.barrier barrier_id(%barrier3A)
    %eq3A = arith.constant 0 : i32
    %eq3A_1 = arith.cmpi eq, %arg0, %eq3A : i32
    %convert_element_type3A = arith.extui %eq3A_1 : i1 to i32
    %cond3A = arith.constant 0 : i32
    %cond3A_2 = arith.cmpi ne, %convert_element_type3A, %cond3A : i32
    scf.if %cond3A_2 {
      %mul3A_8 = arith.constant 320 : i32
      %mul3A_9 = arith.muli %arg1, %mul3A_8 : i32
      %scan3A = arith.constant 0 : i32
      %scan3A_10 = arith.constant 10 : i32
      %scan3A_11 = arith.addi %scan3A, %scan3A_10 : i32
      %scan3A_12 = arith.constant 1 : i32
      scf.for %scan3A_17 = %scan3A to %scan3A_11 step %scan3A_12  : i32 {
        %mul3A_18 = arith.constant 1 : i32
        %mul3A_19 = arith.muli %scan3A_17, %mul3A_18 : i32
        %add3A = arith.constant 0 : i32
        %add3A_20 = arith.addi %add3A, %mul3A_19 : i32
        %mul3A_21 = arith.constant 32 : i32
        %mul3A_22 = arith.muli %add3A_20, %mul3A_21 : i32
        %add3A_23 = arith.addi %mul3A_9, %mul3A_22 : i32
        "tpu.region"() ({
          %run_scoped3A = tpu.sem_alloc : memref<!tpu.dma_semaphore, #tpu.memory_space<semaphore_mem>>
          %dma_start3A_139 = arith.constant 0 : i32
          %dma_start3A_140 = tpu.memref_slice %arg4[%add3A_23, %dma_start3A_139] : memref<5120x64xi32, #tpu.memory_space<hbm>> -> memref<32x64xi32, #tpu.memory_space<hbm>>
          %dma_start3A_141 = arith.constant 0 : i32
          %dma_start3A_142 = tpu.memref_slice %arg4[%add3A_23, %dma_start3A_141] : memref<5120x64xi32, #tpu.memory_space<hbm>> -> memref<32x64xi32, #tpu.memory_space<hbm>>
          tpu.enqueue_dma source(%dma_start3A_142 : memref<32x64xi32, #tpu.memory_space<hbm>>) target(%arg9 : memref<32x64xi32, #tpu.memory_space<vmem>>) target_semaphore(%run_scoped3A : memref<!tpu.dma_semaphore, #tpu.memory_space<semaphore_mem>>)
          %dma_wait3A_143 = arith.constant 0 : i32
          %dma_wait3A_144 = tpu.memref_slice %arg4[%add3A_23, %dma_wait3A_143] : memref<5120x64xi32, #tpu.memory_space<hbm>> -> memref<32x64xi32, #tpu.memory_space<hbm>>
          %dma_wait3A_145 = arith.constant 0 : i32
          %dma_wait3A_146 = tpu.memref_slice %arg4[%add3A_23, %dma_wait3A_145] : memref<5120x64xi32, #tpu.memory_space<hbm>> -> memref<32x64xi32, #tpu.memory_space<hbm>>
          tpu.wait_dma2 semaphore(%run_scoped3A : memref<!tpu.dma_semaphore, #tpu.memory_space<semaphore_mem>>) src(%dma_wait3A_146 : memref<32x64xi32, #tpu.memory_space<hbm>>) dst(%arg9 : memref<32x64xi32, #tpu.memory_space<vmem>>)
          tpu.yield
        }) : () -> ()
        "tpu.region"() ({
          %run_scoped3A = tpu.sem_alloc : memref<!tpu.dma_semaphore, #tpu.memory_space<semaphore_mem>>
          %dma_start3A_139 = arith.constant 0 : i32
          %dma_start3A_140 = tpu.memref_slice %arg5[%add3A_23, %dma_start3A_139] : memref<5120x64xi32, #tpu.memory_space<hbm>> -> memref<32x64xi32, #tpu.memory_space<hbm>>
          %dma_start3A_141 = arith.constant 0 : i32
          %dma_start3A_142 = tpu.memref_slice %arg5[%add3A_23, %dma_start3A_141] : memref<5120x64xi32, #tpu.memory_space<hbm>> -> memref<32x64xi32, #tpu.memory_space<hbm>>
          tpu.enqueue_dma source(%dma_start3A_142 : memref<32x64xi32, #tpu.memory_space<hbm>>) target(%arg10 : memref<32x64xi32, #tpu.memory_space<vmem>>) target_semaphore(%run_scoped3A : memref<!tpu.dma_semaphore, #tpu.memory_space<semaphore_mem>>)
          %dma_wait3A_143 = arith.constant 0 : i32
          %dma_wait3A_144 = tpu.memref_slice %arg5[%add3A_23, %dma_wait3A_143] : memref<5120x64xi32, #tpu.memory_space<hbm>> -> memref<32x64xi32, #tpu.memory_space<hbm>>
          %dma_wait3A_145 = arith.constant 0 : i32
          %dma_wait3A_146 = tpu.memref_slice %arg5[%add3A_23, %dma_wait3A_145] : memref<5120x64xi32, #tpu.memory_space<hbm>> -> memref<32x64xi32, #tpu.memory_space<hbm>>
          tpu.wait_dma2 semaphore(%run_scoped3A : memref<!tpu.dma_semaphore, #tpu.memory_space<semaphore_mem>>) src(%dma_wait3A_146 : memref<32x64xi32, #tpu.memory_space<hbm>>) dst(%arg10 : memref<32x64xi32, #tpu.memory_space<vmem>>)
          tpu.yield
        }) : () -> ()
        %dma_start3A = arith.constant 0 : i32
        %dma_start3A_24 = arith.constant 0 : i32
        %dma_start3A_25 = tpu.memref_slice %arg9[%dma_start3A, %dma_start3A_24] : memref<32x64xi32, #tpu.memory_space<vmem>> -> memref<1x64xi32, #tpu.memory_space<vmem>>
        %dma_start3A_26 = tpu.memref_squeeze %dma_start3A_25 : memref<1x64xi32, #tpu.memory_space<vmem>> -> memref<64xi32, #tpu.memory_space<vmem>>
        %dma_start3A_27 = arith.constant 0 : i32
        %dma_start3A_28 = arith.constant 0 : i32
        %dma_start3A_29 = tpu.memref_slice %arg2[%dma_start3A_27, %dma_start3A_28] : memref<10000x128xf32, #tpu.memory_space<hbm>> -> memref<10000x128xf32, #tpu.memory_space<hbm>>
        tpu.enqueue_indirect_dma source(%dma_start3A_29 : memref<10000x128xf32, #tpu.memory_space<hbm>>) target(%arg11 : memref<64x128xf32, #tpu.memory_space<vmem>>) offsets(%dma_start3A_26 : memref<64xi32, #tpu.memory_space<vmem>>) semaphore(%arg15 : memref<!tpu.dma_semaphore, #tpu.memory_space<semaphore_mem>>)
        %dma_start3A_30 = arith.constant 1 : i32
        %dma_start3A_31 = arith.constant 0 : i32
        %dma_start3A_32 = tpu.memref_slice %arg9[%dma_start3A_30, %dma_start3A_31] : memref<32x64xi32, #tpu.memory_space<vmem>> -> memref<1x64xi32, #tpu.memory_space<vmem>>
        %dma_start3A_33 = tpu.memref_squeeze %dma_start3A_32 : memref<1x64xi32, #tpu.memory_space<vmem>> -> memref<64xi32, #tpu.memory_space<vmem>>
        %dma_start3A_34 = arith.constant 0 : i32
        %dma_start3A_35 = arith.constant 0 : i32
        %dma_start3A_36 = tpu.memref_slice %arg2[%dma_start3A_34, %dma_start3A_35] : memref<10000x128xf32, #tpu.memory_space<hbm>> -> memref<10000x128xf32, #tpu.memory_space<hbm>>
        tpu.enqueue_indirect_dma source(%dma_start3A_36 : memref<10000x128xf32, #tpu.memory_space<hbm>>) target(%arg12 : memref<64x128xf32, #tpu.memory_space<vmem>>) offsets(%dma_start3A_33 : memref<64xi32, #tpu.memory_space<vmem>>) semaphore(%arg16 : memref<!tpu.dma_semaphore, #tpu.memory_space<semaphore_mem>>)
        %dma_wait3A = arith.constant 0 : i32
        %dma_wait3A_37 = arith.constant 0 : i32
        %dma_wait3A_38 = tpu.memref_slice %arg9[%dma_wait3A, %dma_wait3A_37] : memref<32x64xi32, #tpu.memory_space<vmem>> -> memref<1x64xi32, #tpu.memory_space<vmem>>
        %dma_wait3A_39 = tpu.memref_squeeze %dma_wait3A_38 : memref<1x64xi32, #tpu.memory_space<vmem>> -> memref<64xi32, #tpu.memory_space<vmem>>
        %dma_wait3A_40 = arith.constant 0 : i32
        %dma_wait3A_41 = arith.constant 0 : i32
        %dma_wait3A_42 = tpu.memref_slice %arg2[%dma_wait3A_40, %dma_wait3A_41] : memref<10000x128xf32, #tpu.memory_space<hbm>> -> memref<10000x128xf32, #tpu.memory_space<hbm>>
        tpu.wait_indirect_dma semaphore(%arg15 : memref<!tpu.dma_semaphore, #tpu.memory_space<semaphore_mem>>) src(%dma_wait3A_42 : memref<10000x128xf32, #tpu.memory_space<hbm>>) dst(%arg11 : memref<64x128xf32, #tpu.memory_space<vmem>>)
        %dma_start3A_43 = arith.constant 0 : i32
        %dma_start3A_44 = arith.constant 0 : i32
        %dma_start3A_45 = tpu.memref_slice %arg10[%dma_start3A_43, %dma_start3A_44] : memref<32x64xi32, #tpu.memory_space<vmem>> -> memref<1x64xi32, #tpu.memory_space<vmem>>
        %dma_start3A_46 = tpu.memref_squeeze %dma_start3A_45 : memref<1x64xi32, #tpu.memory_space<vmem>> -> memref<64xi32, #tpu.memory_space<vmem>>
        %dma_start3A_47 = arith.constant 0 : i32
        %dma_start3A_48 = arith.constant 0 : i32
        %dma_start3A_49 = tpu.memref_slice %arg23[%dma_start3A_47, %dma_start3A_48] : memref<10240x128xf32, #tpu.memory_space<vmem_shared>> -> memref<10240x128xf32, #tpu.memory_space<vmem_shared>>
        tpu.enqueue_indirect_dma source(%arg11 : memref<64x128xf32, #tpu.memory_space<vmem>>) target(%dma_start3A_49 : memref<10240x128xf32, #tpu.memory_space<vmem_shared>>) offsets(%dma_start3A_46 : memref<64xi32, #tpu.memory_space<vmem>>) semaphore(%arg19 : memref<!tpu.dma_semaphore, #tpu.memory_space<semaphore_mem>>) {add = true}
        %dma_start3A_50 = arith.constant 2 : i32
        %dma_start3A_51 = arith.constant 0 : i32
        %dma_start3A_52 = tpu.memref_slice %arg9[%dma_start3A_50, %dma_start3A_51] : memref<32x64xi32, #tpu.memory_space<vmem>> -> memref<1x64xi32, #tpu.memory_space<vmem>>
        %dma_start3A_53 = tpu.memref_squeeze %dma_start3A_52 : memref<1x64xi32, #tpu.memory_space<vmem>> -> memref<64xi32, #tpu.memory_space<vmem>>
        %dma_start3A_54 = arith.constant 0 : i32
        %dma_start3A_55 = arith.constant 0 : i32
        %dma_start3A_56 = tpu.memref_slice %arg2[%dma_start3A_54, %dma_start3A_55] : memref<10000x128xf32, #tpu.memory_space<hbm>> -> memref<10000x128xf32, #tpu.memory_space<hbm>>
        tpu.enqueue_indirect_dma source(%dma_start3A_56 : memref<10000x128xf32, #tpu.memory_space<hbm>>) target(%arg13 : memref<64x128xf32, #tpu.memory_space<vmem>>) offsets(%dma_start3A_53 : memref<64xi32, #tpu.memory_space<vmem>>) semaphore(%arg17 : memref<!tpu.dma_semaphore, #tpu.memory_space<semaphore_mem>>)
        %dma_wait3A_57 = arith.constant 1 : i32
        %dma_wait3A_58 = arith.constant 0 : i32
        %dma_wait3A_59 = tpu.memref_slice %arg9[%dma_wait3A_57, %dma_wait3A_58] : memref<32x64xi32, #tpu.memory_space<vmem>> -> memref<1x64xi32, #tpu.memory_space<vmem>>
        %dma_wait3A_60 = tpu.memref_squeeze %dma_wait3A_59 : memref<1x64xi32, #tpu.memory_space<vmem>> -> memref<64xi32, #tpu.memory_space<vmem>>
        %dma_wait3A_61 = arith.constant 0 : i32
        %dma_wait3A_62 = arith.constant 0 : i32
        %dma_wait3A_63 = tpu.memref_slice %arg2[%dma_wait3A_61, %dma_wait3A_62] : memref<10000x128xf32, #tpu.memory_space<hbm>> -> memref<10000x128xf32, #tpu.memory_space<hbm>>
        tpu.wait_indirect_dma semaphore(%arg16 : memref<!tpu.dma_semaphore, #tpu.memory_space<semaphore_mem>>) src(%dma_wait3A_63 : memref<10000x128xf32, #tpu.memory_space<hbm>>) dst(%arg12 : memref<64x128xf32, #tpu.memory_space<vmem>>)
        %dma_start3A_64 = arith.constant 1 : i32
        %dma_start3A_65 = arith.constant 0 : i32
        %dma_start3A_66 = tpu.memref_slice %arg10[%dma_start3A_64, %dma_start3A_65] : memref<32x64xi32, #tpu.memory_space<vmem>> -> memref<1x64xi32, #tpu.memory_space<vmem>>
        %dma_start3A_67 = tpu.memref_squeeze %dma_start3A_66 : memref<1x64xi32, #tpu.memory_space<vmem>> -> memref<64xi32, #tpu.memory_space<vmem>>
        %dma_start3A_68 = arith.constant 0 : i32
        %dma_start3A_69 = arith.constant 0 : i32
        %dma_start3A_70 = tpu.memref_slice %arg23[%dma_start3A_68, %dma_start3A_69] : memref<10240x128xf32, #tpu.memory_space<vmem_shared>> -> memref<10240x128xf32, #tpu.memory_space<vmem_shared>>
        tpu.enqueue_indirect_dma source(%arg12 : memref<64x128xf32, #tpu.memory_space<vmem>>) target(%dma_start3A_70 : memref<10240x128xf32, #tpu.memory_space<vmem_shared>>) offsets(%dma_start3A_67 : memref<64xi32, #tpu.memory_space<vmem>>) semaphore(%arg20 : memref<!tpu.dma_semaphore, #tpu.memory_space<semaphore_mem>>) {add = true}
        %dma_start3A_71 = arith.constant 3 : i32
        %dma_start3A_72 = arith.constant 0 : i32
        %dma_start3A_73 = tpu.memref_slice %arg9[%dma_start3A_71, %dma_start3A_72] : memref<32x64xi32, #tpu.memory_space<vmem>> -> memref<1x64xi32, #tpu.memory_space<vmem>>
        %dma_start3A_74 = tpu.memref_squeeze %dma_start3A_73 : memref<1x64xi32, #tpu.memory_space<vmem>> -> memref<64xi32, #tpu.memory_space<vmem>>
        %dma_start3A_75 = arith.constant 0 : i32
        %dma_start3A_76 = arith.constant 0 : i32
        %dma_start3A_77 = tpu.memref_slice %arg2[%dma_start3A_75, %dma_start3A_76] : memref<10000x128xf32, #tpu.memory_space<hbm>> -> memref<10000x128xf32, #tpu.memory_space<hbm>>
        tpu.enqueue_indirect_dma source(%dma_start3A_77 : memref<10000x128xf32, #tpu.memory_space<hbm>>) target(%arg14 : memref<64x128xf32, #tpu.memory_space<vmem>>) offsets(%dma_start3A_74 : memref<64xi32, #tpu.memory_space<vmem>>) semaphore(%arg18 : memref<!tpu.dma_semaphore, #tpu.memory_space<semaphore_mem>>)
        %scan3A_78 = arith.constant 0 : i32
        %scan3A_79 = arith.constant 7 : i32
        %scan3A_80 = arith.addi %scan3A_78, %scan3A_79 : i32
        %scan3A_81 = arith.constant 1 : i32
        scf.for %scan3A_139 = %scan3A_78 to %scan3A_80 step %scan3A_81  : i32 {
          %mul3A_140 = arith.constant 1 : i32
          %mul3A_141 = arith.muli %scan3A_139, %mul3A_140 : i32
          %add3A_142 = arith.constant 0 : i32
          %add3A_143 = arith.addi %add3A_142, %mul3A_141 : i32
          %mul3A_144 = arith.constant 4 : i32
          %mul3A_145 = arith.muli %add3A_143, %mul3A_144 : i32
          %add3A_146 = arith.constant 0 : i32
          %add3A_147 = arith.addi %mul3A_145, %add3A_146 : i32
          %add3A_148 = arith.constant 2 : i32
          %add3A_149 = arith.addi %add3A_147, %add3A_148 : i32
          %dma_wait3A_150 = arith.constant 0 : i32
          %dma_wait3A_151 = tpu.memref_slice %arg9[%add3A_149, %dma_wait3A_150] : memref<32x64xi32, #tpu.memory_space<vmem>> -> memref<1x64xi32, #tpu.memory_space<vmem>>
          %dma_wait3A_152 = tpu.memref_squeeze %dma_wait3A_151 : memref<1x64xi32, #tpu.memory_space<vmem>> -> memref<64xi32, #tpu.memory_space<vmem>>
          %dma_wait3A_153 = arith.constant 0 : i32
          %dma_wait3A_154 = arith.constant 0 : i32
          %dma_wait3A_155 = tpu.memref_slice %arg2[%dma_wait3A_153, %dma_wait3A_154] : memref<10000x128xf32, #tpu.memory_space<hbm>> -> memref<10000x128xf32, #tpu.memory_space<hbm>>
          tpu.wait_indirect_dma semaphore(%arg17 : memref<!tpu.dma_semaphore, #tpu.memory_space<semaphore_mem>>) src(%dma_wait3A_155 : memref<10000x128xf32, #tpu.memory_space<hbm>>) dst(%arg13 : memref<64x128xf32, #tpu.memory_space<vmem>>)
          %dma_start3A_156 = arith.constant 0 : i32
          %dma_start3A_157 = tpu.memref_slice %arg10[%add3A_149, %dma_start3A_156] : memref<32x64xi32, #tpu.memory_space<vmem>> -> memref<1x64xi32, #tpu.memory_space<vmem>>
          %dma_start3A_158 = tpu.memref_squeeze %dma_start3A_157 : memref<1x64xi32, #tpu.memory_space<vmem>> -> memref<64xi32, #tpu.memory_space<vmem>>
          %dma_start3A_159 = arith.constant 0 : i32
          %dma_start3A_160 = arith.constant 0 : i32
          %dma_start3A_161 = tpu.memref_slice %arg23[%dma_start3A_159, %dma_start3A_160] : memref<10240x128xf32, #tpu.memory_space<vmem_shared>> -> memref<10240x128xf32, #tpu.memory_space<vmem_shared>>
          tpu.enqueue_indirect_dma source(%arg13 : memref<64x128xf32, #tpu.memory_space<vmem>>) target(%dma_start3A_161 : memref<10240x128xf32, #tpu.memory_space<vmem_shared>>) offsets(%dma_start3A_158 : memref<64xi32, #tpu.memory_space<vmem>>) semaphore(%arg21 : memref<!tpu.dma_semaphore, #tpu.memory_space<semaphore_mem>>) {add = true}
          %sub3A = arith.constant 2 : i32
          %sub3A_162 = arith.subi %add3A_149, %sub3A : i32
          %dma_wait3A_163 = arith.constant 0 : i32
          %dma_wait3A_164 = tpu.memref_slice %arg10[%sub3A_162, %dma_wait3A_163] : memref<32x64xi32, #tpu.memory_space<vmem>> -> memref<1x64xi32, #tpu.memory_space<vmem>>
          %dma_wait3A_165 = tpu.memref_squeeze %dma_wait3A_164 : memref<1x64xi32, #tpu.memory_space<vmem>> -> memref<64xi32, #tpu.memory_space<vmem>>
          %dma_wait3A_166 = arith.constant 0 : i32
          %dma_wait3A_167 = arith.constant 0 : i32
          %dma_wait3A_168 = tpu.memref_slice %arg23[%dma_wait3A_166, %dma_wait3A_167] : memref<10240x128xf32, #tpu.memory_space<vmem_shared>> -> memref<10240x128xf32, #tpu.memory_space<vmem_shared>>
          tpu.wait_indirect_dma semaphore(%arg19 : memref<!tpu.dma_semaphore, #tpu.memory_space<semaphore_mem>>) src(%arg11 : memref<64x128xf32, #tpu.memory_space<vmem>>) dst(%dma_wait3A_168 : memref<10240x128xf32, #tpu.memory_space<vmem_shared>>)
          %add3A_169 = arith.constant 2 : i32
          %add3A_170 = arith.addi %add3A_149, %add3A_169 : i32
          %dma_start3A_171 = arith.constant 0 : i32
          %dma_start3A_172 = tpu.memref_slice %arg9[%add3A_170, %dma_start3A_171] : memref<32x64xi32, #tpu.memory_space<vmem>> -> memref<1x64xi32, #tpu.memory_space<vmem>>
          %dma_start3A_173 = tpu.memref_squeeze %dma_start3A_172 : memref<1x64xi32, #tpu.memory_space<vmem>> -> memref<64xi32, #tpu.memory_space<vmem>>
          %dma_start3A_174 = arith.constant 0 : i32
          %dma_start3A_175 = arith.constant 0 : i32
          %dma_start3A_176 = tpu.memref_slice %arg2[%dma_start3A_174, %dma_start3A_175] : memref<10000x128xf32, #tpu.memory_space<hbm>> -> memref<10000x128xf32, #tpu.memory_space<hbm>>
          tpu.enqueue_indirect_dma source(%dma_start3A_176 : memref<10000x128xf32, #tpu.memory_space<hbm>>) target(%arg11 : memref<64x128xf32, #tpu.memory_space<vmem>>) offsets(%dma_start3A_173 : memref<64xi32, #tpu.memory_space<vmem>>) semaphore(%arg15 : memref<!tpu.dma_semaphore, #tpu.memory_space<semaphore_mem>>)
          %mul3A_177 = arith.constant 4 : i32
          %mul3A_178 = arith.muli %add3A_143, %mul3A_177 : i32
          %add3A_179 = arith.constant 1 : i32
          %add3A_180 = arith.addi %mul3A_178, %add3A_179 : i32
          %add3A_181 = arith.constant 2 : i32
          %add3A_182 = arith.addi %add3A_180, %add3A_181 : i32
          %dma_wait3A_183 = arith.constant 0 : i32
          %dma_wait3A_184 = tpu.memref_slice %arg9[%add3A_182, %dma_wait3A_183] : memref<32x64xi32, #tpu.memory_space<vmem>> -> memref<1x64xi32, #tpu.memory_space<vmem>>
          %dma_wait3A_185 = tpu.memref_squeeze %dma_wait3A_184 : memref<1x64xi32, #tpu.memory_space<vmem>> -> memref<64xi32, #tpu.memory_space<vmem>>
          %dma_wait3A_186 = arith.constant 0 : i32
          %dma_wait3A_187 = arith.constant 0 : i32
          %dma_wait3A_188 = tpu.memref_slice %arg2[%dma_wait3A_186, %dma_wait3A_187] : memref<10000x128xf32, #tpu.memory_space<hbm>> -> memref<10000x128xf32, #tpu.memory_space<hbm>>
          tpu.wait_indirect_dma semaphore(%arg18 : memref<!tpu.dma_semaphore, #tpu.memory_space<semaphore_mem>>) src(%dma_wait3A_188 : memref<10000x128xf32, #tpu.memory_space<hbm>>) dst(%arg14 : memref<64x128xf32, #tpu.memory_space<vmem>>)
          %dma_start3A_189 = arith.constant 0 : i32
          %dma_start3A_190 = tpu.memref_slice %arg10[%add3A_182, %dma_start3A_189] : memref<32x64xi32, #tpu.memory_space<vmem>> -> memref<1x64xi32, #tpu.memory_space<vmem>>
          %dma_start3A_191 = tpu.memref_squeeze %dma_start3A_190 : memref<1x64xi32, #tpu.memory_space<vmem>> -> memref<64xi32, #tpu.memory_space<vmem>>
          %dma_start3A_192 = arith.constant 0 : i32
          %dma_start3A_193 = arith.constant 0 : i32
          %dma_start3A_194 = tpu.memref_slice %arg23[%dma_start3A_192, %dma_start3A_193] : memref<10240x128xf32, #tpu.memory_space<vmem_shared>> -> memref<10240x128xf32, #tpu.memory_space<vmem_shared>>
          tpu.enqueue_indirect_dma source(%arg14 : memref<64x128xf32, #tpu.memory_space<vmem>>) target(%dma_start3A_194 : memref<10240x128xf32, #tpu.memory_space<vmem_shared>>) offsets(%dma_start3A_191 : memref<64xi32, #tpu.memory_space<vmem>>) semaphore(%arg22 : memref<!tpu.dma_semaphore, #tpu.memory_space<semaphore_mem>>) {add = true}
          %sub3A_195 = arith.constant 2 : i32
          %sub3A_196 = arith.subi %add3A_182, %sub3A_195 : i32
          %dma_wait3A_197 = arith.constant 0 : i32
          %dma_wait3A_198 = tpu.memref_slice %arg10[%sub3A_196, %dma_wait3A_197] : memref<32x64xi32, #tpu.memory_space<vmem>> -> memref<1x64xi32, #tpu.memory_space<vmem>>
          %dma_wait3A_199 = tpu.memref_squeeze %dma_wait3A_198 : memref<1x64xi32, #tpu.memory_space<vmem>> -> memref<64xi32, #tpu.memory_space<vmem>>
          %dma_wait3A_200 = arith.constant 0 : i32
          %dma_wait3A_201 = arith.constant 0 : i32
          %dma_wait3A_202 = tpu.memref_slice %arg23[%dma_wait3A_200, %dma_wait3A_201] : memref<10240x128xf32, #tpu.memory_space<vmem_shared>> -> memref<10240x128xf32, #tpu.memory_space<vmem_shared>>
          tpu.wait_indirect_dma semaphore(%arg20 : memref<!tpu.dma_semaphore, #tpu.memory_space<semaphore_mem>>) src(%arg12 : memref<64x128xf32, #tpu.memory_space<vmem>>) dst(%dma_wait3A_202 : memref<10240x128xf32, #tpu.memory_space<vmem_shared>>)
          %add3A_203 = arith.constant 2 : i32
          %add3A_204 = arith.addi %add3A_182, %add3A_203 : i32
          %dma_start3A_205 = arith.constant 0 : i32
          %dma_start3A_206 = tpu.memref_slice %arg9[%add3A_204, %dma_start3A_205] : memref<32x64xi32, #tpu.memory_space<vmem>> -> memref<1x64xi32, #tpu.memory_space<vmem>>
          %dma_start3A_207 = tpu.memref_squeeze %dma_start3A_206 : memref<1x64xi32, #tpu.memory_space<vmem>> -> memref<64xi32, #tpu.memory_space<vmem>>
          %dma_start3A_208 = arith.constant 0 : i32
          %dma_start3A_209 = arith.constant 0 : i32
          %dma_start3A_210 = tpu.memref_slice %arg2[%dma_start3A_208, %dma_start3A_209] : memref<10000x128xf32, #tpu.memory_space<hbm>> -> memref<10000x128xf32, #tpu.memory_space<hbm>>
          tpu.enqueue_indirect_dma source(%dma_start3A_210 : memref<10000x128xf32, #tpu.memory_space<hbm>>) target(%arg12 : memref<64x128xf32, #tpu.memory_space<vmem>>) offsets(%dma_start3A_207 : memref<64xi32, #tpu.memory_space<vmem>>) semaphore(%arg16 : memref<!tpu.dma_semaphore, #tpu.memory_space<semaphore_mem>>)
          %mul3A_211 = arith.constant 4 : i32
          %mul3A_212 = arith.muli %add3A_143, %mul3A_211 : i32
          %add3A_213 = arith.constant 2 : i32
          %add3A_214 = arith.addi %mul3A_212, %add3A_213 : i32
          %add3A_215 = arith.constant 2 : i32
          %add3A_216 = arith.addi %add3A_214, %add3A_215 : i32
          %dma_wait3A_217 = arith.constant 0 : i32
          %dma_wait3A_218 = tpu.memref_slice %arg9[%add3A_216, %dma_wait3A_217] : memref<32x64xi32, #tpu.memory_space<vmem>> -> memref<1x64xi32, #tpu.memory_space<vmem>>
          %dma_wait3A_219 = tpu.memref_squeeze %dma_wait3A_218 : memref<1x64xi32, #tpu.memory_space<vmem>> -> memref<64xi32, #tpu.memory_space<vmem>>
          %dma_wait3A_220 = arith.constant 0 : i32
          %dma_wait3A_221 = arith.constant 0 : i32
          %dma_wait3A_222 = tpu.memref_slice %arg2[%dma_wait3A_220, %dma_wait3A_221] : memref<10000x128xf32, #tpu.memory_space<hbm>> -> memref<10000x128xf32, #tpu.memory_space<hbm>>
          tpu.wait_indirect_dma semaphore(%arg15 : memref<!tpu.dma_semaphore, #tpu.memory_space<semaphore_mem>>) src(%dma_wait3A_222 : memref<10000x128xf32, #tpu.memory_space<hbm>>) dst(%arg11 : memref<64x128xf32, #tpu.memory_space<vmem>>)
          %dma_start3A_223 = arith.constant 0 : i32
          %dma_start3A_224 = tpu.memref_slice %arg10[%add3A_216, %dma_start3A_223] : memref<32x64xi32, #tpu.memory_space<vmem>> -> memref<1x64xi32, #tpu.memory_space<vmem>>
          %dma_start3A_225 = tpu.memref_squeeze %dma_start3A_224 : memref<1x64xi32, #tpu.memory_space<vmem>> -> memref<64xi32, #tpu.memory_space<vmem>>
          %dma_start3A_226 = arith.constant 0 : i32
          %dma_start3A_227 = arith.constant 0 : i32
          %dma_start3A_228 = tpu.memref_slice %arg23[%dma_start3A_226, %dma_start3A_227] : memref<10240x128xf32, #tpu.memory_space<vmem_shared>> -> memref<10240x128xf32, #tpu.memory_space<vmem_shared>>
          tpu.enqueue_indirect_dma source(%arg11 : memref<64x128xf32, #tpu.memory_space<vmem>>) target(%dma_start3A_228 : memref<10240x128xf32, #tpu.memory_space<vmem_shared>>) offsets(%dma_start3A_225 : memref<64xi32, #tpu.memory_space<vmem>>) semaphore(%arg19 : memref<!tpu.dma_semaphore, #tpu.memory_space<semaphore_mem>>) {add = true}
          %sub3A_229 = arith.constant 2 : i32
          %sub3A_230 = arith.subi %add3A_216, %sub3A_229 : i32
          %dma_wait3A_231 = arith.constant 0 : i32
          %dma_wait3A_232 = tpu.memref_slice %arg10[%sub3A_230, %dma_wait3A_231] : memref<32x64xi32, #tpu.memory_space<vmem>> -> memref<1x64xi32, #tpu.memory_space<vmem>>
          %dma_wait3A_233 = tpu.memref_squeeze %dma_wait3A_232 : memref<1x64xi32, #tpu.memory_space<vmem>> -> memref<64xi32, #tpu.memory_space<vmem>>
          %dma_wait3A_234 = arith.constant 0 : i32
          %dma_wait3A_235 = arith.constant 0 : i32
          %dma_wait3A_236 = tpu.memref_slice %arg23[%dma_wait3A_234, %dma_wait3A_235] : memref<10240x128xf32, #tpu.memory_space<vmem_shared>> -> memref<10240x128xf32, #tpu.memory_space<vmem_shared>>
          tpu.wait_indirect_dma semaphore(%arg21 : memref<!tpu.dma_semaphore, #tpu.memory_space<semaphore_mem>>) src(%arg13 : memref<64x128xf32, #tpu.memory_space<vmem>>) dst(%dma_wait3A_236 : memref<10240x128xf32, #tpu.memory_space<vmem_shared>>)
          %add3A_237 = arith.constant 2 : i32
          %add3A_238 = arith.addi %add3A_216, %add3A_237 : i32
          %dma_start3A_239 = arith.constant 0 : i32
          %dma_start3A_240 = tpu.memref_slice %arg9[%add3A_238, %dma_start3A_239] : memref<32x64xi32, #tpu.memory_space<vmem>> -> memref<1x64xi32, #tpu.memory_space<vmem>>
          %dma_start3A_241 = tpu.memref_squeeze %dma_start3A_240 : memref<1x64xi32, #tpu.memory_space<vmem>> -> memref<64xi32, #tpu.memory_space<vmem>>
          %dma_start3A_242 = arith.constant 0 : i32
          %dma_start3A_243 = arith.constant 0 : i32
          %dma_start3A_244 = tpu.memref_slice %arg2[%dma_start3A_242, %dma_start3A_243] : memref<10000x128xf32, #tpu.memory_space<hbm>> -> memref<10000x128xf32, #tpu.memory_space<hbm>>
          tpu.enqueue_indirect_dma source(%dma_start3A_244 : memref<10000x128xf32, #tpu.memory_space<hbm>>) target(%arg13 : memref<64x128xf32, #tpu.memory_space<vmem>>) offsets(%dma_start3A_241 : memref<64xi32, #tpu.memory_space<vmem>>) semaphore(%arg17 : memref<!tpu.dma_semaphore, #tpu.memory_space<semaphore_mem>>)
          %mul3A_245 = arith.constant 4 : i32
          %mul3A_246 = arith.muli %add3A_143, %mul3A_245 : i32
          %add3A_247 = arith.constant 3 : i32
          %add3A_248 = arith.addi %mul3A_246, %add3A_247 : i32
          %add3A_249 = arith.constant 2 : i32
          %add3A_250 = arith.addi %add3A_248, %add3A_249 : i32
          %dma_wait3A_251 = arith.constant 0 : i32
          %dma_wait3A_252 = tpu.memref_slice %arg9[%add3A_250, %dma_wait3A_251] : memref<32x64xi32, #tpu.memory_space<vmem>> -> memref<1x64xi32, #tpu.memory_space<vmem>>
          %dma_wait3A_253 = tpu.memref_squeeze %dma_wait3A_252 : memref<1x64xi32, #tpu.memory_space<vmem>> -> memref<64xi32, #tpu.memory_space<vmem>>
          %dma_wait3A_254 = arith.constant 0 : i32
          %dma_wait3A_255 = arith.constant 0 : i32
          %dma_wait3A_256 = tpu.memref_slice %arg2[%dma_wait3A_254, %dma_wait3A_255] : memref<10000x128xf32, #tpu.memory_space<hbm>> -> memref<10000x128xf32, #tpu.memory_space<hbm>>
          tpu.wait_indirect_dma semaphore(%arg16 : memref<!tpu.dma_semaphore, #tpu.memory_space<semaphore_mem>>) src(%dma_wait3A_256 : memref<10000x128xf32, #tpu.memory_space<hbm>>) dst(%arg12 : memref<64x128xf32, #tpu.memory_space<vmem>>)
          %dma_start3A_257 = arith.constant 0 : i32
          %dma_start3A_258 = tpu.memref_slice %arg10[%add3A_250, %dma_start3A_257] : memref<32x64xi32, #tpu.memory_space<vmem>> -> memref<1x64xi32, #tpu.memory_space<vmem>>
          %dma_start3A_259 = tpu.memref_squeeze %dma_start3A_258 : memref<1x64xi32, #tpu.memory_space<vmem>> -> memref<64xi32, #tpu.memory_space<vmem>>
          %dma_start3A_260 = arith.constant 0 : i32
          %dma_start3A_261 = arith.constant 0 : i32
          %dma_start3A_262 = tpu.memref_slice %arg23[%dma_start3A_260, %dma_start3A_261] : memref<10240x128xf32, #tpu.memory_space<vmem_shared>> -> memref<10240x128xf32, #tpu.memory_space<vmem_shared>>
          tpu.enqueue_indirect_dma source(%arg12 : memref<64x128xf32, #tpu.memory_space<vmem>>) target(%dma_start3A_262 : memref<10240x128xf32, #tpu.memory_space<vmem_shared>>) offsets(%dma_start3A_259 : memref<64xi32, #tpu.memory_space<vmem>>) semaphore(%arg20 : memref<!tpu.dma_semaphore, #tpu.memory_space<semaphore_mem>>) {add = true}
          %sub3A_263 = arith.constant 2 : i32
          %sub3A_264 = arith.subi %add3A_250, %sub3A_263 : i32
          %dma_wait3A_265 = arith.constant 0 : i32
          %dma_wait3A_266 = tpu.memref_slice %arg10[%sub3A_264, %dma_wait3A_265] : memref<32x64xi32, #tpu.memory_space<vmem>> -> memref<1x64xi32, #tpu.memory_space<vmem>>
          %dma_wait3A_267 = tpu.memref_squeeze %dma_wait3A_266 : memref<1x64xi32, #tpu.memory_space<vmem>> -> memref<64xi32, #tpu.memory_space<vmem>>
          %dma_wait3A_268 = arith.constant 0 : i32
          %dma_wait3A_269 = arith.constant 0 : i32
          %dma_wait3A_270 = tpu.memref_slice %arg23[%dma_wait3A_268, %dma_wait3A_269] : memref<10240x128xf32, #tpu.memory_space<vmem_shared>> -> memref<10240x128xf32, #tpu.memory_space<vmem_shared>>
          tpu.wait_indirect_dma semaphore(%arg22 : memref<!tpu.dma_semaphore, #tpu.memory_space<semaphore_mem>>) src(%arg14 : memref<64x128xf32, #tpu.memory_space<vmem>>) dst(%dma_wait3A_270 : memref<10240x128xf32, #tpu.memory_space<vmem_shared>>)
          %add3A_271 = arith.constant 2 : i32
          %add3A_272 = arith.addi %add3A_250, %add3A_271 : i32
          %dma_start3A_273 = arith.constant 0 : i32
          %dma_start3A_274 = tpu.memref_slice %arg9[%add3A_272, %dma_start3A_273] : memref<32x64xi32, #tpu.memory_space<vmem>> -> memref<1x64xi32, #tpu.memory_space<vmem>>
          %dma_start3A_275 = tpu.memref_squeeze %dma_start3A_274 : memref<1x64xi32, #tpu.memory_space<vmem>> -> memref<64xi32, #tpu.memory_space<vmem>>
          %dma_start3A_276 = arith.constant 0 : i32
          %dma_start3A_277 = arith.constant 0 : i32
          %dma_start3A_278 = tpu.memref_slice %arg2[%dma_start3A_276, %dma_start3A_277] : memref<10000x128xf32, #tpu.memory_space<hbm>> -> memref<10000x128xf32, #tpu.memory_space<hbm>>
          tpu.enqueue_indirect_dma source(%dma_start3A_278 : memref<10000x128xf32, #tpu.memory_space<hbm>>) target(%arg14 : memref<64x128xf32, #tpu.memory_space<vmem>>) offsets(%dma_start3A_275 : memref<64xi32, #tpu.memory_space<vmem>>) semaphore(%arg18 : memref<!tpu.dma_semaphore, #tpu.memory_space<semaphore_mem>>)
        }
        %scan3A_82 = arith.constant 7 : i32
        %dma_wait3A_83 = arith.constant 30 : i32
        %dma_wait3A_84 = arith.constant 0 : i32
        %dma_wait3A_85 = tpu.memref_slice %arg9[%dma_wait3A_83, %dma_wait3A_84] : memref<32x64xi32, #tpu.memory_space<vmem>> -> memref<1x64xi32, #tpu.memory_space<vmem>>
        %dma_wait3A_86 = tpu.memref_squeeze %dma_wait3A_85 : memref<1x64xi32, #tpu.memory_space<vmem>> -> memref<64xi32, #tpu.memory_space<vmem>>
        %dma_wait3A_87 = arith.constant 0 : i32
        %dma_wait3A_88 = arith.constant 0 : i32
        %dma_wait3A_89 = tpu.memref_slice %arg2[%dma_wait3A_87, %dma_wait3A_88] : memref<10000x128xf32, #tpu.memory_space<hbm>> -> memref<10000x128xf32, #tpu.memory_space<hbm>>
        tpu.wait_indirect_dma semaphore(%arg17 : memref<!tpu.dma_semaphore, #tpu.memory_space<semaphore_mem>>) src(%dma_wait3A_89 : memref<10000x128xf32, #tpu.memory_space<hbm>>) dst(%arg13 : memref<64x128xf32, #tpu.memory_space<vmem>>)
        %dma_start3A_90 = arith.constant 30 : i32
        %dma_start3A_91 = arith.constant 0 : i32
        %dma_start3A_92 = tpu.memref_slice %arg10[%dma_start3A_90, %dma_start3A_91] : memref<32x64xi32, #tpu.memory_space<vmem>> -> memref<1x64xi32, #tpu.memory_space<vmem>>
        %dma_start3A_93 = tpu.memref_squeeze %dma_start3A_92 : memref<1x64xi32, #tpu.memory_space<vmem>> -> memref<64xi32, #tpu.memory_space<vmem>>
        %dma_start3A_94 = arith.constant 0 : i32
        %dma_start3A_95 = arith.constant 0 : i32
        %dma_start3A_96 = tpu.memref_slice %arg23[%dma_start3A_94, %dma_start3A_95] : memref<10240x128xf32, #tpu.memory_space<vmem_shared>> -> memref<10240x128xf32, #tpu.memory_space<vmem_shared>>
        tpu.enqueue_indirect_dma source(%arg13 : memref<64x128xf32, #tpu.memory_space<vmem>>) target(%dma_start3A_96 : memref<10240x128xf32, #tpu.memory_space<vmem_shared>>) offsets(%dma_start3A_93 : memref<64xi32, #tpu.memory_space<vmem>>) semaphore(%arg21 : memref<!tpu.dma_semaphore, #tpu.memory_space<semaphore_mem>>) {add = true}
        %dma_wait3A_97 = arith.constant 31 : i32
        %dma_wait3A_98 = arith.constant 0 : i32
        %dma_wait3A_99 = tpu.memref_slice %arg9[%dma_wait3A_97, %dma_wait3A_98] : memref<32x64xi32, #tpu.memory_space<vmem>> -> memref<1x64xi32, #tpu.memory_space<vmem>>
        %dma_wait3A_100 = tpu.memref_squeeze %dma_wait3A_99 : memref<1x64xi32, #tpu.memory_space<vmem>> -> memref<64xi32, #tpu.memory_space<vmem>>
        %dma_wait3A_101 = arith.constant 0 : i32
        %dma_wait3A_102 = arith.constant 0 : i32
        %dma_wait3A_103 = tpu.memref_slice %arg2[%dma_wait3A_101, %dma_wait3A_102] : memref<10000x128xf32, #tpu.memory_space<hbm>> -> memref<10000x128xf32, #tpu.memory_space<hbm>>
        tpu.wait_indirect_dma semaphore(%arg18 : memref<!tpu.dma_semaphore, #tpu.memory_space<semaphore_mem>>) src(%dma_wait3A_103 : memref<10000x128xf32, #tpu.memory_space<hbm>>) dst(%arg14 : memref<64x128xf32, #tpu.memory_space<vmem>>)
        %dma_start3A_104 = arith.constant 31 : i32
        %dma_start3A_105 = arith.constant 0 : i32
        %dma_start3A_106 = tpu.memref_slice %arg10[%dma_start3A_104, %dma_start3A_105] : memref<32x64xi32, #tpu.memory_space<vmem>> -> memref<1x64xi32, #tpu.memory_space<vmem>>
        %dma_start3A_107 = tpu.memref_squeeze %dma_start3A_106 : memref<1x64xi32, #tpu.memory_space<vmem>> -> memref<64xi32, #tpu.memory_space<vmem>>
        %dma_start3A_108 = arith.constant 0 : i32
        %dma_start3A_109 = arith.constant 0 : i32
        %dma_start3A_110 = tpu.memref_slice %arg23[%dma_start3A_108, %dma_start3A_109] : memref<10240x128xf32, #tpu.memory_space<vmem_shared>> -> memref<10240x128xf32, #tpu.memory_space<vmem_shared>>
        tpu.enqueue_indirect_dma source(%arg14 : memref<64x128xf32, #tpu.memory_space<vmem>>) target(%dma_start3A_110 : memref<10240x128xf32, #tpu.memory_space<vmem_shared>>) offsets(%dma_start3A_107 : memref<64xi32, #tpu.memory_space<vmem>>) semaphore(%arg22 : memref<!tpu.dma_semaphore, #tpu.memory_space<semaphore_mem>>) {add = true}
        %dma_wait3A_111 = arith.constant 28 : i32
        %dma_wait3A_112 = arith.constant 0 : i32
        %dma_wait3A_113 = tpu.memref_slice %arg10[%dma_wait3A_111, %dma_wait3A_112] : memref<32x64xi32, #tpu.memory_space<vmem>> -> memref<1x64xi32, #tpu.memory_space<vmem>>
        %dma_wait3A_114 = tpu.memref_squeeze %dma_wait3A_113 : memref<1x64xi32, #tpu.memory_space<vmem>> -> memref<64xi32, #tpu.memory_space<vmem>>
        %dma_wait3A_115 = arith.constant 0 : i32
        %dma_wait3A_116 = arith.constant 0 : i32
        %dma_wait3A_117 = tpu.memref_slice %arg23[%dma_wait3A_115, %dma_wait3A_116] : memref<10240x128xf32, #tpu.memory_space<vmem_shared>> -> memref<10240x128xf32, #tpu.memory_space<vmem_shared>>
        tpu.wait_indirect_dma semaphore(%arg19 : memref<!tpu.dma_semaphore, #tpu.memory_space<semaphore_mem>>) src(%arg11 : memref<64x128xf32, #tpu.memory_space<vmem>>) dst(%dma_wait3A_117 : memref<10240x128xf32, #tpu.memory_space<vmem_shared>>)
        %dma_wait3A_118 = arith.constant 29 : i32
        %dma_wait3A_119 = arith.constant 0 : i32
        %dma_wait3A_120 = tpu.memref_slice %arg10[%dma_wait3A_118, %dma_wait3A_119] : memref<32x64xi32, #tpu.memory_space<vmem>> -> memref<1x64xi32, #tpu.memory_space<vmem>>
        %dma_wait3A_121 = tpu.memref_squeeze %dma_wait3A_120 : memref<1x64xi32, #tpu.memory_space<vmem>> -> memref<64xi32, #tpu.memory_space<vmem>>
        %dma_wait3A_122 = arith.constant 0 : i32
        %dma_wait3A_123 = arith.constant 0 : i32
        %dma_wait3A_124 = tpu.memref_slice %arg23[%dma_wait3A_122, %dma_wait3A_123] : memref<10240x128xf32, #tpu.memory_space<vmem_shared>> -> memref<10240x128xf32, #tpu.memory_space<vmem_shared>>
        tpu.wait_indirect_dma semaphore(%arg20 : memref<!tpu.dma_semaphore, #tpu.memory_space<semaphore_mem>>) src(%arg12 : memref<64x128xf32, #tpu.memory_space<vmem>>) dst(%dma_wait3A_124 : memref<10240x128xf32, #tpu.memory_space<vmem_shared>>)
        %dma_wait3A_125 = arith.constant 30 : i32
        %dma_wait3A_126 = arith.constant 0 : i32
        %dma_wait3A_127 = tpu.memref_slice %arg10[%dma_wait3A_125, %dma_wait3A_126] : memref<32x64xi32, #tpu.memory_space<vmem>> -> memref<1x64xi32, #tpu.memory_space<vmem>>
        %dma_wait3A_128 = tpu.memref_squeeze %dma_wait3A_127 : memref<1x64xi32, #tpu.memory_space<vmem>> -> memref<64xi32, #tpu.memory_space<vmem>>
        %dma_wait3A_129 = arith.constant 0 : i32
        %dma_wait3A_130 = arith.constant 0 : i32
        %dma_wait3A_131 = tpu.memref_slice %arg23[%dma_wait3A_129, %dma_wait3A_130] : memref<10240x128xf32, #tpu.memory_space<vmem_shared>> -> memref<10240x128xf32, #tpu.memory_space<vmem_shared>>
        tpu.wait_indirect_dma semaphore(%arg21 : memref<!tpu.dma_semaphore, #tpu.memory_space<semaphore_mem>>) src(%arg13 : memref<64x128xf32, #tpu.memory_space<vmem>>) dst(%dma_wait3A_131 : memref<10240x128xf32, #tpu.memory_space<vmem_shared>>)
        %dma_wait3A_132 = arith.constant 31 : i32
        %dma_wait3A_133 = arith.constant 0 : i32
        %dma_wait3A_134 = tpu.memref_slice %arg10[%dma_wait3A_132, %dma_wait3A_133] : memref<32x64xi32, #tpu.memory_space<vmem>> -> memref<1x64xi32, #tpu.memory_space<vmem>>
        %dma_wait3A_135 = tpu.memref_squeeze %dma_wait3A_134 : memref<1x64xi32, #tpu.memory_space<vmem>> -> memref<64xi32, #tpu.memory_space<vmem>>
        %dma_wait3A_136 = arith.constant 0 : i32
        %dma_wait3A_137 = arith.constant 0 : i32
        %dma_wait3A_138 = tpu.memref_slice %arg23[%dma_wait3A_136, %dma_wait3A_137] : memref<10240x128xf32, #tpu.memory_space<vmem_shared>> -> memref<10240x128xf32, #tpu.memory_space<vmem_shared>>
        tpu.wait_indirect_dma semaphore(%arg22 : memref<!tpu.dma_semaphore, #tpu.memory_space<semaphore_mem>>) src(%arg14 : memref<64x128xf32, #tpu.memory_space<vmem>>) dst(%dma_wait3A_138 : memref<10240x128xf32, #tpu.memory_space<vmem_shared>>)
      }
      %scan3A_13 = arith.constant 10 : i32
      %barrier3A_14 = arith.constant 0 : index
      tpu.barrier barrier_id(%barrier3A_14)
      %mul3A_15 = arith.constant 640 : i32
      %mul3A_16 = arith.muli %arg1, %mul3A_15 : i32
      "tpu.region"() ({
        %run_scoped3A = tpu.sem_alloc : memref<!tpu.dma_semaphore, #tpu.memory_space<semaphore_mem>>
        %dma_start3A = arith.constant 0 : i32
        %dma_start3A_17 = tpu.memref_slice %arg7[%mul3A_16, %dma_start3A] : memref<10240x128xf32, #tpu.memory_space<hbm>> -> memref<640x128xf32, #tpu.memory_space<hbm>>
        %dma_start3A_18 = arith.constant 0 : i32
        %dma_start3A_19 = tpu.memref_slice %arg23[%mul3A_16, %dma_start3A_18] : memref<10240x128xf32, #tpu.memory_space<vmem_shared>> -> memref<640x128xf32, #tpu.memory_space<vmem_shared>>
        tpu.enqueue_dma source(%dma_start3A_19 : memref<640x128xf32, #tpu.memory_space<vmem_shared>>) target(%dma_start3A_17 : memref<640x128xf32, #tpu.memory_space<hbm>>) target_semaphore(%run_scoped3A : memref<!tpu.dma_semaphore, #tpu.memory_space<semaphore_mem>>)
        %dma_wait3A = arith.constant 0 : i32
        %dma_wait3A_20 = tpu.memref_slice %arg7[%mul3A_16, %dma_wait3A] : memref<10240x128xf32, #tpu.memory_space<hbm>> -> memref<640x128xf32, #tpu.memory_space<hbm>>
        %dma_wait3A_21 = arith.constant 0 : i32
        %dma_wait3A_22 = tpu.memref_slice %arg23[%mul3A_16, %dma_wait3A_21] : memref<10240x128xf32, #tpu.memory_space<vmem_shared>> -> memref<640x128xf32, #tpu.memory_space<vmem_shared>>
        tpu.wait_dma2 semaphore(%run_scoped3A : memref<!tpu.dma_semaphore, #tpu.memory_space<semaphore_mem>>) src(%dma_wait3A_22 : memref<640x128xf32, #tpu.memory_space<vmem_shared>>) dst(%dma_wait3A_20 : memref<640x128xf32, #tpu.memory_space<hbm>>)
        tpu.yield
      }) : () -> ()
    } else {
    }
    %eq3A_3 = arith.constant 1 : i32
    %eq3A_4 = arith.cmpi eq, %arg0, %eq3A_3 : i32
    %convert_element_type3A_5 = arith.extui %eq3A_4 : i1 to i32
    %cond3A_6 = arith.constant 0 : i32
    %cond3A_7 = arith.cmpi ne, %convert_element_type3A_5, %cond3A_6 : i32
    scf.if %cond3A_7 {
      %mul3A_8 = arith.constant 320 : i32
      %mul3A_9 = arith.muli %arg1, %mul3A_8 : i32
      %scan3A = arith.constant 0 : i32
      %scan3A_10 = arith.constant 10 : i32
      %scan3A_11 = arith.addi %scan3A, %scan3A_10 : i32
      %scan3A_12 = arith.constant 1 : i32
      scf.for %scan3A_17 = %scan3A to %scan3A_11 step %scan3A_12  : i32 {
        %mul3A_18 = arith.constant 1 : i32
        %mul3A_19 = arith.muli %scan3A_17, %mul3A_18 : i32
        %add3A = arith.constant 0 : i32
        %add3A_20 = arith.addi %add3A, %mul3A_19 : i32
        %mul3A_21 = arith.constant 32 : i32
        %mul3A_22 = arith.muli %add3A_20, %mul3A_21 : i32
        %add3A_23 = arith.addi %mul3A_9, %mul3A_22 : i32
        "tpu.region"() ({
          %run_scoped3A = tpu.sem_alloc : memref<!tpu.dma_semaphore, #tpu.memory_space<semaphore_mem>>
          %dma_start3A_139 = arith.constant 0 : i32
          %dma_start3A_140 = tpu.memref_slice %arg4[%add3A_23, %dma_start3A_139] : memref<5120x64xi32, #tpu.memory_space<hbm>> -> memref<32x64xi32, #tpu.memory_space<hbm>>
          %dma_start3A_141 = arith.constant 0 : i32
          %dma_start3A_142 = tpu.memref_slice %arg4[%add3A_23, %dma_start3A_141] : memref<5120x64xi32, #tpu.memory_space<hbm>> -> memref<32x64xi32, #tpu.memory_space<hbm>>
          tpu.enqueue_dma source(%dma_start3A_142 : memref<32x64xi32, #tpu.memory_space<hbm>>) target(%arg9 : memref<32x64xi32, #tpu.memory_space<vmem>>) target_semaphore(%run_scoped3A : memref<!tpu.dma_semaphore, #tpu.memory_space<semaphore_mem>>)
          %dma_wait3A_143 = arith.constant 0 : i32
          %dma_wait3A_144 = tpu.memref_slice %arg4[%add3A_23, %dma_wait3A_143] : memref<5120x64xi32, #tpu.memory_space<hbm>> -> memref<32x64xi32, #tpu.memory_space<hbm>>
          %dma_wait3A_145 = arith.constant 0 : i32
          %dma_wait3A_146 = tpu.memref_slice %arg4[%add3A_23, %dma_wait3A_145] : memref<5120x64xi32, #tpu.memory_space<hbm>> -> memref<32x64xi32, #tpu.memory_space<hbm>>
          tpu.wait_dma2 semaphore(%run_scoped3A : memref<!tpu.dma_semaphore, #tpu.memory_space<semaphore_mem>>) src(%dma_wait3A_146 : memref<32x64xi32, #tpu.memory_space<hbm>>) dst(%arg9 : memref<32x64xi32, #tpu.memory_space<vmem>>)
          tpu.yield
        }) : () -> ()
        "tpu.region"() ({
          %run_scoped3A = tpu.sem_alloc : memref<!tpu.dma_semaphore, #tpu.memory_space<semaphore_mem>>
          %dma_start3A_139 = arith.constant 0 : i32
          %dma_start3A_140 = tpu.memref_slice %arg5[%add3A_23, %dma_start3A_139] : memref<5120x64xi32, #tpu.memory_space<hbm>> -> memref<32x64xi32, #tpu.memory_space<hbm>>
          %dma_start3A_141 = arith.constant 0 : i32
          %dma_start3A_142 = tpu.memref_slice %arg5[%add3A_23, %dma_start3A_141] : memref<5120x64xi32, #tpu.memory_space<hbm>> -> memref<32x64xi32, #tpu.memory_space<hbm>>
          tpu.enqueue_dma source(%dma_start3A_142 : memref<32x64xi32, #tpu.memory_space<hbm>>) target(%arg10 : memref<32x64xi32, #tpu.memory_space<vmem>>) target_semaphore(%run_scoped3A : memref<!tpu.dma_semaphore, #tpu.memory_space<semaphore_mem>>)
          %dma_wait3A_143 = arith.constant 0 : i32
          %dma_wait3A_144 = tpu.memref_slice %arg5[%add3A_23, %dma_wait3A_143] : memref<5120x64xi32, #tpu.memory_space<hbm>> -> memref<32x64xi32, #tpu.memory_space<hbm>>
          %dma_wait3A_145 = arith.constant 0 : i32
          %dma_wait3A_146 = tpu.memref_slice %arg5[%add3A_23, %dma_wait3A_145] : memref<5120x64xi32, #tpu.memory_space<hbm>> -> memref<32x64xi32, #tpu.memory_space<hbm>>
          tpu.wait_dma2 semaphore(%run_scoped3A : memref<!tpu.dma_semaphore, #tpu.memory_space<semaphore_mem>>) src(%dma_wait3A_146 : memref<32x64xi32, #tpu.memory_space<hbm>>) dst(%arg10 : memref<32x64xi32, #tpu.memory_space<vmem>>)
          tpu.yield
        }) : () -> ()
        %dma_start3A = arith.constant 0 : i32
        %dma_start3A_24 = arith.constant 0 : i32
        %dma_start3A_25 = tpu.memref_slice %arg9[%dma_start3A, %dma_start3A_24] : memref<32x64xi32, #tpu.memory_space<vmem>> -> memref<1x64xi32, #tpu.memory_space<vmem>>
        %dma_start3A_26 = tpu.memref_squeeze %dma_start3A_25 : memref<1x64xi32, #tpu.memory_space<vmem>> -> memref<64xi32, #tpu.memory_space<vmem>>
        %dma_start3A_27 = arith.constant 0 : i32
        %dma_start3A_28 = arith.constant 0 : i32
        %dma_start3A_29 = tpu.memref_slice %arg3[%dma_start3A_27, %dma_start3A_28] : memref<10000x128xf32, #tpu.memory_space<hbm>> -> memref<10000x128xf32, #tpu.memory_space<hbm>>
        tpu.enqueue_indirect_dma source(%dma_start3A_29 : memref<10000x128xf32, #tpu.memory_space<hbm>>) target(%arg11 : memref<64x128xf32, #tpu.memory_space<vmem>>) offsets(%dma_start3A_26 : memref<64xi32, #tpu.memory_space<vmem>>) semaphore(%arg15 : memref<!tpu.dma_semaphore, #tpu.memory_space<semaphore_mem>>)
        %dma_start3A_30 = arith.constant 1 : i32
        %dma_start3A_31 = arith.constant 0 : i32
        %dma_start3A_32 = tpu.memref_slice %arg9[%dma_start3A_30, %dma_start3A_31] : memref<32x64xi32, #tpu.memory_space<vmem>> -> memref<1x64xi32, #tpu.memory_space<vmem>>
        %dma_start3A_33 = tpu.memref_squeeze %dma_start3A_32 : memref<1x64xi32, #tpu.memory_space<vmem>> -> memref<64xi32, #tpu.memory_space<vmem>>
        %dma_start3A_34 = arith.constant 0 : i32
        %dma_start3A_35 = arith.constant 0 : i32
        %dma_start3A_36 = tpu.memref_slice %arg3[%dma_start3A_34, %dma_start3A_35] : memref<10000x128xf32, #tpu.memory_space<hbm>> -> memref<10000x128xf32, #tpu.memory_space<hbm>>
        tpu.enqueue_indirect_dma source(%dma_start3A_36 : memref<10000x128xf32, #tpu.memory_space<hbm>>) target(%arg12 : memref<64x128xf32, #tpu.memory_space<vmem>>) offsets(%dma_start3A_33 : memref<64xi32, #tpu.memory_space<vmem>>) semaphore(%arg16 : memref<!tpu.dma_semaphore, #tpu.memory_space<semaphore_mem>>)
        %dma_wait3A = arith.constant 0 : i32
        %dma_wait3A_37 = arith.constant 0 : i32
        %dma_wait3A_38 = tpu.memref_slice %arg9[%dma_wait3A, %dma_wait3A_37] : memref<32x64xi32, #tpu.memory_space<vmem>> -> memref<1x64xi32, #tpu.memory_space<vmem>>
        %dma_wait3A_39 = tpu.memref_squeeze %dma_wait3A_38 : memref<1x64xi32, #tpu.memory_space<vmem>> -> memref<64xi32, #tpu.memory_space<vmem>>
        %dma_wait3A_40 = arith.constant 0 : i32
        %dma_wait3A_41 = arith.constant 0 : i32
        %dma_wait3A_42 = tpu.memref_slice %arg3[%dma_wait3A_40, %dma_wait3A_41] : memref<10000x128xf32, #tpu.memory_space<hbm>> -> memref<10000x128xf32, #tpu.memory_space<hbm>>
        tpu.wait_indirect_dma semaphore(%arg15 : memref<!tpu.dma_semaphore, #tpu.memory_space<semaphore_mem>>) src(%dma_wait3A_42 : memref<10000x128xf32, #tpu.memory_space<hbm>>) dst(%arg11 : memref<64x128xf32, #tpu.memory_space<vmem>>)
        %dma_start3A_43 = arith.constant 0 : i32
        %dma_start3A_44 = arith.constant 0 : i32
        %dma_start3A_45 = tpu.memref_slice %arg10[%dma_start3A_43, %dma_start3A_44] : memref<32x64xi32, #tpu.memory_space<vmem>> -> memref<1x64xi32, #tpu.memory_space<vmem>>
        %dma_start3A_46 = tpu.memref_squeeze %dma_start3A_45 : memref<1x64xi32, #tpu.memory_space<vmem>> -> memref<64xi32, #tpu.memory_space<vmem>>
        %dma_start3A_47 = arith.constant 0 : i32
        %dma_start3A_48 = arith.constant 0 : i32
        %dma_start3A_49 = tpu.memref_slice %arg23[%dma_start3A_47, %dma_start3A_48] : memref<10240x128xf32, #tpu.memory_space<vmem_shared>> -> memref<10240x128xf32, #tpu.memory_space<vmem_shared>>
        tpu.enqueue_indirect_dma source(%arg11 : memref<64x128xf32, #tpu.memory_space<vmem>>) target(%dma_start3A_49 : memref<10240x128xf32, #tpu.memory_space<vmem_shared>>) offsets(%dma_start3A_46 : memref<64xi32, #tpu.memory_space<vmem>>) semaphore(%arg19 : memref<!tpu.dma_semaphore, #tpu.memory_space<semaphore_mem>>) {add = true}
        %dma_start3A_50 = arith.constant 2 : i32
        %dma_start3A_51 = arith.constant 0 : i32
        %dma_start3A_52 = tpu.memref_slice %arg9[%dma_start3A_50, %dma_start3A_51] : memref<32x64xi32, #tpu.memory_space<vmem>> -> memref<1x64xi32, #tpu.memory_space<vmem>>
        %dma_start3A_53 = tpu.memref_squeeze %dma_start3A_52 : memref<1x64xi32, #tpu.memory_space<vmem>> -> memref<64xi32, #tpu.memory_space<vmem>>
        %dma_start3A_54 = arith.constant 0 : i32
        %dma_start3A_55 = arith.constant 0 : i32
        %dma_start3A_56 = tpu.memref_slice %arg3[%dma_start3A_54, %dma_start3A_55] : memref<10000x128xf32, #tpu.memory_space<hbm>> -> memref<10000x128xf32, #tpu.memory_space<hbm>>
        tpu.enqueue_indirect_dma source(%dma_start3A_56 : memref<10000x128xf32, #tpu.memory_space<hbm>>) target(%arg13 : memref<64x128xf32, #tpu.memory_space<vmem>>) offsets(%dma_start3A_53 : memref<64xi32, #tpu.memory_space<vmem>>) semaphore(%arg17 : memref<!tpu.dma_semaphore, #tpu.memory_space<semaphore_mem>>)
        %dma_wait3A_57 = arith.constant 1 : i32
        %dma_wait3A_58 = arith.constant 0 : i32
        %dma_wait3A_59 = tpu.memref_slice %arg9[%dma_wait3A_57, %dma_wait3A_58] : memref<32x64xi32, #tpu.memory_space<vmem>> -> memref<1x64xi32, #tpu.memory_space<vmem>>
        %dma_wait3A_60 = tpu.memref_squeeze %dma_wait3A_59 : memref<1x64xi32, #tpu.memory_space<vmem>> -> memref<64xi32, #tpu.memory_space<vmem>>
        %dma_wait3A_61 = arith.constant 0 : i32
        %dma_wait3A_62 = arith.constant 0 : i32
        %dma_wait3A_63 = tpu.memref_slice %arg3[%dma_wait3A_61, %dma_wait3A_62] : memref<10000x128xf32, #tpu.memory_space<hbm>> -> memref<10000x128xf32, #tpu.memory_space<hbm>>
        tpu.wait_indirect_dma semaphore(%arg16 : memref<!tpu.dma_semaphore, #tpu.memory_space<semaphore_mem>>) src(%dma_wait3A_63 : memref<10000x128xf32, #tpu.memory_space<hbm>>) dst(%arg12 : memref<64x128xf32, #tpu.memory_space<vmem>>)
        %dma_start3A_64 = arith.constant 1 : i32
        %dma_start3A_65 = arith.constant 0 : i32
        %dma_start3A_66 = tpu.memref_slice %arg10[%dma_start3A_64, %dma_start3A_65] : memref<32x64xi32, #tpu.memory_space<vmem>> -> memref<1x64xi32, #tpu.memory_space<vmem>>
        %dma_start3A_67 = tpu.memref_squeeze %dma_start3A_66 : memref<1x64xi32, #tpu.memory_space<vmem>> -> memref<64xi32, #tpu.memory_space<vmem>>
        %dma_start3A_68 = arith.constant 0 : i32
        %dma_start3A_69 = arith.constant 0 : i32
        %dma_start3A_70 = tpu.memref_slice %arg23[%dma_start3A_68, %dma_start3A_69] : memref<10240x128xf32, #tpu.memory_space<vmem_shared>> -> memref<10240x128xf32, #tpu.memory_space<vmem_shared>>
        tpu.enqueue_indirect_dma source(%arg12 : memref<64x128xf32, #tpu.memory_space<vmem>>) target(%dma_start3A_70 : memref<10240x128xf32, #tpu.memory_space<vmem_shared>>) offsets(%dma_start3A_67 : memref<64xi32, #tpu.memory_space<vmem>>) semaphore(%arg20 : memref<!tpu.dma_semaphore, #tpu.memory_space<semaphore_mem>>) {add = true}
        %dma_start3A_71 = arith.constant 3 : i32
        %dma_start3A_72 = arith.constant 0 : i32
        %dma_start3A_73 = tpu.memref_slice %arg9[%dma_start3A_71, %dma_start3A_72] : memref<32x64xi32, #tpu.memory_space<vmem>> -> memref<1x64xi32, #tpu.memory_space<vmem>>
        %dma_start3A_74 = tpu.memref_squeeze %dma_start3A_73 : memref<1x64xi32, #tpu.memory_space<vmem>> -> memref<64xi32, #tpu.memory_space<vmem>>
        %dma_start3A_75 = arith.constant 0 : i32
        %dma_start3A_76 = arith.constant 0 : i32
        %dma_start3A_77 = tpu.memref_slice %arg3[%dma_start3A_75, %dma_start3A_76] : memref<10000x128xf32, #tpu.memory_space<hbm>> -> memref<10000x128xf32, #tpu.memory_space<hbm>>
        tpu.enqueue_indirect_dma source(%dma_start3A_77 : memref<10000x128xf32, #tpu.memory_space<hbm>>) target(%arg14 : memref<64x128xf32, #tpu.memory_space<vmem>>) offsets(%dma_start3A_74 : memref<64xi32, #tpu.memory_space<vmem>>) semaphore(%arg18 : memref<!tpu.dma_semaphore, #tpu.memory_space<semaphore_mem>>)
        %scan3A_78 = arith.constant 0 : i32
        %scan3A_79 = arith.constant 7 : i32
        %scan3A_80 = arith.addi %scan3A_78, %scan3A_79 : i32
        %scan3A_81 = arith.constant 1 : i32
        scf.for %scan3A_139 = %scan3A_78 to %scan3A_80 step %scan3A_81  : i32 {
          %mul3A_140 = arith.constant 1 : i32
          %mul3A_141 = arith.muli %scan3A_139, %mul3A_140 : i32
          %add3A_142 = arith.constant 0 : i32
          %add3A_143 = arith.addi %add3A_142, %mul3A_141 : i32
          %mul3A_144 = arith.constant 4 : i32
          %mul3A_145 = arith.muli %add3A_143, %mul3A_144 : i32
          %add3A_146 = arith.constant 0 : i32
          %add3A_147 = arith.addi %mul3A_145, %add3A_146 : i32
          %add3A_148 = arith.constant 2 : i32
          %add3A_149 = arith.addi %add3A_147, %add3A_148 : i32
          %dma_wait3A_150 = arith.constant 0 : i32
          %dma_wait3A_151 = tpu.memref_slice %arg9[%add3A_149, %dma_wait3A_150] : memref<32x64xi32, #tpu.memory_space<vmem>> -> memref<1x64xi32, #tpu.memory_space<vmem>>
          %dma_wait3A_152 = tpu.memref_squeeze %dma_wait3A_151 : memref<1x64xi32, #tpu.memory_space<vmem>> -> memref<64xi32, #tpu.memory_space<vmem>>
          %dma_wait3A_153 = arith.constant 0 : i32
          %dma_wait3A_154 = arith.constant 0 : i32
          %dma_wait3A_155 = tpu.memref_slice %arg3[%dma_wait3A_153, %dma_wait3A_154] : memref<10000x128xf32, #tpu.memory_space<hbm>> -> memref<10000x128xf32, #tpu.memory_space<hbm>>
          tpu.wait_indirect_dma semaphore(%arg17 : memref<!tpu.dma_semaphore, #tpu.memory_space<semaphore_mem>>) src(%dma_wait3A_155 : memref<10000x128xf32, #tpu.memory_space<hbm>>) dst(%arg13 : memref<64x128xf32, #tpu.memory_space<vmem>>)
          %dma_start3A_156 = arith.constant 0 : i32
          %dma_start3A_157 = tpu.memref_slice %arg10[%add3A_149, %dma_start3A_156] : memref<32x64xi32, #tpu.memory_space<vmem>> -> memref<1x64xi32, #tpu.memory_space<vmem>>
          %dma_start3A_158 = tpu.memref_squeeze %dma_start3A_157 : memref<1x64xi32, #tpu.memory_space<vmem>> -> memref<64xi32, #tpu.memory_space<vmem>>
          %dma_start3A_159 = arith.constant 0 : i32
          %dma_start3A_160 = arith.constant 0 : i32
          %dma_start3A_161 = tpu.memref_slice %arg23[%dma_start3A_159, %dma_start3A_160] : memref<10240x128xf32, #tpu.memory_space<vmem_shared>> -> memref<10240x128xf32, #tpu.memory_space<vmem_shared>>
          tpu.enqueue_indirect_dma source(%arg13 : memref<64x128xf32, #tpu.memory_space<vmem>>) target(%dma_start3A_161 : memref<10240x128xf32, #tpu.memory_space<vmem_shared>>) offsets(%dma_start3A_158 : memref<64xi32, #tpu.memory_space<vmem>>) semaphore(%arg21 : memref<!tpu.dma_semaphore, #tpu.memory_space<semaphore_mem>>) {add = true}
          %sub3A = arith.constant 2 : i32
          %sub3A_162 = arith.subi %add3A_149, %sub3A : i32
          %dma_wait3A_163 = arith.constant 0 : i32
          %dma_wait3A_164 = tpu.memref_slice %arg10[%sub3A_162, %dma_wait3A_163] : memref<32x64xi32, #tpu.memory_space<vmem>> -> memref<1x64xi32, #tpu.memory_space<vmem>>
          %dma_wait3A_165 = tpu.memref_squeeze %dma_wait3A_164 : memref<1x64xi32, #tpu.memory_space<vmem>> -> memref<64xi32, #tpu.memory_space<vmem>>
          %dma_wait3A_166 = arith.constant 0 : i32
          %dma_wait3A_167 = arith.constant 0 : i32
          %dma_wait3A_168 = tpu.memref_slice %arg23[%dma_wait3A_166, %dma_wait3A_167] : memref<10240x128xf32, #tpu.memory_space<vmem_shared>> -> memref<10240x128xf32, #tpu.memory_space<vmem_shared>>
          tpu.wait_indirect_dma semaphore(%arg19 : memref<!tpu.dma_semaphore, #tpu.memory_space<semaphore_mem>>) src(%arg11 : memref<64x128xf32, #tpu.memory_space<vmem>>) dst(%dma_wait3A_168 : memref<10240x128xf32, #tpu.memory_space<vmem_shared>>)
          %add3A_169 = arith.constant 2 : i32
          %add3A_170 = arith.addi %add3A_149, %add3A_169 : i32
          %dma_start3A_171 = arith.constant 0 : i32
          %dma_start3A_172 = tpu.memref_slice %arg9[%add3A_170, %dma_start3A_171] : memref<32x64xi32, #tpu.memory_space<vmem>> -> memref<1x64xi32, #tpu.memory_space<vmem>>
          %dma_start3A_173 = tpu.memref_squeeze %dma_start3A_172 : memref<1x64xi32, #tpu.memory_space<vmem>> -> memref<64xi32, #tpu.memory_space<vmem>>
          %dma_start3A_174 = arith.constant 0 : i32
          %dma_start3A_175 = arith.constant 0 : i32
          %dma_start3A_176 = tpu.memref_slice %arg3[%dma_start3A_174, %dma_start3A_175] : memref<10000x128xf32, #tpu.memory_space<hbm>> -> memref<10000x128xf32, #tpu.memory_space<hbm>>
          tpu.enqueue_indirect_dma source(%dma_start3A_176 : memref<10000x128xf32, #tpu.memory_space<hbm>>) target(%arg11 : memref<64x128xf32, #tpu.memory_space<vmem>>) offsets(%dma_start3A_173 : memref<64xi32, #tpu.memory_space<vmem>>) semaphore(%arg15 : memref<!tpu.dma_semaphore, #tpu.memory_space<semaphore_mem>>)
          %mul3A_177 = arith.constant 4 : i32
          %mul3A_178 = arith.muli %add3A_143, %mul3A_177 : i32
          %add3A_179 = arith.constant 1 : i32
          %add3A_180 = arith.addi %mul3A_178, %add3A_179 : i32
          %add3A_181 = arith.constant 2 : i32
          %add3A_182 = arith.addi %add3A_180, %add3A_181 : i32
          %dma_wait3A_183 = arith.constant 0 : i32
          %dma_wait3A_184 = tpu.memref_slice %arg9[%add3A_182, %dma_wait3A_183] : memref<32x64xi32, #tpu.memory_space<vmem>> -> memref<1x64xi32, #tpu.memory_space<vmem>>
          %dma_wait3A_185 = tpu.memref_squeeze %dma_wait3A_184 : memref<1x64xi32, #tpu.memory_space<vmem>> -> memref<64xi32, #tpu.memory_space<vmem>>
          %dma_wait3A_186 = arith.constant 0 : i32
          %dma_wait3A_187 = arith.constant 0 : i32
          %dma_wait3A_188 = tpu.memref_slice %arg3[%dma_wait3A_186, %dma_wait3A_187] : memref<10000x128xf32, #tpu.memory_space<hbm>> -> memref<10000x128xf32, #tpu.memory_space<hbm>>
          tpu.wait_indirect_dma semaphore(%arg18 : memref<!tpu.dma_semaphore, #tpu.memory_space<semaphore_mem>>) src(%dma_wait3A_188 : memref<10000x128xf32, #tpu.memory_space<hbm>>) dst(%arg14 : memref<64x128xf32, #tpu.memory_space<vmem>>)
          %dma_start3A_189 = arith.constant 0 : i32
          %dma_start3A_190 = tpu.memref_slice %arg10[%add3A_182, %dma_start3A_189] : memref<32x64xi32, #tpu.memory_space<vmem>> -> memref<1x64xi32, #tpu.memory_space<vmem>>
          %dma_start3A_191 = tpu.memref_squeeze %dma_start3A_190 : memref<1x64xi32, #tpu.memory_space<vmem>> -> memref<64xi32, #tpu.memory_space<vmem>>
          %dma_start3A_192 = arith.constant 0 : i32
          %dma_start3A_193 = arith.constant 0 : i32
          %dma_start3A_194 = tpu.memref_slice %arg23[%dma_start3A_192, %dma_start3A_193] : memref<10240x128xf32, #tpu.memory_space<vmem_shared>> -> memref<10240x128xf32, #tpu.memory_space<vmem_shared>>
          tpu.enqueue_indirect_dma source(%arg14 : memref<64x128xf32, #tpu.memory_space<vmem>>) target(%dma_start3A_194 : memref<10240x128xf32, #tpu.memory_space<vmem_shared>>) offsets(%dma_start3A_191 : memref<64xi32, #tpu.memory_space<vmem>>) semaphore(%arg22 : memref<!tpu.dma_semaphore, #tpu.memory_space<semaphore_mem>>) {add = true}
          %sub3A_195 = arith.constant 2 : i32
          %sub3A_196 = arith.subi %add3A_182, %sub3A_195 : i32
          %dma_wait3A_197 = arith.constant 0 : i32
          %dma_wait3A_198 = tpu.memref_slice %arg10[%sub3A_196, %dma_wait3A_197] : memref<32x64xi32, #tpu.memory_space<vmem>> -> memref<1x64xi32, #tpu.memory_space<vmem>>
          %dma_wait3A_199 = tpu.memref_squeeze %dma_wait3A_198 : memref<1x64xi32, #tpu.memory_space<vmem>> -> memref<64xi32, #tpu.memory_space<vmem>>
          %dma_wait3A_200 = arith.constant 0 : i32
          %dma_wait3A_201 = arith.constant 0 : i32
          %dma_wait3A_202 = tpu.memref_slice %arg23[%dma_wait3A_200, %dma_wait3A_201] : memref<10240x128xf32, #tpu.memory_space<vmem_shared>> -> memref<10240x128xf32, #tpu.memory_space<vmem_shared>>
          tpu.wait_indirect_dma semaphore(%arg20 : memref<!tpu.dma_semaphore, #tpu.memory_space<semaphore_mem>>) src(%arg12 : memref<64x128xf32, #tpu.memory_space<vmem>>) dst(%dma_wait3A_202 : memref<10240x128xf32, #tpu.memory_space<vmem_shared>>)
          %add3A_203 = arith.constant 2 : i32
          %add3A_204 = arith.addi %add3A_182, %add3A_203 : i32
          %dma_start3A_205 = arith.constant 0 : i32
          %dma_start3A_206 = tpu.memref_slice %arg9[%add3A_204, %dma_start3A_205] : memref<32x64xi32, #tpu.memory_space<vmem>> -> memref<1x64xi32, #tpu.memory_space<vmem>>
          %dma_start3A_207 = tpu.memref_squeeze %dma_start3A_206 : memref<1x64xi32, #tpu.memory_space<vmem>> -> memref<64xi32, #tpu.memory_space<vmem>>
          %dma_start3A_208 = arith.constant 0 : i32
          %dma_start3A_209 = arith.constant 0 : i32
          %dma_start3A_210 = tpu.memref_slice %arg3[%dma_start3A_208, %dma_start3A_209] : memref<10000x128xf32, #tpu.memory_space<hbm>> -> memref<10000x128xf32, #tpu.memory_space<hbm>>
          tpu.enqueue_indirect_dma source(%dma_start3A_210 : memref<10000x128xf32, #tpu.memory_space<hbm>>) target(%arg12 : memref<64x128xf32, #tpu.memory_space<vmem>>) offsets(%dma_start3A_207 : memref<64xi32, #tpu.memory_space<vmem>>) semaphore(%arg16 : memref<!tpu.dma_semaphore, #tpu.memory_space<semaphore_mem>>)
          %mul3A_211 = arith.constant 4 : i32
          %mul3A_212 = arith.muli %add3A_143, %mul3A_211 : i32
          %add3A_213 = arith.constant 2 : i32
          %add3A_214 = arith.addi %mul3A_212, %add3A_213 : i32
          %add3A_215 = arith.constant 2 : i32
          %add3A_216 = arith.addi %add3A_214, %add3A_215 : i32
          %dma_wait3A_217 = arith.constant 0 : i32
          %dma_wait3A_218 = tpu.memref_slice %arg9[%add3A_216, %dma_wait3A_217] : memref<32x64xi32, #tpu.memory_space<vmem>> -> memref<1x64xi32, #tpu.memory_space<vmem>>
          %dma_wait3A_219 = tpu.memref_squeeze %dma_wait3A_218 : memref<1x64xi32, #tpu.memory_space<vmem>> -> memref<64xi32, #tpu.memory_space<vmem>>
          %dma_wait3A_220 = arith.constant 0 : i32
          %dma_wait3A_221 = arith.constant 0 : i32
          %dma_wait3A_222 = tpu.memref_slice %arg3[%dma_wait3A_220, %dma_wait3A_221] : memref<10000x128xf32, #tpu.memory_space<hbm>> -> memref<10000x128xf32, #tpu.memory_space<hbm>>
          tpu.wait_indirect_dma semaphore(%arg15 : memref<!tpu.dma_semaphore, #tpu.memory_space<semaphore_mem>>) src(%dma_wait3A_222 : memref<10000x128xf32, #tpu.memory_space<hbm>>) dst(%arg11 : memref<64x128xf32, #tpu.memory_space<vmem>>)
          %dma_start3A_223 = arith.constant 0 : i32
          %dma_start3A_224 = tpu.memref_slice %arg10[%add3A_216, %dma_start3A_223] : memref<32x64xi32, #tpu.memory_space<vmem>> -> memref<1x64xi32, #tpu.memory_space<vmem>>
          %dma_start3A_225 = tpu.memref_squeeze %dma_start3A_224 : memref<1x64xi32, #tpu.memory_space<vmem>> -> memref<64xi32, #tpu.memory_space<vmem>>
          %dma_start3A_226 = arith.constant 0 : i32
          %dma_start3A_227 = arith.constant 0 : i32
          %dma_start3A_228 = tpu.memref_slice %arg23[%dma_start3A_226, %dma_start3A_227] : memref<10240x128xf32, #tpu.memory_space<vmem_shared>> -> memref<10240x128xf32, #tpu.memory_space<vmem_shared>>
          tpu.enqueue_indirect_dma source(%arg11 : memref<64x128xf32, #tpu.memory_space<vmem>>) target(%dma_start3A_228 : memref<10240x128xf32, #tpu.memory_space<vmem_shared>>) offsets(%dma_start3A_225 : memref<64xi32, #tpu.memory_space<vmem>>) semaphore(%arg19 : memref<!tpu.dma_semaphore, #tpu.memory_space<semaphore_mem>>) {add = true}
          %sub3A_229 = arith.constant 2 : i32
          %sub3A_230 = arith.subi %add3A_216, %sub3A_229 : i32
          %dma_wait3A_231 = arith.constant 0 : i32
          %dma_wait3A_232 = tpu.memref_slice %arg10[%sub3A_230, %dma_wait3A_231] : memref<32x64xi32, #tpu.memory_space<vmem>> -> memref<1x64xi32, #tpu.memory_space<vmem>>
          %dma_wait3A_233 = tpu.memref_squeeze %dma_wait3A_232 : memref<1x64xi32, #tpu.memory_space<vmem>> -> memref<64xi32, #tpu.memory_space<vmem>>
          %dma_wait3A_234 = arith.constant 0 : i32
          %dma_wait3A_235 = arith.constant 0 : i32
          %dma_wait3A_236 = tpu.memref_slice %arg23[%dma_wait3A_234, %dma_wait3A_235] : memref<10240x128xf32, #tpu.memory_space<vmem_shared>> -> memref<10240x128xf32, #tpu.memory_space<vmem_shared>>
          tpu.wait_indirect_dma semaphore(%arg21 : memref<!tpu.dma_semaphore, #tpu.memory_space<semaphore_mem>>) src(%arg13 : memref<64x128xf32, #tpu.memory_space<vmem>>) dst(%dma_wait3A_236 : memref<10240x128xf32, #tpu.memory_space<vmem_shared>>)
          %add3A_237 = arith.constant 2 : i32
          %add3A_238 = arith.addi %add3A_216, %add3A_237 : i32
          %dma_start3A_239 = arith.constant 0 : i32
          %dma_start3A_240 = tpu.memref_slice %arg9[%add3A_238, %dma_start3A_239] : memref<32x64xi32, #tpu.memory_space<vmem>> -> memref<1x64xi32, #tpu.memory_space<vmem>>
          %dma_start3A_241 = tpu.memref_squeeze %dma_start3A_240 : memref<1x64xi32, #tpu.memory_space<vmem>> -> memref<64xi32, #tpu.memory_space<vmem>>
          %dma_start3A_242 = arith.constant 0 : i32
          %dma_start3A_243 = arith.constant 0 : i32
          %dma_start3A_244 = tpu.memref_slice %arg3[%dma_start3A_242, %dma_start3A_243] : memref<10000x128xf32, #tpu.memory_space<hbm>> -> memref<10000x128xf32, #tpu.memory_space<hbm>>
          tpu.enqueue_indirect_dma source(%dma_start3A_244 : memref<10000x128xf32, #tpu.memory_space<hbm>>) target(%arg13 : memref<64x128xf32, #tpu.memory_space<vmem>>) offsets(%dma_start3A_241 : memref<64xi32, #tpu.memory_space<vmem>>) semaphore(%arg17 : memref<!tpu.dma_semaphore, #tpu.memory_space<semaphore_mem>>)
          %mul3A_245 = arith.constant 4 : i32
          %mul3A_246 = arith.muli %add3A_143, %mul3A_245 : i32
          %add3A_247 = arith.constant 3 : i32
          %add3A_248 = arith.addi %mul3A_246, %add3A_247 : i32
          %add3A_249 = arith.constant 2 : i32
          %add3A_250 = arith.addi %add3A_248, %add3A_249 : i32
          %dma_wait3A_251 = arith.constant 0 : i32
          %dma_wait3A_252 = tpu.memref_slice %arg9[%add3A_250, %dma_wait3A_251] : memref<32x64xi32, #tpu.memory_space<vmem>> -> memref<1x64xi32, #tpu.memory_space<vmem>>
          %dma_wait3A_253 = tpu.memref_squeeze %dma_wait3A_252 : memref<1x64xi32, #tpu.memory_space<vmem>> -> memref<64xi32, #tpu.memory_space<vmem>>
          %dma_wait3A_254 = arith.constant 0 : i32
          %dma_wait3A_255 = arith.constant 0 : i32
          %dma_wait3A_256 = tpu.memref_slice %arg3[%dma_wait3A_254, %dma_wait3A_255] : memref<10000x128xf32, #tpu.memory_space<hbm>> -> memref<10000x128xf32, #tpu.memory_space<hbm>>
          tpu.wait_indirect_dma semaphore(%arg16 : memref<!tpu.dma_semaphore, #tpu.memory_space<semaphore_mem>>) src(%dma_wait3A_256 : memref<10000x128xf32, #tpu.memory_space<hbm>>) dst(%arg12 : memref<64x128xf32, #tpu.memory_space<vmem>>)
          %dma_start3A_257 = arith.constant 0 : i32
          %dma_start3A_258 = tpu.memref_slice %arg10[%add3A_250, %dma_start3A_257] : memref<32x64xi32, #tpu.memory_space<vmem>> -> memref<1x64xi32, #tpu.memory_space<vmem>>
          %dma_start3A_259 = tpu.memref_squeeze %dma_start3A_258 : memref<1x64xi32, #tpu.memory_space<vmem>> -> memref<64xi32, #tpu.memory_space<vmem>>
          %dma_start3A_260 = arith.constant 0 : i32
          %dma_start3A_261 = arith.constant 0 : i32
          %dma_start3A_262 = tpu.memref_slice %arg23[%dma_start3A_260, %dma_start3A_261] : memref<10240x128xf32, #tpu.memory_space<vmem_shared>> -> memref<10240x128xf32, #tpu.memory_space<vmem_shared>>
          tpu.enqueue_indirect_dma source(%arg12 : memref<64x128xf32, #tpu.memory_space<vmem>>) target(%dma_start3A_262 : memref<10240x128xf32, #tpu.memory_space<vmem_shared>>) offsets(%dma_start3A_259 : memref<64xi32, #tpu.memory_space<vmem>>) semaphore(%arg20 : memref<!tpu.dma_semaphore, #tpu.memory_space<semaphore_mem>>) {add = true}
          %sub3A_263 = arith.constant 2 : i32
          %sub3A_264 = arith.subi %add3A_250, %sub3A_263 : i32
          %dma_wait3A_265 = arith.constant 0 : i32
          %dma_wait3A_266 = tpu.memref_slice %arg10[%sub3A_264, %dma_wait3A_265] : memref<32x64xi32, #tpu.memory_space<vmem>> -> memref<1x64xi32, #tpu.memory_space<vmem>>
          %dma_wait3A_267 = tpu.memref_squeeze %dma_wait3A_266 : memref<1x64xi32, #tpu.memory_space<vmem>> -> memref<64xi32, #tpu.memory_space<vmem>>
          %dma_wait3A_268 = arith.constant 0 : i32
          %dma_wait3A_269 = arith.constant 0 : i32
          %dma_wait3A_270 = tpu.memref_slice %arg23[%dma_wait3A_268, %dma_wait3A_269] : memref<10240x128xf32, #tpu.memory_space<vmem_shared>> -> memref<10240x128xf32, #tpu.memory_space<vmem_shared>>
          tpu.wait_indirect_dma semaphore(%arg22 : memref<!tpu.dma_semaphore, #tpu.memory_space<semaphore_mem>>) src(%arg14 : memref<64x128xf32, #tpu.memory_space<vmem>>) dst(%dma_wait3A_270 : memref<10240x128xf32, #tpu.memory_space<vmem_shared>>)
          %add3A_271 = arith.constant 2 : i32
          %add3A_272 = arith.addi %add3A_250, %add3A_271 : i32
          %dma_start3A_273 = arith.constant 0 : i32
          %dma_start3A_274 = tpu.memref_slice %arg9[%add3A_272, %dma_start3A_273] : memref<32x64xi32, #tpu.memory_space<vmem>> -> memref<1x64xi32, #tpu.memory_space<vmem>>
          %dma_start3A_275 = tpu.memref_squeeze %dma_start3A_274 : memref<1x64xi32, #tpu.memory_space<vmem>> -> memref<64xi32, #tpu.memory_space<vmem>>
          %dma_start3A_276 = arith.constant 0 : i32
          %dma_start3A_277 = arith.constant 0 : i32
          %dma_start3A_278 = tpu.memref_slice %arg3[%dma_start3A_276, %dma_start3A_277] : memref<10000x128xf32, #tpu.memory_space<hbm>> -> memref<10000x128xf32, #tpu.memory_space<hbm>>
          tpu.enqueue_indirect_dma source(%dma_start3A_278 : memref<10000x128xf32, #tpu.memory_space<hbm>>) target(%arg14 : memref<64x128xf32, #tpu.memory_space<vmem>>) offsets(%dma_start3A_275 : memref<64xi32, #tpu.memory_space<vmem>>) semaphore(%arg18 : memref<!tpu.dma_semaphore, #tpu.memory_space<semaphore_mem>>)
        }
        %scan3A_82 = arith.constant 7 : i32
        %dma_wait3A_83 = arith.constant 30 : i32
        %dma_wait3A_84 = arith.constant 0 : i32
        %dma_wait3A_85 = tpu.memref_slice %arg9[%dma_wait3A_83, %dma_wait3A_84] : memref<32x64xi32, #tpu.memory_space<vmem>> -> memref<1x64xi32, #tpu.memory_space<vmem>>
        %dma_wait3A_86 = tpu.memref_squeeze %dma_wait3A_85 : memref<1x64xi32, #tpu.memory_space<vmem>> -> memref<64xi32, #tpu.memory_space<vmem>>
        %dma_wait3A_87 = arith.constant 0 : i32
        %dma_wait3A_88 = arith.constant 0 : i32
        %dma_wait3A_89 = tpu.memref_slice %arg3[%dma_wait3A_87, %dma_wait3A_88] : memref<10000x128xf32, #tpu.memory_space<hbm>> -> memref<10000x128xf32, #tpu.memory_space<hbm>>
        tpu.wait_indirect_dma semaphore(%arg17 : memref<!tpu.dma_semaphore, #tpu.memory_space<semaphore_mem>>) src(%dma_wait3A_89 : memref<10000x128xf32, #tpu.memory_space<hbm>>) dst(%arg13 : memref<64x128xf32, #tpu.memory_space<vmem>>)
        %dma_start3A_90 = arith.constant 30 : i32
        %dma_start3A_91 = arith.constant 0 : i32
        %dma_start3A_92 = tpu.memref_slice %arg10[%dma_start3A_90, %dma_start3A_91] : memref<32x64xi32, #tpu.memory_space<vmem>> -> memref<1x64xi32, #tpu.memory_space<vmem>>
        %dma_start3A_93 = tpu.memref_squeeze %dma_start3A_92 : memref<1x64xi32, #tpu.memory_space<vmem>> -> memref<64xi32, #tpu.memory_space<vmem>>
        %dma_start3A_94 = arith.constant 0 : i32
        %dma_start3A_95 = arith.constant 0 : i32
        %dma_start3A_96 = tpu.memref_slice %arg23[%dma_start3A_94, %dma_start3A_95] : memref<10240x128xf32, #tpu.memory_space<vmem_shared>> -> memref<10240x128xf32, #tpu.memory_space<vmem_shared>>
        tpu.enqueue_indirect_dma source(%arg13 : memref<64x128xf32, #tpu.memory_space<vmem>>) target(%dma_start3A_96 : memref<10240x128xf32, #tpu.memory_space<vmem_shared>>) offsets(%dma_start3A_93 : memref<64xi32, #tpu.memory_space<vmem>>) semaphore(%arg21 : memref<!tpu.dma_semaphore, #tpu.memory_space<semaphore_mem>>) {add = true}
        %dma_wait3A_97 = arith.constant 31 : i32
        %dma_wait3A_98 = arith.constant 0 : i32
        %dma_wait3A_99 = tpu.memref_slice %arg9[%dma_wait3A_97, %dma_wait3A_98] : memref<32x64xi32, #tpu.memory_space<vmem>> -> memref<1x64xi32, #tpu.memory_space<vmem>>
        %dma_wait3A_100 = tpu.memref_squeeze %dma_wait3A_99 : memref<1x64xi32, #tpu.memory_space<vmem>> -> memref<64xi32, #tpu.memory_space<vmem>>
        %dma_wait3A_101 = arith.constant 0 : i32
        %dma_wait3A_102 = arith.constant 0 : i32
        %dma_wait3A_103 = tpu.memref_slice %arg3[%dma_wait3A_101, %dma_wait3A_102] : memref<10000x128xf32, #tpu.memory_space<hbm>> -> memref<10000x128xf32, #tpu.memory_space<hbm>>
        tpu.wait_indirect_dma semaphore(%arg18 : memref<!tpu.dma_semaphore, #tpu.memory_space<semaphore_mem>>) src(%dma_wait3A_103 : memref<10000x128xf32, #tpu.memory_space<hbm>>) dst(%arg14 : memref<64x128xf32, #tpu.memory_space<vmem>>)
        %dma_start3A_104 = arith.constant 31 : i32
        %dma_start3A_105 = arith.constant 0 : i32
        %dma_start3A_106 = tpu.memref_slice %arg10[%dma_start3A_104, %dma_start3A_105] : memref<32x64xi32, #tpu.memory_space<vmem>> -> memref<1x64xi32, #tpu.memory_space<vmem>>
        %dma_start3A_107 = tpu.memref_squeeze %dma_start3A_106 : memref<1x64xi32, #tpu.memory_space<vmem>> -> memref<64xi32, #tpu.memory_space<vmem>>
        %dma_start3A_108 = arith.constant 0 : i32
        %dma_start3A_109 = arith.constant 0 : i32
        %dma_start3A_110 = tpu.memref_slice %arg23[%dma_start3A_108, %dma_start3A_109] : memref<10240x128xf32, #tpu.memory_space<vmem_shared>> -> memref<10240x128xf32, #tpu.memory_space<vmem_shared>>
        tpu.enqueue_indirect_dma source(%arg14 : memref<64x128xf32, #tpu.memory_space<vmem>>) target(%dma_start3A_110 : memref<10240x128xf32, #tpu.memory_space<vmem_shared>>) offsets(%dma_start3A_107 : memref<64xi32, #tpu.memory_space<vmem>>) semaphore(%arg22 : memref<!tpu.dma_semaphore, #tpu.memory_space<semaphore_mem>>) {add = true}
        %dma_wait3A_111 = arith.constant 28 : i32
        %dma_wait3A_112 = arith.constant 0 : i32
        %dma_wait3A_113 = tpu.memref_slice %arg10[%dma_wait3A_111, %dma_wait3A_112] : memref<32x64xi32, #tpu.memory_space<vmem>> -> memref<1x64xi32, #tpu.memory_space<vmem>>
        %dma_wait3A_114 = tpu.memref_squeeze %dma_wait3A_113 : memref<1x64xi32, #tpu.memory_space<vmem>> -> memref<64xi32, #tpu.memory_space<vmem>>
        %dma_wait3A_115 = arith.constant 0 : i32
        %dma_wait3A_116 = arith.constant 0 : i32
        %dma_wait3A_117 = tpu.memref_slice %arg23[%dma_wait3A_115, %dma_wait3A_116] : memref<10240x128xf32, #tpu.memory_space<vmem_shared>> -> memref<10240x128xf32, #tpu.memory_space<vmem_shared>>
        tpu.wait_indirect_dma semaphore(%arg19 : memref<!tpu.dma_semaphore, #tpu.memory_space<semaphore_mem>>) src(%arg11 : memref<64x128xf32, #tpu.memory_space<vmem>>) dst(%dma_wait3A_117 : memref<10240x128xf32, #tpu.memory_space<vmem_shared>>)
        %dma_wait3A_118 = arith.constant 29 : i32
        %dma_wait3A_119 = arith.constant 0 : i32
        %dma_wait3A_120 = tpu.memref_slice %arg10[%dma_wait3A_118, %dma_wait3A_119] : memref<32x64xi32, #tpu.memory_space<vmem>> -> memref<1x64xi32, #tpu.memory_space<vmem>>
        %dma_wait3A_121 = tpu.memref_squeeze %dma_wait3A_120 : memref<1x64xi32, #tpu.memory_space<vmem>> -> memref<64xi32, #tpu.memory_space<vmem>>
        %dma_wait3A_122 = arith.constant 0 : i32
        %dma_wait3A_123 = arith.constant 0 : i32
        %dma_wait3A_124 = tpu.memref_slice %arg23[%dma_wait3A_122, %dma_wait3A_123] : memref<10240x128xf32, #tpu.memory_space<vmem_shared>> -> memref<10240x128xf32, #tpu.memory_space<vmem_shared>>
        tpu.wait_indirect_dma semaphore(%arg20 : memref<!tpu.dma_semaphore, #tpu.memory_space<semaphore_mem>>) src(%arg12 : memref<64x128xf32, #tpu.memory_space<vmem>>) dst(%dma_wait3A_124 : memref<10240x128xf32, #tpu.memory_space<vmem_shared>>)
        %dma_wait3A_125 = arith.constant 30 : i32
        %dma_wait3A_126 = arith.constant 0 : i32
        %dma_wait3A_127 = tpu.memref_slice %arg10[%dma_wait3A_125, %dma_wait3A_126] : memref<32x64xi32, #tpu.memory_space<vmem>> -> memref<1x64xi32, #tpu.memory_space<vmem>>
        %dma_wait3A_128 = tpu.memref_squeeze %dma_wait3A_127 : memref<1x64xi32, #tpu.memory_space<vmem>> -> memref<64xi32, #tpu.memory_space<vmem>>
        %dma_wait3A_129 = arith.constant 0 : i32
        %dma_wait3A_130 = arith.constant 0 : i32
        %dma_wait3A_131 = tpu.memref_slice %arg23[%dma_wait3A_129, %dma_wait3A_130] : memref<10240x128xf32, #tpu.memory_space<vmem_shared>> -> memref<10240x128xf32, #tpu.memory_space<vmem_shared>>
        tpu.wait_indirect_dma semaphore(%arg21 : memref<!tpu.dma_semaphore, #tpu.memory_space<semaphore_mem>>) src(%arg13 : memref<64x128xf32, #tpu.memory_space<vmem>>) dst(%dma_wait3A_131 : memref<10240x128xf32, #tpu.memory_space<vmem_shared>>)
        %dma_wait3A_132 = arith.constant 31 : i32
        %dma_wait3A_133 = arith.constant 0 : i32
        %dma_wait3A_134 = tpu.memref_slice %arg10[%dma_wait3A_132, %dma_wait3A_133] : memref<32x64xi32, #tpu.memory_space<vmem>> -> memref<1x64xi32, #tpu.memory_space<vmem>>
        %dma_wait3A_135 = tpu.memref_squeeze %dma_wait3A_134 : memref<1x64xi32, #tpu.memory_space<vmem>> -> memref<64xi32, #tpu.memory_space<vmem>>
        %dma_wait3A_136 = arith.constant 0 : i32
        %dma_wait3A_137 = arith.constant 0 : i32
        %dma_wait3A_138 = tpu.memref_slice %arg23[%dma_wait3A_136, %dma_wait3A_137] : memref<10240x128xf32, #tpu.memory_space<vmem_shared>> -> memref<10240x128xf32, #tpu.memory_space<vmem_shared>>
        tpu.wait_indirect_dma semaphore(%arg22 : memref<!tpu.dma_semaphore, #tpu.memory_space<semaphore_mem>>) src(%arg14 : memref<64x128xf32, #tpu.memory_space<vmem>>) dst(%dma_wait3A_138 : memref<10240x128xf32, #tpu.memory_space<vmem_shared>>)
      }
      %scan3A_13 = arith.constant 10 : i32
      %barrier3A_14 = arith.constant 0 : index
      tpu.barrier barrier_id(%barrier3A_14)
      %mul3A_15 = arith.constant 640 : i32
      %mul3A_16 = arith.muli %arg1, %mul3A_15 : i32
      "tpu.region"() ({
        %run_scoped3A = tpu.sem_alloc : memref<!tpu.dma_semaphore, #tpu.memory_space<semaphore_mem>>
        %dma_start3A = arith.constant 0 : i32
        %dma_start3A_17 = tpu.memref_slice %arg8[%mul3A_16, %dma_start3A] : memref<10240x128xf32, #tpu.memory_space<hbm>> -> memref<640x128xf32, #tpu.memory_space<hbm>>
        %dma_start3A_18 = arith.constant 0 : i32
        %dma_start3A_19 = tpu.memref_slice %arg23[%mul3A_16, %dma_start3A_18] : memref<10240x128xf32, #tpu.memory_space<vmem_shared>> -> memref<640x128xf32, #tpu.memory_space<vmem_shared>>
        tpu.enqueue_dma source(%dma_start3A_19 : memref<640x128xf32, #tpu.memory_space<vmem_shared>>) target(%dma_start3A_17 : memref<640x128xf32, #tpu.memory_space<hbm>>) target_semaphore(%run_scoped3A : memref<!tpu.dma_semaphore, #tpu.memory_space<semaphore_mem>>)
        %dma_wait3A = arith.constant 0 : i32
        %dma_wait3A_20 = tpu.memref_slice %arg8[%mul3A_16, %dma_wait3A] : memref<10240x128xf32, #tpu.memory_space<hbm>> -> memref<640x128xf32, #tpu.memory_space<hbm>>
        %dma_wait3A_21 = arith.constant 0 : i32
        %dma_wait3A_22 = tpu.memref_slice %arg23[%mul3A_16, %dma_wait3A_21] : memref<10240x128xf32, #tpu.memory_space<vmem_shared>> -> memref<640x128xf32, #tpu.memory_space<vmem_shared>>
        tpu.wait_dma2 semaphore(%run_scoped3A : memref<!tpu.dma_semaphore, #tpu.memory_space<semaphore_mem>>) src(%dma_wait3A_22 : memref<640x128xf32, #tpu.memory_space<vmem_shared>>) dst(%dma_wait3A_20 : memref<640x128xf32, #tpu.memory_space<hbm>>)
        tpu.yield
      }) : () -> ()
    } else {
    }
    return
  }
}

#map = affine_map<(d0, d1) -> (0, 0)>
module attributes {stable_mosaic.version = 14 : i64} {
  func.func @sc_seg(%arg0: i32, %arg1: i32, %arg2: memref<10000x128xf32, #tpu.memory_space<hbm>>, %arg3: memref<5120x64xi32, #tpu.memory_space<hbm>>, %arg4: memref<5120x64xi32, #tpu.memory_space<hbm>>, %arg5: memref<640x128xf32, #tpu.memory_space<hbm>>, %arg6: memref<10240x128xf32, #tpu.memory_space<hbm>>, %arg7: memref<10240x128xf32, #tpu.memory_space<hbm>>, %arg8: memref<32x64xi32, #tpu.memory_space<vmem>>, %arg9: memref<32x64xi32, #tpu.memory_space<vmem>>, %arg10: memref<64x128xf32, #tpu.memory_space<vmem>>, %arg11: memref<64x128xf32, #tpu.memory_space<vmem>>, %arg12: memref<64x128xf32, #tpu.memory_space<vmem>>, %arg13: memref<64x128xf32, #tpu.memory_space<vmem>>, %arg14: memref<!tpu.dma_semaphore, #tpu.memory_space<semaphore_mem>>, %arg15: memref<!tpu.dma_semaphore, #tpu.memory_space<semaphore_mem>>, %arg16: memref<!tpu.dma_semaphore, #tpu.memory_space<semaphore_mem>>, %arg17: memref<!tpu.dma_semaphore, #tpu.memory_space<semaphore_mem>>, %arg18: memref<!tpu.dma_semaphore, #tpu.memory_space<semaphore_mem>>, %arg19: memref<!tpu.dma_semaphore, #tpu.memory_space<semaphore_mem>>, %arg20: memref<!tpu.dma_semaphore, #tpu.memory_space<semaphore_mem>>, %arg21: memref<!tpu.dma_semaphore, #tpu.memory_space<semaphore_mem>>, %arg22: memref<10240x128xf32, #tpu.memory_space<vmem_shared>>) attributes {dimension_semantics = [#tpu.dimension_semantics<core_parallel>, #tpu.dimension_semantics<subcore_parallel>], iteration_bounds = array<i64: 2, 16>, scalar_prefetch = 0 : i64, scratch_operands = 15 : i64, tpu.core_type = #tpu.core_type<sc_vector_subcore>, window_params = [{transform_indices = #map}, {transform_indices = #map}, {transform_indices = #map}, {transform_indices = #map}, {transform_indices = #map}, {transform_indices = #map}]} {
    %mul3A = arith.constant 640 : i32
    %mul3A_0 = arith.muli %arg1, %mul3A : i32
    "tpu.region"() ({
      %run_scoped3A = tpu.sem_alloc : memref<!tpu.dma_semaphore, #tpu.memory_space<semaphore_mem>>
      %dma_start3A = arith.constant 0 : i32
      %dma_start3A_8 = tpu.memref_slice %arg22[%mul3A_0, %dma_start3A] : memref<10240x128xf32, #tpu.memory_space<vmem_shared>> -> memref<640x128xf32, #tpu.memory_space<vmem_shared>>
      tpu.enqueue_dma source(%arg5 : memref<640x128xf32, #tpu.memory_space<hbm>>) target(%dma_start3A_8 : memref<640x128xf32, #tpu.memory_space<vmem_shared>>) target_semaphore(%run_scoped3A : memref<!tpu.dma_semaphore, #tpu.memory_space<semaphore_mem>>)
      %dma_wait3A = arith.constant 0 : i32
      %dma_wait3A_9 = tpu.memref_slice %arg22[%mul3A_0, %dma_wait3A] : memref<10240x128xf32, #tpu.memory_space<vmem_shared>> -> memref<640x128xf32, #tpu.memory_space<vmem_shared>>
      tpu.wait_dma2 semaphore(%run_scoped3A : memref<!tpu.dma_semaphore, #tpu.memory_space<semaphore_mem>>) src(%arg5 : memref<640x128xf32, #tpu.memory_space<hbm>>) dst(%dma_wait3A_9 : memref<640x128xf32, #tpu.memory_space<vmem_shared>>)
      tpu.yield
    }) : () -> ()
    %barrier3A = arith.constant 0 : index
    tpu.barrier barrier_id(%barrier3A)
    %eq3A = arith.constant 0 : i32
    %eq3A_1 = arith.cmpi eq, %arg0, %eq3A : i32
    %convert_element_type3A = arith.extui %eq3A_1 : i1 to i32
    %cond3A = arith.constant 0 : i32
    %cond3A_2 = arith.cmpi ne, %convert_element_type3A, %cond3A : i32
    scf.if %cond3A_2 {
      %mul3A_8 = arith.constant 320 : i32
      %mul3A_9 = arith.muli %arg1, %mul3A_8 : i32
      %scan3A = arith.constant 0 : i32
      %scan3A_10 = arith.constant 5 : i32
      %scan3A_11 = arith.addi %scan3A, %scan3A_10 : i32
      %scan3A_12 = arith.constant 1 : i32
      scf.for %scan3A_17 = %scan3A to %scan3A_11 step %scan3A_12  : i32 {
        %mul3A_18 = arith.constant 1 : i32
        %mul3A_19 = arith.muli %scan3A_17, %mul3A_18 : i32
        %add3A = arith.constant 0 : i32
        %add3A_20 = arith.addi %add3A, %mul3A_19 : i32
        %mul3A_21 = arith.constant 32 : i32
        %mul3A_22 = arith.muli %add3A_20, %mul3A_21 : i32
        %add3A_23 = arith.addi %mul3A_9, %mul3A_22 : i32
        "tpu.region"() ({
          %run_scoped3A = tpu.sem_alloc : memref<!tpu.dma_semaphore, #tpu.memory_space<semaphore_mem>>
          %dma_start3A_139 = arith.constant 0 : i32
          %dma_start3A_140 = tpu.memref_slice %arg3[%add3A_23, %dma_start3A_139] : memref<5120x64xi32, #tpu.memory_space<hbm>> -> memref<32x64xi32, #tpu.memory_space<hbm>>
          %dma_start3A_141 = arith.constant 0 : i32
          %dma_start3A_142 = tpu.memref_slice %arg3[%add3A_23, %dma_start3A_141] : memref<5120x64xi32, #tpu.memory_space<hbm>> -> memref<32x64xi32, #tpu.memory_space<hbm>>
          tpu.enqueue_dma source(%dma_start3A_142 : memref<32x64xi32, #tpu.memory_space<hbm>>) target(%arg8 : memref<32x64xi32, #tpu.memory_space<vmem>>) target_semaphore(%run_scoped3A : memref<!tpu.dma_semaphore, #tpu.memory_space<semaphore_mem>>)
          %dma_wait3A_143 = arith.constant 0 : i32
          %dma_wait3A_144 = tpu.memref_slice %arg3[%add3A_23, %dma_wait3A_143] : memref<5120x64xi32, #tpu.memory_space<hbm>> -> memref<32x64xi32, #tpu.memory_space<hbm>>
          %dma_wait3A_145 = arith.constant 0 : i32
          %dma_wait3A_146 = tpu.memref_slice %arg3[%add3A_23, %dma_wait3A_145] : memref<5120x64xi32, #tpu.memory_space<hbm>> -> memref<32x64xi32, #tpu.memory_space<hbm>>
          tpu.wait_dma2 semaphore(%run_scoped3A : memref<!tpu.dma_semaphore, #tpu.memory_space<semaphore_mem>>) src(%dma_wait3A_146 : memref<32x64xi32, #tpu.memory_space<hbm>>) dst(%arg8 : memref<32x64xi32, #tpu.memory_space<vmem>>)
          tpu.yield
        }) : () -> ()
        "tpu.region"() ({
          %run_scoped3A = tpu.sem_alloc : memref<!tpu.dma_semaphore, #tpu.memory_space<semaphore_mem>>
          %dma_start3A_139 = arith.constant 0 : i32
          %dma_start3A_140 = tpu.memref_slice %arg4[%add3A_23, %dma_start3A_139] : memref<5120x64xi32, #tpu.memory_space<hbm>> -> memref<32x64xi32, #tpu.memory_space<hbm>>
          %dma_start3A_141 = arith.constant 0 : i32
          %dma_start3A_142 = tpu.memref_slice %arg4[%add3A_23, %dma_start3A_141] : memref<5120x64xi32, #tpu.memory_space<hbm>> -> memref<32x64xi32, #tpu.memory_space<hbm>>
          tpu.enqueue_dma source(%dma_start3A_142 : memref<32x64xi32, #tpu.memory_space<hbm>>) target(%arg9 : memref<32x64xi32, #tpu.memory_space<vmem>>) target_semaphore(%run_scoped3A : memref<!tpu.dma_semaphore, #tpu.memory_space<semaphore_mem>>)
          %dma_wait3A_143 = arith.constant 0 : i32
          %dma_wait3A_144 = tpu.memref_slice %arg4[%add3A_23, %dma_wait3A_143] : memref<5120x64xi32, #tpu.memory_space<hbm>> -> memref<32x64xi32, #tpu.memory_space<hbm>>
          %dma_wait3A_145 = arith.constant 0 : i32
          %dma_wait3A_146 = tpu.memref_slice %arg4[%add3A_23, %dma_wait3A_145] : memref<5120x64xi32, #tpu.memory_space<hbm>> -> memref<32x64xi32, #tpu.memory_space<hbm>>
          tpu.wait_dma2 semaphore(%run_scoped3A : memref<!tpu.dma_semaphore, #tpu.memory_space<semaphore_mem>>) src(%dma_wait3A_146 : memref<32x64xi32, #tpu.memory_space<hbm>>) dst(%arg9 : memref<32x64xi32, #tpu.memory_space<vmem>>)
          tpu.yield
        }) : () -> ()
        %dma_start3A = arith.constant 0 : i32
        %dma_start3A_24 = arith.constant 0 : i32
        %dma_start3A_25 = tpu.memref_slice %arg8[%dma_start3A, %dma_start3A_24] : memref<32x64xi32, #tpu.memory_space<vmem>> -> memref<1x64xi32, #tpu.memory_space<vmem>>
        %dma_start3A_26 = tpu.memref_squeeze %dma_start3A_25 : memref<1x64xi32, #tpu.memory_space<vmem>> -> memref<64xi32, #tpu.memory_space<vmem>>
        %dma_start3A_27 = arith.constant 0 : i32
        %dma_start3A_28 = arith.constant 0 : i32
        %dma_start3A_29 = tpu.memref_slice %arg2[%dma_start3A_27, %dma_start3A_28] : memref<10000x128xf32, #tpu.memory_space<hbm>> -> memref<10000x128xf32, #tpu.memory_space<hbm>>
        tpu.enqueue_indirect_dma source(%dma_start3A_29 : memref<10000x128xf32, #tpu.memory_space<hbm>>) target(%arg10 : memref<64x128xf32, #tpu.memory_space<vmem>>) offsets(%dma_start3A_26 : memref<64xi32, #tpu.memory_space<vmem>>) semaphore(%arg14 : memref<!tpu.dma_semaphore, #tpu.memory_space<semaphore_mem>>)
        %dma_start3A_30 = arith.constant 1 : i32
        %dma_start3A_31 = arith.constant 0 : i32
        %dma_start3A_32 = tpu.memref_slice %arg8[%dma_start3A_30, %dma_start3A_31] : memref<32x64xi32, #tpu.memory_space<vmem>> -> memref<1x64xi32, #tpu.memory_space<vmem>>
        %dma_start3A_33 = tpu.memref_squeeze %dma_start3A_32 : memref<1x64xi32, #tpu.memory_space<vmem>> -> memref<64xi32, #tpu.memory_space<vmem>>
        %dma_start3A_34 = arith.constant 0 : i32
        %dma_start3A_35 = arith.constant 0 : i32
        %dma_start3A_36 = tpu.memref_slice %arg2[%dma_start3A_34, %dma_start3A_35] : memref<10000x128xf32, #tpu.memory_space<hbm>> -> memref<10000x128xf32, #tpu.memory_space<hbm>>
        tpu.enqueue_indirect_dma source(%dma_start3A_36 : memref<10000x128xf32, #tpu.memory_space<hbm>>) target(%arg11 : memref<64x128xf32, #tpu.memory_space<vmem>>) offsets(%dma_start3A_33 : memref<64xi32, #tpu.memory_space<vmem>>) semaphore(%arg15 : memref<!tpu.dma_semaphore, #tpu.memory_space<semaphore_mem>>)
        %dma_wait3A = arith.constant 0 : i32
        %dma_wait3A_37 = arith.constant 0 : i32
        %dma_wait3A_38 = tpu.memref_slice %arg8[%dma_wait3A, %dma_wait3A_37] : memref<32x64xi32, #tpu.memory_space<vmem>> -> memref<1x64xi32, #tpu.memory_space<vmem>>
        %dma_wait3A_39 = tpu.memref_squeeze %dma_wait3A_38 : memref<1x64xi32, #tpu.memory_space<vmem>> -> memref<64xi32, #tpu.memory_space<vmem>>
        %dma_wait3A_40 = arith.constant 0 : i32
        %dma_wait3A_41 = arith.constant 0 : i32
        %dma_wait3A_42 = tpu.memref_slice %arg2[%dma_wait3A_40, %dma_wait3A_41] : memref<10000x128xf32, #tpu.memory_space<hbm>> -> memref<10000x128xf32, #tpu.memory_space<hbm>>
        tpu.wait_indirect_dma semaphore(%arg14 : memref<!tpu.dma_semaphore, #tpu.memory_space<semaphore_mem>>) src(%dma_wait3A_42 : memref<10000x128xf32, #tpu.memory_space<hbm>>) dst(%arg10 : memref<64x128xf32, #tpu.memory_space<vmem>>)
        %dma_start3A_43 = arith.constant 0 : i32
        %dma_start3A_44 = arith.constant 0 : i32
        %dma_start3A_45 = tpu.memref_slice %arg9[%dma_start3A_43, %dma_start3A_44] : memref<32x64xi32, #tpu.memory_space<vmem>> -> memref<1x64xi32, #tpu.memory_space<vmem>>
        %dma_start3A_46 = tpu.memref_squeeze %dma_start3A_45 : memref<1x64xi32, #tpu.memory_space<vmem>> -> memref<64xi32, #tpu.memory_space<vmem>>
        %dma_start3A_47 = arith.constant 0 : i32
        %dma_start3A_48 = arith.constant 0 : i32
        %dma_start3A_49 = tpu.memref_slice %arg22[%dma_start3A_47, %dma_start3A_48] : memref<10240x128xf32, #tpu.memory_space<vmem_shared>> -> memref<10240x128xf32, #tpu.memory_space<vmem_shared>>
        tpu.enqueue_indirect_dma source(%arg10 : memref<64x128xf32, #tpu.memory_space<vmem>>) target(%dma_start3A_49 : memref<10240x128xf32, #tpu.memory_space<vmem_shared>>) offsets(%dma_start3A_46 : memref<64xi32, #tpu.memory_space<vmem>>) semaphore(%arg18 : memref<!tpu.dma_semaphore, #tpu.memory_space<semaphore_mem>>) {add = true}
        %dma_start3A_50 = arith.constant 2 : i32
        %dma_start3A_51 = arith.constant 0 : i32
        %dma_start3A_52 = tpu.memref_slice %arg8[%dma_start3A_50, %dma_start3A_51] : memref<32x64xi32, #tpu.memory_space<vmem>> -> memref<1x64xi32, #tpu.memory_space<vmem>>
        %dma_start3A_53 = tpu.memref_squeeze %dma_start3A_52 : memref<1x64xi32, #tpu.memory_space<vmem>> -> memref<64xi32, #tpu.memory_space<vmem>>
        %dma_start3A_54 = arith.constant 0 : i32
        %dma_start3A_55 = arith.constant 0 : i32
        %dma_start3A_56 = tpu.memref_slice %arg2[%dma_start3A_54, %dma_start3A_55] : memref<10000x128xf32, #tpu.memory_space<hbm>> -> memref<10000x128xf32, #tpu.memory_space<hbm>>
        tpu.enqueue_indirect_dma source(%dma_start3A_56 : memref<10000x128xf32, #tpu.memory_space<hbm>>) target(%arg12 : memref<64x128xf32, #tpu.memory_space<vmem>>) offsets(%dma_start3A_53 : memref<64xi32, #tpu.memory_space<vmem>>) semaphore(%arg16 : memref<!tpu.dma_semaphore, #tpu.memory_space<semaphore_mem>>)
        %dma_wait3A_57 = arith.constant 1 : i32
        %dma_wait3A_58 = arith.constant 0 : i32
        %dma_wait3A_59 = tpu.memref_slice %arg8[%dma_wait3A_57, %dma_wait3A_58] : memref<32x64xi32, #tpu.memory_space<vmem>> -> memref<1x64xi32, #tpu.memory_space<vmem>>
        %dma_wait3A_60 = tpu.memref_squeeze %dma_wait3A_59 : memref<1x64xi32, #tpu.memory_space<vmem>> -> memref<64xi32, #tpu.memory_space<vmem>>
        %dma_wait3A_61 = arith.constant 0 : i32
        %dma_wait3A_62 = arith.constant 0 : i32
        %dma_wait3A_63 = tpu.memref_slice %arg2[%dma_wait3A_61, %dma_wait3A_62] : memref<10000x128xf32, #tpu.memory_space<hbm>> -> memref<10000x128xf32, #tpu.memory_space<hbm>>
        tpu.wait_indirect_dma semaphore(%arg15 : memref<!tpu.dma_semaphore, #tpu.memory_space<semaphore_mem>>) src(%dma_wait3A_63 : memref<10000x128xf32, #tpu.memory_space<hbm>>) dst(%arg11 : memref<64x128xf32, #tpu.memory_space<vmem>>)
        %dma_start3A_64 = arith.constant 1 : i32
        %dma_start3A_65 = arith.constant 0 : i32
        %dma_start3A_66 = tpu.memref_slice %arg9[%dma_start3A_64, %dma_start3A_65] : memref<32x64xi32, #tpu.memory_space<vmem>> -> memref<1x64xi32, #tpu.memory_space<vmem>>
        %dma_start3A_67 = tpu.memref_squeeze %dma_start3A_66 : memref<1x64xi32, #tpu.memory_space<vmem>> -> memref<64xi32, #tpu.memory_space<vmem>>
        %dma_start3A_68 = arith.constant 0 : i32
        %dma_start3A_69 = arith.constant 0 : i32
        %dma_start3A_70 = tpu.memref_slice %arg22[%dma_start3A_68, %dma_start3A_69] : memref<10240x128xf32, #tpu.memory_space<vmem_shared>> -> memref<10240x128xf32, #tpu.memory_space<vmem_shared>>
        tpu.enqueue_indirect_dma source(%arg11 : memref<64x128xf32, #tpu.memory_space<vmem>>) target(%dma_start3A_70 : memref<10240x128xf32, #tpu.memory_space<vmem_shared>>) offsets(%dma_start3A_67 : memref<64xi32, #tpu.memory_space<vmem>>) semaphore(%arg19 : memref<!tpu.dma_semaphore, #tpu.memory_space<semaphore_mem>>) {add = true}
        %dma_start3A_71 = arith.constant 3 : i32
        %dma_start3A_72 = arith.constant 0 : i32
        %dma_start3A_73 = tpu.memref_slice %arg8[%dma_start3A_71, %dma_start3A_72] : memref<32x64xi32, #tpu.memory_space<vmem>> -> memref<1x64xi32, #tpu.memory_space<vmem>>
        %dma_start3A_74 = tpu.memref_squeeze %dma_start3A_73 : memref<1x64xi32, #tpu.memory_space<vmem>> -> memref<64xi32, #tpu.memory_space<vmem>>
        %dma_start3A_75 = arith.constant 0 : i32
        %dma_start3A_76 = arith.constant 0 : i32
        %dma_start3A_77 = tpu.memref_slice %arg2[%dma_start3A_75, %dma_start3A_76] : memref<10000x128xf32, #tpu.memory_space<hbm>> -> memref<10000x128xf32, #tpu.memory_space<hbm>>
        tpu.enqueue_indirect_dma source(%dma_start3A_77 : memref<10000x128xf32, #tpu.memory_space<hbm>>) target(%arg13 : memref<64x128xf32, #tpu.memory_space<vmem>>) offsets(%dma_start3A_74 : memref<64xi32, #tpu.memory_space<vmem>>) semaphore(%arg17 : memref<!tpu.dma_semaphore, #tpu.memory_space<semaphore_mem>>)
        %scan3A_78 = arith.constant 0 : i32
        %scan3A_79 = arith.constant 7 : i32
        %scan3A_80 = arith.addi %scan3A_78, %scan3A_79 : i32
        %scan3A_81 = arith.constant 1 : i32
        scf.for %scan3A_139 = %scan3A_78 to %scan3A_80 step %scan3A_81  : i32 {
          %mul3A_140 = arith.constant 1 : i32
          %mul3A_141 = arith.muli %scan3A_139, %mul3A_140 : i32
          %add3A_142 = arith.constant 0 : i32
          %add3A_143 = arith.addi %add3A_142, %mul3A_141 : i32
          %mul3A_144 = arith.constant 4 : i32
          %mul3A_145 = arith.muli %add3A_143, %mul3A_144 : i32
          %add3A_146 = arith.constant 0 : i32
          %add3A_147 = arith.addi %mul3A_145, %add3A_146 : i32
          %add3A_148 = arith.constant 2 : i32
          %add3A_149 = arith.addi %add3A_147, %add3A_148 : i32
          %dma_wait3A_150 = arith.constant 0 : i32
          %dma_wait3A_151 = tpu.memref_slice %arg8[%add3A_149, %dma_wait3A_150] : memref<32x64xi32, #tpu.memory_space<vmem>> -> memref<1x64xi32, #tpu.memory_space<vmem>>
          %dma_wait3A_152 = tpu.memref_squeeze %dma_wait3A_151 : memref<1x64xi32, #tpu.memory_space<vmem>> -> memref<64xi32, #tpu.memory_space<vmem>>
          %dma_wait3A_153 = arith.constant 0 : i32
          %dma_wait3A_154 = arith.constant 0 : i32
          %dma_wait3A_155 = tpu.memref_slice %arg2[%dma_wait3A_153, %dma_wait3A_154] : memref<10000x128xf32, #tpu.memory_space<hbm>> -> memref<10000x128xf32, #tpu.memory_space<hbm>>
          tpu.wait_indirect_dma semaphore(%arg16 : memref<!tpu.dma_semaphore, #tpu.memory_space<semaphore_mem>>) src(%dma_wait3A_155 : memref<10000x128xf32, #tpu.memory_space<hbm>>) dst(%arg12 : memref<64x128xf32, #tpu.memory_space<vmem>>)
          %dma_start3A_156 = arith.constant 0 : i32
          %dma_start3A_157 = tpu.memref_slice %arg9[%add3A_149, %dma_start3A_156] : memref<32x64xi32, #tpu.memory_space<vmem>> -> memref<1x64xi32, #tpu.memory_space<vmem>>
          %dma_start3A_158 = tpu.memref_squeeze %dma_start3A_157 : memref<1x64xi32, #tpu.memory_space<vmem>> -> memref<64xi32, #tpu.memory_space<vmem>>
          %dma_start3A_159 = arith.constant 0 : i32
          %dma_start3A_160 = arith.constant 0 : i32
          %dma_start3A_161 = tpu.memref_slice %arg22[%dma_start3A_159, %dma_start3A_160] : memref<10240x128xf32, #tpu.memory_space<vmem_shared>> -> memref<10240x128xf32, #tpu.memory_space<vmem_shared>>
          tpu.enqueue_indirect_dma source(%arg12 : memref<64x128xf32, #tpu.memory_space<vmem>>) target(%dma_start3A_161 : memref<10240x128xf32, #tpu.memory_space<vmem_shared>>) offsets(%dma_start3A_158 : memref<64xi32, #tpu.memory_space<vmem>>) semaphore(%arg20 : memref<!tpu.dma_semaphore, #tpu.memory_space<semaphore_mem>>) {add = true}
          %sub3A = arith.constant 2 : i32
          %sub3A_162 = arith.subi %add3A_149, %sub3A : i32
          %dma_wait3A_163 = arith.constant 0 : i32
          %dma_wait3A_164 = tpu.memref_slice %arg9[%sub3A_162, %dma_wait3A_163] : memref<32x64xi32, #tpu.memory_space<vmem>> -> memref<1x64xi32, #tpu.memory_space<vmem>>
          %dma_wait3A_165 = tpu.memref_squeeze %dma_wait3A_164 : memref<1x64xi32, #tpu.memory_space<vmem>> -> memref<64xi32, #tpu.memory_space<vmem>>
          %dma_wait3A_166 = arith.constant 0 : i32
          %dma_wait3A_167 = arith.constant 0 : i32
          %dma_wait3A_168 = tpu.memref_slice %arg22[%dma_wait3A_166, %dma_wait3A_167] : memref<10240x128xf32, #tpu.memory_space<vmem_shared>> -> memref<10240x128xf32, #tpu.memory_space<vmem_shared>>
          tpu.wait_indirect_dma semaphore(%arg18 : memref<!tpu.dma_semaphore, #tpu.memory_space<semaphore_mem>>) src(%arg10 : memref<64x128xf32, #tpu.memory_space<vmem>>) dst(%dma_wait3A_168 : memref<10240x128xf32, #tpu.memory_space<vmem_shared>>)
          %add3A_169 = arith.constant 2 : i32
          %add3A_170 = arith.addi %add3A_149, %add3A_169 : i32
          %dma_start3A_171 = arith.constant 0 : i32
          %dma_start3A_172 = tpu.memref_slice %arg8[%add3A_170, %dma_start3A_171] : memref<32x64xi32, #tpu.memory_space<vmem>> -> memref<1x64xi32, #tpu.memory_space<vmem>>
          %dma_start3A_173 = tpu.memref_squeeze %dma_start3A_172 : memref<1x64xi32, #tpu.memory_space<vmem>> -> memref<64xi32, #tpu.memory_space<vmem>>
          %dma_start3A_174 = arith.constant 0 : i32
          %dma_start3A_175 = arith.constant 0 : i32
          %dma_start3A_176 = tpu.memref_slice %arg2[%dma_start3A_174, %dma_start3A_175] : memref<10000x128xf32, #tpu.memory_space<hbm>> -> memref<10000x128xf32, #tpu.memory_space<hbm>>
          tpu.enqueue_indirect_dma source(%dma_start3A_176 : memref<10000x128xf32, #tpu.memory_space<hbm>>) target(%arg10 : memref<64x128xf32, #tpu.memory_space<vmem>>) offsets(%dma_start3A_173 : memref<64xi32, #tpu.memory_space<vmem>>) semaphore(%arg14 : memref<!tpu.dma_semaphore, #tpu.memory_space<semaphore_mem>>)
          %mul3A_177 = arith.constant 4 : i32
          %mul3A_178 = arith.muli %add3A_143, %mul3A_177 : i32
          %add3A_179 = arith.constant 1 : i32
          %add3A_180 = arith.addi %mul3A_178, %add3A_179 : i32
          %add3A_181 = arith.constant 2 : i32
          %add3A_182 = arith.addi %add3A_180, %add3A_181 : i32
          %dma_wait3A_183 = arith.constant 0 : i32
          %dma_wait3A_184 = tpu.memref_slice %arg8[%add3A_182, %dma_wait3A_183] : memref<32x64xi32, #tpu.memory_space<vmem>> -> memref<1x64xi32, #tpu.memory_space<vmem>>
          %dma_wait3A_185 = tpu.memref_squeeze %dma_wait3A_184 : memref<1x64xi32, #tpu.memory_space<vmem>> -> memref<64xi32, #tpu.memory_space<vmem>>
          %dma_wait3A_186 = arith.constant 0 : i32
          %dma_wait3A_187 = arith.constant 0 : i32
          %dma_wait3A_188 = tpu.memref_slice %arg2[%dma_wait3A_186, %dma_wait3A_187] : memref<10000x128xf32, #tpu.memory_space<hbm>> -> memref<10000x128xf32, #tpu.memory_space<hbm>>
          tpu.wait_indirect_dma semaphore(%arg17 : memref<!tpu.dma_semaphore, #tpu.memory_space<semaphore_mem>>) src(%dma_wait3A_188 : memref<10000x128xf32, #tpu.memory_space<hbm>>) dst(%arg13 : memref<64x128xf32, #tpu.memory_space<vmem>>)
          %dma_start3A_189 = arith.constant 0 : i32
          %dma_start3A_190 = tpu.memref_slice %arg9[%add3A_182, %dma_start3A_189] : memref<32x64xi32, #tpu.memory_space<vmem>> -> memref<1x64xi32, #tpu.memory_space<vmem>>
          %dma_start3A_191 = tpu.memref_squeeze %dma_start3A_190 : memref<1x64xi32, #tpu.memory_space<vmem>> -> memref<64xi32, #tpu.memory_space<vmem>>
          %dma_start3A_192 = arith.constant 0 : i32
          %dma_start3A_193 = arith.constant 0 : i32
          %dma_start3A_194 = tpu.memref_slice %arg22[%dma_start3A_192, %dma_start3A_193] : memref<10240x128xf32, #tpu.memory_space<vmem_shared>> -> memref<10240x128xf32, #tpu.memory_space<vmem_shared>>
          tpu.enqueue_indirect_dma source(%arg13 : memref<64x128xf32, #tpu.memory_space<vmem>>) target(%dma_start3A_194 : memref<10240x128xf32, #tpu.memory_space<vmem_shared>>) offsets(%dma_start3A_191 : memref<64xi32, #tpu.memory_space<vmem>>) semaphore(%arg21 : memref<!tpu.dma_semaphore, #tpu.memory_space<semaphore_mem>>) {add = true}
          %sub3A_195 = arith.constant 2 : i32
          %sub3A_196 = arith.subi %add3A_182, %sub3A_195 : i32
          %dma_wait3A_197 = arith.constant 0 : i32
          %dma_wait3A_198 = tpu.memref_slice %arg9[%sub3A_196, %dma_wait3A_197] : memref<32x64xi32, #tpu.memory_space<vmem>> -> memref<1x64xi32, #tpu.memory_space<vmem>>
          %dma_wait3A_199 = tpu.memref_squeeze %dma_wait3A_198 : memref<1x64xi32, #tpu.memory_space<vmem>> -> memref<64xi32, #tpu.memory_space<vmem>>
          %dma_wait3A_200 = arith.constant 0 : i32
          %dma_wait3A_201 = arith.constant 0 : i32
          %dma_wait3A_202 = tpu.memref_slice %arg22[%dma_wait3A_200, %dma_wait3A_201] : memref<10240x128xf32, #tpu.memory_space<vmem_shared>> -> memref<10240x128xf32, #tpu.memory_space<vmem_shared>>
          tpu.wait_indirect_dma semaphore(%arg19 : memref<!tpu.dma_semaphore, #tpu.memory_space<semaphore_mem>>) src(%arg11 : memref<64x128xf32, #tpu.memory_space<vmem>>) dst(%dma_wait3A_202 : memref<10240x128xf32, #tpu.memory_space<vmem_shared>>)
          %add3A_203 = arith.constant 2 : i32
          %add3A_204 = arith.addi %add3A_182, %add3A_203 : i32
          %dma_start3A_205 = arith.constant 0 : i32
          %dma_start3A_206 = tpu.memref_slice %arg8[%add3A_204, %dma_start3A_205] : memref<32x64xi32, #tpu.memory_space<vmem>> -> memref<1x64xi32, #tpu.memory_space<vmem>>
          %dma_start3A_207 = tpu.memref_squeeze %dma_start3A_206 : memref<1x64xi32, #tpu.memory_space<vmem>> -> memref<64xi32, #tpu.memory_space<vmem>>
          %dma_start3A_208 = arith.constant 0 : i32
          %dma_start3A_209 = arith.constant 0 : i32
          %dma_start3A_210 = tpu.memref_slice %arg2[%dma_start3A_208, %dma_start3A_209] : memref<10000x128xf32, #tpu.memory_space<hbm>> -> memref<10000x128xf32, #tpu.memory_space<hbm>>
          tpu.enqueue_indirect_dma source(%dma_start3A_210 : memref<10000x128xf32, #tpu.memory_space<hbm>>) target(%arg11 : memref<64x128xf32, #tpu.memory_space<vmem>>) offsets(%dma_start3A_207 : memref<64xi32, #tpu.memory_space<vmem>>) semaphore(%arg15 : memref<!tpu.dma_semaphore, #tpu.memory_space<semaphore_mem>>)
          %mul3A_211 = arith.constant 4 : i32
          %mul3A_212 = arith.muli %add3A_143, %mul3A_211 : i32
          %add3A_213 = arith.constant 2 : i32
          %add3A_214 = arith.addi %mul3A_212, %add3A_213 : i32
          %add3A_215 = arith.constant 2 : i32
          %add3A_216 = arith.addi %add3A_214, %add3A_215 : i32
          %dma_wait3A_217 = arith.constant 0 : i32
          %dma_wait3A_218 = tpu.memref_slice %arg8[%add3A_216, %dma_wait3A_217] : memref<32x64xi32, #tpu.memory_space<vmem>> -> memref<1x64xi32, #tpu.memory_space<vmem>>
          %dma_wait3A_219 = tpu.memref_squeeze %dma_wait3A_218 : memref<1x64xi32, #tpu.memory_space<vmem>> -> memref<64xi32, #tpu.memory_space<vmem>>
          %dma_wait3A_220 = arith.constant 0 : i32
          %dma_wait3A_221 = arith.constant 0 : i32
          %dma_wait3A_222 = tpu.memref_slice %arg2[%dma_wait3A_220, %dma_wait3A_221] : memref<10000x128xf32, #tpu.memory_space<hbm>> -> memref<10000x128xf32, #tpu.memory_space<hbm>>
          tpu.wait_indirect_dma semaphore(%arg14 : memref<!tpu.dma_semaphore, #tpu.memory_space<semaphore_mem>>) src(%dma_wait3A_222 : memref<10000x128xf32, #tpu.memory_space<hbm>>) dst(%arg10 : memref<64x128xf32, #tpu.memory_space<vmem>>)
          %dma_start3A_223 = arith.constant 0 : i32
          %dma_start3A_224 = tpu.memref_slice %arg9[%add3A_216, %dma_start3A_223] : memref<32x64xi32, #tpu.memory_space<vmem>> -> memref<1x64xi32, #tpu.memory_space<vmem>>
          %dma_start3A_225 = tpu.memref_squeeze %dma_start3A_224 : memref<1x64xi32, #tpu.memory_space<vmem>> -> memref<64xi32, #tpu.memory_space<vmem>>
          %dma_start3A_226 = arith.constant 0 : i32
          %dma_start3A_227 = arith.constant 0 : i32
          %dma_start3A_228 = tpu.memref_slice %arg22[%dma_start3A_226, %dma_start3A_227] : memref<10240x128xf32, #tpu.memory_space<vmem_shared>> -> memref<10240x128xf32, #tpu.memory_space<vmem_shared>>
          tpu.enqueue_indirect_dma source(%arg10 : memref<64x128xf32, #tpu.memory_space<vmem>>) target(%dma_start3A_228 : memref<10240x128xf32, #tpu.memory_space<vmem_shared>>) offsets(%dma_start3A_225 : memref<64xi32, #tpu.memory_space<vmem>>) semaphore(%arg18 : memref<!tpu.dma_semaphore, #tpu.memory_space<semaphore_mem>>) {add = true}
          %sub3A_229 = arith.constant 2 : i32
          %sub3A_230 = arith.subi %add3A_216, %sub3A_229 : i32
          %dma_wait3A_231 = arith.constant 0 : i32
          %dma_wait3A_232 = tpu.memref_slice %arg9[%sub3A_230, %dma_wait3A_231] : memref<32x64xi32, #tpu.memory_space<vmem>> -> memref<1x64xi32, #tpu.memory_space<vmem>>
          %dma_wait3A_233 = tpu.memref_squeeze %dma_wait3A_232 : memref<1x64xi32, #tpu.memory_space<vmem>> -> memref<64xi32, #tpu.memory_space<vmem>>
          %dma_wait3A_234 = arith.constant 0 : i32
          %dma_wait3A_235 = arith.constant 0 : i32
          %dma_wait3A_236 = tpu.memref_slice %arg22[%dma_wait3A_234, %dma_wait3A_235] : memref<10240x128xf32, #tpu.memory_space<vmem_shared>> -> memref<10240x128xf32, #tpu.memory_space<vmem_shared>>
          tpu.wait_indirect_dma semaphore(%arg20 : memref<!tpu.dma_semaphore, #tpu.memory_space<semaphore_mem>>) src(%arg12 : memref<64x128xf32, #tpu.memory_space<vmem>>) dst(%dma_wait3A_236 : memref<10240x128xf32, #tpu.memory_space<vmem_shared>>)
          %add3A_237 = arith.constant 2 : i32
          %add3A_238 = arith.addi %add3A_216, %add3A_237 : i32
          %dma_start3A_239 = arith.constant 0 : i32
          %dma_start3A_240 = tpu.memref_slice %arg8[%add3A_238, %dma_start3A_239] : memref<32x64xi32, #tpu.memory_space<vmem>> -> memref<1x64xi32, #tpu.memory_space<vmem>>
          %dma_start3A_241 = tpu.memref_squeeze %dma_start3A_240 : memref<1x64xi32, #tpu.memory_space<vmem>> -> memref<64xi32, #tpu.memory_space<vmem>>
          %dma_start3A_242 = arith.constant 0 : i32
          %dma_start3A_243 = arith.constant 0 : i32
          %dma_start3A_244 = tpu.memref_slice %arg2[%dma_start3A_242, %dma_start3A_243] : memref<10000x128xf32, #tpu.memory_space<hbm>> -> memref<10000x128xf32, #tpu.memory_space<hbm>>
          tpu.enqueue_indirect_dma source(%dma_start3A_244 : memref<10000x128xf32, #tpu.memory_space<hbm>>) target(%arg12 : memref<64x128xf32, #tpu.memory_space<vmem>>) offsets(%dma_start3A_241 : memref<64xi32, #tpu.memory_space<vmem>>) semaphore(%arg16 : memref<!tpu.dma_semaphore, #tpu.memory_space<semaphore_mem>>)
          %mul3A_245 = arith.constant 4 : i32
          %mul3A_246 = arith.muli %add3A_143, %mul3A_245 : i32
          %add3A_247 = arith.constant 3 : i32
          %add3A_248 = arith.addi %mul3A_246, %add3A_247 : i32
          %add3A_249 = arith.constant 2 : i32
          %add3A_250 = arith.addi %add3A_248, %add3A_249 : i32
          %dma_wait3A_251 = arith.constant 0 : i32
          %dma_wait3A_252 = tpu.memref_slice %arg8[%add3A_250, %dma_wait3A_251] : memref<32x64xi32, #tpu.memory_space<vmem>> -> memref<1x64xi32, #tpu.memory_space<vmem>>
          %dma_wait3A_253 = tpu.memref_squeeze %dma_wait3A_252 : memref<1x64xi32, #tpu.memory_space<vmem>> -> memref<64xi32, #tpu.memory_space<vmem>>
          %dma_wait3A_254 = arith.constant 0 : i32
          %dma_wait3A_255 = arith.constant 0 : i32
          %dma_wait3A_256 = tpu.memref_slice %arg2[%dma_wait3A_254, %dma_wait3A_255] : memref<10000x128xf32, #tpu.memory_space<hbm>> -> memref<10000x128xf32, #tpu.memory_space<hbm>>
          tpu.wait_indirect_dma semaphore(%arg15 : memref<!tpu.dma_semaphore, #tpu.memory_space<semaphore_mem>>) src(%dma_wait3A_256 : memref<10000x128xf32, #tpu.memory_space<hbm>>) dst(%arg11 : memref<64x128xf32, #tpu.memory_space<vmem>>)
          %dma_start3A_257 = arith.constant 0 : i32
          %dma_start3A_258 = tpu.memref_slice %arg9[%add3A_250, %dma_start3A_257] : memref<32x64xi32, #tpu.memory_space<vmem>> -> memref<1x64xi32, #tpu.memory_space<vmem>>
          %dma_start3A_259 = tpu.memref_squeeze %dma_start3A_258 : memref<1x64xi32, #tpu.memory_space<vmem>> -> memref<64xi32, #tpu.memory_space<vmem>>
          %dma_start3A_260 = arith.constant 0 : i32
          %dma_start3A_261 = arith.constant 0 : i32
          %dma_start3A_262 = tpu.memref_slice %arg22[%dma_start3A_260, %dma_start3A_261] : memref<10240x128xf32, #tpu.memory_space<vmem_shared>> -> memref<10240x128xf32, #tpu.memory_space<vmem_shared>>
          tpu.enqueue_indirect_dma source(%arg11 : memref<64x128xf32, #tpu.memory_space<vmem>>) target(%dma_start3A_262 : memref<10240x128xf32, #tpu.memory_space<vmem_shared>>) offsets(%dma_start3A_259 : memref<64xi32, #tpu.memory_space<vmem>>) semaphore(%arg19 : memref<!tpu.dma_semaphore, #tpu.memory_space<semaphore_mem>>) {add = true}
          %sub3A_263 = arith.constant 2 : i32
          %sub3A_264 = arith.subi %add3A_250, %sub3A_263 : i32
          %dma_wait3A_265 = arith.constant 0 : i32
          %dma_wait3A_266 = tpu.memref_slice %arg9[%sub3A_264, %dma_wait3A_265] : memref<32x64xi32, #tpu.memory_space<vmem>> -> memref<1x64xi32, #tpu.memory_space<vmem>>
          %dma_wait3A_267 = tpu.memref_squeeze %dma_wait3A_266 : memref<1x64xi32, #tpu.memory_space<vmem>> -> memref<64xi32, #tpu.memory_space<vmem>>
          %dma_wait3A_268 = arith.constant 0 : i32
          %dma_wait3A_269 = arith.constant 0 : i32
          %dma_wait3A_270 = tpu.memref_slice %arg22[%dma_wait3A_268, %dma_wait3A_269] : memref<10240x128xf32, #tpu.memory_space<vmem_shared>> -> memref<10240x128xf32, #tpu.memory_space<vmem_shared>>
          tpu.wait_indirect_dma semaphore(%arg21 : memref<!tpu.dma_semaphore, #tpu.memory_space<semaphore_mem>>) src(%arg13 : memref<64x128xf32, #tpu.memory_space<vmem>>) dst(%dma_wait3A_270 : memref<10240x128xf32, #tpu.memory_space<vmem_shared>>)
          %add3A_271 = arith.constant 2 : i32
          %add3A_272 = arith.addi %add3A_250, %add3A_271 : i32
          %dma_start3A_273 = arith.constant 0 : i32
          %dma_start3A_274 = tpu.memref_slice %arg8[%add3A_272, %dma_start3A_273] : memref<32x64xi32, #tpu.memory_space<vmem>> -> memref<1x64xi32, #tpu.memory_space<vmem>>
          %dma_start3A_275 = tpu.memref_squeeze %dma_start3A_274 : memref<1x64xi32, #tpu.memory_space<vmem>> -> memref<64xi32, #tpu.memory_space<vmem>>
          %dma_start3A_276 = arith.constant 0 : i32
          %dma_start3A_277 = arith.constant 0 : i32
          %dma_start3A_278 = tpu.memref_slice %arg2[%dma_start3A_276, %dma_start3A_277] : memref<10000x128xf32, #tpu.memory_space<hbm>> -> memref<10000x128xf32, #tpu.memory_space<hbm>>
          tpu.enqueue_indirect_dma source(%dma_start3A_278 : memref<10000x128xf32, #tpu.memory_space<hbm>>) target(%arg13 : memref<64x128xf32, #tpu.memory_space<vmem>>) offsets(%dma_start3A_275 : memref<64xi32, #tpu.memory_space<vmem>>) semaphore(%arg17 : memref<!tpu.dma_semaphore, #tpu.memory_space<semaphore_mem>>)
        }
        %scan3A_82 = arith.constant 7 : i32
        %dma_wait3A_83 = arith.constant 30 : i32
        %dma_wait3A_84 = arith.constant 0 : i32
        %dma_wait3A_85 = tpu.memref_slice %arg8[%dma_wait3A_83, %dma_wait3A_84] : memref<32x64xi32, #tpu.memory_space<vmem>> -> memref<1x64xi32, #tpu.memory_space<vmem>>
        %dma_wait3A_86 = tpu.memref_squeeze %dma_wait3A_85 : memref<1x64xi32, #tpu.memory_space<vmem>> -> memref<64xi32, #tpu.memory_space<vmem>>
        %dma_wait3A_87 = arith.constant 0 : i32
        %dma_wait3A_88 = arith.constant 0 : i32
        %dma_wait3A_89 = tpu.memref_slice %arg2[%dma_wait3A_87, %dma_wait3A_88] : memref<10000x128xf32, #tpu.memory_space<hbm>> -> memref<10000x128xf32, #tpu.memory_space<hbm>>
        tpu.wait_indirect_dma semaphore(%arg16 : memref<!tpu.dma_semaphore, #tpu.memory_space<semaphore_mem>>) src(%dma_wait3A_89 : memref<10000x128xf32, #tpu.memory_space<hbm>>) dst(%arg12 : memref<64x128xf32, #tpu.memory_space<vmem>>)
        %dma_start3A_90 = arith.constant 30 : i32
        %dma_start3A_91 = arith.constant 0 : i32
        %dma_start3A_92 = tpu.memref_slice %arg9[%dma_start3A_90, %dma_start3A_91] : memref<32x64xi32, #tpu.memory_space<vmem>> -> memref<1x64xi32, #tpu.memory_space<vmem>>
        %dma_start3A_93 = tpu.memref_squeeze %dma_start3A_92 : memref<1x64xi32, #tpu.memory_space<vmem>> -> memref<64xi32, #tpu.memory_space<vmem>>
        %dma_start3A_94 = arith.constant 0 : i32
        %dma_start3A_95 = arith.constant 0 : i32
        %dma_start3A_96 = tpu.memref_slice %arg22[%dma_start3A_94, %dma_start3A_95] : memref<10240x128xf32, #tpu.memory_space<vmem_shared>> -> memref<10240x128xf32, #tpu.memory_space<vmem_shared>>
        tpu.enqueue_indirect_dma source(%arg12 : memref<64x128xf32, #tpu.memory_space<vmem>>) target(%dma_start3A_96 : memref<10240x128xf32, #tpu.memory_space<vmem_shared>>) offsets(%dma_start3A_93 : memref<64xi32, #tpu.memory_space<vmem>>) semaphore(%arg20 : memref<!tpu.dma_semaphore, #tpu.memory_space<semaphore_mem>>) {add = true}
        %dma_wait3A_97 = arith.constant 31 : i32
        %dma_wait3A_98 = arith.constant 0 : i32
        %dma_wait3A_99 = tpu.memref_slice %arg8[%dma_wait3A_97, %dma_wait3A_98] : memref<32x64xi32, #tpu.memory_space<vmem>> -> memref<1x64xi32, #tpu.memory_space<vmem>>
        %dma_wait3A_100 = tpu.memref_squeeze %dma_wait3A_99 : memref<1x64xi32, #tpu.memory_space<vmem>> -> memref<64xi32, #tpu.memory_space<vmem>>
        %dma_wait3A_101 = arith.constant 0 : i32
        %dma_wait3A_102 = arith.constant 0 : i32
        %dma_wait3A_103 = tpu.memref_slice %arg2[%dma_wait3A_101, %dma_wait3A_102] : memref<10000x128xf32, #tpu.memory_space<hbm>> -> memref<10000x128xf32, #tpu.memory_space<hbm>>
        tpu.wait_indirect_dma semaphore(%arg17 : memref<!tpu.dma_semaphore, #tpu.memory_space<semaphore_mem>>) src(%dma_wait3A_103 : memref<10000x128xf32, #tpu.memory_space<hbm>>) dst(%arg13 : memref<64x128xf32, #tpu.memory_space<vmem>>)
        %dma_start3A_104 = arith.constant 31 : i32
        %dma_start3A_105 = arith.constant 0 : i32
        %dma_start3A_106 = tpu.memref_slice %arg9[%dma_start3A_104, %dma_start3A_105] : memref<32x64xi32, #tpu.memory_space<vmem>> -> memref<1x64xi32, #tpu.memory_space<vmem>>
        %dma_start3A_107 = tpu.memref_squeeze %dma_start3A_106 : memref<1x64xi32, #tpu.memory_space<vmem>> -> memref<64xi32, #tpu.memory_space<vmem>>
        %dma_start3A_108 = arith.constant 0 : i32
        %dma_start3A_109 = arith.constant 0 : i32
        %dma_start3A_110 = tpu.memref_slice %arg22[%dma_start3A_108, %dma_start3A_109] : memref<10240x128xf32, #tpu.memory_space<vmem_shared>> -> memref<10240x128xf32, #tpu.memory_space<vmem_shared>>
        tpu.enqueue_indirect_dma source(%arg13 : memref<64x128xf32, #tpu.memory_space<vmem>>) target(%dma_start3A_110 : memref<10240x128xf32, #tpu.memory_space<vmem_shared>>) offsets(%dma_start3A_107 : memref<64xi32, #tpu.memory_space<vmem>>) semaphore(%arg21 : memref<!tpu.dma_semaphore, #tpu.memory_space<semaphore_mem>>) {add = true}
        %dma_wait3A_111 = arith.constant 28 : i32
        %dma_wait3A_112 = arith.constant 0 : i32
        %dma_wait3A_113 = tpu.memref_slice %arg9[%dma_wait3A_111, %dma_wait3A_112] : memref<32x64xi32, #tpu.memory_space<vmem>> -> memref<1x64xi32, #tpu.memory_space<vmem>>
        %dma_wait3A_114 = tpu.memref_squeeze %dma_wait3A_113 : memref<1x64xi32, #tpu.memory_space<vmem>> -> memref<64xi32, #tpu.memory_space<vmem>>
        %dma_wait3A_115 = arith.constant 0 : i32
        %dma_wait3A_116 = arith.constant 0 : i32
        %dma_wait3A_117 = tpu.memref_slice %arg22[%dma_wait3A_115, %dma_wait3A_116] : memref<10240x128xf32, #tpu.memory_space<vmem_shared>> -> memref<10240x128xf32, #tpu.memory_space<vmem_shared>>
        tpu.wait_indirect_dma semaphore(%arg18 : memref<!tpu.dma_semaphore, #tpu.memory_space<semaphore_mem>>) src(%arg10 : memref<64x128xf32, #tpu.memory_space<vmem>>) dst(%dma_wait3A_117 : memref<10240x128xf32, #tpu.memory_space<vmem_shared>>)
        %dma_wait3A_118 = arith.constant 29 : i32
        %dma_wait3A_119 = arith.constant 0 : i32
        %dma_wait3A_120 = tpu.memref_slice %arg9[%dma_wait3A_118, %dma_wait3A_119] : memref<32x64xi32, #tpu.memory_space<vmem>> -> memref<1x64xi32, #tpu.memory_space<vmem>>
        %dma_wait3A_121 = tpu.memref_squeeze %dma_wait3A_120 : memref<1x64xi32, #tpu.memory_space<vmem>> -> memref<64xi32, #tpu.memory_space<vmem>>
        %dma_wait3A_122 = arith.constant 0 : i32
        %dma_wait3A_123 = arith.constant 0 : i32
        %dma_wait3A_124 = tpu.memref_slice %arg22[%dma_wait3A_122, %dma_wait3A_123] : memref<10240x128xf32, #tpu.memory_space<vmem_shared>> -> memref<10240x128xf32, #tpu.memory_space<vmem_shared>>
        tpu.wait_indirect_dma semaphore(%arg19 : memref<!tpu.dma_semaphore, #tpu.memory_space<semaphore_mem>>) src(%arg11 : memref<64x128xf32, #tpu.memory_space<vmem>>) dst(%dma_wait3A_124 : memref<10240x128xf32, #tpu.memory_space<vmem_shared>>)
        %dma_wait3A_125 = arith.constant 30 : i32
        %dma_wait3A_126 = arith.constant 0 : i32
        %dma_wait3A_127 = tpu.memref_slice %arg9[%dma_wait3A_125, %dma_wait3A_126] : memref<32x64xi32, #tpu.memory_space<vmem>> -> memref<1x64xi32, #tpu.memory_space<vmem>>
        %dma_wait3A_128 = tpu.memref_squeeze %dma_wait3A_127 : memref<1x64xi32, #tpu.memory_space<vmem>> -> memref<64xi32, #tpu.memory_space<vmem>>
        %dma_wait3A_129 = arith.constant 0 : i32
        %dma_wait3A_130 = arith.constant 0 : i32
        %dma_wait3A_131 = tpu.memref_slice %arg22[%dma_wait3A_129, %dma_wait3A_130] : memref<10240x128xf32, #tpu.memory_space<vmem_shared>> -> memref<10240x128xf32, #tpu.memory_space<vmem_shared>>
        tpu.wait_indirect_dma semaphore(%arg20 : memref<!tpu.dma_semaphore, #tpu.memory_space<semaphore_mem>>) src(%arg12 : memref<64x128xf32, #tpu.memory_space<vmem>>) dst(%dma_wait3A_131 : memref<10240x128xf32, #tpu.memory_space<vmem_shared>>)
        %dma_wait3A_132 = arith.constant 31 : i32
        %dma_wait3A_133 = arith.constant 0 : i32
        %dma_wait3A_134 = tpu.memref_slice %arg9[%dma_wait3A_132, %dma_wait3A_133] : memref<32x64xi32, #tpu.memory_space<vmem>> -> memref<1x64xi32, #tpu.memory_space<vmem>>
        %dma_wait3A_135 = tpu.memref_squeeze %dma_wait3A_134 : memref<1x64xi32, #tpu.memory_space<vmem>> -> memref<64xi32, #tpu.memory_space<vmem>>
        %dma_wait3A_136 = arith.constant 0 : i32
        %dma_wait3A_137 = arith.constant 0 : i32
        %dma_wait3A_138 = tpu.memref_slice %arg22[%dma_wait3A_136, %dma_wait3A_137] : memref<10240x128xf32, #tpu.memory_space<vmem_shared>> -> memref<10240x128xf32, #tpu.memory_space<vmem_shared>>
        tpu.wait_indirect_dma semaphore(%arg21 : memref<!tpu.dma_semaphore, #tpu.memory_space<semaphore_mem>>) src(%arg13 : memref<64x128xf32, #tpu.memory_space<vmem>>) dst(%dma_wait3A_138 : memref<10240x128xf32, #tpu.memory_space<vmem_shared>>)
      }
      %scan3A_13 = arith.constant 5 : i32
      %barrier3A_14 = arith.constant 0 : index
      tpu.barrier barrier_id(%barrier3A_14)
      %mul3A_15 = arith.constant 640 : i32
      %mul3A_16 = arith.muli %arg1, %mul3A_15 : i32
      "tpu.region"() ({
        %run_scoped3A = tpu.sem_alloc : memref<!tpu.dma_semaphore, #tpu.memory_space<semaphore_mem>>
        %dma_start3A = arith.constant 0 : i32
        %dma_start3A_17 = tpu.memref_slice %arg6[%mul3A_16, %dma_start3A] : memref<10240x128xf32, #tpu.memory_space<hbm>> -> memref<640x128xf32, #tpu.memory_space<hbm>>
        %dma_start3A_18 = arith.constant 0 : i32
        %dma_start3A_19 = tpu.memref_slice %arg22[%mul3A_16, %dma_start3A_18] : memref<10240x128xf32, #tpu.memory_space<vmem_shared>> -> memref<640x128xf32, #tpu.memory_space<vmem_shared>>
        tpu.enqueue_dma source(%dma_start3A_19 : memref<640x128xf32, #tpu.memory_space<vmem_shared>>) target(%dma_start3A_17 : memref<640x128xf32, #tpu.memory_space<hbm>>) target_semaphore(%run_scoped3A : memref<!tpu.dma_semaphore, #tpu.memory_space<semaphore_mem>>)
        %dma_wait3A = arith.constant 0 : i32
        %dma_wait3A_20 = tpu.memref_slice %arg6[%mul3A_16, %dma_wait3A] : memref<10240x128xf32, #tpu.memory_space<hbm>> -> memref<640x128xf32, #tpu.memory_space<hbm>>
        %dma_wait3A_21 = arith.constant 0 : i32
        %dma_wait3A_22 = tpu.memref_slice %arg22[%mul3A_16, %dma_wait3A_21] : memref<10240x128xf32, #tpu.memory_space<vmem_shared>> -> memref<640x128xf32, #tpu.memory_space<vmem_shared>>
        tpu.wait_dma2 semaphore(%run_scoped3A : memref<!tpu.dma_semaphore, #tpu.memory_space<semaphore_mem>>) src(%dma_wait3A_22 : memref<640x128xf32, #tpu.memory_space<vmem_shared>>) dst(%dma_wait3A_20 : memref<640x128xf32, #tpu.memory_space<hbm>>)
        tpu.yield
      }) : () -> ()
    } else {
    }
    %eq3A_3 = arith.constant 1 : i32
    %eq3A_4 = arith.cmpi eq, %arg0, %eq3A_3 : i32
    %convert_element_type3A_5 = arith.extui %eq3A_4 : i1 to i32
    %cond3A_6 = arith.constant 0 : i32
    %cond3A_7 = arith.cmpi ne, %convert_element_type3A_5, %cond3A_6 : i32
    scf.if %cond3A_7 {
      %mul3A_8 = arith.constant 320 : i32
      %mul3A_9 = arith.muli %arg1, %mul3A_8 : i32
      %add3A = arith.constant 160 : i32
      %add3A_10 = arith.addi %mul3A_9, %add3A : i32
      %scan3A = arith.constant 0 : i32
      %scan3A_11 = arith.constant 5 : i32
      %scan3A_12 = arith.addi %scan3A, %scan3A_11 : i32
      %scan3A_13 = arith.constant 1 : i32
      scf.for %scan3A_18 = %scan3A to %scan3A_12 step %scan3A_13  : i32 {
        %mul3A_19 = arith.constant 1 : i32
        %mul3A_20 = arith.muli %scan3A_18, %mul3A_19 : i32
        %add3A_21 = arith.constant 0 : i32
        %add3A_22 = arith.addi %add3A_21, %mul3A_20 : i32
        %mul3A_23 = arith.constant 32 : i32
        %mul3A_24 = arith.muli %add3A_22, %mul3A_23 : i32
        %add3A_25 = arith.addi %add3A_10, %mul3A_24 : i32
        "tpu.region"() ({
          %run_scoped3A = tpu.sem_alloc : memref<!tpu.dma_semaphore, #tpu.memory_space<semaphore_mem>>
          %dma_start3A_141 = arith.constant 0 : i32
          %dma_start3A_142 = tpu.memref_slice %arg3[%add3A_25, %dma_start3A_141] : memref<5120x64xi32, #tpu.memory_space<hbm>> -> memref<32x64xi32, #tpu.memory_space<hbm>>
          %dma_start3A_143 = arith.constant 0 : i32
          %dma_start3A_144 = tpu.memref_slice %arg3[%add3A_25, %dma_start3A_143] : memref<5120x64xi32, #tpu.memory_space<hbm>> -> memref<32x64xi32, #tpu.memory_space<hbm>>
          tpu.enqueue_dma source(%dma_start3A_144 : memref<32x64xi32, #tpu.memory_space<hbm>>) target(%arg8 : memref<32x64xi32, #tpu.memory_space<vmem>>) target_semaphore(%run_scoped3A : memref<!tpu.dma_semaphore, #tpu.memory_space<semaphore_mem>>)
          %dma_wait3A_145 = arith.constant 0 : i32
          %dma_wait3A_146 = tpu.memref_slice %arg3[%add3A_25, %dma_wait3A_145] : memref<5120x64xi32, #tpu.memory_space<hbm>> -> memref<32x64xi32, #tpu.memory_space<hbm>>
          %dma_wait3A_147 = arith.constant 0 : i32
          %dma_wait3A_148 = tpu.memref_slice %arg3[%add3A_25, %dma_wait3A_147] : memref<5120x64xi32, #tpu.memory_space<hbm>> -> memref<32x64xi32, #tpu.memory_space<hbm>>
          tpu.wait_dma2 semaphore(%run_scoped3A : memref<!tpu.dma_semaphore, #tpu.memory_space<semaphore_mem>>) src(%dma_wait3A_148 : memref<32x64xi32, #tpu.memory_space<hbm>>) dst(%arg8 : memref<32x64xi32, #tpu.memory_space<vmem>>)
          tpu.yield
        }) : () -> ()
        "tpu.region"() ({
          %run_scoped3A = tpu.sem_alloc : memref<!tpu.dma_semaphore, #tpu.memory_space<semaphore_mem>>
          %dma_start3A_141 = arith.constant 0 : i32
          %dma_start3A_142 = tpu.memref_slice %arg4[%add3A_25, %dma_start3A_141] : memref<5120x64xi32, #tpu.memory_space<hbm>> -> memref<32x64xi32, #tpu.memory_space<hbm>>
          %dma_start3A_143 = arith.constant 0 : i32
          %dma_start3A_144 = tpu.memref_slice %arg4[%add3A_25, %dma_start3A_143] : memref<5120x64xi32, #tpu.memory_space<hbm>> -> memref<32x64xi32, #tpu.memory_space<hbm>>
          tpu.enqueue_dma source(%dma_start3A_144 : memref<32x64xi32, #tpu.memory_space<hbm>>) target(%arg9 : memref<32x64xi32, #tpu.memory_space<vmem>>) target_semaphore(%run_scoped3A : memref<!tpu.dma_semaphore, #tpu.memory_space<semaphore_mem>>)
          %dma_wait3A_145 = arith.constant 0 : i32
          %dma_wait3A_146 = tpu.memref_slice %arg4[%add3A_25, %dma_wait3A_145] : memref<5120x64xi32, #tpu.memory_space<hbm>> -> memref<32x64xi32, #tpu.memory_space<hbm>>
          %dma_wait3A_147 = arith.constant 0 : i32
          %dma_wait3A_148 = tpu.memref_slice %arg4[%add3A_25, %dma_wait3A_147] : memref<5120x64xi32, #tpu.memory_space<hbm>> -> memref<32x64xi32, #tpu.memory_space<hbm>>
          tpu.wait_dma2 semaphore(%run_scoped3A : memref<!tpu.dma_semaphore, #tpu.memory_space<semaphore_mem>>) src(%dma_wait3A_148 : memref<32x64xi32, #tpu.memory_space<hbm>>) dst(%arg9 : memref<32x64xi32, #tpu.memory_space<vmem>>)
          tpu.yield
        }) : () -> ()
        %dma_start3A = arith.constant 0 : i32
        %dma_start3A_26 = arith.constant 0 : i32
        %dma_start3A_27 = tpu.memref_slice %arg8[%dma_start3A, %dma_start3A_26] : memref<32x64xi32, #tpu.memory_space<vmem>> -> memref<1x64xi32, #tpu.memory_space<vmem>>
        %dma_start3A_28 = tpu.memref_squeeze %dma_start3A_27 : memref<1x64xi32, #tpu.memory_space<vmem>> -> memref<64xi32, #tpu.memory_space<vmem>>
        %dma_start3A_29 = arith.constant 0 : i32
        %dma_start3A_30 = arith.constant 0 : i32
        %dma_start3A_31 = tpu.memref_slice %arg2[%dma_start3A_29, %dma_start3A_30] : memref<10000x128xf32, #tpu.memory_space<hbm>> -> memref<10000x128xf32, #tpu.memory_space<hbm>>
        tpu.enqueue_indirect_dma source(%dma_start3A_31 : memref<10000x128xf32, #tpu.memory_space<hbm>>) target(%arg10 : memref<64x128xf32, #tpu.memory_space<vmem>>) offsets(%dma_start3A_28 : memref<64xi32, #tpu.memory_space<vmem>>) semaphore(%arg14 : memref<!tpu.dma_semaphore, #tpu.memory_space<semaphore_mem>>)
        %dma_start3A_32 = arith.constant 1 : i32
        %dma_start3A_33 = arith.constant 0 : i32
        %dma_start3A_34 = tpu.memref_slice %arg8[%dma_start3A_32, %dma_start3A_33] : memref<32x64xi32, #tpu.memory_space<vmem>> -> memref<1x64xi32, #tpu.memory_space<vmem>>
        %dma_start3A_35 = tpu.memref_squeeze %dma_start3A_34 : memref<1x64xi32, #tpu.memory_space<vmem>> -> memref<64xi32, #tpu.memory_space<vmem>>
        %dma_start3A_36 = arith.constant 0 : i32
        %dma_start3A_37 = arith.constant 0 : i32
        %dma_start3A_38 = tpu.memref_slice %arg2[%dma_start3A_36, %dma_start3A_37] : memref<10000x128xf32, #tpu.memory_space<hbm>> -> memref<10000x128xf32, #tpu.memory_space<hbm>>
        tpu.enqueue_indirect_dma source(%dma_start3A_38 : memref<10000x128xf32, #tpu.memory_space<hbm>>) target(%arg11 : memref<64x128xf32, #tpu.memory_space<vmem>>) offsets(%dma_start3A_35 : memref<64xi32, #tpu.memory_space<vmem>>) semaphore(%arg15 : memref<!tpu.dma_semaphore, #tpu.memory_space<semaphore_mem>>)
        %dma_wait3A = arith.constant 0 : i32
        %dma_wait3A_39 = arith.constant 0 : i32
        %dma_wait3A_40 = tpu.memref_slice %arg8[%dma_wait3A, %dma_wait3A_39] : memref<32x64xi32, #tpu.memory_space<vmem>> -> memref<1x64xi32, #tpu.memory_space<vmem>>
        %dma_wait3A_41 = tpu.memref_squeeze %dma_wait3A_40 : memref<1x64xi32, #tpu.memory_space<vmem>> -> memref<64xi32, #tpu.memory_space<vmem>>
        %dma_wait3A_42 = arith.constant 0 : i32
        %dma_wait3A_43 = arith.constant 0 : i32
        %dma_wait3A_44 = tpu.memref_slice %arg2[%dma_wait3A_42, %dma_wait3A_43] : memref<10000x128xf32, #tpu.memory_space<hbm>> -> memref<10000x128xf32, #tpu.memory_space<hbm>>
        tpu.wait_indirect_dma semaphore(%arg14 : memref<!tpu.dma_semaphore, #tpu.memory_space<semaphore_mem>>) src(%dma_wait3A_44 : memref<10000x128xf32, #tpu.memory_space<hbm>>) dst(%arg10 : memref<64x128xf32, #tpu.memory_space<vmem>>)
        %dma_start3A_45 = arith.constant 0 : i32
        %dma_start3A_46 = arith.constant 0 : i32
        %dma_start3A_47 = tpu.memref_slice %arg9[%dma_start3A_45, %dma_start3A_46] : memref<32x64xi32, #tpu.memory_space<vmem>> -> memref<1x64xi32, #tpu.memory_space<vmem>>
        %dma_start3A_48 = tpu.memref_squeeze %dma_start3A_47 : memref<1x64xi32, #tpu.memory_space<vmem>> -> memref<64xi32, #tpu.memory_space<vmem>>
        %dma_start3A_49 = arith.constant 0 : i32
        %dma_start3A_50 = arith.constant 0 : i32
        %dma_start3A_51 = tpu.memref_slice %arg22[%dma_start3A_49, %dma_start3A_50] : memref<10240x128xf32, #tpu.memory_space<vmem_shared>> -> memref<10240x128xf32, #tpu.memory_space<vmem_shared>>
        tpu.enqueue_indirect_dma source(%arg10 : memref<64x128xf32, #tpu.memory_space<vmem>>) target(%dma_start3A_51 : memref<10240x128xf32, #tpu.memory_space<vmem_shared>>) offsets(%dma_start3A_48 : memref<64xi32, #tpu.memory_space<vmem>>) semaphore(%arg18 : memref<!tpu.dma_semaphore, #tpu.memory_space<semaphore_mem>>) {add = true}
        %dma_start3A_52 = arith.constant 2 : i32
        %dma_start3A_53 = arith.constant 0 : i32
        %dma_start3A_54 = tpu.memref_slice %arg8[%dma_start3A_52, %dma_start3A_53] : memref<32x64xi32, #tpu.memory_space<vmem>> -> memref<1x64xi32, #tpu.memory_space<vmem>>
        %dma_start3A_55 = tpu.memref_squeeze %dma_start3A_54 : memref<1x64xi32, #tpu.memory_space<vmem>> -> memref<64xi32, #tpu.memory_space<vmem>>
        %dma_start3A_56 = arith.constant 0 : i32
        %dma_start3A_57 = arith.constant 0 : i32
        %dma_start3A_58 = tpu.memref_slice %arg2[%dma_start3A_56, %dma_start3A_57] : memref<10000x128xf32, #tpu.memory_space<hbm>> -> memref<10000x128xf32, #tpu.memory_space<hbm>>
        tpu.enqueue_indirect_dma source(%dma_start3A_58 : memref<10000x128xf32, #tpu.memory_space<hbm>>) target(%arg12 : memref<64x128xf32, #tpu.memory_space<vmem>>) offsets(%dma_start3A_55 : memref<64xi32, #tpu.memory_space<vmem>>) semaphore(%arg16 : memref<!tpu.dma_semaphore, #tpu.memory_space<semaphore_mem>>)
        %dma_wait3A_59 = arith.constant 1 : i32
        %dma_wait3A_60 = arith.constant 0 : i32
        %dma_wait3A_61 = tpu.memref_slice %arg8[%dma_wait3A_59, %dma_wait3A_60] : memref<32x64xi32, #tpu.memory_space<vmem>> -> memref<1x64xi32, #tpu.memory_space<vmem>>
        %dma_wait3A_62 = tpu.memref_squeeze %dma_wait3A_61 : memref<1x64xi32, #tpu.memory_space<vmem>> -> memref<64xi32, #tpu.memory_space<vmem>>
        %dma_wait3A_63 = arith.constant 0 : i32
        %dma_wait3A_64 = arith.constant 0 : i32
        %dma_wait3A_65 = tpu.memref_slice %arg2[%dma_wait3A_63, %dma_wait3A_64] : memref<10000x128xf32, #tpu.memory_space<hbm>> -> memref<10000x128xf32, #tpu.memory_space<hbm>>
        tpu.wait_indirect_dma semaphore(%arg15 : memref<!tpu.dma_semaphore, #tpu.memory_space<semaphore_mem>>) src(%dma_wait3A_65 : memref<10000x128xf32, #tpu.memory_space<hbm>>) dst(%arg11 : memref<64x128xf32, #tpu.memory_space<vmem>>)
        %dma_start3A_66 = arith.constant 1 : i32
        %dma_start3A_67 = arith.constant 0 : i32
        %dma_start3A_68 = tpu.memref_slice %arg9[%dma_start3A_66, %dma_start3A_67] : memref<32x64xi32, #tpu.memory_space<vmem>> -> memref<1x64xi32, #tpu.memory_space<vmem>>
        %dma_start3A_69 = tpu.memref_squeeze %dma_start3A_68 : memref<1x64xi32, #tpu.memory_space<vmem>> -> memref<64xi32, #tpu.memory_space<vmem>>
        %dma_start3A_70 = arith.constant 0 : i32
        %dma_start3A_71 = arith.constant 0 : i32
        %dma_start3A_72 = tpu.memref_slice %arg22[%dma_start3A_70, %dma_start3A_71] : memref<10240x128xf32, #tpu.memory_space<vmem_shared>> -> memref<10240x128xf32, #tpu.memory_space<vmem_shared>>
        tpu.enqueue_indirect_dma source(%arg11 : memref<64x128xf32, #tpu.memory_space<vmem>>) target(%dma_start3A_72 : memref<10240x128xf32, #tpu.memory_space<vmem_shared>>) offsets(%dma_start3A_69 : memref<64xi32, #tpu.memory_space<vmem>>) semaphore(%arg19 : memref<!tpu.dma_semaphore, #tpu.memory_space<semaphore_mem>>) {add = true}
        %dma_start3A_73 = arith.constant 3 : i32
        %dma_start3A_74 = arith.constant 0 : i32
        %dma_start3A_75 = tpu.memref_slice %arg8[%dma_start3A_73, %dma_start3A_74] : memref<32x64xi32, #tpu.memory_space<vmem>> -> memref<1x64xi32, #tpu.memory_space<vmem>>
        %dma_start3A_76 = tpu.memref_squeeze %dma_start3A_75 : memref<1x64xi32, #tpu.memory_space<vmem>> -> memref<64xi32, #tpu.memory_space<vmem>>
        %dma_start3A_77 = arith.constant 0 : i32
        %dma_start3A_78 = arith.constant 0 : i32
        %dma_start3A_79 = tpu.memref_slice %arg2[%dma_start3A_77, %dma_start3A_78] : memref<10000x128xf32, #tpu.memory_space<hbm>> -> memref<10000x128xf32, #tpu.memory_space<hbm>>
        tpu.enqueue_indirect_dma source(%dma_start3A_79 : memref<10000x128xf32, #tpu.memory_space<hbm>>) target(%arg13 : memref<64x128xf32, #tpu.memory_space<vmem>>) offsets(%dma_start3A_76 : memref<64xi32, #tpu.memory_space<vmem>>) semaphore(%arg17 : memref<!tpu.dma_semaphore, #tpu.memory_space<semaphore_mem>>)
        %scan3A_80 = arith.constant 0 : i32
        %scan3A_81 = arith.constant 7 : i32
        %scan3A_82 = arith.addi %scan3A_80, %scan3A_81 : i32
        %scan3A_83 = arith.constant 1 : i32
        scf.for %scan3A_141 = %scan3A_80 to %scan3A_82 step %scan3A_83  : i32 {
          %mul3A_142 = arith.constant 1 : i32
          %mul3A_143 = arith.muli %scan3A_141, %mul3A_142 : i32
          %add3A_144 = arith.constant 0 : i32
          %add3A_145 = arith.addi %add3A_144, %mul3A_143 : i32
          %mul3A_146 = arith.constant 4 : i32
          %mul3A_147 = arith.muli %add3A_145, %mul3A_146 : i32
          %add3A_148 = arith.constant 0 : i32
          %add3A_149 = arith.addi %mul3A_147, %add3A_148 : i32
          %add3A_150 = arith.constant 2 : i32
          %add3A_151 = arith.addi %add3A_149, %add3A_150 : i32
          %dma_wait3A_152 = arith.constant 0 : i32
          %dma_wait3A_153 = tpu.memref_slice %arg8[%add3A_151, %dma_wait3A_152] : memref<32x64xi32, #tpu.memory_space<vmem>> -> memref<1x64xi32, #tpu.memory_space<vmem>>
          %dma_wait3A_154 = tpu.memref_squeeze %dma_wait3A_153 : memref<1x64xi32, #tpu.memory_space<vmem>> -> memref<64xi32, #tpu.memory_space<vmem>>
          %dma_wait3A_155 = arith.constant 0 : i32
          %dma_wait3A_156 = arith.constant 0 : i32
          %dma_wait3A_157 = tpu.memref_slice %arg2[%dma_wait3A_155, %dma_wait3A_156] : memref<10000x128xf32, #tpu.memory_space<hbm>> -> memref<10000x128xf32, #tpu.memory_space<hbm>>
          tpu.wait_indirect_dma semaphore(%arg16 : memref<!tpu.dma_semaphore, #tpu.memory_space<semaphore_mem>>) src(%dma_wait3A_157 : memref<10000x128xf32, #tpu.memory_space<hbm>>) dst(%arg12 : memref<64x128xf32, #tpu.memory_space<vmem>>)
          %dma_start3A_158 = arith.constant 0 : i32
          %dma_start3A_159 = tpu.memref_slice %arg9[%add3A_151, %dma_start3A_158] : memref<32x64xi32, #tpu.memory_space<vmem>> -> memref<1x64xi32, #tpu.memory_space<vmem>>
          %dma_start3A_160 = tpu.memref_squeeze %dma_start3A_159 : memref<1x64xi32, #tpu.memory_space<vmem>> -> memref<64xi32, #tpu.memory_space<vmem>>
          %dma_start3A_161 = arith.constant 0 : i32
          %dma_start3A_162 = arith.constant 0 : i32
          %dma_start3A_163 = tpu.memref_slice %arg22[%dma_start3A_161, %dma_start3A_162] : memref<10240x128xf32, #tpu.memory_space<vmem_shared>> -> memref<10240x128xf32, #tpu.memory_space<vmem_shared>>
          tpu.enqueue_indirect_dma source(%arg12 : memref<64x128xf32, #tpu.memory_space<vmem>>) target(%dma_start3A_163 : memref<10240x128xf32, #tpu.memory_space<vmem_shared>>) offsets(%dma_start3A_160 : memref<64xi32, #tpu.memory_space<vmem>>) semaphore(%arg20 : memref<!tpu.dma_semaphore, #tpu.memory_space<semaphore_mem>>) {add = true}
          %sub3A = arith.constant 2 : i32
          %sub3A_164 = arith.subi %add3A_151, %sub3A : i32
          %dma_wait3A_165 = arith.constant 0 : i32
          %dma_wait3A_166 = tpu.memref_slice %arg9[%sub3A_164, %dma_wait3A_165] : memref<32x64xi32, #tpu.memory_space<vmem>> -> memref<1x64xi32, #tpu.memory_space<vmem>>
          %dma_wait3A_167 = tpu.memref_squeeze %dma_wait3A_166 : memref<1x64xi32, #tpu.memory_space<vmem>> -> memref<64xi32, #tpu.memory_space<vmem>>
          %dma_wait3A_168 = arith.constant 0 : i32
          %dma_wait3A_169 = arith.constant 0 : i32
          %dma_wait3A_170 = tpu.memref_slice %arg22[%dma_wait3A_168, %dma_wait3A_169] : memref<10240x128xf32, #tpu.memory_space<vmem_shared>> -> memref<10240x128xf32, #tpu.memory_space<vmem_shared>>
          tpu.wait_indirect_dma semaphore(%arg18 : memref<!tpu.dma_semaphore, #tpu.memory_space<semaphore_mem>>) src(%arg10 : memref<64x128xf32, #tpu.memory_space<vmem>>) dst(%dma_wait3A_170 : memref<10240x128xf32, #tpu.memory_space<vmem_shared>>)
          %add3A_171 = arith.constant 2 : i32
          %add3A_172 = arith.addi %add3A_151, %add3A_171 : i32
          %dma_start3A_173 = arith.constant 0 : i32
          %dma_start3A_174 = tpu.memref_slice %arg8[%add3A_172, %dma_start3A_173] : memref<32x64xi32, #tpu.memory_space<vmem>> -> memref<1x64xi32, #tpu.memory_space<vmem>>
          %dma_start3A_175 = tpu.memref_squeeze %dma_start3A_174 : memref<1x64xi32, #tpu.memory_space<vmem>> -> memref<64xi32, #tpu.memory_space<vmem>>
          %dma_start3A_176 = arith.constant 0 : i32
          %dma_start3A_177 = arith.constant 0 : i32
          %dma_start3A_178 = tpu.memref_slice %arg2[%dma_start3A_176, %dma_start3A_177] : memref<10000x128xf32, #tpu.memory_space<hbm>> -> memref<10000x128xf32, #tpu.memory_space<hbm>>
          tpu.enqueue_indirect_dma source(%dma_start3A_178 : memref<10000x128xf32, #tpu.memory_space<hbm>>) target(%arg10 : memref<64x128xf32, #tpu.memory_space<vmem>>) offsets(%dma_start3A_175 : memref<64xi32, #tpu.memory_space<vmem>>) semaphore(%arg14 : memref<!tpu.dma_semaphore, #tpu.memory_space<semaphore_mem>>)
          %mul3A_179 = arith.constant 4 : i32
          %mul3A_180 = arith.muli %add3A_145, %mul3A_179 : i32
          %add3A_181 = arith.constant 1 : i32
          %add3A_182 = arith.addi %mul3A_180, %add3A_181 : i32
          %add3A_183 = arith.constant 2 : i32
          %add3A_184 = arith.addi %add3A_182, %add3A_183 : i32
          %dma_wait3A_185 = arith.constant 0 : i32
          %dma_wait3A_186 = tpu.memref_slice %arg8[%add3A_184, %dma_wait3A_185] : memref<32x64xi32, #tpu.memory_space<vmem>> -> memref<1x64xi32, #tpu.memory_space<vmem>>
          %dma_wait3A_187 = tpu.memref_squeeze %dma_wait3A_186 : memref<1x64xi32, #tpu.memory_space<vmem>> -> memref<64xi32, #tpu.memory_space<vmem>>
          %dma_wait3A_188 = arith.constant 0 : i32
          %dma_wait3A_189 = arith.constant 0 : i32
          %dma_wait3A_190 = tpu.memref_slice %arg2[%dma_wait3A_188, %dma_wait3A_189] : memref<10000x128xf32, #tpu.memory_space<hbm>> -> memref<10000x128xf32, #tpu.memory_space<hbm>>
          tpu.wait_indirect_dma semaphore(%arg17 : memref<!tpu.dma_semaphore, #tpu.memory_space<semaphore_mem>>) src(%dma_wait3A_190 : memref<10000x128xf32, #tpu.memory_space<hbm>>) dst(%arg13 : memref<64x128xf32, #tpu.memory_space<vmem>>)
          %dma_start3A_191 = arith.constant 0 : i32
          %dma_start3A_192 = tpu.memref_slice %arg9[%add3A_184, %dma_start3A_191] : memref<32x64xi32, #tpu.memory_space<vmem>> -> memref<1x64xi32, #tpu.memory_space<vmem>>
          %dma_start3A_193 = tpu.memref_squeeze %dma_start3A_192 : memref<1x64xi32, #tpu.memory_space<vmem>> -> memref<64xi32, #tpu.memory_space<vmem>>
          %dma_start3A_194 = arith.constant 0 : i32
          %dma_start3A_195 = arith.constant 0 : i32
          %dma_start3A_196 = tpu.memref_slice %arg22[%dma_start3A_194, %dma_start3A_195] : memref<10240x128xf32, #tpu.memory_space<vmem_shared>> -> memref<10240x128xf32, #tpu.memory_space<vmem_shared>>
          tpu.enqueue_indirect_dma source(%arg13 : memref<64x128xf32, #tpu.memory_space<vmem>>) target(%dma_start3A_196 : memref<10240x128xf32, #tpu.memory_space<vmem_shared>>) offsets(%dma_start3A_193 : memref<64xi32, #tpu.memory_space<vmem>>) semaphore(%arg21 : memref<!tpu.dma_semaphore, #tpu.memory_space<semaphore_mem>>) {add = true}
          %sub3A_197 = arith.constant 2 : i32
          %sub3A_198 = arith.subi %add3A_184, %sub3A_197 : i32
          %dma_wait3A_199 = arith.constant 0 : i32
          %dma_wait3A_200 = tpu.memref_slice %arg9[%sub3A_198, %dma_wait3A_199] : memref<32x64xi32, #tpu.memory_space<vmem>> -> memref<1x64xi32, #tpu.memory_space<vmem>>
          %dma_wait3A_201 = tpu.memref_squeeze %dma_wait3A_200 : memref<1x64xi32, #tpu.memory_space<vmem>> -> memref<64xi32, #tpu.memory_space<vmem>>
          %dma_wait3A_202 = arith.constant 0 : i32
          %dma_wait3A_203 = arith.constant 0 : i32
          %dma_wait3A_204 = tpu.memref_slice %arg22[%dma_wait3A_202, %dma_wait3A_203] : memref<10240x128xf32, #tpu.memory_space<vmem_shared>> -> memref<10240x128xf32, #tpu.memory_space<vmem_shared>>
          tpu.wait_indirect_dma semaphore(%arg19 : memref<!tpu.dma_semaphore, #tpu.memory_space<semaphore_mem>>) src(%arg11 : memref<64x128xf32, #tpu.memory_space<vmem>>) dst(%dma_wait3A_204 : memref<10240x128xf32, #tpu.memory_space<vmem_shared>>)
          %add3A_205 = arith.constant 2 : i32
          %add3A_206 = arith.addi %add3A_184, %add3A_205 : i32
          %dma_start3A_207 = arith.constant 0 : i32
          %dma_start3A_208 = tpu.memref_slice %arg8[%add3A_206, %dma_start3A_207] : memref<32x64xi32, #tpu.memory_space<vmem>> -> memref<1x64xi32, #tpu.memory_space<vmem>>
          %dma_start3A_209 = tpu.memref_squeeze %dma_start3A_208 : memref<1x64xi32, #tpu.memory_space<vmem>> -> memref<64xi32, #tpu.memory_space<vmem>>
          %dma_start3A_210 = arith.constant 0 : i32
          %dma_start3A_211 = arith.constant 0 : i32
          %dma_start3A_212 = tpu.memref_slice %arg2[%dma_start3A_210, %dma_start3A_211] : memref<10000x128xf32, #tpu.memory_space<hbm>> -> memref<10000x128xf32, #tpu.memory_space<hbm>>
          tpu.enqueue_indirect_dma source(%dma_start3A_212 : memref<10000x128xf32, #tpu.memory_space<hbm>>) target(%arg11 : memref<64x128xf32, #tpu.memory_space<vmem>>) offsets(%dma_start3A_209 : memref<64xi32, #tpu.memory_space<vmem>>) semaphore(%arg15 : memref<!tpu.dma_semaphore, #tpu.memory_space<semaphore_mem>>)
          %mul3A_213 = arith.constant 4 : i32
          %mul3A_214 = arith.muli %add3A_145, %mul3A_213 : i32
          %add3A_215 = arith.constant 2 : i32
          %add3A_216 = arith.addi %mul3A_214, %add3A_215 : i32
          %add3A_217 = arith.constant 2 : i32
          %add3A_218 = arith.addi %add3A_216, %add3A_217 : i32
          %dma_wait3A_219 = arith.constant 0 : i32
          %dma_wait3A_220 = tpu.memref_slice %arg8[%add3A_218, %dma_wait3A_219] : memref<32x64xi32, #tpu.memory_space<vmem>> -> memref<1x64xi32, #tpu.memory_space<vmem>>
          %dma_wait3A_221 = tpu.memref_squeeze %dma_wait3A_220 : memref<1x64xi32, #tpu.memory_space<vmem>> -> memref<64xi32, #tpu.memory_space<vmem>>
          %dma_wait3A_222 = arith.constant 0 : i32
          %dma_wait3A_223 = arith.constant 0 : i32
          %dma_wait3A_224 = tpu.memref_slice %arg2[%dma_wait3A_222, %dma_wait3A_223] : memref<10000x128xf32, #tpu.memory_space<hbm>> -> memref<10000x128xf32, #tpu.memory_space<hbm>>
          tpu.wait_indirect_dma semaphore(%arg14 : memref<!tpu.dma_semaphore, #tpu.memory_space<semaphore_mem>>) src(%dma_wait3A_224 : memref<10000x128xf32, #tpu.memory_space<hbm>>) dst(%arg10 : memref<64x128xf32, #tpu.memory_space<vmem>>)
          %dma_start3A_225 = arith.constant 0 : i32
          %dma_start3A_226 = tpu.memref_slice %arg9[%add3A_218, %dma_start3A_225] : memref<32x64xi32, #tpu.memory_space<vmem>> -> memref<1x64xi32, #tpu.memory_space<vmem>>
          %dma_start3A_227 = tpu.memref_squeeze %dma_start3A_226 : memref<1x64xi32, #tpu.memory_space<vmem>> -> memref<64xi32, #tpu.memory_space<vmem>>
          %dma_start3A_228 = arith.constant 0 : i32
          %dma_start3A_229 = arith.constant 0 : i32
          %dma_start3A_230 = tpu.memref_slice %arg22[%dma_start3A_228, %dma_start3A_229] : memref<10240x128xf32, #tpu.memory_space<vmem_shared>> -> memref<10240x128xf32, #tpu.memory_space<vmem_shared>>
          tpu.enqueue_indirect_dma source(%arg10 : memref<64x128xf32, #tpu.memory_space<vmem>>) target(%dma_start3A_230 : memref<10240x128xf32, #tpu.memory_space<vmem_shared>>) offsets(%dma_start3A_227 : memref<64xi32, #tpu.memory_space<vmem>>) semaphore(%arg18 : memref<!tpu.dma_semaphore, #tpu.memory_space<semaphore_mem>>) {add = true}
          %sub3A_231 = arith.constant 2 : i32
          %sub3A_232 = arith.subi %add3A_218, %sub3A_231 : i32
          %dma_wait3A_233 = arith.constant 0 : i32
          %dma_wait3A_234 = tpu.memref_slice %arg9[%sub3A_232, %dma_wait3A_233] : memref<32x64xi32, #tpu.memory_space<vmem>> -> memref<1x64xi32, #tpu.memory_space<vmem>>
          %dma_wait3A_235 = tpu.memref_squeeze %dma_wait3A_234 : memref<1x64xi32, #tpu.memory_space<vmem>> -> memref<64xi32, #tpu.memory_space<vmem>>
          %dma_wait3A_236 = arith.constant 0 : i32
          %dma_wait3A_237 = arith.constant 0 : i32
          %dma_wait3A_238 = tpu.memref_slice %arg22[%dma_wait3A_236, %dma_wait3A_237] : memref<10240x128xf32, #tpu.memory_space<vmem_shared>> -> memref<10240x128xf32, #tpu.memory_space<vmem_shared>>
          tpu.wait_indirect_dma semaphore(%arg20 : memref<!tpu.dma_semaphore, #tpu.memory_space<semaphore_mem>>) src(%arg12 : memref<64x128xf32, #tpu.memory_space<vmem>>) dst(%dma_wait3A_238 : memref<10240x128xf32, #tpu.memory_space<vmem_shared>>)
          %add3A_239 = arith.constant 2 : i32
          %add3A_240 = arith.addi %add3A_218, %add3A_239 : i32
          %dma_start3A_241 = arith.constant 0 : i32
          %dma_start3A_242 = tpu.memref_slice %arg8[%add3A_240, %dma_start3A_241] : memref<32x64xi32, #tpu.memory_space<vmem>> -> memref<1x64xi32, #tpu.memory_space<vmem>>
          %dma_start3A_243 = tpu.memref_squeeze %dma_start3A_242 : memref<1x64xi32, #tpu.memory_space<vmem>> -> memref<64xi32, #tpu.memory_space<vmem>>
          %dma_start3A_244 = arith.constant 0 : i32
          %dma_start3A_245 = arith.constant 0 : i32
          %dma_start3A_246 = tpu.memref_slice %arg2[%dma_start3A_244, %dma_start3A_245] : memref<10000x128xf32, #tpu.memory_space<hbm>> -> memref<10000x128xf32, #tpu.memory_space<hbm>>
          tpu.enqueue_indirect_dma source(%dma_start3A_246 : memref<10000x128xf32, #tpu.memory_space<hbm>>) target(%arg12 : memref<64x128xf32, #tpu.memory_space<vmem>>) offsets(%dma_start3A_243 : memref<64xi32, #tpu.memory_space<vmem>>) semaphore(%arg16 : memref<!tpu.dma_semaphore, #tpu.memory_space<semaphore_mem>>)
          %mul3A_247 = arith.constant 4 : i32
          %mul3A_248 = arith.muli %add3A_145, %mul3A_247 : i32
          %add3A_249 = arith.constant 3 : i32
          %add3A_250 = arith.addi %mul3A_248, %add3A_249 : i32
          %add3A_251 = arith.constant 2 : i32
          %add3A_252 = arith.addi %add3A_250, %add3A_251 : i32
          %dma_wait3A_253 = arith.constant 0 : i32
          %dma_wait3A_254 = tpu.memref_slice %arg8[%add3A_252, %dma_wait3A_253] : memref<32x64xi32, #tpu.memory_space<vmem>> -> memref<1x64xi32, #tpu.memory_space<vmem>>
          %dma_wait3A_255 = tpu.memref_squeeze %dma_wait3A_254 : memref<1x64xi32, #tpu.memory_space<vmem>> -> memref<64xi32, #tpu.memory_space<vmem>>
          %dma_wait3A_256 = arith.constant 0 : i32
          %dma_wait3A_257 = arith.constant 0 : i32
          %dma_wait3A_258 = tpu.memref_slice %arg2[%dma_wait3A_256, %dma_wait3A_257] : memref<10000x128xf32, #tpu.memory_space<hbm>> -> memref<10000x128xf32, #tpu.memory_space<hbm>>
          tpu.wait_indirect_dma semaphore(%arg15 : memref<!tpu.dma_semaphore, #tpu.memory_space<semaphore_mem>>) src(%dma_wait3A_258 : memref<10000x128xf32, #tpu.memory_space<hbm>>) dst(%arg11 : memref<64x128xf32, #tpu.memory_space<vmem>>)
          %dma_start3A_259 = arith.constant 0 : i32
          %dma_start3A_260 = tpu.memref_slice %arg9[%add3A_252, %dma_start3A_259] : memref<32x64xi32, #tpu.memory_space<vmem>> -> memref<1x64xi32, #tpu.memory_space<vmem>>
          %dma_start3A_261 = tpu.memref_squeeze %dma_start3A_260 : memref<1x64xi32, #tpu.memory_space<vmem>> -> memref<64xi32, #tpu.memory_space<vmem>>
          %dma_start3A_262 = arith.constant 0 : i32
          %dma_start3A_263 = arith.constant 0 : i32
          %dma_start3A_264 = tpu.memref_slice %arg22[%dma_start3A_262, %dma_start3A_263] : memref<10240x128xf32, #tpu.memory_space<vmem_shared>> -> memref<10240x128xf32, #tpu.memory_space<vmem_shared>>
          tpu.enqueue_indirect_dma source(%arg11 : memref<64x128xf32, #tpu.memory_space<vmem>>) target(%dma_start3A_264 : memref<10240x128xf32, #tpu.memory_space<vmem_shared>>) offsets(%dma_start3A_261 : memref<64xi32, #tpu.memory_space<vmem>>) semaphore(%arg19 : memref<!tpu.dma_semaphore, #tpu.memory_space<semaphore_mem>>) {add = true}
          %sub3A_265 = arith.constant 2 : i32
          %sub3A_266 = arith.subi %add3A_252, %sub3A_265 : i32
          %dma_wait3A_267 = arith.constant 0 : i32
          %dma_wait3A_268 = tpu.memref_slice %arg9[%sub3A_266, %dma_wait3A_267] : memref<32x64xi32, #tpu.memory_space<vmem>> -> memref<1x64xi32, #tpu.memory_space<vmem>>
          %dma_wait3A_269 = tpu.memref_squeeze %dma_wait3A_268 : memref<1x64xi32, #tpu.memory_space<vmem>> -> memref<64xi32, #tpu.memory_space<vmem>>
          %dma_wait3A_270 = arith.constant 0 : i32
          %dma_wait3A_271 = arith.constant 0 : i32
          %dma_wait3A_272 = tpu.memref_slice %arg22[%dma_wait3A_270, %dma_wait3A_271] : memref<10240x128xf32, #tpu.memory_space<vmem_shared>> -> memref<10240x128xf32, #tpu.memory_space<vmem_shared>>
          tpu.wait_indirect_dma semaphore(%arg21 : memref<!tpu.dma_semaphore, #tpu.memory_space<semaphore_mem>>) src(%arg13 : memref<64x128xf32, #tpu.memory_space<vmem>>) dst(%dma_wait3A_272 : memref<10240x128xf32, #tpu.memory_space<vmem_shared>>)
          %add3A_273 = arith.constant 2 : i32
          %add3A_274 = arith.addi %add3A_252, %add3A_273 : i32
          %dma_start3A_275 = arith.constant 0 : i32
          %dma_start3A_276 = tpu.memref_slice %arg8[%add3A_274, %dma_start3A_275] : memref<32x64xi32, #tpu.memory_space<vmem>> -> memref<1x64xi32, #tpu.memory_space<vmem>>
          %dma_start3A_277 = tpu.memref_squeeze %dma_start3A_276 : memref<1x64xi32, #tpu.memory_space<vmem>> -> memref<64xi32, #tpu.memory_space<vmem>>
          %dma_start3A_278 = arith.constant 0 : i32
          %dma_start3A_279 = arith.constant 0 : i32
          %dma_start3A_280 = tpu.memref_slice %arg2[%dma_start3A_278, %dma_start3A_279] : memref<10000x128xf32, #tpu.memory_space<hbm>> -> memref<10000x128xf32, #tpu.memory_space<hbm>>
          tpu.enqueue_indirect_dma source(%dma_start3A_280 : memref<10000x128xf32, #tpu.memory_space<hbm>>) target(%arg13 : memref<64x128xf32, #tpu.memory_space<vmem>>) offsets(%dma_start3A_277 : memref<64xi32, #tpu.memory_space<vmem>>) semaphore(%arg17 : memref<!tpu.dma_semaphore, #tpu.memory_space<semaphore_mem>>)
        }
        %scan3A_84 = arith.constant 7 : i32
        %dma_wait3A_85 = arith.constant 30 : i32
        %dma_wait3A_86 = arith.constant 0 : i32
        %dma_wait3A_87 = tpu.memref_slice %arg8[%dma_wait3A_85, %dma_wait3A_86] : memref<32x64xi32, #tpu.memory_space<vmem>> -> memref<1x64xi32, #tpu.memory_space<vmem>>
        %dma_wait3A_88 = tpu.memref_squeeze %dma_wait3A_87 : memref<1x64xi32, #tpu.memory_space<vmem>> -> memref<64xi32, #tpu.memory_space<vmem>>
        %dma_wait3A_89 = arith.constant 0 : i32
        %dma_wait3A_90 = arith.constant 0 : i32
        %dma_wait3A_91 = tpu.memref_slice %arg2[%dma_wait3A_89, %dma_wait3A_90] : memref<10000x128xf32, #tpu.memory_space<hbm>> -> memref<10000x128xf32, #tpu.memory_space<hbm>>
        tpu.wait_indirect_dma semaphore(%arg16 : memref<!tpu.dma_semaphore, #tpu.memory_space<semaphore_mem>>) src(%dma_wait3A_91 : memref<10000x128xf32, #tpu.memory_space<hbm>>) dst(%arg12 : memref<64x128xf32, #tpu.memory_space<vmem>>)
        %dma_start3A_92 = arith.constant 30 : i32
        %dma_start3A_93 = arith.constant 0 : i32
        %dma_start3A_94 = tpu.memref_slice %arg9[%dma_start3A_92, %dma_start3A_93] : memref<32x64xi32, #tpu.memory_space<vmem>> -> memref<1x64xi32, #tpu.memory_space<vmem>>
        %dma_start3A_95 = tpu.memref_squeeze %dma_start3A_94 : memref<1x64xi32, #tpu.memory_space<vmem>> -> memref<64xi32, #tpu.memory_space<vmem>>
        %dma_start3A_96 = arith.constant 0 : i32
        %dma_start3A_97 = arith.constant 0 : i32
        %dma_start3A_98 = tpu.memref_slice %arg22[%dma_start3A_96, %dma_start3A_97] : memref<10240x128xf32, #tpu.memory_space<vmem_shared>> -> memref<10240x128xf32, #tpu.memory_space<vmem_shared>>
        tpu.enqueue_indirect_dma source(%arg12 : memref<64x128xf32, #tpu.memory_space<vmem>>) target(%dma_start3A_98 : memref<10240x128xf32, #tpu.memory_space<vmem_shared>>) offsets(%dma_start3A_95 : memref<64xi32, #tpu.memory_space<vmem>>) semaphore(%arg20 : memref<!tpu.dma_semaphore, #tpu.memory_space<semaphore_mem>>) {add = true}
        %dma_wait3A_99 = arith.constant 31 : i32
        %dma_wait3A_100 = arith.constant 0 : i32
        %dma_wait3A_101 = tpu.memref_slice %arg8[%dma_wait3A_99, %dma_wait3A_100] : memref<32x64xi32, #tpu.memory_space<vmem>> -> memref<1x64xi32, #tpu.memory_space<vmem>>
        %dma_wait3A_102 = tpu.memref_squeeze %dma_wait3A_101 : memref<1x64xi32, #tpu.memory_space<vmem>> -> memref<64xi32, #tpu.memory_space<vmem>>
        %dma_wait3A_103 = arith.constant 0 : i32
        %dma_wait3A_104 = arith.constant 0 : i32
        %dma_wait3A_105 = tpu.memref_slice %arg2[%dma_wait3A_103, %dma_wait3A_104] : memref<10000x128xf32, #tpu.memory_space<hbm>> -> memref<10000x128xf32, #tpu.memory_space<hbm>>
        tpu.wait_indirect_dma semaphore(%arg17 : memref<!tpu.dma_semaphore, #tpu.memory_space<semaphore_mem>>) src(%dma_wait3A_105 : memref<10000x128xf32, #tpu.memory_space<hbm>>) dst(%arg13 : memref<64x128xf32, #tpu.memory_space<vmem>>)
        %dma_start3A_106 = arith.constant 31 : i32
        %dma_start3A_107 = arith.constant 0 : i32
        %dma_start3A_108 = tpu.memref_slice %arg9[%dma_start3A_106, %dma_start3A_107] : memref<32x64xi32, #tpu.memory_space<vmem>> -> memref<1x64xi32, #tpu.memory_space<vmem>>
        %dma_start3A_109 = tpu.memref_squeeze %dma_start3A_108 : memref<1x64xi32, #tpu.memory_space<vmem>> -> memref<64xi32, #tpu.memory_space<vmem>>
        %dma_start3A_110 = arith.constant 0 : i32
        %dma_start3A_111 = arith.constant 0 : i32
        %dma_start3A_112 = tpu.memref_slice %arg22[%dma_start3A_110, %dma_start3A_111] : memref<10240x128xf32, #tpu.memory_space<vmem_shared>> -> memref<10240x128xf32, #tpu.memory_space<vmem_shared>>
        tpu.enqueue_indirect_dma source(%arg13 : memref<64x128xf32, #tpu.memory_space<vmem>>) target(%dma_start3A_112 : memref<10240x128xf32, #tpu.memory_space<vmem_shared>>) offsets(%dma_start3A_109 : memref<64xi32, #tpu.memory_space<vmem>>) semaphore(%arg21 : memref<!tpu.dma_semaphore, #tpu.memory_space<semaphore_mem>>) {add = true}
        %dma_wait3A_113 = arith.constant 28 : i32
        %dma_wait3A_114 = arith.constant 0 : i32
        %dma_wait3A_115 = tpu.memref_slice %arg9[%dma_wait3A_113, %dma_wait3A_114] : memref<32x64xi32, #tpu.memory_space<vmem>> -> memref<1x64xi32, #tpu.memory_space<vmem>>
        %dma_wait3A_116 = tpu.memref_squeeze %dma_wait3A_115 : memref<1x64xi32, #tpu.memory_space<vmem>> -> memref<64xi32, #tpu.memory_space<vmem>>
        %dma_wait3A_117 = arith.constant 0 : i32
        %dma_wait3A_118 = arith.constant 0 : i32
        %dma_wait3A_119 = tpu.memref_slice %arg22[%dma_wait3A_117, %dma_wait3A_118] : memref<10240x128xf32, #tpu.memory_space<vmem_shared>> -> memref<10240x128xf32, #tpu.memory_space<vmem_shared>>
        tpu.wait_indirect_dma semaphore(%arg18 : memref<!tpu.dma_semaphore, #tpu.memory_space<semaphore_mem>>) src(%arg10 : memref<64x128xf32, #tpu.memory_space<vmem>>) dst(%dma_wait3A_119 : memref<10240x128xf32, #tpu.memory_space<vmem_shared>>)
        %dma_wait3A_120 = arith.constant 29 : i32
        %dma_wait3A_121 = arith.constant 0 : i32
        %dma_wait3A_122 = tpu.memref_slice %arg9[%dma_wait3A_120, %dma_wait3A_121] : memref<32x64xi32, #tpu.memory_space<vmem>> -> memref<1x64xi32, #tpu.memory_space<vmem>>
        %dma_wait3A_123 = tpu.memref_squeeze %dma_wait3A_122 : memref<1x64xi32, #tpu.memory_space<vmem>> -> memref<64xi32, #tpu.memory_space<vmem>>
        %dma_wait3A_124 = arith.constant 0 : i32
        %dma_wait3A_125 = arith.constant 0 : i32
        %dma_wait3A_126 = tpu.memref_slice %arg22[%dma_wait3A_124, %dma_wait3A_125] : memref<10240x128xf32, #tpu.memory_space<vmem_shared>> -> memref<10240x128xf32, #tpu.memory_space<vmem_shared>>
        tpu.wait_indirect_dma semaphore(%arg19 : memref<!tpu.dma_semaphore, #tpu.memory_space<semaphore_mem>>) src(%arg11 : memref<64x128xf32, #tpu.memory_space<vmem>>) dst(%dma_wait3A_126 : memref<10240x128xf32, #tpu.memory_space<vmem_shared>>)
        %dma_wait3A_127 = arith.constant 30 : i32
        %dma_wait3A_128 = arith.constant 0 : i32
        %dma_wait3A_129 = tpu.memref_slice %arg9[%dma_wait3A_127, %dma_wait3A_128] : memref<32x64xi32, #tpu.memory_space<vmem>> -> memref<1x64xi32, #tpu.memory_space<vmem>>
        %dma_wait3A_130 = tpu.memref_squeeze %dma_wait3A_129 : memref<1x64xi32, #tpu.memory_space<vmem>> -> memref<64xi32, #tpu.memory_space<vmem>>
        %dma_wait3A_131 = arith.constant 0 : i32
        %dma_wait3A_132 = arith.constant 0 : i32
        %dma_wait3A_133 = tpu.memref_slice %arg22[%dma_wait3A_131, %dma_wait3A_132] : memref<10240x128xf32, #tpu.memory_space<vmem_shared>> -> memref<10240x128xf32, #tpu.memory_space<vmem_shared>>
        tpu.wait_indirect_dma semaphore(%arg20 : memref<!tpu.dma_semaphore, #tpu.memory_space<semaphore_mem>>) src(%arg12 : memref<64x128xf32, #tpu.memory_space<vmem>>) dst(%dma_wait3A_133 : memref<10240x128xf32, #tpu.memory_space<vmem_shared>>)
        %dma_wait3A_134 = arith.constant 31 : i32
        %dma_wait3A_135 = arith.constant 0 : i32
        %dma_wait3A_136 = tpu.memref_slice %arg9[%dma_wait3A_134, %dma_wait3A_135] : memref<32x64xi32, #tpu.memory_space<vmem>> -> memref<1x64xi32, #tpu.memory_space<vmem>>
        %dma_wait3A_137 = tpu.memref_squeeze %dma_wait3A_136 : memref<1x64xi32, #tpu.memory_space<vmem>> -> memref<64xi32, #tpu.memory_space<vmem>>
        %dma_wait3A_138 = arith.constant 0 : i32
        %dma_wait3A_139 = arith.constant 0 : i32
        %dma_wait3A_140 = tpu.memref_slice %arg22[%dma_wait3A_138, %dma_wait3A_139] : memref<10240x128xf32, #tpu.memory_space<vmem_shared>> -> memref<10240x128xf32, #tpu.memory_space<vmem_shared>>
        tpu.wait_indirect_dma semaphore(%arg21 : memref<!tpu.dma_semaphore, #tpu.memory_space<semaphore_mem>>) src(%arg13 : memref<64x128xf32, #tpu.memory_space<vmem>>) dst(%dma_wait3A_140 : memref<10240x128xf32, #tpu.memory_space<vmem_shared>>)
      }
      %scan3A_14 = arith.constant 5 : i32
      %barrier3A_15 = arith.constant 0 : index
      tpu.barrier barrier_id(%barrier3A_15)
      %mul3A_16 = arith.constant 640 : i32
      %mul3A_17 = arith.muli %arg1, %mul3A_16 : i32
      "tpu.region"() ({
        %run_scoped3A = tpu.sem_alloc : memref<!tpu.dma_semaphore, #tpu.memory_space<semaphore_mem>>
        %dma_start3A = arith.constant 0 : i32
        %dma_start3A_18 = tpu.memref_slice %arg7[%mul3A_17, %dma_start3A] : memref<10240x128xf32, #tpu.memory_space<hbm>> -> memref<640x128xf32, #tpu.memory_space<hbm>>
        %dma_start3A_19 = arith.constant 0 : i32
        %dma_start3A_20 = tpu.memref_slice %arg22[%mul3A_17, %dma_start3A_19] : memref<10240x128xf32, #tpu.memory_space<vmem_shared>> -> memref<640x128xf32, #tpu.memory_space<vmem_shared>>
        tpu.enqueue_dma source(%dma_start3A_20 : memref<640x128xf32, #tpu.memory_space<vmem_shared>>) target(%dma_start3A_18 : memref<640x128xf32, #tpu.memory_space<hbm>>) target_semaphore(%run_scoped3A : memref<!tpu.dma_semaphore, #tpu.memory_space<semaphore_mem>>)
        %dma_wait3A = arith.constant 0 : i32
        %dma_wait3A_21 = tpu.memref_slice %arg7[%mul3A_17, %dma_wait3A] : memref<10240x128xf32, #tpu.memory_space<hbm>> -> memref<640x128xf32, #tpu.memory_space<hbm>>
        %dma_wait3A_22 = arith.constant 0 : i32
        %dma_wait3A_23 = tpu.memref_slice %arg22[%mul3A_17, %dma_wait3A_22] : memref<10240x128xf32, #tpu.memory_space<vmem_shared>> -> memref<640x128xf32, #tpu.memory_space<vmem_shared>>
        tpu.wait_dma2 semaphore(%run_scoped3A : memref<!tpu.dma_semaphore, #tpu.memory_space<semaphore_mem>>) src(%dma_wait3A_23 : memref<640x128xf32, #tpu.memory_space<vmem_shared>>) dst(%dma_wait3A_21 : memref<640x128xf32, #tpu.memory_space<hbm>>)
        tpu.yield
      }) : () -> ()
    } else {
    }
    return
  }
}

#map = affine_map<(d0, d1) -> (0, 0)>
module attributes {stable_mosaic.version = 14 : i64} {
  func.func @sc_seg(%arg0: i32, %arg1: i32, %arg2: memref<10000x128xf32, #tpu.memory_space<hbm>>, %arg3: memref<10000x128xf32, #tpu.memory_space<hbm>>, %arg4: memref<5120x64xi32, #tpu.memory_space<hbm>>, %arg5: memref<5120x64xi32, #tpu.memory_space<hbm>>, %arg6: memref<640x128xf32, #tpu.memory_space<hbm>>, %arg7: memref<10240x128xf32, #tpu.memory_space<hbm>>, %arg8: memref<10240x128xf32, #tpu.memory_space<hbm>>, %arg9: memref<32x64xi32, #tpu.memory_space<vmem>>, %arg10: memref<32x64xi32, #tpu.memory_space<vmem>>, %arg11: memref<64x128xf32, #tpu.memory_space<vmem>>, %arg12: memref<64x128xf32, #tpu.memory_space<vmem>>, %arg13: memref<64x128xf32, #tpu.memory_space<vmem>>, %arg14: memref<64x128xf32, #tpu.memory_space<vmem>>, %arg15: memref<!tpu.dma_semaphore, #tpu.memory_space<semaphore_mem>>, %arg16: memref<!tpu.dma_semaphore, #tpu.memory_space<semaphore_mem>>, %arg17: memref<!tpu.dma_semaphore, #tpu.memory_space<semaphore_mem>>, %arg18: memref<!tpu.dma_semaphore, #tpu.memory_space<semaphore_mem>>, %arg19: memref<!tpu.dma_semaphore, #tpu.memory_space<semaphore_mem>>, %arg20: memref<!tpu.dma_semaphore, #tpu.memory_space<semaphore_mem>>, %arg21: memref<!tpu.dma_semaphore, #tpu.memory_space<semaphore_mem>>, %arg22: memref<!tpu.dma_semaphore, #tpu.memory_space<semaphore_mem>>, %arg23: memref<10240x128xf32, #tpu.memory_space<vmem_shared>>) attributes {dimension_semantics = [#tpu.dimension_semantics<core_parallel>, #tpu.dimension_semantics<subcore_parallel>], iteration_bounds = array<i64: 2, 16>, scalar_prefetch = 0 : i64, scratch_operands = 15 : i64, tpu.core_type = #tpu.core_type<sc_vector_subcore>, window_params = [{transform_indices = #map}, {transform_indices = #map}, {transform_indices = #map}, {transform_indices = #map}, {transform_indices = #map}, {transform_indices = #map}, {transform_indices = #map}]} {
    %mul3A = arith.constant 640 : i32
    %mul3A_0 = arith.muli %arg1, %mul3A : i32
    "tpu.region"() ({
      %run_scoped3A = tpu.sem_alloc : memref<!tpu.dma_semaphore, #tpu.memory_space<semaphore_mem>>
      %dma_start3A = arith.constant 0 : i32
      %dma_start3A_8 = tpu.memref_slice %arg23[%mul3A_0, %dma_start3A] : memref<10240x128xf32, #tpu.memory_space<vmem_shared>> -> memref<640x128xf32, #tpu.memory_space<vmem_shared>>
      tpu.enqueue_dma source(%arg6 : memref<640x128xf32, #tpu.memory_space<hbm>>) target(%dma_start3A_8 : memref<640x128xf32, #tpu.memory_space<vmem_shared>>) target_semaphore(%run_scoped3A : memref<!tpu.dma_semaphore, #tpu.memory_space<semaphore_mem>>)
      %dma_wait3A = arith.constant 0 : i32
      %dma_wait3A_9 = tpu.memref_slice %arg23[%mul3A_0, %dma_wait3A] : memref<10240x128xf32, #tpu.memory_space<vmem_shared>> -> memref<640x128xf32, #tpu.memory_space<vmem_shared>>
      tpu.wait_dma2 semaphore(%run_scoped3A : memref<!tpu.dma_semaphore, #tpu.memory_space<semaphore_mem>>) src(%arg6 : memref<640x128xf32, #tpu.memory_space<hbm>>) dst(%dma_wait3A_9 : memref<640x128xf32, #tpu.memory_space<vmem_shared>>)
      tpu.yield
    }) : () -> ()
    %barrier3A = arith.constant 0 : index
    tpu.barrier barrier_id(%barrier3A)
    %eq3A = arith.constant 0 : i32
    %eq3A_1 = arith.cmpi eq, %arg0, %eq3A : i32
    %convert_element_type3A = arith.extui %eq3A_1 : i1 to i32
    %cond3A = arith.constant 0 : i32
    %cond3A_2 = arith.cmpi ne, %convert_element_type3A, %cond3A : i32
    scf.if %cond3A_2 {
      %mul3A_8 = arith.constant 320 : i32
      %mul3A_9 = arith.muli %arg1, %mul3A_8 : i32
      %scan3A = arith.constant 0 : i32
      %scan3A_10 = arith.constant 10 : i32
      %scan3A_11 = arith.addi %scan3A, %scan3A_10 : i32
      %scan3A_12 = arith.constant 1 : i32
      scf.for %scan3A_17 = %scan3A to %scan3A_11 step %scan3A_12  : i32 {
        %mul3A_18 = arith.constant 1 : i32
        %mul3A_19 = arith.muli %scan3A_17, %mul3A_18 : i32
        %add3A = arith.constant 0 : i32
        %add3A_20 = arith.addi %add3A, %mul3A_19 : i32
        %mul3A_21 = arith.constant 32 : i32
        %mul3A_22 = arith.muli %add3A_20, %mul3A_21 : i32
        %add3A_23 = arith.addi %mul3A_9, %mul3A_22 : i32
        "tpu.region"() ({
          %run_scoped3A = tpu.sem_alloc : memref<!tpu.dma_semaphore, #tpu.memory_space<semaphore_mem>>
          %dma_start3A_139 = arith.constant 0 : i32
          %dma_start3A_140 = tpu.memref_slice %arg4[%add3A_23, %dma_start3A_139] : memref<5120x64xi32, #tpu.memory_space<hbm>> -> memref<32x64xi32, #tpu.memory_space<hbm>>
          %dma_start3A_141 = arith.constant 0 : i32
          %dma_start3A_142 = tpu.memref_slice %arg4[%add3A_23, %dma_start3A_141] : memref<5120x64xi32, #tpu.memory_space<hbm>> -> memref<32x64xi32, #tpu.memory_space<hbm>>
          tpu.enqueue_dma source(%dma_start3A_142 : memref<32x64xi32, #tpu.memory_space<hbm>>) target(%arg9 : memref<32x64xi32, #tpu.memory_space<vmem>>) target_semaphore(%run_scoped3A : memref<!tpu.dma_semaphore, #tpu.memory_space<semaphore_mem>>)
          %dma_wait3A_143 = arith.constant 0 : i32
          %dma_wait3A_144 = tpu.memref_slice %arg4[%add3A_23, %dma_wait3A_143] : memref<5120x64xi32, #tpu.memory_space<hbm>> -> memref<32x64xi32, #tpu.memory_space<hbm>>
          %dma_wait3A_145 = arith.constant 0 : i32
          %dma_wait3A_146 = tpu.memref_slice %arg4[%add3A_23, %dma_wait3A_145] : memref<5120x64xi32, #tpu.memory_space<hbm>> -> memref<32x64xi32, #tpu.memory_space<hbm>>
          tpu.wait_dma2 semaphore(%run_scoped3A : memref<!tpu.dma_semaphore, #tpu.memory_space<semaphore_mem>>) src(%dma_wait3A_146 : memref<32x64xi32, #tpu.memory_space<hbm>>) dst(%arg9 : memref<32x64xi32, #tpu.memory_space<vmem>>)
          tpu.yield
        }) : () -> ()
        "tpu.region"() ({
          %run_scoped3A = tpu.sem_alloc : memref<!tpu.dma_semaphore, #tpu.memory_space<semaphore_mem>>
          %dma_start3A_139 = arith.constant 0 : i32
          %dma_start3A_140 = tpu.memref_slice %arg5[%add3A_23, %dma_start3A_139] : memref<5120x64xi32, #tpu.memory_space<hbm>> -> memref<32x64xi32, #tpu.memory_space<hbm>>
          %dma_start3A_141 = arith.constant 0 : i32
          %dma_start3A_142 = tpu.memref_slice %arg5[%add3A_23, %dma_start3A_141] : memref<5120x64xi32, #tpu.memory_space<hbm>> -> memref<32x64xi32, #tpu.memory_space<hbm>>
          tpu.enqueue_dma source(%dma_start3A_142 : memref<32x64xi32, #tpu.memory_space<hbm>>) target(%arg10 : memref<32x64xi32, #tpu.memory_space<vmem>>) target_semaphore(%run_scoped3A : memref<!tpu.dma_semaphore, #tpu.memory_space<semaphore_mem>>)
          %dma_wait3A_143 = arith.constant 0 : i32
          %dma_wait3A_144 = tpu.memref_slice %arg5[%add3A_23, %dma_wait3A_143] : memref<5120x64xi32, #tpu.memory_space<hbm>> -> memref<32x64xi32, #tpu.memory_space<hbm>>
          %dma_wait3A_145 = arith.constant 0 : i32
          %dma_wait3A_146 = tpu.memref_slice %arg5[%add3A_23, %dma_wait3A_145] : memref<5120x64xi32, #tpu.memory_space<hbm>> -> memref<32x64xi32, #tpu.memory_space<hbm>>
          tpu.wait_dma2 semaphore(%run_scoped3A : memref<!tpu.dma_semaphore, #tpu.memory_space<semaphore_mem>>) src(%dma_wait3A_146 : memref<32x64xi32, #tpu.memory_space<hbm>>) dst(%arg10 : memref<32x64xi32, #tpu.memory_space<vmem>>)
          tpu.yield
        }) : () -> ()
        %dma_start3A = arith.constant 0 : i32
        %dma_start3A_24 = arith.constant 0 : i32
        %dma_start3A_25 = tpu.memref_slice %arg9[%dma_start3A, %dma_start3A_24] : memref<32x64xi32, #tpu.memory_space<vmem>> -> memref<1x64xi32, #tpu.memory_space<vmem>>
        %dma_start3A_26 = tpu.memref_squeeze %dma_start3A_25 : memref<1x64xi32, #tpu.memory_space<vmem>> -> memref<64xi32, #tpu.memory_space<vmem>>
        %dma_start3A_27 = arith.constant 0 : i32
        %dma_start3A_28 = arith.constant 0 : i32
        %dma_start3A_29 = tpu.memref_slice %arg2[%dma_start3A_27, %dma_start3A_28] : memref<10000x128xf32, #tpu.memory_space<hbm>> -> memref<10000x128xf32, #tpu.memory_space<hbm>>
        tpu.enqueue_indirect_dma source(%dma_start3A_29 : memref<10000x128xf32, #tpu.memory_space<hbm>>) target(%arg11 : memref<64x128xf32, #tpu.memory_space<vmem>>) offsets(%dma_start3A_26 : memref<64xi32, #tpu.memory_space<vmem>>) semaphore(%arg15 : memref<!tpu.dma_semaphore, #tpu.memory_space<semaphore_mem>>)
        %dma_start3A_30 = arith.constant 1 : i32
        %dma_start3A_31 = arith.constant 0 : i32
        %dma_start3A_32 = tpu.memref_slice %arg9[%dma_start3A_30, %dma_start3A_31] : memref<32x64xi32, #tpu.memory_space<vmem>> -> memref<1x64xi32, #tpu.memory_space<vmem>>
        %dma_start3A_33 = tpu.memref_squeeze %dma_start3A_32 : memref<1x64xi32, #tpu.memory_space<vmem>> -> memref<64xi32, #tpu.memory_space<vmem>>
        %dma_start3A_34 = arith.constant 0 : i32
        %dma_start3A_35 = arith.constant 0 : i32
        %dma_start3A_36 = tpu.memref_slice %arg2[%dma_start3A_34, %dma_start3A_35] : memref<10000x128xf32, #tpu.memory_space<hbm>> -> memref<10000x128xf32, #tpu.memory_space<hbm>>
        tpu.enqueue_indirect_dma source(%dma_start3A_36 : memref<10000x128xf32, #tpu.memory_space<hbm>>) target(%arg12 : memref<64x128xf32, #tpu.memory_space<vmem>>) offsets(%dma_start3A_33 : memref<64xi32, #tpu.memory_space<vmem>>) semaphore(%arg16 : memref<!tpu.dma_semaphore, #tpu.memory_space<semaphore_mem>>)
        %dma_wait3A = arith.constant 0 : i32
        %dma_wait3A_37 = arith.constant 0 : i32
        %dma_wait3A_38 = tpu.memref_slice %arg9[%dma_wait3A, %dma_wait3A_37] : memref<32x64xi32, #tpu.memory_space<vmem>> -> memref<1x64xi32, #tpu.memory_space<vmem>>
        %dma_wait3A_39 = tpu.memref_squeeze %dma_wait3A_38 : memref<1x64xi32, #tpu.memory_space<vmem>> -> memref<64xi32, #tpu.memory_space<vmem>>
        %dma_wait3A_40 = arith.constant 0 : i32
        %dma_wait3A_41 = arith.constant 0 : i32
        %dma_wait3A_42 = tpu.memref_slice %arg2[%dma_wait3A_40, %dma_wait3A_41] : memref<10000x128xf32, #tpu.memory_space<hbm>> -> memref<10000x128xf32, #tpu.memory_space<hbm>>
        tpu.wait_indirect_dma semaphore(%arg15 : memref<!tpu.dma_semaphore, #tpu.memory_space<semaphore_mem>>) src(%dma_wait3A_42 : memref<10000x128xf32, #tpu.memory_space<hbm>>) dst(%arg11 : memref<64x128xf32, #tpu.memory_space<vmem>>)
        %dma_start3A_43 = arith.constant 0 : i32
        %dma_start3A_44 = arith.constant 0 : i32
        %dma_start3A_45 = tpu.memref_slice %arg10[%dma_start3A_43, %dma_start3A_44] : memref<32x64xi32, #tpu.memory_space<vmem>> -> memref<1x64xi32, #tpu.memory_space<vmem>>
        %dma_start3A_46 = tpu.memref_squeeze %dma_start3A_45 : memref<1x64xi32, #tpu.memory_space<vmem>> -> memref<64xi32, #tpu.memory_space<vmem>>
        %dma_start3A_47 = arith.constant 0 : i32
        %dma_start3A_48 = arith.constant 0 : i32
        %dma_start3A_49 = tpu.memref_slice %arg23[%dma_start3A_47, %dma_start3A_48] : memref<10240x128xf32, #tpu.memory_space<vmem_shared>> -> memref<10240x128xf32, #tpu.memory_space<vmem_shared>>
        tpu.enqueue_indirect_dma source(%arg11 : memref<64x128xf32, #tpu.memory_space<vmem>>) target(%dma_start3A_49 : memref<10240x128xf32, #tpu.memory_space<vmem_shared>>) offsets(%dma_start3A_46 : memref<64xi32, #tpu.memory_space<vmem>>) semaphore(%arg19 : memref<!tpu.dma_semaphore, #tpu.memory_space<semaphore_mem>>) {add = true}
        %dma_start3A_50 = arith.constant 2 : i32
        %dma_start3A_51 = arith.constant 0 : i32
        %dma_start3A_52 = tpu.memref_slice %arg9[%dma_start3A_50, %dma_start3A_51] : memref<32x64xi32, #tpu.memory_space<vmem>> -> memref<1x64xi32, #tpu.memory_space<vmem>>
        %dma_start3A_53 = tpu.memref_squeeze %dma_start3A_52 : memref<1x64xi32, #tpu.memory_space<vmem>> -> memref<64xi32, #tpu.memory_space<vmem>>
        %dma_start3A_54 = arith.constant 0 : i32
        %dma_start3A_55 = arith.constant 0 : i32
        %dma_start3A_56 = tpu.memref_slice %arg2[%dma_start3A_54, %dma_start3A_55] : memref<10000x128xf32, #tpu.memory_space<hbm>> -> memref<10000x128xf32, #tpu.memory_space<hbm>>
        tpu.enqueue_indirect_dma source(%dma_start3A_56 : memref<10000x128xf32, #tpu.memory_space<hbm>>) target(%arg13 : memref<64x128xf32, #tpu.memory_space<vmem>>) offsets(%dma_start3A_53 : memref<64xi32, #tpu.memory_space<vmem>>) semaphore(%arg17 : memref<!tpu.dma_semaphore, #tpu.memory_space<semaphore_mem>>)
        %dma_wait3A_57 = arith.constant 1 : i32
        %dma_wait3A_58 = arith.constant 0 : i32
        %dma_wait3A_59 = tpu.memref_slice %arg9[%dma_wait3A_57, %dma_wait3A_58] : memref<32x64xi32, #tpu.memory_space<vmem>> -> memref<1x64xi32, #tpu.memory_space<vmem>>
        %dma_wait3A_60 = tpu.memref_squeeze %dma_wait3A_59 : memref<1x64xi32, #tpu.memory_space<vmem>> -> memref<64xi32, #tpu.memory_space<vmem>>
        %dma_wait3A_61 = arith.constant 0 : i32
        %dma_wait3A_62 = arith.constant 0 : i32
        %dma_wait3A_63 = tpu.memref_slice %arg2[%dma_wait3A_61, %dma_wait3A_62] : memref<10000x128xf32, #tpu.memory_space<hbm>> -> memref<10000x128xf32, #tpu.memory_space<hbm>>
        tpu.wait_indirect_dma semaphore(%arg16 : memref<!tpu.dma_semaphore, #tpu.memory_space<semaphore_mem>>) src(%dma_wait3A_63 : memref<10000x128xf32, #tpu.memory_space<hbm>>) dst(%arg12 : memref<64x128xf32, #tpu.memory_space<vmem>>)
        %dma_start3A_64 = arith.constant 1 : i32
        %dma_start3A_65 = arith.constant 0 : i32
        %dma_start3A_66 = tpu.memref_slice %arg10[%dma_start3A_64, %dma_start3A_65] : memref<32x64xi32, #tpu.memory_space<vmem>> -> memref<1x64xi32, #tpu.memory_space<vmem>>
        %dma_start3A_67 = tpu.memref_squeeze %dma_start3A_66 : memref<1x64xi32, #tpu.memory_space<vmem>> -> memref<64xi32, #tpu.memory_space<vmem>>
        %dma_start3A_68 = arith.constant 0 : i32
        %dma_start3A_69 = arith.constant 0 : i32
        %dma_start3A_70 = tpu.memref_slice %arg23[%dma_start3A_68, %dma_start3A_69] : memref<10240x128xf32, #tpu.memory_space<vmem_shared>> -> memref<10240x128xf32, #tpu.memory_space<vmem_shared>>
        tpu.enqueue_indirect_dma source(%arg12 : memref<64x128xf32, #tpu.memory_space<vmem>>) target(%dma_start3A_70 : memref<10240x128xf32, #tpu.memory_space<vmem_shared>>) offsets(%dma_start3A_67 : memref<64xi32, #tpu.memory_space<vmem>>) semaphore(%arg20 : memref<!tpu.dma_semaphore, #tpu.memory_space<semaphore_mem>>) {add = true}
        %dma_start3A_71 = arith.constant 3 : i32
        %dma_start3A_72 = arith.constant 0 : i32
        %dma_start3A_73 = tpu.memref_slice %arg9[%dma_start3A_71, %dma_start3A_72] : memref<32x64xi32, #tpu.memory_space<vmem>> -> memref<1x64xi32, #tpu.memory_space<vmem>>
        %dma_start3A_74 = tpu.memref_squeeze %dma_start3A_73 : memref<1x64xi32, #tpu.memory_space<vmem>> -> memref<64xi32, #tpu.memory_space<vmem>>
        %dma_start3A_75 = arith.constant 0 : i32
        %dma_start3A_76 = arith.constant 0 : i32
        %dma_start3A_77 = tpu.memref_slice %arg2[%dma_start3A_75, %dma_start3A_76] : memref<10000x128xf32, #tpu.memory_space<hbm>> -> memref<10000x128xf32, #tpu.memory_space<hbm>>
        tpu.enqueue_indirect_dma source(%dma_start3A_77 : memref<10000x128xf32, #tpu.memory_space<hbm>>) target(%arg14 : memref<64x128xf32, #tpu.memory_space<vmem>>) offsets(%dma_start3A_74 : memref<64xi32, #tpu.memory_space<vmem>>) semaphore(%arg18 : memref<!tpu.dma_semaphore, #tpu.memory_space<semaphore_mem>>)
        %scan3A_78 = arith.constant 0 : i32
        %scan3A_79 = arith.constant 7 : i32
        %scan3A_80 = arith.addi %scan3A_78, %scan3A_79 : i32
        %scan3A_81 = arith.constant 1 : i32
        scf.for %scan3A_139 = %scan3A_78 to %scan3A_80 step %scan3A_81  : i32 {
          %mul3A_140 = arith.constant 1 : i32
          %mul3A_141 = arith.muli %scan3A_139, %mul3A_140 : i32
          %add3A_142 = arith.constant 0 : i32
          %add3A_143 = arith.addi %add3A_142, %mul3A_141 : i32
          %mul3A_144 = arith.constant 4 : i32
          %mul3A_145 = arith.muli %add3A_143, %mul3A_144 : i32
          %add3A_146 = arith.constant 0 : i32
          %add3A_147 = arith.addi %mul3A_145, %add3A_146 : i32
          %add3A_148 = arith.constant 2 : i32
          %add3A_149 = arith.addi %add3A_147, %add3A_148 : i32
          %dma_wait3A_150 = arith.constant 0 : i32
          %dma_wait3A_151 = tpu.memref_slice %arg9[%add3A_149, %dma_wait3A_150] : memref<32x64xi32, #tpu.memory_space<vmem>> -> memref<1x64xi32, #tpu.memory_space<vmem>>
          %dma_wait3A_152 = tpu.memref_squeeze %dma_wait3A_151 : memref<1x64xi32, #tpu.memory_space<vmem>> -> memref<64xi32, #tpu.memory_space<vmem>>
          %dma_wait3A_153 = arith.constant 0 : i32
          %dma_wait3A_154 = arith.constant 0 : i32
          %dma_wait3A_155 = tpu.memref_slice %arg2[%dma_wait3A_153, %dma_wait3A_154] : memref<10000x128xf32, #tpu.memory_space<hbm>> -> memref<10000x128xf32, #tpu.memory_space<hbm>>
          tpu.wait_indirect_dma semaphore(%arg17 : memref<!tpu.dma_semaphore, #tpu.memory_space<semaphore_mem>>) src(%dma_wait3A_155 : memref<10000x128xf32, #tpu.memory_space<hbm>>) dst(%arg13 : memref<64x128xf32, #tpu.memory_space<vmem>>)
          %dma_start3A_156 = arith.constant 0 : i32
          %dma_start3A_157 = tpu.memref_slice %arg10[%add3A_149, %dma_start3A_156] : memref<32x64xi32, #tpu.memory_space<vmem>> -> memref<1x64xi32, #tpu.memory_space<vmem>>
          %dma_start3A_158 = tpu.memref_squeeze %dma_start3A_157 : memref<1x64xi32, #tpu.memory_space<vmem>> -> memref<64xi32, #tpu.memory_space<vmem>>
          %dma_start3A_159 = arith.constant 0 : i32
          %dma_start3A_160 = arith.constant 0 : i32
          %dma_start3A_161 = tpu.memref_slice %arg23[%dma_start3A_159, %dma_start3A_160] : memref<10240x128xf32, #tpu.memory_space<vmem_shared>> -> memref<10240x128xf32, #tpu.memory_space<vmem_shared>>
          tpu.enqueue_indirect_dma source(%arg13 : memref<64x128xf32, #tpu.memory_space<vmem>>) target(%dma_start3A_161 : memref<10240x128xf32, #tpu.memory_space<vmem_shared>>) offsets(%dma_start3A_158 : memref<64xi32, #tpu.memory_space<vmem>>) semaphore(%arg21 : memref<!tpu.dma_semaphore, #tpu.memory_space<semaphore_mem>>) {add = true}
          %sub3A = arith.constant 2 : i32
          %sub3A_162 = arith.subi %add3A_149, %sub3A : i32
          %dma_wait3A_163 = arith.constant 0 : i32
          %dma_wait3A_164 = tpu.memref_slice %arg10[%sub3A_162, %dma_wait3A_163] : memref<32x64xi32, #tpu.memory_space<vmem>> -> memref<1x64xi32, #tpu.memory_space<vmem>>
          %dma_wait3A_165 = tpu.memref_squeeze %dma_wait3A_164 : memref<1x64xi32, #tpu.memory_space<vmem>> -> memref<64xi32, #tpu.memory_space<vmem>>
          %dma_wait3A_166 = arith.constant 0 : i32
          %dma_wait3A_167 = arith.constant 0 : i32
          %dma_wait3A_168 = tpu.memref_slice %arg23[%dma_wait3A_166, %dma_wait3A_167] : memref<10240x128xf32, #tpu.memory_space<vmem_shared>> -> memref<10240x128xf32, #tpu.memory_space<vmem_shared>>
          tpu.wait_indirect_dma semaphore(%arg19 : memref<!tpu.dma_semaphore, #tpu.memory_space<semaphore_mem>>) src(%arg11 : memref<64x128xf32, #tpu.memory_space<vmem>>) dst(%dma_wait3A_168 : memref<10240x128xf32, #tpu.memory_space<vmem_shared>>)
          %add3A_169 = arith.constant 2 : i32
          %add3A_170 = arith.addi %add3A_149, %add3A_169 : i32
          %dma_start3A_171 = arith.constant 0 : i32
          %dma_start3A_172 = tpu.memref_slice %arg9[%add3A_170, %dma_start3A_171] : memref<32x64xi32, #tpu.memory_space<vmem>> -> memref<1x64xi32, #tpu.memory_space<vmem>>
          %dma_start3A_173 = tpu.memref_squeeze %dma_start3A_172 : memref<1x64xi32, #tpu.memory_space<vmem>> -> memref<64xi32, #tpu.memory_space<vmem>>
          %dma_start3A_174 = arith.constant 0 : i32
          %dma_start3A_175 = arith.constant 0 : i32
          %dma_start3A_176 = tpu.memref_slice %arg2[%dma_start3A_174, %dma_start3A_175] : memref<10000x128xf32, #tpu.memory_space<hbm>> -> memref<10000x128xf32, #tpu.memory_space<hbm>>
          tpu.enqueue_indirect_dma source(%dma_start3A_176 : memref<10000x128xf32, #tpu.memory_space<hbm>>) target(%arg11 : memref<64x128xf32, #tpu.memory_space<vmem>>) offsets(%dma_start3A_173 : memref<64xi32, #tpu.memory_space<vmem>>) semaphore(%arg15 : memref<!tpu.dma_semaphore, #tpu.memory_space<semaphore_mem>>)
          %mul3A_177 = arith.constant 4 : i32
          %mul3A_178 = arith.muli %add3A_143, %mul3A_177 : i32
          %add3A_179 = arith.constant 1 : i32
          %add3A_180 = arith.addi %mul3A_178, %add3A_179 : i32
          %add3A_181 = arith.constant 2 : i32
          %add3A_182 = arith.addi %add3A_180, %add3A_181 : i32
          %dma_wait3A_183 = arith.constant 0 : i32
          %dma_wait3A_184 = tpu.memref_slice %arg9[%add3A_182, %dma_wait3A_183] : memref<32x64xi32, #tpu.memory_space<vmem>> -> memref<1x64xi32, #tpu.memory_space<vmem>>
          %dma_wait3A_185 = tpu.memref_squeeze %dma_wait3A_184 : memref<1x64xi32, #tpu.memory_space<vmem>> -> memref<64xi32, #tpu.memory_space<vmem>>
          %dma_wait3A_186 = arith.constant 0 : i32
          %dma_wait3A_187 = arith.constant 0 : i32
          %dma_wait3A_188 = tpu.memref_slice %arg2[%dma_wait3A_186, %dma_wait3A_187] : memref<10000x128xf32, #tpu.memory_space<hbm>> -> memref<10000x128xf32, #tpu.memory_space<hbm>>
          tpu.wait_indirect_dma semaphore(%arg18 : memref<!tpu.dma_semaphore, #tpu.memory_space<semaphore_mem>>) src(%dma_wait3A_188 : memref<10000x128xf32, #tpu.memory_space<hbm>>) dst(%arg14 : memref<64x128xf32, #tpu.memory_space<vmem>>)
          %dma_start3A_189 = arith.constant 0 : i32
          %dma_start3A_190 = tpu.memref_slice %arg10[%add3A_182, %dma_start3A_189] : memref<32x64xi32, #tpu.memory_space<vmem>> -> memref<1x64xi32, #tpu.memory_space<vmem>>
          %dma_start3A_191 = tpu.memref_squeeze %dma_start3A_190 : memref<1x64xi32, #tpu.memory_space<vmem>> -> memref<64xi32, #tpu.memory_space<vmem>>
          %dma_start3A_192 = arith.constant 0 : i32
          %dma_start3A_193 = arith.constant 0 : i32
          %dma_start3A_194 = tpu.memref_slice %arg23[%dma_start3A_192, %dma_start3A_193] : memref<10240x128xf32, #tpu.memory_space<vmem_shared>> -> memref<10240x128xf32, #tpu.memory_space<vmem_shared>>
          tpu.enqueue_indirect_dma source(%arg14 : memref<64x128xf32, #tpu.memory_space<vmem>>) target(%dma_start3A_194 : memref<10240x128xf32, #tpu.memory_space<vmem_shared>>) offsets(%dma_start3A_191 : memref<64xi32, #tpu.memory_space<vmem>>) semaphore(%arg22 : memref<!tpu.dma_semaphore, #tpu.memory_space<semaphore_mem>>) {add = true}
          %sub3A_195 = arith.constant 2 : i32
          %sub3A_196 = arith.subi %add3A_182, %sub3A_195 : i32
          %dma_wait3A_197 = arith.constant 0 : i32
          %dma_wait3A_198 = tpu.memref_slice %arg10[%sub3A_196, %dma_wait3A_197] : memref<32x64xi32, #tpu.memory_space<vmem>> -> memref<1x64xi32, #tpu.memory_space<vmem>>
          %dma_wait3A_199 = tpu.memref_squeeze %dma_wait3A_198 : memref<1x64xi32, #tpu.memory_space<vmem>> -> memref<64xi32, #tpu.memory_space<vmem>>
          %dma_wait3A_200 = arith.constant 0 : i32
          %dma_wait3A_201 = arith.constant 0 : i32
          %dma_wait3A_202 = tpu.memref_slice %arg23[%dma_wait3A_200, %dma_wait3A_201] : memref<10240x128xf32, #tpu.memory_space<vmem_shared>> -> memref<10240x128xf32, #tpu.memory_space<vmem_shared>>
          tpu.wait_indirect_dma semaphore(%arg20 : memref<!tpu.dma_semaphore, #tpu.memory_space<semaphore_mem>>) src(%arg12 : memref<64x128xf32, #tpu.memory_space<vmem>>) dst(%dma_wait3A_202 : memref<10240x128xf32, #tpu.memory_space<vmem_shared>>)
          %add3A_203 = arith.constant 2 : i32
          %add3A_204 = arith.addi %add3A_182, %add3A_203 : i32
          %dma_start3A_205 = arith.constant 0 : i32
          %dma_start3A_206 = tpu.memref_slice %arg9[%add3A_204, %dma_start3A_205] : memref<32x64xi32, #tpu.memory_space<vmem>> -> memref<1x64xi32, #tpu.memory_space<vmem>>
          %dma_start3A_207 = tpu.memref_squeeze %dma_start3A_206 : memref<1x64xi32, #tpu.memory_space<vmem>> -> memref<64xi32, #tpu.memory_space<vmem>>
          %dma_start3A_208 = arith.constant 0 : i32
          %dma_start3A_209 = arith.constant 0 : i32
          %dma_start3A_210 = tpu.memref_slice %arg2[%dma_start3A_208, %dma_start3A_209] : memref<10000x128xf32, #tpu.memory_space<hbm>> -> memref<10000x128xf32, #tpu.memory_space<hbm>>
          tpu.enqueue_indirect_dma source(%dma_start3A_210 : memref<10000x128xf32, #tpu.memory_space<hbm>>) target(%arg12 : memref<64x128xf32, #tpu.memory_space<vmem>>) offsets(%dma_start3A_207 : memref<64xi32, #tpu.memory_space<vmem>>) semaphore(%arg16 : memref<!tpu.dma_semaphore, #tpu.memory_space<semaphore_mem>>)
          %mul3A_211 = arith.constant 4 : i32
          %mul3A_212 = arith.muli %add3A_143, %mul3A_211 : i32
          %add3A_213 = arith.constant 2 : i32
          %add3A_214 = arith.addi %mul3A_212, %add3A_213 : i32
          %add3A_215 = arith.constant 2 : i32
          %add3A_216 = arith.addi %add3A_214, %add3A_215 : i32
          %dma_wait3A_217 = arith.constant 0 : i32
          %dma_wait3A_218 = tpu.memref_slice %arg9[%add3A_216, %dma_wait3A_217] : memref<32x64xi32, #tpu.memory_space<vmem>> -> memref<1x64xi32, #tpu.memory_space<vmem>>
          %dma_wait3A_219 = tpu.memref_squeeze %dma_wait3A_218 : memref<1x64xi32, #tpu.memory_space<vmem>> -> memref<64xi32, #tpu.memory_space<vmem>>
          %dma_wait3A_220 = arith.constant 0 : i32
          %dma_wait3A_221 = arith.constant 0 : i32
          %dma_wait3A_222 = tpu.memref_slice %arg2[%dma_wait3A_220, %dma_wait3A_221] : memref<10000x128xf32, #tpu.memory_space<hbm>> -> memref<10000x128xf32, #tpu.memory_space<hbm>>
          tpu.wait_indirect_dma semaphore(%arg15 : memref<!tpu.dma_semaphore, #tpu.memory_space<semaphore_mem>>) src(%dma_wait3A_222 : memref<10000x128xf32, #tpu.memory_space<hbm>>) dst(%arg11 : memref<64x128xf32, #tpu.memory_space<vmem>>)
          %dma_start3A_223 = arith.constant 0 : i32
          %dma_start3A_224 = tpu.memref_slice %arg10[%add3A_216, %dma_start3A_223] : memref<32x64xi32, #tpu.memory_space<vmem>> -> memref<1x64xi32, #tpu.memory_space<vmem>>
          %dma_start3A_225 = tpu.memref_squeeze %dma_start3A_224 : memref<1x64xi32, #tpu.memory_space<vmem>> -> memref<64xi32, #tpu.memory_space<vmem>>
          %dma_start3A_226 = arith.constant 0 : i32
          %dma_start3A_227 = arith.constant 0 : i32
          %dma_start3A_228 = tpu.memref_slice %arg23[%dma_start3A_226, %dma_start3A_227] : memref<10240x128xf32, #tpu.memory_space<vmem_shared>> -> memref<10240x128xf32, #tpu.memory_space<vmem_shared>>
          tpu.enqueue_indirect_dma source(%arg11 : memref<64x128xf32, #tpu.memory_space<vmem>>) target(%dma_start3A_228 : memref<10240x128xf32, #tpu.memory_space<vmem_shared>>) offsets(%dma_start3A_225 : memref<64xi32, #tpu.memory_space<vmem>>) semaphore(%arg19 : memref<!tpu.dma_semaphore, #tpu.memory_space<semaphore_mem>>) {add = true}
          %sub3A_229 = arith.constant 2 : i32
          %sub3A_230 = arith.subi %add3A_216, %sub3A_229 : i32
          %dma_wait3A_231 = arith.constant 0 : i32
          %dma_wait3A_232 = tpu.memref_slice %arg10[%sub3A_230, %dma_wait3A_231] : memref<32x64xi32, #tpu.memory_space<vmem>> -> memref<1x64xi32, #tpu.memory_space<vmem>>
          %dma_wait3A_233 = tpu.memref_squeeze %dma_wait3A_232 : memref<1x64xi32, #tpu.memory_space<vmem>> -> memref<64xi32, #tpu.memory_space<vmem>>
          %dma_wait3A_234 = arith.constant 0 : i32
          %dma_wait3A_235 = arith.constant 0 : i32
          %dma_wait3A_236 = tpu.memref_slice %arg23[%dma_wait3A_234, %dma_wait3A_235] : memref<10240x128xf32, #tpu.memory_space<vmem_shared>> -> memref<10240x128xf32, #tpu.memory_space<vmem_shared>>
          tpu.wait_indirect_dma semaphore(%arg21 : memref<!tpu.dma_semaphore, #tpu.memory_space<semaphore_mem>>) src(%arg13 : memref<64x128xf32, #tpu.memory_space<vmem>>) dst(%dma_wait3A_236 : memref<10240x128xf32, #tpu.memory_space<vmem_shared>>)
          %add3A_237 = arith.constant 2 : i32
          %add3A_238 = arith.addi %add3A_216, %add3A_237 : i32
          %dma_start3A_239 = arith.constant 0 : i32
          %dma_start3A_240 = tpu.memref_slice %arg9[%add3A_238, %dma_start3A_239] : memref<32x64xi32, #tpu.memory_space<vmem>> -> memref<1x64xi32, #tpu.memory_space<vmem>>
          %dma_start3A_241 = tpu.memref_squeeze %dma_start3A_240 : memref<1x64xi32, #tpu.memory_space<vmem>> -> memref<64xi32, #tpu.memory_space<vmem>>
          %dma_start3A_242 = arith.constant 0 : i32
          %dma_start3A_243 = arith.constant 0 : i32
          %dma_start3A_244 = tpu.memref_slice %arg2[%dma_start3A_242, %dma_start3A_243] : memref<10000x128xf32, #tpu.memory_space<hbm>> -> memref<10000x128xf32, #tpu.memory_space<hbm>>
          tpu.enqueue_indirect_dma source(%dma_start3A_244 : memref<10000x128xf32, #tpu.memory_space<hbm>>) target(%arg13 : memref<64x128xf32, #tpu.memory_space<vmem>>) offsets(%dma_start3A_241 : memref<64xi32, #tpu.memory_space<vmem>>) semaphore(%arg17 : memref<!tpu.dma_semaphore, #tpu.memory_space<semaphore_mem>>)
          %mul3A_245 = arith.constant 4 : i32
          %mul3A_246 = arith.muli %add3A_143, %mul3A_245 : i32
          %add3A_247 = arith.constant 3 : i32
          %add3A_248 = arith.addi %mul3A_246, %add3A_247 : i32
          %add3A_249 = arith.constant 2 : i32
          %add3A_250 = arith.addi %add3A_248, %add3A_249 : i32
          %dma_wait3A_251 = arith.constant 0 : i32
          %dma_wait3A_252 = tpu.memref_slice %arg9[%add3A_250, %dma_wait3A_251] : memref<32x64xi32, #tpu.memory_space<vmem>> -> memref<1x64xi32, #tpu.memory_space<vmem>>
          %dma_wait3A_253 = tpu.memref_squeeze %dma_wait3A_252 : memref<1x64xi32, #tpu.memory_space<vmem>> -> memref<64xi32, #tpu.memory_space<vmem>>
          %dma_wait3A_254 = arith.constant 0 : i32
          %dma_wait3A_255 = arith.constant 0 : i32
          %dma_wait3A_256 = tpu.memref_slice %arg2[%dma_wait3A_254, %dma_wait3A_255] : memref<10000x128xf32, #tpu.memory_space<hbm>> -> memref<10000x128xf32, #tpu.memory_space<hbm>>
          tpu.wait_indirect_dma semaphore(%arg16 : memref<!tpu.dma_semaphore, #tpu.memory_space<semaphore_mem>>) src(%dma_wait3A_256 : memref<10000x128xf32, #tpu.memory_space<hbm>>) dst(%arg12 : memref<64x128xf32, #tpu.memory_space<vmem>>)
          %dma_start3A_257 = arith.constant 0 : i32
          %dma_start3A_258 = tpu.memref_slice %arg10[%add3A_250, %dma_start3A_257] : memref<32x64xi32, #tpu.memory_space<vmem>> -> memref<1x64xi32, #tpu.memory_space<vmem>>
          %dma_start3A_259 = tpu.memref_squeeze %dma_start3A_258 : memref<1x64xi32, #tpu.memory_space<vmem>> -> memref<64xi32, #tpu.memory_space<vmem>>
          %dma_start3A_260 = arith.constant 0 : i32
          %dma_start3A_261 = arith.constant 0 : i32
          %dma_start3A_262 = tpu.memref_slice %arg23[%dma_start3A_260, %dma_start3A_261] : memref<10240x128xf32, #tpu.memory_space<vmem_shared>> -> memref<10240x128xf32, #tpu.memory_space<vmem_shared>>
          tpu.enqueue_indirect_dma source(%arg12 : memref<64x128xf32, #tpu.memory_space<vmem>>) target(%dma_start3A_262 : memref<10240x128xf32, #tpu.memory_space<vmem_shared>>) offsets(%dma_start3A_259 : memref<64xi32, #tpu.memory_space<vmem>>) semaphore(%arg20 : memref<!tpu.dma_semaphore, #tpu.memory_space<semaphore_mem>>) {add = true}
          %sub3A_263 = arith.constant 2 : i32
          %sub3A_264 = arith.subi %add3A_250, %sub3A_263 : i32
          %dma_wait3A_265 = arith.constant 0 : i32
          %dma_wait3A_266 = tpu.memref_slice %arg10[%sub3A_264, %dma_wait3A_265] : memref<32x64xi32, #tpu.memory_space<vmem>> -> memref<1x64xi32, #tpu.memory_space<vmem>>
          %dma_wait3A_267 = tpu.memref_squeeze %dma_wait3A_266 : memref<1x64xi32, #tpu.memory_space<vmem>> -> memref<64xi32, #tpu.memory_space<vmem>>
          %dma_wait3A_268 = arith.constant 0 : i32
          %dma_wait3A_269 = arith.constant 0 : i32
          %dma_wait3A_270 = tpu.memref_slice %arg23[%dma_wait3A_268, %dma_wait3A_269] : memref<10240x128xf32, #tpu.memory_space<vmem_shared>> -> memref<10240x128xf32, #tpu.memory_space<vmem_shared>>
          tpu.wait_indirect_dma semaphore(%arg22 : memref<!tpu.dma_semaphore, #tpu.memory_space<semaphore_mem>>) src(%arg14 : memref<64x128xf32, #tpu.memory_space<vmem>>) dst(%dma_wait3A_270 : memref<10240x128xf32, #tpu.memory_space<vmem_shared>>)
          %add3A_271 = arith.constant 2 : i32
          %add3A_272 = arith.addi %add3A_250, %add3A_271 : i32
          %dma_start3A_273 = arith.constant 0 : i32
          %dma_start3A_274 = tpu.memref_slice %arg9[%add3A_272, %dma_start3A_273] : memref<32x64xi32, #tpu.memory_space<vmem>> -> memref<1x64xi32, #tpu.memory_space<vmem>>
          %dma_start3A_275 = tpu.memref_squeeze %dma_start3A_274 : memref<1x64xi32, #tpu.memory_space<vmem>> -> memref<64xi32, #tpu.memory_space<vmem>>
          %dma_start3A_276 = arith.constant 0 : i32
          %dma_start3A_277 = arith.constant 0 : i32
          %dma_start3A_278 = tpu.memref_slice %arg2[%dma_start3A_276, %dma_start3A_277] : memref<10000x128xf32, #tpu.memory_space<hbm>> -> memref<10000x128xf32, #tpu.memory_space<hbm>>
          tpu.enqueue_indirect_dma source(%dma_start3A_278 : memref<10000x128xf32, #tpu.memory_space<hbm>>) target(%arg14 : memref<64x128xf32, #tpu.memory_space<vmem>>) offsets(%dma_start3A_275 : memref<64xi32, #tpu.memory_space<vmem>>) semaphore(%arg18 : memref<!tpu.dma_semaphore, #tpu.memory_space<semaphore_mem>>)
        }
        %scan3A_82 = arith.constant 7 : i32
        %dma_wait3A_83 = arith.constant 30 : i32
        %dma_wait3A_84 = arith.constant 0 : i32
        %dma_wait3A_85 = tpu.memref_slice %arg9[%dma_wait3A_83, %dma_wait3A_84] : memref<32x64xi32, #tpu.memory_space<vmem>> -> memref<1x64xi32, #tpu.memory_space<vmem>>
        %dma_wait3A_86 = tpu.memref_squeeze %dma_wait3A_85 : memref<1x64xi32, #tpu.memory_space<vmem>> -> memref<64xi32, #tpu.memory_space<vmem>>
        %dma_wait3A_87 = arith.constant 0 : i32
        %dma_wait3A_88 = arith.constant 0 : i32
        %dma_wait3A_89 = tpu.memref_slice %arg2[%dma_wait3A_87, %dma_wait3A_88] : memref<10000x128xf32, #tpu.memory_space<hbm>> -> memref<10000x128xf32, #tpu.memory_space<hbm>>
        tpu.wait_indirect_dma semaphore(%arg17 : memref<!tpu.dma_semaphore, #tpu.memory_space<semaphore_mem>>) src(%dma_wait3A_89 : memref<10000x128xf32, #tpu.memory_space<hbm>>) dst(%arg13 : memref<64x128xf32, #tpu.memory_space<vmem>>)
        %dma_start3A_90 = arith.constant 30 : i32
        %dma_start3A_91 = arith.constant 0 : i32
        %dma_start3A_92 = tpu.memref_slice %arg10[%dma_start3A_90, %dma_start3A_91] : memref<32x64xi32, #tpu.memory_space<vmem>> -> memref<1x64xi32, #tpu.memory_space<vmem>>
        %dma_start3A_93 = tpu.memref_squeeze %dma_start3A_92 : memref<1x64xi32, #tpu.memory_space<vmem>> -> memref<64xi32, #tpu.memory_space<vmem>>
        %dma_start3A_94 = arith.constant 0 : i32
        %dma_start3A_95 = arith.constant 0 : i32
        %dma_start3A_96 = tpu.memref_slice %arg23[%dma_start3A_94, %dma_start3A_95] : memref<10240x128xf32, #tpu.memory_space<vmem_shared>> -> memref<10240x128xf32, #tpu.memory_space<vmem_shared>>
        tpu.enqueue_indirect_dma source(%arg13 : memref<64x128xf32, #tpu.memory_space<vmem>>) target(%dma_start3A_96 : memref<10240x128xf32, #tpu.memory_space<vmem_shared>>) offsets(%dma_start3A_93 : memref<64xi32, #tpu.memory_space<vmem>>) semaphore(%arg21 : memref<!tpu.dma_semaphore, #tpu.memory_space<semaphore_mem>>) {add = true}
        %dma_wait3A_97 = arith.constant 31 : i32
        %dma_wait3A_98 = arith.constant 0 : i32
        %dma_wait3A_99 = tpu.memref_slice %arg9[%dma_wait3A_97, %dma_wait3A_98] : memref<32x64xi32, #tpu.memory_space<vmem>> -> memref<1x64xi32, #tpu.memory_space<vmem>>
        %dma_wait3A_100 = tpu.memref_squeeze %dma_wait3A_99 : memref<1x64xi32, #tpu.memory_space<vmem>> -> memref<64xi32, #tpu.memory_space<vmem>>
        %dma_wait3A_101 = arith.constant 0 : i32
        %dma_wait3A_102 = arith.constant 0 : i32
        %dma_wait3A_103 = tpu.memref_slice %arg2[%dma_wait3A_101, %dma_wait3A_102] : memref<10000x128xf32, #tpu.memory_space<hbm>> -> memref<10000x128xf32, #tpu.memory_space<hbm>>
        tpu.wait_indirect_dma semaphore(%arg18 : memref<!tpu.dma_semaphore, #tpu.memory_space<semaphore_mem>>) src(%dma_wait3A_103 : memref<10000x128xf32, #tpu.memory_space<hbm>>) dst(%arg14 : memref<64x128xf32, #tpu.memory_space<vmem>>)
        %dma_start3A_104 = arith.constant 31 : i32
        %dma_start3A_105 = arith.constant 0 : i32
        %dma_start3A_106 = tpu.memref_slice %arg10[%dma_start3A_104, %dma_start3A_105] : memref<32x64xi32, #tpu.memory_space<vmem>> -> memref<1x64xi32, #tpu.memory_space<vmem>>
        %dma_start3A_107 = tpu.memref_squeeze %dma_start3A_106 : memref<1x64xi32, #tpu.memory_space<vmem>> -> memref<64xi32, #tpu.memory_space<vmem>>
        %dma_start3A_108 = arith.constant 0 : i32
        %dma_start3A_109 = arith.constant 0 : i32
        %dma_start3A_110 = tpu.memref_slice %arg23[%dma_start3A_108, %dma_start3A_109] : memref<10240x128xf32, #tpu.memory_space<vmem_shared>> -> memref<10240x128xf32, #tpu.memory_space<vmem_shared>>
        tpu.enqueue_indirect_dma source(%arg14 : memref<64x128xf32, #tpu.memory_space<vmem>>) target(%dma_start3A_110 : memref<10240x128xf32, #tpu.memory_space<vmem_shared>>) offsets(%dma_start3A_107 : memref<64xi32, #tpu.memory_space<vmem>>) semaphore(%arg22 : memref<!tpu.dma_semaphore, #tpu.memory_space<semaphore_mem>>) {add = true}
        %dma_wait3A_111 = arith.constant 28 : i32
        %dma_wait3A_112 = arith.constant 0 : i32
        %dma_wait3A_113 = tpu.memref_slice %arg10[%dma_wait3A_111, %dma_wait3A_112] : memref<32x64xi32, #tpu.memory_space<vmem>> -> memref<1x64xi32, #tpu.memory_space<vmem>>
        %dma_wait3A_114 = tpu.memref_squeeze %dma_wait3A_113 : memref<1x64xi32, #tpu.memory_space<vmem>> -> memref<64xi32, #tpu.memory_space<vmem>>
        %dma_wait3A_115 = arith.constant 0 : i32
        %dma_wait3A_116 = arith.constant 0 : i32
        %dma_wait3A_117 = tpu.memref_slice %arg23[%dma_wait3A_115, %dma_wait3A_116] : memref<10240x128xf32, #tpu.memory_space<vmem_shared>> -> memref<10240x128xf32, #tpu.memory_space<vmem_shared>>
        tpu.wait_indirect_dma semaphore(%arg19 : memref<!tpu.dma_semaphore, #tpu.memory_space<semaphore_mem>>) src(%arg11 : memref<64x128xf32, #tpu.memory_space<vmem>>) dst(%dma_wait3A_117 : memref<10240x128xf32, #tpu.memory_space<vmem_shared>>)
        %dma_wait3A_118 = arith.constant 29 : i32
        %dma_wait3A_119 = arith.constant 0 : i32
        %dma_wait3A_120 = tpu.memref_slice %arg10[%dma_wait3A_118, %dma_wait3A_119] : memref<32x64xi32, #tpu.memory_space<vmem>> -> memref<1x64xi32, #tpu.memory_space<vmem>>
        %dma_wait3A_121 = tpu.memref_squeeze %dma_wait3A_120 : memref<1x64xi32, #tpu.memory_space<vmem>> -> memref<64xi32, #tpu.memory_space<vmem>>
        %dma_wait3A_122 = arith.constant 0 : i32
        %dma_wait3A_123 = arith.constant 0 : i32
        %dma_wait3A_124 = tpu.memref_slice %arg23[%dma_wait3A_122, %dma_wait3A_123] : memref<10240x128xf32, #tpu.memory_space<vmem_shared>> -> memref<10240x128xf32, #tpu.memory_space<vmem_shared>>
        tpu.wait_indirect_dma semaphore(%arg20 : memref<!tpu.dma_semaphore, #tpu.memory_space<semaphore_mem>>) src(%arg12 : memref<64x128xf32, #tpu.memory_space<vmem>>) dst(%dma_wait3A_124 : memref<10240x128xf32, #tpu.memory_space<vmem_shared>>)
        %dma_wait3A_125 = arith.constant 30 : i32
        %dma_wait3A_126 = arith.constant 0 : i32
        %dma_wait3A_127 = tpu.memref_slice %arg10[%dma_wait3A_125, %dma_wait3A_126] : memref<32x64xi32, #tpu.memory_space<vmem>> -> memref<1x64xi32, #tpu.memory_space<vmem>>
        %dma_wait3A_128 = tpu.memref_squeeze %dma_wait3A_127 : memref<1x64xi32, #tpu.memory_space<vmem>> -> memref<64xi32, #tpu.memory_space<vmem>>
        %dma_wait3A_129 = arith.constant 0 : i32
        %dma_wait3A_130 = arith.constant 0 : i32
        %dma_wait3A_131 = tpu.memref_slice %arg23[%dma_wait3A_129, %dma_wait3A_130] : memref<10240x128xf32, #tpu.memory_space<vmem_shared>> -> memref<10240x128xf32, #tpu.memory_space<vmem_shared>>
        tpu.wait_indirect_dma semaphore(%arg21 : memref<!tpu.dma_semaphore, #tpu.memory_space<semaphore_mem>>) src(%arg13 : memref<64x128xf32, #tpu.memory_space<vmem>>) dst(%dma_wait3A_131 : memref<10240x128xf32, #tpu.memory_space<vmem_shared>>)
        %dma_wait3A_132 = arith.constant 31 : i32
        %dma_wait3A_133 = arith.constant 0 : i32
        %dma_wait3A_134 = tpu.memref_slice %arg10[%dma_wait3A_132, %dma_wait3A_133] : memref<32x64xi32, #tpu.memory_space<vmem>> -> memref<1x64xi32, #tpu.memory_space<vmem>>
        %dma_wait3A_135 = tpu.memref_squeeze %dma_wait3A_134 : memref<1x64xi32, #tpu.memory_space<vmem>> -> memref<64xi32, #tpu.memory_space<vmem>>
        %dma_wait3A_136 = arith.constant 0 : i32
        %dma_wait3A_137 = arith.constant 0 : i32
        %dma_wait3A_138 = tpu.memref_slice %arg23[%dma_wait3A_136, %dma_wait3A_137] : memref<10240x128xf32, #tpu.memory_space<vmem_shared>> -> memref<10240x128xf32, #tpu.memory_space<vmem_shared>>
        tpu.wait_indirect_dma semaphore(%arg22 : memref<!tpu.dma_semaphore, #tpu.memory_space<semaphore_mem>>) src(%arg14 : memref<64x128xf32, #tpu.memory_space<vmem>>) dst(%dma_wait3A_138 : memref<10240x128xf32, #tpu.memory_space<vmem_shared>>)
      }
      %scan3A_13 = arith.constant 10 : i32
      %barrier3A_14 = arith.constant 0 : index
      tpu.barrier barrier_id(%barrier3A_14)
      %mul3A_15 = arith.constant 640 : i32
      %mul3A_16 = arith.muli %arg1, %mul3A_15 : i32
      "tpu.region"() ({
        %run_scoped3A = tpu.sem_alloc : memref<!tpu.dma_semaphore, #tpu.memory_space<semaphore_mem>>
        %dma_start3A = arith.constant 0 : i32
        %dma_start3A_17 = tpu.memref_slice %arg7[%mul3A_16, %dma_start3A] : memref<10240x128xf32, #tpu.memory_space<hbm>> -> memref<640x128xf32, #tpu.memory_space<hbm>>
        %dma_start3A_18 = arith.constant 0 : i32
        %dma_start3A_19 = tpu.memref_slice %arg23[%mul3A_16, %dma_start3A_18] : memref<10240x128xf32, #tpu.memory_space<vmem_shared>> -> memref<640x128xf32, #tpu.memory_space<vmem_shared>>
        tpu.enqueue_dma source(%dma_start3A_19 : memref<640x128xf32, #tpu.memory_space<vmem_shared>>) target(%dma_start3A_17 : memref<640x128xf32, #tpu.memory_space<hbm>>) target_semaphore(%run_scoped3A : memref<!tpu.dma_semaphore, #tpu.memory_space<semaphore_mem>>)
        %dma_wait3A = arith.constant 0 : i32
        %dma_wait3A_20 = tpu.memref_slice %arg7[%mul3A_16, %dma_wait3A] : memref<10240x128xf32, #tpu.memory_space<hbm>> -> memref<640x128xf32, #tpu.memory_space<hbm>>
        %dma_wait3A_21 = arith.constant 0 : i32
        %dma_wait3A_22 = tpu.memref_slice %arg23[%mul3A_16, %dma_wait3A_21] : memref<10240x128xf32, #tpu.memory_space<vmem_shared>> -> memref<640x128xf32, #tpu.memory_space<vmem_shared>>
        tpu.wait_dma2 semaphore(%run_scoped3A : memref<!tpu.dma_semaphore, #tpu.memory_space<semaphore_mem>>) src(%dma_wait3A_22 : memref<640x128xf32, #tpu.memory_space<vmem_shared>>) dst(%dma_wait3A_20 : memref<640x128xf32, #tpu.memory_space<hbm>>)
        tpu.yield
      }) : () -> ()
    } else {
    }
    %eq3A_3 = arith.constant 1 : i32
    %eq3A_4 = arith.cmpi eq, %arg0, %eq3A_3 : i32
    %convert_element_type3A_5 = arith.extui %eq3A_4 : i1 to i32
    %cond3A_6 = arith.constant 0 : i32
    %cond3A_7 = arith.cmpi ne, %convert_element_type3A_5, %cond3A_6 : i32
    scf.if %cond3A_7 {
      %mul3A_8 = arith.constant 320 : i32
      %mul3A_9 = arith.muli %arg1, %mul3A_8 : i32
      %scan3A = arith.constant 0 : i32
      %scan3A_10 = arith.constant 10 : i32
      %scan3A_11 = arith.addi %scan3A, %scan3A_10 : i32
      %scan3A_12 = arith.constant 1 : i32
      scf.for %scan3A_17 = %scan3A to %scan3A_11 step %scan3A_12  : i32 {
        %mul3A_18 = arith.constant 1 : i32
        %mul3A_19 = arith.muli %scan3A_17, %mul3A_18 : i32
        %add3A = arith.constant 0 : i32
        %add3A_20 = arith.addi %add3A, %mul3A_19 : i32
        %mul3A_21 = arith.constant 32 : i32
        %mul3A_22 = arith.muli %add3A_20, %mul3A_21 : i32
        %add3A_23 = arith.addi %mul3A_9, %mul3A_22 : i32
        "tpu.region"() ({
          %run_scoped3A = tpu.sem_alloc : memref<!tpu.dma_semaphore, #tpu.memory_space<semaphore_mem>>
          %dma_start3A_139 = arith.constant 0 : i32
          %dma_start3A_140 = tpu.memref_slice %arg4[%add3A_23, %dma_start3A_139] : memref<5120x64xi32, #tpu.memory_space<hbm>> -> memref<32x64xi32, #tpu.memory_space<hbm>>
          %dma_start3A_141 = arith.constant 0 : i32
          %dma_start3A_142 = tpu.memref_slice %arg4[%add3A_23, %dma_start3A_141] : memref<5120x64xi32, #tpu.memory_space<hbm>> -> memref<32x64xi32, #tpu.memory_space<hbm>>
          tpu.enqueue_dma source(%dma_start3A_142 : memref<32x64xi32, #tpu.memory_space<hbm>>) target(%arg9 : memref<32x64xi32, #tpu.memory_space<vmem>>) target_semaphore(%run_scoped3A : memref<!tpu.dma_semaphore, #tpu.memory_space<semaphore_mem>>)
          %dma_wait3A_143 = arith.constant 0 : i32
          %dma_wait3A_144 = tpu.memref_slice %arg4[%add3A_23, %dma_wait3A_143] : memref<5120x64xi32, #tpu.memory_space<hbm>> -> memref<32x64xi32, #tpu.memory_space<hbm>>
          %dma_wait3A_145 = arith.constant 0 : i32
          %dma_wait3A_146 = tpu.memref_slice %arg4[%add3A_23, %dma_wait3A_145] : memref<5120x64xi32, #tpu.memory_space<hbm>> -> memref<32x64xi32, #tpu.memory_space<hbm>>
          tpu.wait_dma2 semaphore(%run_scoped3A : memref<!tpu.dma_semaphore, #tpu.memory_space<semaphore_mem>>) src(%dma_wait3A_146 : memref<32x64xi32, #tpu.memory_space<hbm>>) dst(%arg9 : memref<32x64xi32, #tpu.memory_space<vmem>>)
          tpu.yield
        }) : () -> ()
        "tpu.region"() ({
          %run_scoped3A = tpu.sem_alloc : memref<!tpu.dma_semaphore, #tpu.memory_space<semaphore_mem>>
          %dma_start3A_139 = arith.constant 0 : i32
          %dma_start3A_140 = tpu.memref_slice %arg5[%add3A_23, %dma_start3A_139] : memref<5120x64xi32, #tpu.memory_space<hbm>> -> memref<32x64xi32, #tpu.memory_space<hbm>>
          %dma_start3A_141 = arith.constant 0 : i32
          %dma_start3A_142 = tpu.memref_slice %arg5[%add3A_23, %dma_start3A_141] : memref<5120x64xi32, #tpu.memory_space<hbm>> -> memref<32x64xi32, #tpu.memory_space<hbm>>
          tpu.enqueue_dma source(%dma_start3A_142 : memref<32x64xi32, #tpu.memory_space<hbm>>) target(%arg10 : memref<32x64xi32, #tpu.memory_space<vmem>>) target_semaphore(%run_scoped3A : memref<!tpu.dma_semaphore, #tpu.memory_space<semaphore_mem>>)
          %dma_wait3A_143 = arith.constant 0 : i32
          %dma_wait3A_144 = tpu.memref_slice %arg5[%add3A_23, %dma_wait3A_143] : memref<5120x64xi32, #tpu.memory_space<hbm>> -> memref<32x64xi32, #tpu.memory_space<hbm>>
          %dma_wait3A_145 = arith.constant 0 : i32
          %dma_wait3A_146 = tpu.memref_slice %arg5[%add3A_23, %dma_wait3A_145] : memref<5120x64xi32, #tpu.memory_space<hbm>> -> memref<32x64xi32, #tpu.memory_space<hbm>>
          tpu.wait_dma2 semaphore(%run_scoped3A : memref<!tpu.dma_semaphore, #tpu.memory_space<semaphore_mem>>) src(%dma_wait3A_146 : memref<32x64xi32, #tpu.memory_space<hbm>>) dst(%arg10 : memref<32x64xi32, #tpu.memory_space<vmem>>)
          tpu.yield
        }) : () -> ()
        %dma_start3A = arith.constant 0 : i32
        %dma_start3A_24 = arith.constant 0 : i32
        %dma_start3A_25 = tpu.memref_slice %arg9[%dma_start3A, %dma_start3A_24] : memref<32x64xi32, #tpu.memory_space<vmem>> -> memref<1x64xi32, #tpu.memory_space<vmem>>
        %dma_start3A_26 = tpu.memref_squeeze %dma_start3A_25 : memref<1x64xi32, #tpu.memory_space<vmem>> -> memref<64xi32, #tpu.memory_space<vmem>>
        %dma_start3A_27 = arith.constant 0 : i32
        %dma_start3A_28 = arith.constant 0 : i32
        %dma_start3A_29 = tpu.memref_slice %arg3[%dma_start3A_27, %dma_start3A_28] : memref<10000x128xf32, #tpu.memory_space<hbm>> -> memref<10000x128xf32, #tpu.memory_space<hbm>>
        tpu.enqueue_indirect_dma source(%dma_start3A_29 : memref<10000x128xf32, #tpu.memory_space<hbm>>) target(%arg11 : memref<64x128xf32, #tpu.memory_space<vmem>>) offsets(%dma_start3A_26 : memref<64xi32, #tpu.memory_space<vmem>>) semaphore(%arg15 : memref<!tpu.dma_semaphore, #tpu.memory_space<semaphore_mem>>)
        %dma_start3A_30 = arith.constant 1 : i32
        %dma_start3A_31 = arith.constant 0 : i32
        %dma_start3A_32 = tpu.memref_slice %arg9[%dma_start3A_30, %dma_start3A_31] : memref<32x64xi32, #tpu.memory_space<vmem>> -> memref<1x64xi32, #tpu.memory_space<vmem>>
        %dma_start3A_33 = tpu.memref_squeeze %dma_start3A_32 : memref<1x64xi32, #tpu.memory_space<vmem>> -> memref<64xi32, #tpu.memory_space<vmem>>
        %dma_start3A_34 = arith.constant 0 : i32
        %dma_start3A_35 = arith.constant 0 : i32
        %dma_start3A_36 = tpu.memref_slice %arg3[%dma_start3A_34, %dma_start3A_35] : memref<10000x128xf32, #tpu.memory_space<hbm>> -> memref<10000x128xf32, #tpu.memory_space<hbm>>
        tpu.enqueue_indirect_dma source(%dma_start3A_36 : memref<10000x128xf32, #tpu.memory_space<hbm>>) target(%arg12 : memref<64x128xf32, #tpu.memory_space<vmem>>) offsets(%dma_start3A_33 : memref<64xi32, #tpu.memory_space<vmem>>) semaphore(%arg16 : memref<!tpu.dma_semaphore, #tpu.memory_space<semaphore_mem>>)
        %dma_wait3A = arith.constant 0 : i32
        %dma_wait3A_37 = arith.constant 0 : i32
        %dma_wait3A_38 = tpu.memref_slice %arg9[%dma_wait3A, %dma_wait3A_37] : memref<32x64xi32, #tpu.memory_space<vmem>> -> memref<1x64xi32, #tpu.memory_space<vmem>>
        %dma_wait3A_39 = tpu.memref_squeeze %dma_wait3A_38 : memref<1x64xi32, #tpu.memory_space<vmem>> -> memref<64xi32, #tpu.memory_space<vmem>>
        %dma_wait3A_40 = arith.constant 0 : i32
        %dma_wait3A_41 = arith.constant 0 : i32
        %dma_wait3A_42 = tpu.memref_slice %arg3[%dma_wait3A_40, %dma_wait3A_41] : memref<10000x128xf32, #tpu.memory_space<hbm>> -> memref<10000x128xf32, #tpu.memory_space<hbm>>
        tpu.wait_indirect_dma semaphore(%arg15 : memref<!tpu.dma_semaphore, #tpu.memory_space<semaphore_mem>>) src(%dma_wait3A_42 : memref<10000x128xf32, #tpu.memory_space<hbm>>) dst(%arg11 : memref<64x128xf32, #tpu.memory_space<vmem>>)
        %dma_start3A_43 = arith.constant 0 : i32
        %dma_start3A_44 = arith.constant 0 : i32
        %dma_start3A_45 = tpu.memref_slice %arg10[%dma_start3A_43, %dma_start3A_44] : memref<32x64xi32, #tpu.memory_space<vmem>> -> memref<1x64xi32, #tpu.memory_space<vmem>>
        %dma_start3A_46 = tpu.memref_squeeze %dma_start3A_45 : memref<1x64xi32, #tpu.memory_space<vmem>> -> memref<64xi32, #tpu.memory_space<vmem>>
        %dma_start3A_47 = arith.constant 0 : i32
        %dma_start3A_48 = arith.constant 0 : i32
        %dma_start3A_49 = tpu.memref_slice %arg23[%dma_start3A_47, %dma_start3A_48] : memref<10240x128xf32, #tpu.memory_space<vmem_shared>> -> memref<10240x128xf32, #tpu.memory_space<vmem_shared>>
        tpu.enqueue_indirect_dma source(%arg11 : memref<64x128xf32, #tpu.memory_space<vmem>>) target(%dma_start3A_49 : memref<10240x128xf32, #tpu.memory_space<vmem_shared>>) offsets(%dma_start3A_46 : memref<64xi32, #tpu.memory_space<vmem>>) semaphore(%arg19 : memref<!tpu.dma_semaphore, #tpu.memory_space<semaphore_mem>>) {add = true}
        %dma_start3A_50 = arith.constant 2 : i32
        %dma_start3A_51 = arith.constant 0 : i32
        %dma_start3A_52 = tpu.memref_slice %arg9[%dma_start3A_50, %dma_start3A_51] : memref<32x64xi32, #tpu.memory_space<vmem>> -> memref<1x64xi32, #tpu.memory_space<vmem>>
        %dma_start3A_53 = tpu.memref_squeeze %dma_start3A_52 : memref<1x64xi32, #tpu.memory_space<vmem>> -> memref<64xi32, #tpu.memory_space<vmem>>
        %dma_start3A_54 = arith.constant 0 : i32
        %dma_start3A_55 = arith.constant 0 : i32
        %dma_start3A_56 = tpu.memref_slice %arg3[%dma_start3A_54, %dma_start3A_55] : memref<10000x128xf32, #tpu.memory_space<hbm>> -> memref<10000x128xf32, #tpu.memory_space<hbm>>
        tpu.enqueue_indirect_dma source(%dma_start3A_56 : memref<10000x128xf32, #tpu.memory_space<hbm>>) target(%arg13 : memref<64x128xf32, #tpu.memory_space<vmem>>) offsets(%dma_start3A_53 : memref<64xi32, #tpu.memory_space<vmem>>) semaphore(%arg17 : memref<!tpu.dma_semaphore, #tpu.memory_space<semaphore_mem>>)
        %dma_wait3A_57 = arith.constant 1 : i32
        %dma_wait3A_58 = arith.constant 0 : i32
        %dma_wait3A_59 = tpu.memref_slice %arg9[%dma_wait3A_57, %dma_wait3A_58] : memref<32x64xi32, #tpu.memory_space<vmem>> -> memref<1x64xi32, #tpu.memory_space<vmem>>
        %dma_wait3A_60 = tpu.memref_squeeze %dma_wait3A_59 : memref<1x64xi32, #tpu.memory_space<vmem>> -> memref<64xi32, #tpu.memory_space<vmem>>
        %dma_wait3A_61 = arith.constant 0 : i32
        %dma_wait3A_62 = arith.constant 0 : i32
        %dma_wait3A_63 = tpu.memref_slice %arg3[%dma_wait3A_61, %dma_wait3A_62] : memref<10000x128xf32, #tpu.memory_space<hbm>> -> memref<10000x128xf32, #tpu.memory_space<hbm>>
        tpu.wait_indirect_dma semaphore(%arg16 : memref<!tpu.dma_semaphore, #tpu.memory_space<semaphore_mem>>) src(%dma_wait3A_63 : memref<10000x128xf32, #tpu.memory_space<hbm>>) dst(%arg12 : memref<64x128xf32, #tpu.memory_space<vmem>>)
        %dma_start3A_64 = arith.constant 1 : i32
        %dma_start3A_65 = arith.constant 0 : i32
        %dma_start3A_66 = tpu.memref_slice %arg10[%dma_start3A_64, %dma_start3A_65] : memref<32x64xi32, #tpu.memory_space<vmem>> -> memref<1x64xi32, #tpu.memory_space<vmem>>
        %dma_start3A_67 = tpu.memref_squeeze %dma_start3A_66 : memref<1x64xi32, #tpu.memory_space<vmem>> -> memref<64xi32, #tpu.memory_space<vmem>>
        %dma_start3A_68 = arith.constant 0 : i32
        %dma_start3A_69 = arith.constant 0 : i32
        %dma_start3A_70 = tpu.memref_slice %arg23[%dma_start3A_68, %dma_start3A_69] : memref<10240x128xf32, #tpu.memory_space<vmem_shared>> -> memref<10240x128xf32, #tpu.memory_space<vmem_shared>>
        tpu.enqueue_indirect_dma source(%arg12 : memref<64x128xf32, #tpu.memory_space<vmem>>) target(%dma_start3A_70 : memref<10240x128xf32, #tpu.memory_space<vmem_shared>>) offsets(%dma_start3A_67 : memref<64xi32, #tpu.memory_space<vmem>>) semaphore(%arg20 : memref<!tpu.dma_semaphore, #tpu.memory_space<semaphore_mem>>) {add = true}
        %dma_start3A_71 = arith.constant 3 : i32
        %dma_start3A_72 = arith.constant 0 : i32
        %dma_start3A_73 = tpu.memref_slice %arg9[%dma_start3A_71, %dma_start3A_72] : memref<32x64xi32, #tpu.memory_space<vmem>> -> memref<1x64xi32, #tpu.memory_space<vmem>>
        %dma_start3A_74 = tpu.memref_squeeze %dma_start3A_73 : memref<1x64xi32, #tpu.memory_space<vmem>> -> memref<64xi32, #tpu.memory_space<vmem>>
        %dma_start3A_75 = arith.constant 0 : i32
        %dma_start3A_76 = arith.constant 0 : i32
        %dma_start3A_77 = tpu.memref_slice %arg3[%dma_start3A_75, %dma_start3A_76] : memref<10000x128xf32, #tpu.memory_space<hbm>> -> memref<10000x128xf32, #tpu.memory_space<hbm>>
        tpu.enqueue_indirect_dma source(%dma_start3A_77 : memref<10000x128xf32, #tpu.memory_space<hbm>>) target(%arg14 : memref<64x128xf32, #tpu.memory_space<vmem>>) offsets(%dma_start3A_74 : memref<64xi32, #tpu.memory_space<vmem>>) semaphore(%arg18 : memref<!tpu.dma_semaphore, #tpu.memory_space<semaphore_mem>>)
        %scan3A_78 = arith.constant 0 : i32
        %scan3A_79 = arith.constant 7 : i32
        %scan3A_80 = arith.addi %scan3A_78, %scan3A_79 : i32
        %scan3A_81 = arith.constant 1 : i32
        scf.for %scan3A_139 = %scan3A_78 to %scan3A_80 step %scan3A_81  : i32 {
          %mul3A_140 = arith.constant 1 : i32
          %mul3A_141 = arith.muli %scan3A_139, %mul3A_140 : i32
          %add3A_142 = arith.constant 0 : i32
          %add3A_143 = arith.addi %add3A_142, %mul3A_141 : i32
          %mul3A_144 = arith.constant 4 : i32
          %mul3A_145 = arith.muli %add3A_143, %mul3A_144 : i32
          %add3A_146 = arith.constant 0 : i32
          %add3A_147 = arith.addi %mul3A_145, %add3A_146 : i32
          %add3A_148 = arith.constant 2 : i32
          %add3A_149 = arith.addi %add3A_147, %add3A_148 : i32
          %dma_wait3A_150 = arith.constant 0 : i32
          %dma_wait3A_151 = tpu.memref_slice %arg9[%add3A_149, %dma_wait3A_150] : memref<32x64xi32, #tpu.memory_space<vmem>> -> memref<1x64xi32, #tpu.memory_space<vmem>>
          %dma_wait3A_152 = tpu.memref_squeeze %dma_wait3A_151 : memref<1x64xi32, #tpu.memory_space<vmem>> -> memref<64xi32, #tpu.memory_space<vmem>>
          %dma_wait3A_153 = arith.constant 0 : i32
          %dma_wait3A_154 = arith.constant 0 : i32
          %dma_wait3A_155 = tpu.memref_slice %arg3[%dma_wait3A_153, %dma_wait3A_154] : memref<10000x128xf32, #tpu.memory_space<hbm>> -> memref<10000x128xf32, #tpu.memory_space<hbm>>
          tpu.wait_indirect_dma semaphore(%arg17 : memref<!tpu.dma_semaphore, #tpu.memory_space<semaphore_mem>>) src(%dma_wait3A_155 : memref<10000x128xf32, #tpu.memory_space<hbm>>) dst(%arg13 : memref<64x128xf32, #tpu.memory_space<vmem>>)
          %dma_start3A_156 = arith.constant 0 : i32
          %dma_start3A_157 = tpu.memref_slice %arg10[%add3A_149, %dma_start3A_156] : memref<32x64xi32, #tpu.memory_space<vmem>> -> memref<1x64xi32, #tpu.memory_space<vmem>>
          %dma_start3A_158 = tpu.memref_squeeze %dma_start3A_157 : memref<1x64xi32, #tpu.memory_space<vmem>> -> memref<64xi32, #tpu.memory_space<vmem>>
          %dma_start3A_159 = arith.constant 0 : i32
          %dma_start3A_160 = arith.constant 0 : i32
          %dma_start3A_161 = tpu.memref_slice %arg23[%dma_start3A_159, %dma_start3A_160] : memref<10240x128xf32, #tpu.memory_space<vmem_shared>> -> memref<10240x128xf32, #tpu.memory_space<vmem_shared>>
          tpu.enqueue_indirect_dma source(%arg13 : memref<64x128xf32, #tpu.memory_space<vmem>>) target(%dma_start3A_161 : memref<10240x128xf32, #tpu.memory_space<vmem_shared>>) offsets(%dma_start3A_158 : memref<64xi32, #tpu.memory_space<vmem>>) semaphore(%arg21 : memref<!tpu.dma_semaphore, #tpu.memory_space<semaphore_mem>>) {add = true}
          %sub3A = arith.constant 2 : i32
          %sub3A_162 = arith.subi %add3A_149, %sub3A : i32
          %dma_wait3A_163 = arith.constant 0 : i32
          %dma_wait3A_164 = tpu.memref_slice %arg10[%sub3A_162, %dma_wait3A_163] : memref<32x64xi32, #tpu.memory_space<vmem>> -> memref<1x64xi32, #tpu.memory_space<vmem>>
          %dma_wait3A_165 = tpu.memref_squeeze %dma_wait3A_164 : memref<1x64xi32, #tpu.memory_space<vmem>> -> memref<64xi32, #tpu.memory_space<vmem>>
          %dma_wait3A_166 = arith.constant 0 : i32
          %dma_wait3A_167 = arith.constant 0 : i32
          %dma_wait3A_168 = tpu.memref_slice %arg23[%dma_wait3A_166, %dma_wait3A_167] : memref<10240x128xf32, #tpu.memory_space<vmem_shared>> -> memref<10240x128xf32, #tpu.memory_space<vmem_shared>>
          tpu.wait_indirect_dma semaphore(%arg19 : memref<!tpu.dma_semaphore, #tpu.memory_space<semaphore_mem>>) src(%arg11 : memref<64x128xf32, #tpu.memory_space<vmem>>) dst(%dma_wait3A_168 : memref<10240x128xf32, #tpu.memory_space<vmem_shared>>)
          %add3A_169 = arith.constant 2 : i32
          %add3A_170 = arith.addi %add3A_149, %add3A_169 : i32
          %dma_start3A_171 = arith.constant 0 : i32
          %dma_start3A_172 = tpu.memref_slice %arg9[%add3A_170, %dma_start3A_171] : memref<32x64xi32, #tpu.memory_space<vmem>> -> memref<1x64xi32, #tpu.memory_space<vmem>>
          %dma_start3A_173 = tpu.memref_squeeze %dma_start3A_172 : memref<1x64xi32, #tpu.memory_space<vmem>> -> memref<64xi32, #tpu.memory_space<vmem>>
          %dma_start3A_174 = arith.constant 0 : i32
          %dma_start3A_175 = arith.constant 0 : i32
          %dma_start3A_176 = tpu.memref_slice %arg3[%dma_start3A_174, %dma_start3A_175] : memref<10000x128xf32, #tpu.memory_space<hbm>> -> memref<10000x128xf32, #tpu.memory_space<hbm>>
          tpu.enqueue_indirect_dma source(%dma_start3A_176 : memref<10000x128xf32, #tpu.memory_space<hbm>>) target(%arg11 : memref<64x128xf32, #tpu.memory_space<vmem>>) offsets(%dma_start3A_173 : memref<64xi32, #tpu.memory_space<vmem>>) semaphore(%arg15 : memref<!tpu.dma_semaphore, #tpu.memory_space<semaphore_mem>>)
          %mul3A_177 = arith.constant 4 : i32
          %mul3A_178 = arith.muli %add3A_143, %mul3A_177 : i32
          %add3A_179 = arith.constant 1 : i32
          %add3A_180 = arith.addi %mul3A_178, %add3A_179 : i32
          %add3A_181 = arith.constant 2 : i32
          %add3A_182 = arith.addi %add3A_180, %add3A_181 : i32
          %dma_wait3A_183 = arith.constant 0 : i32
          %dma_wait3A_184 = tpu.memref_slice %arg9[%add3A_182, %dma_wait3A_183] : memref<32x64xi32, #tpu.memory_space<vmem>> -> memref<1x64xi32, #tpu.memory_space<vmem>>
          %dma_wait3A_185 = tpu.memref_squeeze %dma_wait3A_184 : memref<1x64xi32, #tpu.memory_space<vmem>> -> memref<64xi32, #tpu.memory_space<vmem>>
          %dma_wait3A_186 = arith.constant 0 : i32
          %dma_wait3A_187 = arith.constant 0 : i32
          %dma_wait3A_188 = tpu.memref_slice %arg3[%dma_wait3A_186, %dma_wait3A_187] : memref<10000x128xf32, #tpu.memory_space<hbm>> -> memref<10000x128xf32, #tpu.memory_space<hbm>>
          tpu.wait_indirect_dma semaphore(%arg18 : memref<!tpu.dma_semaphore, #tpu.memory_space<semaphore_mem>>) src(%dma_wait3A_188 : memref<10000x128xf32, #tpu.memory_space<hbm>>) dst(%arg14 : memref<64x128xf32, #tpu.memory_space<vmem>>)
          %dma_start3A_189 = arith.constant 0 : i32
          %dma_start3A_190 = tpu.memref_slice %arg10[%add3A_182, %dma_start3A_189] : memref<32x64xi32, #tpu.memory_space<vmem>> -> memref<1x64xi32, #tpu.memory_space<vmem>>
          %dma_start3A_191 = tpu.memref_squeeze %dma_start3A_190 : memref<1x64xi32, #tpu.memory_space<vmem>> -> memref<64xi32, #tpu.memory_space<vmem>>
          %dma_start3A_192 = arith.constant 0 : i32
          %dma_start3A_193 = arith.constant 0 : i32
          %dma_start3A_194 = tpu.memref_slice %arg23[%dma_start3A_192, %dma_start3A_193] : memref<10240x128xf32, #tpu.memory_space<vmem_shared>> -> memref<10240x128xf32, #tpu.memory_space<vmem_shared>>
          tpu.enqueue_indirect_dma source(%arg14 : memref<64x128xf32, #tpu.memory_space<vmem>>) target(%dma_start3A_194 : memref<10240x128xf32, #tpu.memory_space<vmem_shared>>) offsets(%dma_start3A_191 : memref<64xi32, #tpu.memory_space<vmem>>) semaphore(%arg22 : memref<!tpu.dma_semaphore, #tpu.memory_space<semaphore_mem>>) {add = true}
          %sub3A_195 = arith.constant 2 : i32
          %sub3A_196 = arith.subi %add3A_182, %sub3A_195 : i32
          %dma_wait3A_197 = arith.constant 0 : i32
          %dma_wait3A_198 = tpu.memref_slice %arg10[%sub3A_196, %dma_wait3A_197] : memref<32x64xi32, #tpu.memory_space<vmem>> -> memref<1x64xi32, #tpu.memory_space<vmem>>
          %dma_wait3A_199 = tpu.memref_squeeze %dma_wait3A_198 : memref<1x64xi32, #tpu.memory_space<vmem>> -> memref<64xi32, #tpu.memory_space<vmem>>
          %dma_wait3A_200 = arith.constant 0 : i32
          %dma_wait3A_201 = arith.constant 0 : i32
          %dma_wait3A_202 = tpu.memref_slice %arg23[%dma_wait3A_200, %dma_wait3A_201] : memref<10240x128xf32, #tpu.memory_space<vmem_shared>> -> memref<10240x128xf32, #tpu.memory_space<vmem_shared>>
          tpu.wait_indirect_dma semaphore(%arg20 : memref<!tpu.dma_semaphore, #tpu.memory_space<semaphore_mem>>) src(%arg12 : memref<64x128xf32, #tpu.memory_space<vmem>>) dst(%dma_wait3A_202 : memref<10240x128xf32, #tpu.memory_space<vmem_shared>>)
          %add3A_203 = arith.constant 2 : i32
          %add3A_204 = arith.addi %add3A_182, %add3A_203 : i32
          %dma_start3A_205 = arith.constant 0 : i32
          %dma_start3A_206 = tpu.memref_slice %arg9[%add3A_204, %dma_start3A_205] : memref<32x64xi32, #tpu.memory_space<vmem>> -> memref<1x64xi32, #tpu.memory_space<vmem>>
          %dma_start3A_207 = tpu.memref_squeeze %dma_start3A_206 : memref<1x64xi32, #tpu.memory_space<vmem>> -> memref<64xi32, #tpu.memory_space<vmem>>
          %dma_start3A_208 = arith.constant 0 : i32
          %dma_start3A_209 = arith.constant 0 : i32
          %dma_start3A_210 = tpu.memref_slice %arg3[%dma_start3A_208, %dma_start3A_209] : memref<10000x128xf32, #tpu.memory_space<hbm>> -> memref<10000x128xf32, #tpu.memory_space<hbm>>
          tpu.enqueue_indirect_dma source(%dma_start3A_210 : memref<10000x128xf32, #tpu.memory_space<hbm>>) target(%arg12 : memref<64x128xf32, #tpu.memory_space<vmem>>) offsets(%dma_start3A_207 : memref<64xi32, #tpu.memory_space<vmem>>) semaphore(%arg16 : memref<!tpu.dma_semaphore, #tpu.memory_space<semaphore_mem>>)
          %mul3A_211 = arith.constant 4 : i32
          %mul3A_212 = arith.muli %add3A_143, %mul3A_211 : i32
          %add3A_213 = arith.constant 2 : i32
          %add3A_214 = arith.addi %mul3A_212, %add3A_213 : i32
          %add3A_215 = arith.constant 2 : i32
          %add3A_216 = arith.addi %add3A_214, %add3A_215 : i32
          %dma_wait3A_217 = arith.constant 0 : i32
          %dma_wait3A_218 = tpu.memref_slice %arg9[%add3A_216, %dma_wait3A_217] : memref<32x64xi32, #tpu.memory_space<vmem>> -> memref<1x64xi32, #tpu.memory_space<vmem>>
          %dma_wait3A_219 = tpu.memref_squeeze %dma_wait3A_218 : memref<1x64xi32, #tpu.memory_space<vmem>> -> memref<64xi32, #tpu.memory_space<vmem>>
          %dma_wait3A_220 = arith.constant 0 : i32
          %dma_wait3A_221 = arith.constant 0 : i32
          %dma_wait3A_222 = tpu.memref_slice %arg3[%dma_wait3A_220, %dma_wait3A_221] : memref<10000x128xf32, #tpu.memory_space<hbm>> -> memref<10000x128xf32, #tpu.memory_space<hbm>>
          tpu.wait_indirect_dma semaphore(%arg15 : memref<!tpu.dma_semaphore, #tpu.memory_space<semaphore_mem>>) src(%dma_wait3A_222 : memref<10000x128xf32, #tpu.memory_space<hbm>>) dst(%arg11 : memref<64x128xf32, #tpu.memory_space<vmem>>)
          %dma_start3A_223 = arith.constant 0 : i32
          %dma_start3A_224 = tpu.memref_slice %arg10[%add3A_216, %dma_start3A_223] : memref<32x64xi32, #tpu.memory_space<vmem>> -> memref<1x64xi32, #tpu.memory_space<vmem>>
          %dma_start3A_225 = tpu.memref_squeeze %dma_start3A_224 : memref<1x64xi32, #tpu.memory_space<vmem>> -> memref<64xi32, #tpu.memory_space<vmem>>
          %dma_start3A_226 = arith.constant 0 : i32
          %dma_start3A_227 = arith.constant 0 : i32
          %dma_start3A_228 = tpu.memref_slice %arg23[%dma_start3A_226, %dma_start3A_227] : memref<10240x128xf32, #tpu.memory_space<vmem_shared>> -> memref<10240x128xf32, #tpu.memory_space<vmem_shared>>
          tpu.enqueue_indirect_dma source(%arg11 : memref<64x128xf32, #tpu.memory_space<vmem>>) target(%dma_start3A_228 : memref<10240x128xf32, #tpu.memory_space<vmem_shared>>) offsets(%dma_start3A_225 : memref<64xi32, #tpu.memory_space<vmem>>) semaphore(%arg19 : memref<!tpu.dma_semaphore, #tpu.memory_space<semaphore_mem>>) {add = true}
          %sub3A_229 = arith.constant 2 : i32
          %sub3A_230 = arith.subi %add3A_216, %sub3A_229 : i32
          %dma_wait3A_231 = arith.constant 0 : i32
          %dma_wait3A_232 = tpu.memref_slice %arg10[%sub3A_230, %dma_wait3A_231] : memref<32x64xi32, #tpu.memory_space<vmem>> -> memref<1x64xi32, #tpu.memory_space<vmem>>
          %dma_wait3A_233 = tpu.memref_squeeze %dma_wait3A_232 : memref<1x64xi32, #tpu.memory_space<vmem>> -> memref<64xi32, #tpu.memory_space<vmem>>
          %dma_wait3A_234 = arith.constant 0 : i32
          %dma_wait3A_235 = arith.constant 0 : i32
          %dma_wait3A_236 = tpu.memref_slice %arg23[%dma_wait3A_234, %dma_wait3A_235] : memref<10240x128xf32, #tpu.memory_space<vmem_shared>> -> memref<10240x128xf32, #tpu.memory_space<vmem_shared>>
          tpu.wait_indirect_dma semaphore(%arg21 : memref<!tpu.dma_semaphore, #tpu.memory_space<semaphore_mem>>) src(%arg13 : memref<64x128xf32, #tpu.memory_space<vmem>>) dst(%dma_wait3A_236 : memref<10240x128xf32, #tpu.memory_space<vmem_shared>>)
          %add3A_237 = arith.constant 2 : i32
          %add3A_238 = arith.addi %add3A_216, %add3A_237 : i32
          %dma_start3A_239 = arith.constant 0 : i32
          %dma_start3A_240 = tpu.memref_slice %arg9[%add3A_238, %dma_start3A_239] : memref<32x64xi32, #tpu.memory_space<vmem>> -> memref<1x64xi32, #tpu.memory_space<vmem>>
          %dma_start3A_241 = tpu.memref_squeeze %dma_start3A_240 : memref<1x64xi32, #tpu.memory_space<vmem>> -> memref<64xi32, #tpu.memory_space<vmem>>
          %dma_start3A_242 = arith.constant 0 : i32
          %dma_start3A_243 = arith.constant 0 : i32
          %dma_start3A_244 = tpu.memref_slice %arg3[%dma_start3A_242, %dma_start3A_243] : memref<10000x128xf32, #tpu.memory_space<hbm>> -> memref<10000x128xf32, #tpu.memory_space<hbm>>
          tpu.enqueue_indirect_dma source(%dma_start3A_244 : memref<10000x128xf32, #tpu.memory_space<hbm>>) target(%arg13 : memref<64x128xf32, #tpu.memory_space<vmem>>) offsets(%dma_start3A_241 : memref<64xi32, #tpu.memory_space<vmem>>) semaphore(%arg17 : memref<!tpu.dma_semaphore, #tpu.memory_space<semaphore_mem>>)
          %mul3A_245 = arith.constant 4 : i32
          %mul3A_246 = arith.muli %add3A_143, %mul3A_245 : i32
          %add3A_247 = arith.constant 3 : i32
          %add3A_248 = arith.addi %mul3A_246, %add3A_247 : i32
          %add3A_249 = arith.constant 2 : i32
          %add3A_250 = arith.addi %add3A_248, %add3A_249 : i32
          %dma_wait3A_251 = arith.constant 0 : i32
          %dma_wait3A_252 = tpu.memref_slice %arg9[%add3A_250, %dma_wait3A_251] : memref<32x64xi32, #tpu.memory_space<vmem>> -> memref<1x64xi32, #tpu.memory_space<vmem>>
          %dma_wait3A_253 = tpu.memref_squeeze %dma_wait3A_252 : memref<1x64xi32, #tpu.memory_space<vmem>> -> memref<64xi32, #tpu.memory_space<vmem>>
          %dma_wait3A_254 = arith.constant 0 : i32
          %dma_wait3A_255 = arith.constant 0 : i32
          %dma_wait3A_256 = tpu.memref_slice %arg3[%dma_wait3A_254, %dma_wait3A_255] : memref<10000x128xf32, #tpu.memory_space<hbm>> -> memref<10000x128xf32, #tpu.memory_space<hbm>>
          tpu.wait_indirect_dma semaphore(%arg16 : memref<!tpu.dma_semaphore, #tpu.memory_space<semaphore_mem>>) src(%dma_wait3A_256 : memref<10000x128xf32, #tpu.memory_space<hbm>>) dst(%arg12 : memref<64x128xf32, #tpu.memory_space<vmem>>)
          %dma_start3A_257 = arith.constant 0 : i32
          %dma_start3A_258 = tpu.memref_slice %arg10[%add3A_250, %dma_start3A_257] : memref<32x64xi32, #tpu.memory_space<vmem>> -> memref<1x64xi32, #tpu.memory_space<vmem>>
          %dma_start3A_259 = tpu.memref_squeeze %dma_start3A_258 : memref<1x64xi32, #tpu.memory_space<vmem>> -> memref<64xi32, #tpu.memory_space<vmem>>
          %dma_start3A_260 = arith.constant 0 : i32
          %dma_start3A_261 = arith.constant 0 : i32
          %dma_start3A_262 = tpu.memref_slice %arg23[%dma_start3A_260, %dma_start3A_261] : memref<10240x128xf32, #tpu.memory_space<vmem_shared>> -> memref<10240x128xf32, #tpu.memory_space<vmem_shared>>
          tpu.enqueue_indirect_dma source(%arg12 : memref<64x128xf32, #tpu.memory_space<vmem>>) target(%dma_start3A_262 : memref<10240x128xf32, #tpu.memory_space<vmem_shared>>) offsets(%dma_start3A_259 : memref<64xi32, #tpu.memory_space<vmem>>) semaphore(%arg20 : memref<!tpu.dma_semaphore, #tpu.memory_space<semaphore_mem>>) {add = true}
          %sub3A_263 = arith.constant 2 : i32
          %sub3A_264 = arith.subi %add3A_250, %sub3A_263 : i32
          %dma_wait3A_265 = arith.constant 0 : i32
          %dma_wait3A_266 = tpu.memref_slice %arg10[%sub3A_264, %dma_wait3A_265] : memref<32x64xi32, #tpu.memory_space<vmem>> -> memref<1x64xi32, #tpu.memory_space<vmem>>
          %dma_wait3A_267 = tpu.memref_squeeze %dma_wait3A_266 : memref<1x64xi32, #tpu.memory_space<vmem>> -> memref<64xi32, #tpu.memory_space<vmem>>
          %dma_wait3A_268 = arith.constant 0 : i32
          %dma_wait3A_269 = arith.constant 0 : i32
          %dma_wait3A_270 = tpu.memref_slice %arg23[%dma_wait3A_268, %dma_wait3A_269] : memref<10240x128xf32, #tpu.memory_space<vmem_shared>> -> memref<10240x128xf32, #tpu.memory_space<vmem_shared>>
          tpu.wait_indirect_dma semaphore(%arg22 : memref<!tpu.dma_semaphore, #tpu.memory_space<semaphore_mem>>) src(%arg14 : memref<64x128xf32, #tpu.memory_space<vmem>>) dst(%dma_wait3A_270 : memref<10240x128xf32, #tpu.memory_space<vmem_shared>>)
          %add3A_271 = arith.constant 2 : i32
          %add3A_272 = arith.addi %add3A_250, %add3A_271 : i32
          %dma_start3A_273 = arith.constant 0 : i32
          %dma_start3A_274 = tpu.memref_slice %arg9[%add3A_272, %dma_start3A_273] : memref<32x64xi32, #tpu.memory_space<vmem>> -> memref<1x64xi32, #tpu.memory_space<vmem>>
          %dma_start3A_275 = tpu.memref_squeeze %dma_start3A_274 : memref<1x64xi32, #tpu.memory_space<vmem>> -> memref<64xi32, #tpu.memory_space<vmem>>
          %dma_start3A_276 = arith.constant 0 : i32
          %dma_start3A_277 = arith.constant 0 : i32
          %dma_start3A_278 = tpu.memref_slice %arg3[%dma_start3A_276, %dma_start3A_277] : memref<10000x128xf32, #tpu.memory_space<hbm>> -> memref<10000x128xf32, #tpu.memory_space<hbm>>
          tpu.enqueue_indirect_dma source(%dma_start3A_278 : memref<10000x128xf32, #tpu.memory_space<hbm>>) target(%arg14 : memref<64x128xf32, #tpu.memory_space<vmem>>) offsets(%dma_start3A_275 : memref<64xi32, #tpu.memory_space<vmem>>) semaphore(%arg18 : memref<!tpu.dma_semaphore, #tpu.memory_space<semaphore_mem>>)
        }
        %scan3A_82 = arith.constant 7 : i32
        %dma_wait3A_83 = arith.constant 30 : i32
        %dma_wait3A_84 = arith.constant 0 : i32
        %dma_wait3A_85 = tpu.memref_slice %arg9[%dma_wait3A_83, %dma_wait3A_84] : memref<32x64xi32, #tpu.memory_space<vmem>> -> memref<1x64xi32, #tpu.memory_space<vmem>>
        %dma_wait3A_86 = tpu.memref_squeeze %dma_wait3A_85 : memref<1x64xi32, #tpu.memory_space<vmem>> -> memref<64xi32, #tpu.memory_space<vmem>>
        %dma_wait3A_87 = arith.constant 0 : i32
        %dma_wait3A_88 = arith.constant 0 : i32
        %dma_wait3A_89 = tpu.memref_slice %arg3[%dma_wait3A_87, %dma_wait3A_88] : memref<10000x128xf32, #tpu.memory_space<hbm>> -> memref<10000x128xf32, #tpu.memory_space<hbm>>
        tpu.wait_indirect_dma semaphore(%arg17 : memref<!tpu.dma_semaphore, #tpu.memory_space<semaphore_mem>>) src(%dma_wait3A_89 : memref<10000x128xf32, #tpu.memory_space<hbm>>) dst(%arg13 : memref<64x128xf32, #tpu.memory_space<vmem>>)
        %dma_start3A_90 = arith.constant 30 : i32
        %dma_start3A_91 = arith.constant 0 : i32
        %dma_start3A_92 = tpu.memref_slice %arg10[%dma_start3A_90, %dma_start3A_91] : memref<32x64xi32, #tpu.memory_space<vmem>> -> memref<1x64xi32, #tpu.memory_space<vmem>>
        %dma_start3A_93 = tpu.memref_squeeze %dma_start3A_92 : memref<1x64xi32, #tpu.memory_space<vmem>> -> memref<64xi32, #tpu.memory_space<vmem>>
        %dma_start3A_94 = arith.constant 0 : i32
        %dma_start3A_95 = arith.constant 0 : i32
        %dma_start3A_96 = tpu.memref_slice %arg23[%dma_start3A_94, %dma_start3A_95] : memref<10240x128xf32, #tpu.memory_space<vmem_shared>> -> memref<10240x128xf32, #tpu.memory_space<vmem_shared>>
        tpu.enqueue_indirect_dma source(%arg13 : memref<64x128xf32, #tpu.memory_space<vmem>>) target(%dma_start3A_96 : memref<10240x128xf32, #tpu.memory_space<vmem_shared>>) offsets(%dma_start3A_93 : memref<64xi32, #tpu.memory_space<vmem>>) semaphore(%arg21 : memref<!tpu.dma_semaphore, #tpu.memory_space<semaphore_mem>>) {add = true}
        %dma_wait3A_97 = arith.constant 31 : i32
        %dma_wait3A_98 = arith.constant 0 : i32
        %dma_wait3A_99 = tpu.memref_slice %arg9[%dma_wait3A_97, %dma_wait3A_98] : memref<32x64xi32, #tpu.memory_space<vmem>> -> memref<1x64xi32, #tpu.memory_space<vmem>>
        %dma_wait3A_100 = tpu.memref_squeeze %dma_wait3A_99 : memref<1x64xi32, #tpu.memory_space<vmem>> -> memref<64xi32, #tpu.memory_space<vmem>>
        %dma_wait3A_101 = arith.constant 0 : i32
        %dma_wait3A_102 = arith.constant 0 : i32
        %dma_wait3A_103 = tpu.memref_slice %arg3[%dma_wait3A_101, %dma_wait3A_102] : memref<10000x128xf32, #tpu.memory_space<hbm>> -> memref<10000x128xf32, #tpu.memory_space<hbm>>
        tpu.wait_indirect_dma semaphore(%arg18 : memref<!tpu.dma_semaphore, #tpu.memory_space<semaphore_mem>>) src(%dma_wait3A_103 : memref<10000x128xf32, #tpu.memory_space<hbm>>) dst(%arg14 : memref<64x128xf32, #tpu.memory_space<vmem>>)
        %dma_start3A_104 = arith.constant 31 : i32
        %dma_start3A_105 = arith.constant 0 : i32
        %dma_start3A_106 = tpu.memref_slice %arg10[%dma_start3A_104, %dma_start3A_105] : memref<32x64xi32, #tpu.memory_space<vmem>> -> memref<1x64xi32, #tpu.memory_space<vmem>>
        %dma_start3A_107 = tpu.memref_squeeze %dma_start3A_106 : memref<1x64xi32, #tpu.memory_space<vmem>> -> memref<64xi32, #tpu.memory_space<vmem>>
        %dma_start3A_108 = arith.constant 0 : i32
        %dma_start3A_109 = arith.constant 0 : i32
        %dma_start3A_110 = tpu.memref_slice %arg23[%dma_start3A_108, %dma_start3A_109] : memref<10240x128xf32, #tpu.memory_space<vmem_shared>> -> memref<10240x128xf32, #tpu.memory_space<vmem_shared>>
        tpu.enqueue_indirect_dma source(%arg14 : memref<64x128xf32, #tpu.memory_space<vmem>>) target(%dma_start3A_110 : memref<10240x128xf32, #tpu.memory_space<vmem_shared>>) offsets(%dma_start3A_107 : memref<64xi32, #tpu.memory_space<vmem>>) semaphore(%arg22 : memref<!tpu.dma_semaphore, #tpu.memory_space<semaphore_mem>>) {add = true}
        %dma_wait3A_111 = arith.constant 28 : i32
        %dma_wait3A_112 = arith.constant 0 : i32
        %dma_wait3A_113 = tpu.memref_slice %arg10[%dma_wait3A_111, %dma_wait3A_112] : memref<32x64xi32, #tpu.memory_space<vmem>> -> memref<1x64xi32, #tpu.memory_space<vmem>>
        %dma_wait3A_114 = tpu.memref_squeeze %dma_wait3A_113 : memref<1x64xi32, #tpu.memory_space<vmem>> -> memref<64xi32, #tpu.memory_space<vmem>>
        %dma_wait3A_115 = arith.constant 0 : i32
        %dma_wait3A_116 = arith.constant 0 : i32
        %dma_wait3A_117 = tpu.memref_slice %arg23[%dma_wait3A_115, %dma_wait3A_116] : memref<10240x128xf32, #tpu.memory_space<vmem_shared>> -> memref<10240x128xf32, #tpu.memory_space<vmem_shared>>
        tpu.wait_indirect_dma semaphore(%arg19 : memref<!tpu.dma_semaphore, #tpu.memory_space<semaphore_mem>>) src(%arg11 : memref<64x128xf32, #tpu.memory_space<vmem>>) dst(%dma_wait3A_117 : memref<10240x128xf32, #tpu.memory_space<vmem_shared>>)
        %dma_wait3A_118 = arith.constant 29 : i32
        %dma_wait3A_119 = arith.constant 0 : i32
        %dma_wait3A_120 = tpu.memref_slice %arg10[%dma_wait3A_118, %dma_wait3A_119] : memref<32x64xi32, #tpu.memory_space<vmem>> -> memref<1x64xi32, #tpu.memory_space<vmem>>
        %dma_wait3A_121 = tpu.memref_squeeze %dma_wait3A_120 : memref<1x64xi32, #tpu.memory_space<vmem>> -> memref<64xi32, #tpu.memory_space<vmem>>
        %dma_wait3A_122 = arith.constant 0 : i32
        %dma_wait3A_123 = arith.constant 0 : i32
        %dma_wait3A_124 = tpu.memref_slice %arg23[%dma_wait3A_122, %dma_wait3A_123] : memref<10240x128xf32, #tpu.memory_space<vmem_shared>> -> memref<10240x128xf32, #tpu.memory_space<vmem_shared>>
        tpu.wait_indirect_dma semaphore(%arg20 : memref<!tpu.dma_semaphore, #tpu.memory_space<semaphore_mem>>) src(%arg12 : memref<64x128xf32, #tpu.memory_space<vmem>>) dst(%dma_wait3A_124 : memref<10240x128xf32, #tpu.memory_space<vmem_shared>>)
        %dma_wait3A_125 = arith.constant 30 : i32
        %dma_wait3A_126 = arith.constant 0 : i32
        %dma_wait3A_127 = tpu.memref_slice %arg10[%dma_wait3A_125, %dma_wait3A_126] : memref<32x64xi32, #tpu.memory_space<vmem>> -> memref<1x64xi32, #tpu.memory_space<vmem>>
        %dma_wait3A_128 = tpu.memref_squeeze %dma_wait3A_127 : memref<1x64xi32, #tpu.memory_space<vmem>> -> memref<64xi32, #tpu.memory_space<vmem>>
        %dma_wait3A_129 = arith.constant 0 : i32
        %dma_wait3A_130 = arith.constant 0 : i32
        %dma_wait3A_131 = tpu.memref_slice %arg23[%dma_wait3A_129, %dma_wait3A_130] : memref<10240x128xf32, #tpu.memory_space<vmem_shared>> -> memref<10240x128xf32, #tpu.memory_space<vmem_shared>>
        tpu.wait_indirect_dma semaphore(%arg21 : memref<!tpu.dma_semaphore, #tpu.memory_space<semaphore_mem>>) src(%arg13 : memref<64x128xf32, #tpu.memory_space<vmem>>) dst(%dma_wait3A_131 : memref<10240x128xf32, #tpu.memory_space<vmem_shared>>)
        %dma_wait3A_132 = arith.constant 31 : i32
        %dma_wait3A_133 = arith.constant 0 : i32
        %dma_wait3A_134 = tpu.memref_slice %arg10[%dma_wait3A_132, %dma_wait3A_133] : memref<32x64xi32, #tpu.memory_space<vmem>> -> memref<1x64xi32, #tpu.memory_space<vmem>>
        %dma_wait3A_135 = tpu.memref_squeeze %dma_wait3A_134 : memref<1x64xi32, #tpu.memory_space<vmem>> -> memref<64xi32, #tpu.memory_space<vmem>>
        %dma_wait3A_136 = arith.constant 0 : i32
        %dma_wait3A_137 = arith.constant 0 : i32
        %dma_wait3A_138 = tpu.memref_slice %arg23[%dma_wait3A_136, %dma_wait3A_137] : memref<10240x128xf32, #tpu.memory_space<vmem_shared>> -> memref<10240x128xf32, #tpu.memory_space<vmem_shared>>
        tpu.wait_indirect_dma semaphore(%arg22 : memref<!tpu.dma_semaphore, #tpu.memory_space<semaphore_mem>>) src(%arg14 : memref<64x128xf32, #tpu.memory_space<vmem>>) dst(%dma_wait3A_138 : memref<10240x128xf32, #tpu.memory_space<vmem_shared>>)
      }
      %scan3A_13 = arith.constant 10 : i32
      %barrier3A_14 = arith.constant 0 : index
      tpu.barrier barrier_id(%barrier3A_14)
      %mul3A_15 = arith.constant 640 : i32
      %mul3A_16 = arith.muli %arg1, %mul3A_15 : i32
      "tpu.region"() ({
        %run_scoped3A = tpu.sem_alloc : memref<!tpu.dma_semaphore, #tpu.memory_space<semaphore_mem>>
        %dma_start3A = arith.constant 0 : i32
        %dma_start3A_17 = tpu.memref_slice %arg8[%mul3A_16, %dma_start3A] : memref<10240x128xf32, #tpu.memory_space<hbm>> -> memref<640x128xf32, #tpu.memory_space<hbm>>
        %dma_start3A_18 = arith.constant 0 : i32
        %dma_start3A_19 = tpu.memref_slice %arg23[%mul3A_16, %dma_start3A_18] : memref<10240x128xf32, #tpu.memory_space<vmem_shared>> -> memref<640x128xf32, #tpu.memory_space<vmem_shared>>
        tpu.enqueue_dma source(%dma_start3A_19 : memref<640x128xf32, #tpu.memory_space<vmem_shared>>) target(%dma_start3A_17 : memref<640x128xf32, #tpu.memory_space<hbm>>) target_semaphore(%run_scoped3A : memref<!tpu.dma_semaphore, #tpu.memory_space<semaphore_mem>>)
        %dma_wait3A = arith.constant 0 : i32
        %dma_wait3A_20 = tpu.memref_slice %arg8[%mul3A_16, %dma_wait3A] : memref<10240x128xf32, #tpu.memory_space<hbm>> -> memref<640x128xf32, #tpu.memory_space<hbm>>
        %dma_wait3A_21 = arith.constant 0 : i32
        %dma_wait3A_22 = tpu.memref_slice %arg23[%mul3A_16, %dma_wait3A_21] : memref<10240x128xf32, #tpu.memory_space<vmem_shared>> -> memref<640x128xf32, #tpu.memory_space<vmem_shared>>
        tpu.wait_dma2 semaphore(%run_scoped3A : memref<!tpu.dma_semaphore, #tpu.memory_space<semaphore_mem>>) src(%dma_wait3A_22 : memref<640x128xf32, #tpu.memory_space<vmem_shared>>) dst(%dma_wait3A_20 : memref<640x128xf32, #tpu.memory_space<hbm>>)
        tpu.yield
      }) : () -> ()
    } else {
    }
    return
  }
}

#map = affine_map<(d0, d1) -> (0, 0)>
module attributes {stable_mosaic.version = 14 : i64} {
  func.func @sc_seg(%arg0: i32, %arg1: i32, %arg2: memref<10000x128xf32, #tpu.memory_space<hbm>>, %arg3: memref<10000x128xf32, #tpu.memory_space<hbm>>, %arg4: memref<5120x64xi32, #tpu.memory_space<hbm>>, %arg5: memref<5120x64xi32, #tpu.memory_space<hbm>>, %arg6: memref<640x128xf32, #tpu.memory_space<hbm>>, %arg7: memref<10240x128xf32, #tpu.memory_space<hbm>>, %arg8: memref<10240x128xf32, #tpu.memory_space<hbm>>, %arg9: memref<32x64xi32, #tpu.memory_space<vmem>>, %arg10: memref<32x64xi32, #tpu.memory_space<vmem>>, %arg11: memref<64x128xf32, #tpu.memory_space<vmem>>, %arg12: memref<64x128xf32, #tpu.memory_space<vmem>>, %arg13: memref<64x128xf32, #tpu.memory_space<vmem>>, %arg14: memref<64x128xf32, #tpu.memory_space<vmem>>, %arg15: memref<!tpu.dma_semaphore, #tpu.memory_space<semaphore_mem>>, %arg16: memref<!tpu.dma_semaphore, #tpu.memory_space<semaphore_mem>>, %arg17: memref<!tpu.dma_semaphore, #tpu.memory_space<semaphore_mem>>, %arg18: memref<!tpu.dma_semaphore, #tpu.memory_space<semaphore_mem>>, %arg19: memref<!tpu.dma_semaphore, #tpu.memory_space<semaphore_mem>>, %arg20: memref<!tpu.dma_semaphore, #tpu.memory_space<semaphore_mem>>, %arg21: memref<!tpu.dma_semaphore, #tpu.memory_space<semaphore_mem>>, %arg22: memref<!tpu.dma_semaphore, #tpu.memory_space<semaphore_mem>>, %arg23: memref<10240x128xf32, #tpu.memory_space<vmem_shared>>) attributes {dimension_semantics = [#tpu.dimension_semantics<core_parallel>, #tpu.dimension_semantics<subcore_parallel>], iteration_bounds = array<i64: 2, 16>, scalar_prefetch = 0 : i64, scratch_operands = 15 : i64, tpu.core_type = #tpu.core_type<sc_vector_subcore>, window_params = [{transform_indices = #map}, {transform_indices = #map}, {transform_indices = #map}, {transform_indices = #map}, {transform_indices = #map}, {transform_indices = #map}, {transform_indices = #map}]} {
    %mul3A = arith.constant 640 : i32
    %mul3A_0 = arith.muli %arg1, %mul3A : i32
    "tpu.region"() ({
      %run_scoped3A = tpu.sem_alloc : memref<!tpu.dma_semaphore, #tpu.memory_space<semaphore_mem>>
      %dma_start3A = arith.constant 0 : i32
      %dma_start3A_8 = tpu.memref_slice %arg23[%mul3A_0, %dma_start3A] : memref<10240x128xf32, #tpu.memory_space<vmem_shared>> -> memref<640x128xf32, #tpu.memory_space<vmem_shared>>
      tpu.enqueue_dma source(%arg6 : memref<640x128xf32, #tpu.memory_space<hbm>>) target(%dma_start3A_8 : memref<640x128xf32, #tpu.memory_space<vmem_shared>>) target_semaphore(%run_scoped3A : memref<!tpu.dma_semaphore, #tpu.memory_space<semaphore_mem>>)
      %dma_wait3A = arith.constant 0 : i32
      %dma_wait3A_9 = tpu.memref_slice %arg23[%mul3A_0, %dma_wait3A] : memref<10240x128xf32, #tpu.memory_space<vmem_shared>> -> memref<640x128xf32, #tpu.memory_space<vmem_shared>>
      tpu.wait_dma2 semaphore(%run_scoped3A : memref<!tpu.dma_semaphore, #tpu.memory_space<semaphore_mem>>) src(%arg6 : memref<640x128xf32, #tpu.memory_space<hbm>>) dst(%dma_wait3A_9 : memref<640x128xf32, #tpu.memory_space<vmem_shared>>)
      tpu.yield
    }) : () -> ()
    %barrier3A = arith.constant 0 : index
    tpu.barrier barrier_id(%barrier3A)
    %eq3A = arith.constant 0 : i32
    %eq3A_1 = arith.cmpi eq, %arg0, %eq3A : i32
    %convert_element_type3A = arith.extui %eq3A_1 : i1 to i32
    %cond3A = arith.constant 0 : i32
    %cond3A_2 = arith.cmpi ne, %convert_element_type3A, %cond3A : i32
    scf.if %cond3A_2 {
      %mul3A_8 = arith.constant 320 : i32
      %mul3A_9 = arith.muli %arg1, %mul3A_8 : i32
      %scan3A = arith.constant 0 : i32
      %scan3A_10 = arith.constant 10 : i32
      %scan3A_11 = arith.addi %scan3A, %scan3A_10 : i32
      %scan3A_12 = arith.constant 1 : i32
      scf.for %scan3A_17 = %scan3A to %scan3A_11 step %scan3A_12  : i32 {
        %mul3A_18 = arith.constant 1 : i32
        %mul3A_19 = arith.muli %scan3A_17, %mul3A_18 : i32
        %add3A = arith.constant 0 : i32
        %add3A_20 = arith.addi %add3A, %mul3A_19 : i32
        %mul3A_21 = arith.constant 32 : i32
        %mul3A_22 = arith.muli %add3A_20, %mul3A_21 : i32
        %add3A_23 = arith.addi %mul3A_9, %mul3A_22 : i32
        "tpu.region"() ({
          %run_scoped3A = tpu.sem_alloc : memref<!tpu.dma_semaphore, #tpu.memory_space<semaphore_mem>>
          %dma_start3A_139 = arith.constant 0 : i32
          %dma_start3A_140 = tpu.memref_slice %arg4[%add3A_23, %dma_start3A_139] : memref<5120x64xi32, #tpu.memory_space<hbm>> -> memref<32x64xi32, #tpu.memory_space<hbm>>
          %dma_start3A_141 = arith.constant 0 : i32
          %dma_start3A_142 = tpu.memref_slice %arg4[%add3A_23, %dma_start3A_141] : memref<5120x64xi32, #tpu.memory_space<hbm>> -> memref<32x64xi32, #tpu.memory_space<hbm>>
          tpu.enqueue_dma source(%dma_start3A_142 : memref<32x64xi32, #tpu.memory_space<hbm>>) target(%arg9 : memref<32x64xi32, #tpu.memory_space<vmem>>) target_semaphore(%run_scoped3A : memref<!tpu.dma_semaphore, #tpu.memory_space<semaphore_mem>>)
          %dma_wait3A_143 = arith.constant 0 : i32
          %dma_wait3A_144 = tpu.memref_slice %arg4[%add3A_23, %dma_wait3A_143] : memref<5120x64xi32, #tpu.memory_space<hbm>> -> memref<32x64xi32, #tpu.memory_space<hbm>>
          %dma_wait3A_145 = arith.constant 0 : i32
          %dma_wait3A_146 = tpu.memref_slice %arg4[%add3A_23, %dma_wait3A_145] : memref<5120x64xi32, #tpu.memory_space<hbm>> -> memref<32x64xi32, #tpu.memory_space<hbm>>
          tpu.wait_dma2 semaphore(%run_scoped3A : memref<!tpu.dma_semaphore, #tpu.memory_space<semaphore_mem>>) src(%dma_wait3A_146 : memref<32x64xi32, #tpu.memory_space<hbm>>) dst(%arg9 : memref<32x64xi32, #tpu.memory_space<vmem>>)
          tpu.yield
        }) : () -> ()
        "tpu.region"() ({
          %run_scoped3A = tpu.sem_alloc : memref<!tpu.dma_semaphore, #tpu.memory_space<semaphore_mem>>
          %dma_start3A_139 = arith.constant 0 : i32
          %dma_start3A_140 = tpu.memref_slice %arg5[%add3A_23, %dma_start3A_139] : memref<5120x64xi32, #tpu.memory_space<hbm>> -> memref<32x64xi32, #tpu.memory_space<hbm>>
          %dma_start3A_141 = arith.constant 0 : i32
          %dma_start3A_142 = tpu.memref_slice %arg5[%add3A_23, %dma_start3A_141] : memref<5120x64xi32, #tpu.memory_space<hbm>> -> memref<32x64xi32, #tpu.memory_space<hbm>>
          tpu.enqueue_dma source(%dma_start3A_142 : memref<32x64xi32, #tpu.memory_space<hbm>>) target(%arg10 : memref<32x64xi32, #tpu.memory_space<vmem>>) target_semaphore(%run_scoped3A : memref<!tpu.dma_semaphore, #tpu.memory_space<semaphore_mem>>)
          %dma_wait3A_143 = arith.constant 0 : i32
          %dma_wait3A_144 = tpu.memref_slice %arg5[%add3A_23, %dma_wait3A_143] : memref<5120x64xi32, #tpu.memory_space<hbm>> -> memref<32x64xi32, #tpu.memory_space<hbm>>
          %dma_wait3A_145 = arith.constant 0 : i32
          %dma_wait3A_146 = tpu.memref_slice %arg5[%add3A_23, %dma_wait3A_145] : memref<5120x64xi32, #tpu.memory_space<hbm>> -> memref<32x64xi32, #tpu.memory_space<hbm>>
          tpu.wait_dma2 semaphore(%run_scoped3A : memref<!tpu.dma_semaphore, #tpu.memory_space<semaphore_mem>>) src(%dma_wait3A_146 : memref<32x64xi32, #tpu.memory_space<hbm>>) dst(%arg10 : memref<32x64xi32, #tpu.memory_space<vmem>>)
          tpu.yield
        }) : () -> ()
        %dma_start3A = arith.constant 0 : i32
        %dma_start3A_24 = arith.constant 0 : i32
        %dma_start3A_25 = tpu.memref_slice %arg9[%dma_start3A, %dma_start3A_24] : memref<32x64xi32, #tpu.memory_space<vmem>> -> memref<1x64xi32, #tpu.memory_space<vmem>>
        %dma_start3A_26 = tpu.memref_squeeze %dma_start3A_25 : memref<1x64xi32, #tpu.memory_space<vmem>> -> memref<64xi32, #tpu.memory_space<vmem>>
        %dma_start3A_27 = arith.constant 0 : i32
        %dma_start3A_28 = arith.constant 0 : i32
        %dma_start3A_29 = tpu.memref_slice %arg2[%dma_start3A_27, %dma_start3A_28] : memref<10000x128xf32, #tpu.memory_space<hbm>> -> memref<10000x128xf32, #tpu.memory_space<hbm>>
        tpu.enqueue_indirect_dma source(%dma_start3A_29 : memref<10000x128xf32, #tpu.memory_space<hbm>>) target(%arg11 : memref<64x128xf32, #tpu.memory_space<vmem>>) offsets(%dma_start3A_26 : memref<64xi32, #tpu.memory_space<vmem>>) semaphore(%arg15 : memref<!tpu.dma_semaphore, #tpu.memory_space<semaphore_mem>>)
        %dma_start3A_30 = arith.constant 1 : i32
        %dma_start3A_31 = arith.constant 0 : i32
        %dma_start3A_32 = tpu.memref_slice %arg9[%dma_start3A_30, %dma_start3A_31] : memref<32x64xi32, #tpu.memory_space<vmem>> -> memref<1x64xi32, #tpu.memory_space<vmem>>
        %dma_start3A_33 = tpu.memref_squeeze %dma_start3A_32 : memref<1x64xi32, #tpu.memory_space<vmem>> -> memref<64xi32, #tpu.memory_space<vmem>>
        %dma_start3A_34 = arith.constant 0 : i32
        %dma_start3A_35 = arith.constant 0 : i32
        %dma_start3A_36 = tpu.memref_slice %arg2[%dma_start3A_34, %dma_start3A_35] : memref<10000x128xf32, #tpu.memory_space<hbm>> -> memref<10000x128xf32, #tpu.memory_space<hbm>>
        tpu.enqueue_indirect_dma source(%dma_start3A_36 : memref<10000x128xf32, #tpu.memory_space<hbm>>) target(%arg12 : memref<64x128xf32, #tpu.memory_space<vmem>>) offsets(%dma_start3A_33 : memref<64xi32, #tpu.memory_space<vmem>>) semaphore(%arg16 : memref<!tpu.dma_semaphore, #tpu.memory_space<semaphore_mem>>)
        %dma_wait3A = arith.constant 0 : i32
        %dma_wait3A_37 = arith.constant 0 : i32
        %dma_wait3A_38 = tpu.memref_slice %arg9[%dma_wait3A, %dma_wait3A_37] : memref<32x64xi32, #tpu.memory_space<vmem>> -> memref<1x64xi32, #tpu.memory_space<vmem>>
        %dma_wait3A_39 = tpu.memref_squeeze %dma_wait3A_38 : memref<1x64xi32, #tpu.memory_space<vmem>> -> memref<64xi32, #tpu.memory_space<vmem>>
        %dma_wait3A_40 = arith.constant 0 : i32
        %dma_wait3A_41 = arith.constant 0 : i32
        %dma_wait3A_42 = tpu.memref_slice %arg2[%dma_wait3A_40, %dma_wait3A_41] : memref<10000x128xf32, #tpu.memory_space<hbm>> -> memref<10000x128xf32, #tpu.memory_space<hbm>>
        tpu.wait_indirect_dma semaphore(%arg15 : memref<!tpu.dma_semaphore, #tpu.memory_space<semaphore_mem>>) src(%dma_wait3A_42 : memref<10000x128xf32, #tpu.memory_space<hbm>>) dst(%arg11 : memref<64x128xf32, #tpu.memory_space<vmem>>)
        %dma_start3A_43 = arith.constant 0 : i32
        %dma_start3A_44 = arith.constant 0 : i32
        %dma_start3A_45 = tpu.memref_slice %arg10[%dma_start3A_43, %dma_start3A_44] : memref<32x64xi32, #tpu.memory_space<vmem>> -> memref<1x64xi32, #tpu.memory_space<vmem>>
        %dma_start3A_46 = tpu.memref_squeeze %dma_start3A_45 : memref<1x64xi32, #tpu.memory_space<vmem>> -> memref<64xi32, #tpu.memory_space<vmem>>
        %dma_start3A_47 = arith.constant 0 : i32
        %dma_start3A_48 = arith.constant 0 : i32
        %dma_start3A_49 = tpu.memref_slice %arg23[%dma_start3A_47, %dma_start3A_48] : memref<10240x128xf32, #tpu.memory_space<vmem_shared>> -> memref<10240x128xf32, #tpu.memory_space<vmem_shared>>
        tpu.enqueue_indirect_dma source(%arg11 : memref<64x128xf32, #tpu.memory_space<vmem>>) target(%dma_start3A_49 : memref<10240x128xf32, #tpu.memory_space<vmem_shared>>) offsets(%dma_start3A_46 : memref<64xi32, #tpu.memory_space<vmem>>) semaphore(%arg19 : memref<!tpu.dma_semaphore, #tpu.memory_space<semaphore_mem>>) {add = true}
        %dma_start3A_50 = arith.constant 2 : i32
        %dma_start3A_51 = arith.constant 0 : i32
        %dma_start3A_52 = tpu.memref_slice %arg9[%dma_start3A_50, %dma_start3A_51] : memref<32x64xi32, #tpu.memory_space<vmem>> -> memref<1x64xi32, #tpu.memory_space<vmem>>
        %dma_start3A_53 = tpu.memref_squeeze %dma_start3A_52 : memref<1x64xi32, #tpu.memory_space<vmem>> -> memref<64xi32, #tpu.memory_space<vmem>>
        %dma_start3A_54 = arith.constant 0 : i32
        %dma_start3A_55 = arith.constant 0 : i32
        %dma_start3A_56 = tpu.memref_slice %arg2[%dma_start3A_54, %dma_start3A_55] : memref<10000x128xf32, #tpu.memory_space<hbm>> -> memref<10000x128xf32, #tpu.memory_space<hbm>>
        tpu.enqueue_indirect_dma source(%dma_start3A_56 : memref<10000x128xf32, #tpu.memory_space<hbm>>) target(%arg13 : memref<64x128xf32, #tpu.memory_space<vmem>>) offsets(%dma_start3A_53 : memref<64xi32, #tpu.memory_space<vmem>>) semaphore(%arg17 : memref<!tpu.dma_semaphore, #tpu.memory_space<semaphore_mem>>)
        %dma_wait3A_57 = arith.constant 1 : i32
        %dma_wait3A_58 = arith.constant 0 : i32
        %dma_wait3A_59 = tpu.memref_slice %arg9[%dma_wait3A_57, %dma_wait3A_58] : memref<32x64xi32, #tpu.memory_space<vmem>> -> memref<1x64xi32, #tpu.memory_space<vmem>>
        %dma_wait3A_60 = tpu.memref_squeeze %dma_wait3A_59 : memref<1x64xi32, #tpu.memory_space<vmem>> -> memref<64xi32, #tpu.memory_space<vmem>>
        %dma_wait3A_61 = arith.constant 0 : i32
        %dma_wait3A_62 = arith.constant 0 : i32
        %dma_wait3A_63 = tpu.memref_slice %arg2[%dma_wait3A_61, %dma_wait3A_62] : memref<10000x128xf32, #tpu.memory_space<hbm>> -> memref<10000x128xf32, #tpu.memory_space<hbm>>
        tpu.wait_indirect_dma semaphore(%arg16 : memref<!tpu.dma_semaphore, #tpu.memory_space<semaphore_mem>>) src(%dma_wait3A_63 : memref<10000x128xf32, #tpu.memory_space<hbm>>) dst(%arg12 : memref<64x128xf32, #tpu.memory_space<vmem>>)
        %dma_start3A_64 = arith.constant 1 : i32
        %dma_start3A_65 = arith.constant 0 : i32
        %dma_start3A_66 = tpu.memref_slice %arg10[%dma_start3A_64, %dma_start3A_65] : memref<32x64xi32, #tpu.memory_space<vmem>> -> memref<1x64xi32, #tpu.memory_space<vmem>>
        %dma_start3A_67 = tpu.memref_squeeze %dma_start3A_66 : memref<1x64xi32, #tpu.memory_space<vmem>> -> memref<64xi32, #tpu.memory_space<vmem>>
        %dma_start3A_68 = arith.constant 0 : i32
        %dma_start3A_69 = arith.constant 0 : i32
        %dma_start3A_70 = tpu.memref_slice %arg23[%dma_start3A_68, %dma_start3A_69] : memref<10240x128xf32, #tpu.memory_space<vmem_shared>> -> memref<10240x128xf32, #tpu.memory_space<vmem_shared>>
        tpu.enqueue_indirect_dma source(%arg12 : memref<64x128xf32, #tpu.memory_space<vmem>>) target(%dma_start3A_70 : memref<10240x128xf32, #tpu.memory_space<vmem_shared>>) offsets(%dma_start3A_67 : memref<64xi32, #tpu.memory_space<vmem>>) semaphore(%arg20 : memref<!tpu.dma_semaphore, #tpu.memory_space<semaphore_mem>>) {add = true}
        %dma_start3A_71 = arith.constant 3 : i32
        %dma_start3A_72 = arith.constant 0 : i32
        %dma_start3A_73 = tpu.memref_slice %arg9[%dma_start3A_71, %dma_start3A_72] : memref<32x64xi32, #tpu.memory_space<vmem>> -> memref<1x64xi32, #tpu.memory_space<vmem>>
        %dma_start3A_74 = tpu.memref_squeeze %dma_start3A_73 : memref<1x64xi32, #tpu.memory_space<vmem>> -> memref<64xi32, #tpu.memory_space<vmem>>
        %dma_start3A_75 = arith.constant 0 : i32
        %dma_start3A_76 = arith.constant 0 : i32
        %dma_start3A_77 = tpu.memref_slice %arg2[%dma_start3A_75, %dma_start3A_76] : memref<10000x128xf32, #tpu.memory_space<hbm>> -> memref<10000x128xf32, #tpu.memory_space<hbm>>
        tpu.enqueue_indirect_dma source(%dma_start3A_77 : memref<10000x128xf32, #tpu.memory_space<hbm>>) target(%arg14 : memref<64x128xf32, #tpu.memory_space<vmem>>) offsets(%dma_start3A_74 : memref<64xi32, #tpu.memory_space<vmem>>) semaphore(%arg18 : memref<!tpu.dma_semaphore, #tpu.memory_space<semaphore_mem>>)
        %scan3A_78 = arith.constant 0 : i32
        %scan3A_79 = arith.constant 7 : i32
        %scan3A_80 = arith.addi %scan3A_78, %scan3A_79 : i32
        %scan3A_81 = arith.constant 1 : i32
        scf.for %scan3A_139 = %scan3A_78 to %scan3A_80 step %scan3A_81  : i32 {
          %mul3A_140 = arith.constant 1 : i32
          %mul3A_141 = arith.muli %scan3A_139, %mul3A_140 : i32
          %add3A_142 = arith.constant 0 : i32
          %add3A_143 = arith.addi %add3A_142, %mul3A_141 : i32
          %mul3A_144 = arith.constant 4 : i32
          %mul3A_145 = arith.muli %add3A_143, %mul3A_144 : i32
          %add3A_146 = arith.constant 0 : i32
          %add3A_147 = arith.addi %mul3A_145, %add3A_146 : i32
          %add3A_148 = arith.constant 2 : i32
          %add3A_149 = arith.addi %add3A_147, %add3A_148 : i32
          %dma_wait3A_150 = arith.constant 0 : i32
          %dma_wait3A_151 = tpu.memref_slice %arg9[%add3A_149, %dma_wait3A_150] : memref<32x64xi32, #tpu.memory_space<vmem>> -> memref<1x64xi32, #tpu.memory_space<vmem>>
          %dma_wait3A_152 = tpu.memref_squeeze %dma_wait3A_151 : memref<1x64xi32, #tpu.memory_space<vmem>> -> memref<64xi32, #tpu.memory_space<vmem>>
          %dma_wait3A_153 = arith.constant 0 : i32
          %dma_wait3A_154 = arith.constant 0 : i32
          %dma_wait3A_155 = tpu.memref_slice %arg2[%dma_wait3A_153, %dma_wait3A_154] : memref<10000x128xf32, #tpu.memory_space<hbm>> -> memref<10000x128xf32, #tpu.memory_space<hbm>>
          tpu.wait_indirect_dma semaphore(%arg17 : memref<!tpu.dma_semaphore, #tpu.memory_space<semaphore_mem>>) src(%dma_wait3A_155 : memref<10000x128xf32, #tpu.memory_space<hbm>>) dst(%arg13 : memref<64x128xf32, #tpu.memory_space<vmem>>)
          %dma_start3A_156 = arith.constant 0 : i32
          %dma_start3A_157 = tpu.memref_slice %arg10[%add3A_149, %dma_start3A_156] : memref<32x64xi32, #tpu.memory_space<vmem>> -> memref<1x64xi32, #tpu.memory_space<vmem>>
          %dma_start3A_158 = tpu.memref_squeeze %dma_start3A_157 : memref<1x64xi32, #tpu.memory_space<vmem>> -> memref<64xi32, #tpu.memory_space<vmem>>
          %dma_start3A_159 = arith.constant 0 : i32
          %dma_start3A_160 = arith.constant 0 : i32
          %dma_start3A_161 = tpu.memref_slice %arg23[%dma_start3A_159, %dma_start3A_160] : memref<10240x128xf32, #tpu.memory_space<vmem_shared>> -> memref<10240x128xf32, #tpu.memory_space<vmem_shared>>
          tpu.enqueue_indirect_dma source(%arg13 : memref<64x128xf32, #tpu.memory_space<vmem>>) target(%dma_start3A_161 : memref<10240x128xf32, #tpu.memory_space<vmem_shared>>) offsets(%dma_start3A_158 : memref<64xi32, #tpu.memory_space<vmem>>) semaphore(%arg21 : memref<!tpu.dma_semaphore, #tpu.memory_space<semaphore_mem>>) {add = true}
          %sub3A = arith.constant 2 : i32
          %sub3A_162 = arith.subi %add3A_149, %sub3A : i32
          %dma_wait3A_163 = arith.constant 0 : i32
          %dma_wait3A_164 = tpu.memref_slice %arg10[%sub3A_162, %dma_wait3A_163] : memref<32x64xi32, #tpu.memory_space<vmem>> -> memref<1x64xi32, #tpu.memory_space<vmem>>
          %dma_wait3A_165 = tpu.memref_squeeze %dma_wait3A_164 : memref<1x64xi32, #tpu.memory_space<vmem>> -> memref<64xi32, #tpu.memory_space<vmem>>
          %dma_wait3A_166 = arith.constant 0 : i32
          %dma_wait3A_167 = arith.constant 0 : i32
          %dma_wait3A_168 = tpu.memref_slice %arg23[%dma_wait3A_166, %dma_wait3A_167] : memref<10240x128xf32, #tpu.memory_space<vmem_shared>> -> memref<10240x128xf32, #tpu.memory_space<vmem_shared>>
          tpu.wait_indirect_dma semaphore(%arg19 : memref<!tpu.dma_semaphore, #tpu.memory_space<semaphore_mem>>) src(%arg11 : memref<64x128xf32, #tpu.memory_space<vmem>>) dst(%dma_wait3A_168 : memref<10240x128xf32, #tpu.memory_space<vmem_shared>>)
          %add3A_169 = arith.constant 2 : i32
          %add3A_170 = arith.addi %add3A_149, %add3A_169 : i32
          %dma_start3A_171 = arith.constant 0 : i32
          %dma_start3A_172 = tpu.memref_slice %arg9[%add3A_170, %dma_start3A_171] : memref<32x64xi32, #tpu.memory_space<vmem>> -> memref<1x64xi32, #tpu.memory_space<vmem>>
          %dma_start3A_173 = tpu.memref_squeeze %dma_start3A_172 : memref<1x64xi32, #tpu.memory_space<vmem>> -> memref<64xi32, #tpu.memory_space<vmem>>
          %dma_start3A_174 = arith.constant 0 : i32
          %dma_start3A_175 = arith.constant 0 : i32
          %dma_start3A_176 = tpu.memref_slice %arg2[%dma_start3A_174, %dma_start3A_175] : memref<10000x128xf32, #tpu.memory_space<hbm>> -> memref<10000x128xf32, #tpu.memory_space<hbm>>
          tpu.enqueue_indirect_dma source(%dma_start3A_176 : memref<10000x128xf32, #tpu.memory_space<hbm>>) target(%arg11 : memref<64x128xf32, #tpu.memory_space<vmem>>) offsets(%dma_start3A_173 : memref<64xi32, #tpu.memory_space<vmem>>) semaphore(%arg15 : memref<!tpu.dma_semaphore, #tpu.memory_space<semaphore_mem>>)
          %mul3A_177 = arith.constant 4 : i32
          %mul3A_178 = arith.muli %add3A_143, %mul3A_177 : i32
          %add3A_179 = arith.constant 1 : i32
          %add3A_180 = arith.addi %mul3A_178, %add3A_179 : i32
          %add3A_181 = arith.constant 2 : i32
          %add3A_182 = arith.addi %add3A_180, %add3A_181 : i32
          %dma_wait3A_183 = arith.constant 0 : i32
          %dma_wait3A_184 = tpu.memref_slice %arg9[%add3A_182, %dma_wait3A_183] : memref<32x64xi32, #tpu.memory_space<vmem>> -> memref<1x64xi32, #tpu.memory_space<vmem>>
          %dma_wait3A_185 = tpu.memref_squeeze %dma_wait3A_184 : memref<1x64xi32, #tpu.memory_space<vmem>> -> memref<64xi32, #tpu.memory_space<vmem>>
          %dma_wait3A_186 = arith.constant 0 : i32
          %dma_wait3A_187 = arith.constant 0 : i32
          %dma_wait3A_188 = tpu.memref_slice %arg2[%dma_wait3A_186, %dma_wait3A_187] : memref<10000x128xf32, #tpu.memory_space<hbm>> -> memref<10000x128xf32, #tpu.memory_space<hbm>>
          tpu.wait_indirect_dma semaphore(%arg18 : memref<!tpu.dma_semaphore, #tpu.memory_space<semaphore_mem>>) src(%dma_wait3A_188 : memref<10000x128xf32, #tpu.memory_space<hbm>>) dst(%arg14 : memref<64x128xf32, #tpu.memory_space<vmem>>)
          %dma_start3A_189 = arith.constant 0 : i32
          %dma_start3A_190 = tpu.memref_slice %arg10[%add3A_182, %dma_start3A_189] : memref<32x64xi32, #tpu.memory_space<vmem>> -> memref<1x64xi32, #tpu.memory_space<vmem>>
          %dma_start3A_191 = tpu.memref_squeeze %dma_start3A_190 : memref<1x64xi32, #tpu.memory_space<vmem>> -> memref<64xi32, #tpu.memory_space<vmem>>
          %dma_start3A_192 = arith.constant 0 : i32
          %dma_start3A_193 = arith.constant 0 : i32
          %dma_start3A_194 = tpu.memref_slice %arg23[%dma_start3A_192, %dma_start3A_193] : memref<10240x128xf32, #tpu.memory_space<vmem_shared>> -> memref<10240x128xf32, #tpu.memory_space<vmem_shared>>
          tpu.enqueue_indirect_dma source(%arg14 : memref<64x128xf32, #tpu.memory_space<vmem>>) target(%dma_start3A_194 : memref<10240x128xf32, #tpu.memory_space<vmem_shared>>) offsets(%dma_start3A_191 : memref<64xi32, #tpu.memory_space<vmem>>) semaphore(%arg22 : memref<!tpu.dma_semaphore, #tpu.memory_space<semaphore_mem>>) {add = true}
          %sub3A_195 = arith.constant 2 : i32
          %sub3A_196 = arith.subi %add3A_182, %sub3A_195 : i32
          %dma_wait3A_197 = arith.constant 0 : i32
          %dma_wait3A_198 = tpu.memref_slice %arg10[%sub3A_196, %dma_wait3A_197] : memref<32x64xi32, #tpu.memory_space<vmem>> -> memref<1x64xi32, #tpu.memory_space<vmem>>
          %dma_wait3A_199 = tpu.memref_squeeze %dma_wait3A_198 : memref<1x64xi32, #tpu.memory_space<vmem>> -> memref<64xi32, #tpu.memory_space<vmem>>
          %dma_wait3A_200 = arith.constant 0 : i32
          %dma_wait3A_201 = arith.constant 0 : i32
          %dma_wait3A_202 = tpu.memref_slice %arg23[%dma_wait3A_200, %dma_wait3A_201] : memref<10240x128xf32, #tpu.memory_space<vmem_shared>> -> memref<10240x128xf32, #tpu.memory_space<vmem_shared>>
          tpu.wait_indirect_dma semaphore(%arg20 : memref<!tpu.dma_semaphore, #tpu.memory_space<semaphore_mem>>) src(%arg12 : memref<64x128xf32, #tpu.memory_space<vmem>>) dst(%dma_wait3A_202 : memref<10240x128xf32, #tpu.memory_space<vmem_shared>>)
          %add3A_203 = arith.constant 2 : i32
          %add3A_204 = arith.addi %add3A_182, %add3A_203 : i32
          %dma_start3A_205 = arith.constant 0 : i32
          %dma_start3A_206 = tpu.memref_slice %arg9[%add3A_204, %dma_start3A_205] : memref<32x64xi32, #tpu.memory_space<vmem>> -> memref<1x64xi32, #tpu.memory_space<vmem>>
          %dma_start3A_207 = tpu.memref_squeeze %dma_start3A_206 : memref<1x64xi32, #tpu.memory_space<vmem>> -> memref<64xi32, #tpu.memory_space<vmem>>
          %dma_start3A_208 = arith.constant 0 : i32
          %dma_start3A_209 = arith.constant 0 : i32
          %dma_start3A_210 = tpu.memref_slice %arg2[%dma_start3A_208, %dma_start3A_209] : memref<10000x128xf32, #tpu.memory_space<hbm>> -> memref<10000x128xf32, #tpu.memory_space<hbm>>
          tpu.enqueue_indirect_dma source(%dma_start3A_210 : memref<10000x128xf32, #tpu.memory_space<hbm>>) target(%arg12 : memref<64x128xf32, #tpu.memory_space<vmem>>) offsets(%dma_start3A_207 : memref<64xi32, #tpu.memory_space<vmem>>) semaphore(%arg16 : memref<!tpu.dma_semaphore, #tpu.memory_space<semaphore_mem>>)
          %mul3A_211 = arith.constant 4 : i32
          %mul3A_212 = arith.muli %add3A_143, %mul3A_211 : i32
          %add3A_213 = arith.constant 2 : i32
          %add3A_214 = arith.addi %mul3A_212, %add3A_213 : i32
          %add3A_215 = arith.constant 2 : i32
          %add3A_216 = arith.addi %add3A_214, %add3A_215 : i32
          %dma_wait3A_217 = arith.constant 0 : i32
          %dma_wait3A_218 = tpu.memref_slice %arg9[%add3A_216, %dma_wait3A_217] : memref<32x64xi32, #tpu.memory_space<vmem>> -> memref<1x64xi32, #tpu.memory_space<vmem>>
          %dma_wait3A_219 = tpu.memref_squeeze %dma_wait3A_218 : memref<1x64xi32, #tpu.memory_space<vmem>> -> memref<64xi32, #tpu.memory_space<vmem>>
          %dma_wait3A_220 = arith.constant 0 : i32
          %dma_wait3A_221 = arith.constant 0 : i32
          %dma_wait3A_222 = tpu.memref_slice %arg2[%dma_wait3A_220, %dma_wait3A_221] : memref<10000x128xf32, #tpu.memory_space<hbm>> -> memref<10000x128xf32, #tpu.memory_space<hbm>>
          tpu.wait_indirect_dma semaphore(%arg15 : memref<!tpu.dma_semaphore, #tpu.memory_space<semaphore_mem>>) src(%dma_wait3A_222 : memref<10000x128xf32, #tpu.memory_space<hbm>>) dst(%arg11 : memref<64x128xf32, #tpu.memory_space<vmem>>)
          %dma_start3A_223 = arith.constant 0 : i32
          %dma_start3A_224 = tpu.memref_slice %arg10[%add3A_216, %dma_start3A_223] : memref<32x64xi32, #tpu.memory_space<vmem>> -> memref<1x64xi32, #tpu.memory_space<vmem>>
          %dma_start3A_225 = tpu.memref_squeeze %dma_start3A_224 : memref<1x64xi32, #tpu.memory_space<vmem>> -> memref<64xi32, #tpu.memory_space<vmem>>
          %dma_start3A_226 = arith.constant 0 : i32
          %dma_start3A_227 = arith.constant 0 : i32
          %dma_start3A_228 = tpu.memref_slice %arg23[%dma_start3A_226, %dma_start3A_227] : memref<10240x128xf32, #tpu.memory_space<vmem_shared>> -> memref<10240x128xf32, #tpu.memory_space<vmem_shared>>
          tpu.enqueue_indirect_dma source(%arg11 : memref<64x128xf32, #tpu.memory_space<vmem>>) target(%dma_start3A_228 : memref<10240x128xf32, #tpu.memory_space<vmem_shared>>) offsets(%dma_start3A_225 : memref<64xi32, #tpu.memory_space<vmem>>) semaphore(%arg19 : memref<!tpu.dma_semaphore, #tpu.memory_space<semaphore_mem>>) {add = true}
          %sub3A_229 = arith.constant 2 : i32
          %sub3A_230 = arith.subi %add3A_216, %sub3A_229 : i32
          %dma_wait3A_231 = arith.constant 0 : i32
          %dma_wait3A_232 = tpu.memref_slice %arg10[%sub3A_230, %dma_wait3A_231] : memref<32x64xi32, #tpu.memory_space<vmem>> -> memref<1x64xi32, #tpu.memory_space<vmem>>
          %dma_wait3A_233 = tpu.memref_squeeze %dma_wait3A_232 : memref<1x64xi32, #tpu.memory_space<vmem>> -> memref<64xi32, #tpu.memory_space<vmem>>
          %dma_wait3A_234 = arith.constant 0 : i32
          %dma_wait3A_235 = arith.constant 0 : i32
          %dma_wait3A_236 = tpu.memref_slice %arg23[%dma_wait3A_234, %dma_wait3A_235] : memref<10240x128xf32, #tpu.memory_space<vmem_shared>> -> memref<10240x128xf32, #tpu.memory_space<vmem_shared>>
          tpu.wait_indirect_dma semaphore(%arg21 : memref<!tpu.dma_semaphore, #tpu.memory_space<semaphore_mem>>) src(%arg13 : memref<64x128xf32, #tpu.memory_space<vmem>>) dst(%dma_wait3A_236 : memref<10240x128xf32, #tpu.memory_space<vmem_shared>>)
          %add3A_237 = arith.constant 2 : i32
          %add3A_238 = arith.addi %add3A_216, %add3A_237 : i32
          %dma_start3A_239 = arith.constant 0 : i32
          %dma_start3A_240 = tpu.memref_slice %arg9[%add3A_238, %dma_start3A_239] : memref<32x64xi32, #tpu.memory_space<vmem>> -> memref<1x64xi32, #tpu.memory_space<vmem>>
          %dma_start3A_241 = tpu.memref_squeeze %dma_start3A_240 : memref<1x64xi32, #tpu.memory_space<vmem>> -> memref<64xi32, #tpu.memory_space<vmem>>
          %dma_start3A_242 = arith.constant 0 : i32
          %dma_start3A_243 = arith.constant 0 : i32
          %dma_start3A_244 = tpu.memref_slice %arg2[%dma_start3A_242, %dma_start3A_243] : memref<10000x128xf32, #tpu.memory_space<hbm>> -> memref<10000x128xf32, #tpu.memory_space<hbm>>
          tpu.enqueue_indirect_dma source(%dma_start3A_244 : memref<10000x128xf32, #tpu.memory_space<hbm>>) target(%arg13 : memref<64x128xf32, #tpu.memory_space<vmem>>) offsets(%dma_start3A_241 : memref<64xi32, #tpu.memory_space<vmem>>) semaphore(%arg17 : memref<!tpu.dma_semaphore, #tpu.memory_space<semaphore_mem>>)
          %mul3A_245 = arith.constant 4 : i32
          %mul3A_246 = arith.muli %add3A_143, %mul3A_245 : i32
          %add3A_247 = arith.constant 3 : i32
          %add3A_248 = arith.addi %mul3A_246, %add3A_247 : i32
          %add3A_249 = arith.constant 2 : i32
          %add3A_250 = arith.addi %add3A_248, %add3A_249 : i32
          %dma_wait3A_251 = arith.constant 0 : i32
          %dma_wait3A_252 = tpu.memref_slice %arg9[%add3A_250, %dma_wait3A_251] : memref<32x64xi32, #tpu.memory_space<vmem>> -> memref<1x64xi32, #tpu.memory_space<vmem>>
          %dma_wait3A_253 = tpu.memref_squeeze %dma_wait3A_252 : memref<1x64xi32, #tpu.memory_space<vmem>> -> memref<64xi32, #tpu.memory_space<vmem>>
          %dma_wait3A_254 = arith.constant 0 : i32
          %dma_wait3A_255 = arith.constant 0 : i32
          %dma_wait3A_256 = tpu.memref_slice %arg2[%dma_wait3A_254, %dma_wait3A_255] : memref<10000x128xf32, #tpu.memory_space<hbm>> -> memref<10000x128xf32, #tpu.memory_space<hbm>>
          tpu.wait_indirect_dma semaphore(%arg16 : memref<!tpu.dma_semaphore, #tpu.memory_space<semaphore_mem>>) src(%dma_wait3A_256 : memref<10000x128xf32, #tpu.memory_space<hbm>>) dst(%arg12 : memref<64x128xf32, #tpu.memory_space<vmem>>)
          %dma_start3A_257 = arith.constant 0 : i32
          %dma_start3A_258 = tpu.memref_slice %arg10[%add3A_250, %dma_start3A_257] : memref<32x64xi32, #tpu.memory_space<vmem>> -> memref<1x64xi32, #tpu.memory_space<vmem>>
          %dma_start3A_259 = tpu.memref_squeeze %dma_start3A_258 : memref<1x64xi32, #tpu.memory_space<vmem>> -> memref<64xi32, #tpu.memory_space<vmem>>
          %dma_start3A_260 = arith.constant 0 : i32
          %dma_start3A_261 = arith.constant 0 : i32
          %dma_start3A_262 = tpu.memref_slice %arg23[%dma_start3A_260, %dma_start3A_261] : memref<10240x128xf32, #tpu.memory_space<vmem_shared>> -> memref<10240x128xf32, #tpu.memory_space<vmem_shared>>
          tpu.enqueue_indirect_dma source(%arg12 : memref<64x128xf32, #tpu.memory_space<vmem>>) target(%dma_start3A_262 : memref<10240x128xf32, #tpu.memory_space<vmem_shared>>) offsets(%dma_start3A_259 : memref<64xi32, #tpu.memory_space<vmem>>) semaphore(%arg20 : memref<!tpu.dma_semaphore, #tpu.memory_space<semaphore_mem>>) {add = true}
          %sub3A_263 = arith.constant 2 : i32
          %sub3A_264 = arith.subi %add3A_250, %sub3A_263 : i32
          %dma_wait3A_265 = arith.constant 0 : i32
          %dma_wait3A_266 = tpu.memref_slice %arg10[%sub3A_264, %dma_wait3A_265] : memref<32x64xi32, #tpu.memory_space<vmem>> -> memref<1x64xi32, #tpu.memory_space<vmem>>
          %dma_wait3A_267 = tpu.memref_squeeze %dma_wait3A_266 : memref<1x64xi32, #tpu.memory_space<vmem>> -> memref<64xi32, #tpu.memory_space<vmem>>
          %dma_wait3A_268 = arith.constant 0 : i32
          %dma_wait3A_269 = arith.constant 0 : i32
          %dma_wait3A_270 = tpu.memref_slice %arg23[%dma_wait3A_268, %dma_wait3A_269] : memref<10240x128xf32, #tpu.memory_space<vmem_shared>> -> memref<10240x128xf32, #tpu.memory_space<vmem_shared>>
          tpu.wait_indirect_dma semaphore(%arg22 : memref<!tpu.dma_semaphore, #tpu.memory_space<semaphore_mem>>) src(%arg14 : memref<64x128xf32, #tpu.memory_space<vmem>>) dst(%dma_wait3A_270 : memref<10240x128xf32, #tpu.memory_space<vmem_shared>>)
          %add3A_271 = arith.constant 2 : i32
          %add3A_272 = arith.addi %add3A_250, %add3A_271 : i32
          %dma_start3A_273 = arith.constant 0 : i32
          %dma_start3A_274 = tpu.memref_slice %arg9[%add3A_272, %dma_start3A_273] : memref<32x64xi32, #tpu.memory_space<vmem>> -> memref<1x64xi32, #tpu.memory_space<vmem>>
          %dma_start3A_275 = tpu.memref_squeeze %dma_start3A_274 : memref<1x64xi32, #tpu.memory_space<vmem>> -> memref<64xi32, #tpu.memory_space<vmem>>
          %dma_start3A_276 = arith.constant 0 : i32
          %dma_start3A_277 = arith.constant 0 : i32
          %dma_start3A_278 = tpu.memref_slice %arg2[%dma_start3A_276, %dma_start3A_277] : memref<10000x128xf32, #tpu.memory_space<hbm>> -> memref<10000x128xf32, #tpu.memory_space<hbm>>
          tpu.enqueue_indirect_dma source(%dma_start3A_278 : memref<10000x128xf32, #tpu.memory_space<hbm>>) target(%arg14 : memref<64x128xf32, #tpu.memory_space<vmem>>) offsets(%dma_start3A_275 : memref<64xi32, #tpu.memory_space<vmem>>) semaphore(%arg18 : memref<!tpu.dma_semaphore, #tpu.memory_space<semaphore_mem>>)
        }
        %scan3A_82 = arith.constant 7 : i32
        %dma_wait3A_83 = arith.constant 30 : i32
        %dma_wait3A_84 = arith.constant 0 : i32
        %dma_wait3A_85 = tpu.memref_slice %arg9[%dma_wait3A_83, %dma_wait3A_84] : memref<32x64xi32, #tpu.memory_space<vmem>> -> memref<1x64xi32, #tpu.memory_space<vmem>>
        %dma_wait3A_86 = tpu.memref_squeeze %dma_wait3A_85 : memref<1x64xi32, #tpu.memory_space<vmem>> -> memref<64xi32, #tpu.memory_space<vmem>>
        %dma_wait3A_87 = arith.constant 0 : i32
        %dma_wait3A_88 = arith.constant 0 : i32
        %dma_wait3A_89 = tpu.memref_slice %arg2[%dma_wait3A_87, %dma_wait3A_88] : memref<10000x128xf32, #tpu.memory_space<hbm>> -> memref<10000x128xf32, #tpu.memory_space<hbm>>
        tpu.wait_indirect_dma semaphore(%arg17 : memref<!tpu.dma_semaphore, #tpu.memory_space<semaphore_mem>>) src(%dma_wait3A_89 : memref<10000x128xf32, #tpu.memory_space<hbm>>) dst(%arg13 : memref<64x128xf32, #tpu.memory_space<vmem>>)
        %dma_start3A_90 = arith.constant 30 : i32
        %dma_start3A_91 = arith.constant 0 : i32
        %dma_start3A_92 = tpu.memref_slice %arg10[%dma_start3A_90, %dma_start3A_91] : memref<32x64xi32, #tpu.memory_space<vmem>> -> memref<1x64xi32, #tpu.memory_space<vmem>>
        %dma_start3A_93 = tpu.memref_squeeze %dma_start3A_92 : memref<1x64xi32, #tpu.memory_space<vmem>> -> memref<64xi32, #tpu.memory_space<vmem>>
        %dma_start3A_94 = arith.constant 0 : i32
        %dma_start3A_95 = arith.constant 0 : i32
        %dma_start3A_96 = tpu.memref_slice %arg23[%dma_start3A_94, %dma_start3A_95] : memref<10240x128xf32, #tpu.memory_space<vmem_shared>> -> memref<10240x128xf32, #tpu.memory_space<vmem_shared>>
        tpu.enqueue_indirect_dma source(%arg13 : memref<64x128xf32, #tpu.memory_space<vmem>>) target(%dma_start3A_96 : memref<10240x128xf32, #tpu.memory_space<vmem_shared>>) offsets(%dma_start3A_93 : memref<64xi32, #tpu.memory_space<vmem>>) semaphore(%arg21 : memref<!tpu.dma_semaphore, #tpu.memory_space<semaphore_mem>>) {add = true}
        %dma_wait3A_97 = arith.constant 31 : i32
        %dma_wait3A_98 = arith.constant 0 : i32
        %dma_wait3A_99 = tpu.memref_slice %arg9[%dma_wait3A_97, %dma_wait3A_98] : memref<32x64xi32, #tpu.memory_space<vmem>> -> memref<1x64xi32, #tpu.memory_space<vmem>>
        %dma_wait3A_100 = tpu.memref_squeeze %dma_wait3A_99 : memref<1x64xi32, #tpu.memory_space<vmem>> -> memref<64xi32, #tpu.memory_space<vmem>>
        %dma_wait3A_101 = arith.constant 0 : i32
        %dma_wait3A_102 = arith.constant 0 : i32
        %dma_wait3A_103 = tpu.memref_slice %arg2[%dma_wait3A_101, %dma_wait3A_102] : memref<10000x128xf32, #tpu.memory_space<hbm>> -> memref<10000x128xf32, #tpu.memory_space<hbm>>
        tpu.wait_indirect_dma semaphore(%arg18 : memref<!tpu.dma_semaphore, #tpu.memory_space<semaphore_mem>>) src(%dma_wait3A_103 : memref<10000x128xf32, #tpu.memory_space<hbm>>) dst(%arg14 : memref<64x128xf32, #tpu.memory_space<vmem>>)
        %dma_start3A_104 = arith.constant 31 : i32
        %dma_start3A_105 = arith.constant 0 : i32
        %dma_start3A_106 = tpu.memref_slice %arg10[%dma_start3A_104, %dma_start3A_105] : memref<32x64xi32, #tpu.memory_space<vmem>> -> memref<1x64xi32, #tpu.memory_space<vmem>>
        %dma_start3A_107 = tpu.memref_squeeze %dma_start3A_106 : memref<1x64xi32, #tpu.memory_space<vmem>> -> memref<64xi32, #tpu.memory_space<vmem>>
        %dma_start3A_108 = arith.constant 0 : i32
        %dma_start3A_109 = arith.constant 0 : i32
        %dma_start3A_110 = tpu.memref_slice %arg23[%dma_start3A_108, %dma_start3A_109] : memref<10240x128xf32, #tpu.memory_space<vmem_shared>> -> memref<10240x128xf32, #tpu.memory_space<vmem_shared>>
        tpu.enqueue_indirect_dma source(%arg14 : memref<64x128xf32, #tpu.memory_space<vmem>>) target(%dma_start3A_110 : memref<10240x128xf32, #tpu.memory_space<vmem_shared>>) offsets(%dma_start3A_107 : memref<64xi32, #tpu.memory_space<vmem>>) semaphore(%arg22 : memref<!tpu.dma_semaphore, #tpu.memory_space<semaphore_mem>>) {add = true}
        %dma_wait3A_111 = arith.constant 28 : i32
        %dma_wait3A_112 = arith.constant 0 : i32
        %dma_wait3A_113 = tpu.memref_slice %arg10[%dma_wait3A_111, %dma_wait3A_112] : memref<32x64xi32, #tpu.memory_space<vmem>> -> memref<1x64xi32, #tpu.memory_space<vmem>>
        %dma_wait3A_114 = tpu.memref_squeeze %dma_wait3A_113 : memref<1x64xi32, #tpu.memory_space<vmem>> -> memref<64xi32, #tpu.memory_space<vmem>>
        %dma_wait3A_115 = arith.constant 0 : i32
        %dma_wait3A_116 = arith.constant 0 : i32
        %dma_wait3A_117 = tpu.memref_slice %arg23[%dma_wait3A_115, %dma_wait3A_116] : memref<10240x128xf32, #tpu.memory_space<vmem_shared>> -> memref<10240x128xf32, #tpu.memory_space<vmem_shared>>
        tpu.wait_indirect_dma semaphore(%arg19 : memref<!tpu.dma_semaphore, #tpu.memory_space<semaphore_mem>>) src(%arg11 : memref<64x128xf32, #tpu.memory_space<vmem>>) dst(%dma_wait3A_117 : memref<10240x128xf32, #tpu.memory_space<vmem_shared>>)
        %dma_wait3A_118 = arith.constant 29 : i32
        %dma_wait3A_119 = arith.constant 0 : i32
        %dma_wait3A_120 = tpu.memref_slice %arg10[%dma_wait3A_118, %dma_wait3A_119] : memref<32x64xi32, #tpu.memory_space<vmem>> -> memref<1x64xi32, #tpu.memory_space<vmem>>
        %dma_wait3A_121 = tpu.memref_squeeze %dma_wait3A_120 : memref<1x64xi32, #tpu.memory_space<vmem>> -> memref<64xi32, #tpu.memory_space<vmem>>
        %dma_wait3A_122 = arith.constant 0 : i32
        %dma_wait3A_123 = arith.constant 0 : i32
        %dma_wait3A_124 = tpu.memref_slice %arg23[%dma_wait3A_122, %dma_wait3A_123] : memref<10240x128xf32, #tpu.memory_space<vmem_shared>> -> memref<10240x128xf32, #tpu.memory_space<vmem_shared>>
        tpu.wait_indirect_dma semaphore(%arg20 : memref<!tpu.dma_semaphore, #tpu.memory_space<semaphore_mem>>) src(%arg12 : memref<64x128xf32, #tpu.memory_space<vmem>>) dst(%dma_wait3A_124 : memref<10240x128xf32, #tpu.memory_space<vmem_shared>>)
        %dma_wait3A_125 = arith.constant 30 : i32
        %dma_wait3A_126 = arith.constant 0 : i32
        %dma_wait3A_127 = tpu.memref_slice %arg10[%dma_wait3A_125, %dma_wait3A_126] : memref<32x64xi32, #tpu.memory_space<vmem>> -> memref<1x64xi32, #tpu.memory_space<vmem>>
        %dma_wait3A_128 = tpu.memref_squeeze %dma_wait3A_127 : memref<1x64xi32, #tpu.memory_space<vmem>> -> memref<64xi32, #tpu.memory_space<vmem>>
        %dma_wait3A_129 = arith.constant 0 : i32
        %dma_wait3A_130 = arith.constant 0 : i32
        %dma_wait3A_131 = tpu.memref_slice %arg23[%dma_wait3A_129, %dma_wait3A_130] : memref<10240x128xf32, #tpu.memory_space<vmem_shared>> -> memref<10240x128xf32, #tpu.memory_space<vmem_shared>>
        tpu.wait_indirect_dma semaphore(%arg21 : memref<!tpu.dma_semaphore, #tpu.memory_space<semaphore_mem>>) src(%arg13 : memref<64x128xf32, #tpu.memory_space<vmem>>) dst(%dma_wait3A_131 : memref<10240x128xf32, #tpu.memory_space<vmem_shared>>)
        %dma_wait3A_132 = arith.constant 31 : i32
        %dma_wait3A_133 = arith.constant 0 : i32
        %dma_wait3A_134 = tpu.memref_slice %arg10[%dma_wait3A_132, %dma_wait3A_133] : memref<32x64xi32, #tpu.memory_space<vmem>> -> memref<1x64xi32, #tpu.memory_space<vmem>>
        %dma_wait3A_135 = tpu.memref_squeeze %dma_wait3A_134 : memref<1x64xi32, #tpu.memory_space<vmem>> -> memref<64xi32, #tpu.memory_space<vmem>>
        %dma_wait3A_136 = arith.constant 0 : i32
        %dma_wait3A_137 = arith.constant 0 : i32
        %dma_wait3A_138 = tpu.memref_slice %arg23[%dma_wait3A_136, %dma_wait3A_137] : memref<10240x128xf32, #tpu.memory_space<vmem_shared>> -> memref<10240x128xf32, #tpu.memory_space<vmem_shared>>
        tpu.wait_indirect_dma semaphore(%arg22 : memref<!tpu.dma_semaphore, #tpu.memory_space<semaphore_mem>>) src(%arg14 : memref<64x128xf32, #tpu.memory_space<vmem>>) dst(%dma_wait3A_138 : memref<10240x128xf32, #tpu.memory_space<vmem_shared>>)
      }
      %scan3A_13 = arith.constant 10 : i32
      %barrier3A_14 = arith.constant 0 : index
      tpu.barrier barrier_id(%barrier3A_14)
      %mul3A_15 = arith.constant 640 : i32
      %mul3A_16 = arith.muli %arg1, %mul3A_15 : i32
      "tpu.region"() ({
        %run_scoped3A = tpu.sem_alloc : memref<!tpu.dma_semaphore, #tpu.memory_space<semaphore_mem>>
        %dma_start3A = arith.constant 0 : i32
        %dma_start3A_17 = tpu.memref_slice %arg7[%mul3A_16, %dma_start3A] : memref<10240x128xf32, #tpu.memory_space<hbm>> -> memref<640x128xf32, #tpu.memory_space<hbm>>
        %dma_start3A_18 = arith.constant 0 : i32
        %dma_start3A_19 = tpu.memref_slice %arg23[%mul3A_16, %dma_start3A_18] : memref<10240x128xf32, #tpu.memory_space<vmem_shared>> -> memref<640x128xf32, #tpu.memory_space<vmem_shared>>
        tpu.enqueue_dma source(%dma_start3A_19 : memref<640x128xf32, #tpu.memory_space<vmem_shared>>) target(%dma_start3A_17 : memref<640x128xf32, #tpu.memory_space<hbm>>) target_semaphore(%run_scoped3A : memref<!tpu.dma_semaphore, #tpu.memory_space<semaphore_mem>>)
        %dma_wait3A = arith.constant 0 : i32
        %dma_wait3A_20 = tpu.memref_slice %arg7[%mul3A_16, %dma_wait3A] : memref<10240x128xf32, #tpu.memory_space<hbm>> -> memref<640x128xf32, #tpu.memory_space<hbm>>
        %dma_wait3A_21 = arith.constant 0 : i32
        %dma_wait3A_22 = tpu.memref_slice %arg23[%mul3A_16, %dma_wait3A_21] : memref<10240x128xf32, #tpu.memory_space<vmem_shared>> -> memref<640x128xf32, #tpu.memory_space<vmem_shared>>
        tpu.wait_dma2 semaphore(%run_scoped3A : memref<!tpu.dma_semaphore, #tpu.memory_space<semaphore_mem>>) src(%dma_wait3A_22 : memref<640x128xf32, #tpu.memory_space<vmem_shared>>) dst(%dma_wait3A_20 : memref<640x128xf32, #tpu.memory_space<hbm>>)
        tpu.yield
      }) : () -> ()
    } else {
    }
    %eq3A_3 = arith.constant 1 : i32
    %eq3A_4 = arith.cmpi eq, %arg0, %eq3A_3 : i32
    %convert_element_type3A_5 = arith.extui %eq3A_4 : i1 to i32
    %cond3A_6 = arith.constant 0 : i32
    %cond3A_7 = arith.cmpi ne, %convert_element_type3A_5, %cond3A_6 : i32
    scf.if %cond3A_7 {
      %mul3A_8 = arith.constant 320 : i32
      %mul3A_9 = arith.muli %arg1, %mul3A_8 : i32
      %scan3A = arith.constant 0 : i32
      %scan3A_10 = arith.constant 10 : i32
      %scan3A_11 = arith.addi %scan3A, %scan3A_10 : i32
      %scan3A_12 = arith.constant 1 : i32
      scf.for %scan3A_17 = %scan3A to %scan3A_11 step %scan3A_12  : i32 {
        %mul3A_18 = arith.constant 1 : i32
        %mul3A_19 = arith.muli %scan3A_17, %mul3A_18 : i32
        %add3A = arith.constant 0 : i32
        %add3A_20 = arith.addi %add3A, %mul3A_19 : i32
        %mul3A_21 = arith.constant 32 : i32
        %mul3A_22 = arith.muli %add3A_20, %mul3A_21 : i32
        %add3A_23 = arith.addi %mul3A_9, %mul3A_22 : i32
        "tpu.region"() ({
          %run_scoped3A = tpu.sem_alloc : memref<!tpu.dma_semaphore, #tpu.memory_space<semaphore_mem>>
          %dma_start3A_139 = arith.constant 0 : i32
          %dma_start3A_140 = tpu.memref_slice %arg4[%add3A_23, %dma_start3A_139] : memref<5120x64xi32, #tpu.memory_space<hbm>> -> memref<32x64xi32, #tpu.memory_space<hbm>>
          %dma_start3A_141 = arith.constant 0 : i32
          %dma_start3A_142 = tpu.memref_slice %arg4[%add3A_23, %dma_start3A_141] : memref<5120x64xi32, #tpu.memory_space<hbm>> -> memref<32x64xi32, #tpu.memory_space<hbm>>
          tpu.enqueue_dma source(%dma_start3A_142 : memref<32x64xi32, #tpu.memory_space<hbm>>) target(%arg9 : memref<32x64xi32, #tpu.memory_space<vmem>>) target_semaphore(%run_scoped3A : memref<!tpu.dma_semaphore, #tpu.memory_space<semaphore_mem>>)
          %dma_wait3A_143 = arith.constant 0 : i32
          %dma_wait3A_144 = tpu.memref_slice %arg4[%add3A_23, %dma_wait3A_143] : memref<5120x64xi32, #tpu.memory_space<hbm>> -> memref<32x64xi32, #tpu.memory_space<hbm>>
          %dma_wait3A_145 = arith.constant 0 : i32
          %dma_wait3A_146 = tpu.memref_slice %arg4[%add3A_23, %dma_wait3A_145] : memref<5120x64xi32, #tpu.memory_space<hbm>> -> memref<32x64xi32, #tpu.memory_space<hbm>>
          tpu.wait_dma2 semaphore(%run_scoped3A : memref<!tpu.dma_semaphore, #tpu.memory_space<semaphore_mem>>) src(%dma_wait3A_146 : memref<32x64xi32, #tpu.memory_space<hbm>>) dst(%arg9 : memref<32x64xi32, #tpu.memory_space<vmem>>)
          tpu.yield
        }) : () -> ()
        "tpu.region"() ({
          %run_scoped3A = tpu.sem_alloc : memref<!tpu.dma_semaphore, #tpu.memory_space<semaphore_mem>>
          %dma_start3A_139 = arith.constant 0 : i32
          %dma_start3A_140 = tpu.memref_slice %arg5[%add3A_23, %dma_start3A_139] : memref<5120x64xi32, #tpu.memory_space<hbm>> -> memref<32x64xi32, #tpu.memory_space<hbm>>
          %dma_start3A_141 = arith.constant 0 : i32
          %dma_start3A_142 = tpu.memref_slice %arg5[%add3A_23, %dma_start3A_141] : memref<5120x64xi32, #tpu.memory_space<hbm>> -> memref<32x64xi32, #tpu.memory_space<hbm>>
          tpu.enqueue_dma source(%dma_start3A_142 : memref<32x64xi32, #tpu.memory_space<hbm>>) target(%arg10 : memref<32x64xi32, #tpu.memory_space<vmem>>) target_semaphore(%run_scoped3A : memref<!tpu.dma_semaphore, #tpu.memory_space<semaphore_mem>>)
          %dma_wait3A_143 = arith.constant 0 : i32
          %dma_wait3A_144 = tpu.memref_slice %arg5[%add3A_23, %dma_wait3A_143] : memref<5120x64xi32, #tpu.memory_space<hbm>> -> memref<32x64xi32, #tpu.memory_space<hbm>>
          %dma_wait3A_145 = arith.constant 0 : i32
          %dma_wait3A_146 = tpu.memref_slice %arg5[%add3A_23, %dma_wait3A_145] : memref<5120x64xi32, #tpu.memory_space<hbm>> -> memref<32x64xi32, #tpu.memory_space<hbm>>
          tpu.wait_dma2 semaphore(%run_scoped3A : memref<!tpu.dma_semaphore, #tpu.memory_space<semaphore_mem>>) src(%dma_wait3A_146 : memref<32x64xi32, #tpu.memory_space<hbm>>) dst(%arg10 : memref<32x64xi32, #tpu.memory_space<vmem>>)
          tpu.yield
        }) : () -> ()
        %dma_start3A = arith.constant 0 : i32
        %dma_start3A_24 = arith.constant 0 : i32
        %dma_start3A_25 = tpu.memref_slice %arg9[%dma_start3A, %dma_start3A_24] : memref<32x64xi32, #tpu.memory_space<vmem>> -> memref<1x64xi32, #tpu.memory_space<vmem>>
        %dma_start3A_26 = tpu.memref_squeeze %dma_start3A_25 : memref<1x64xi32, #tpu.memory_space<vmem>> -> memref<64xi32, #tpu.memory_space<vmem>>
        %dma_start3A_27 = arith.constant 0 : i32
        %dma_start3A_28 = arith.constant 0 : i32
        %dma_start3A_29 = tpu.memref_slice %arg3[%dma_start3A_27, %dma_start3A_28] : memref<10000x128xf32, #tpu.memory_space<hbm>> -> memref<10000x128xf32, #tpu.memory_space<hbm>>
        tpu.enqueue_indirect_dma source(%dma_start3A_29 : memref<10000x128xf32, #tpu.memory_space<hbm>>) target(%arg11 : memref<64x128xf32, #tpu.memory_space<vmem>>) offsets(%dma_start3A_26 : memref<64xi32, #tpu.memory_space<vmem>>) semaphore(%arg15 : memref<!tpu.dma_semaphore, #tpu.memory_space<semaphore_mem>>)
        %dma_start3A_30 = arith.constant 1 : i32
        %dma_start3A_31 = arith.constant 0 : i32
        %dma_start3A_32 = tpu.memref_slice %arg9[%dma_start3A_30, %dma_start3A_31] : memref<32x64xi32, #tpu.memory_space<vmem>> -> memref<1x64xi32, #tpu.memory_space<vmem>>
        %dma_start3A_33 = tpu.memref_squeeze %dma_start3A_32 : memref<1x64xi32, #tpu.memory_space<vmem>> -> memref<64xi32, #tpu.memory_space<vmem>>
        %dma_start3A_34 = arith.constant 0 : i32
        %dma_start3A_35 = arith.constant 0 : i32
        %dma_start3A_36 = tpu.memref_slice %arg3[%dma_start3A_34, %dma_start3A_35] : memref<10000x128xf32, #tpu.memory_space<hbm>> -> memref<10000x128xf32, #tpu.memory_space<hbm>>
        tpu.enqueue_indirect_dma source(%dma_start3A_36 : memref<10000x128xf32, #tpu.memory_space<hbm>>) target(%arg12 : memref<64x128xf32, #tpu.memory_space<vmem>>) offsets(%dma_start3A_33 : memref<64xi32, #tpu.memory_space<vmem>>) semaphore(%arg16 : memref<!tpu.dma_semaphore, #tpu.memory_space<semaphore_mem>>)
        %dma_wait3A = arith.constant 0 : i32
        %dma_wait3A_37 = arith.constant 0 : i32
        %dma_wait3A_38 = tpu.memref_slice %arg9[%dma_wait3A, %dma_wait3A_37] : memref<32x64xi32, #tpu.memory_space<vmem>> -> memref<1x64xi32, #tpu.memory_space<vmem>>
        %dma_wait3A_39 = tpu.memref_squeeze %dma_wait3A_38 : memref<1x64xi32, #tpu.memory_space<vmem>> -> memref<64xi32, #tpu.memory_space<vmem>>
        %dma_wait3A_40 = arith.constant 0 : i32
        %dma_wait3A_41 = arith.constant 0 : i32
        %dma_wait3A_42 = tpu.memref_slice %arg3[%dma_wait3A_40, %dma_wait3A_41] : memref<10000x128xf32, #tpu.memory_space<hbm>> -> memref<10000x128xf32, #tpu.memory_space<hbm>>
        tpu.wait_indirect_dma semaphore(%arg15 : memref<!tpu.dma_semaphore, #tpu.memory_space<semaphore_mem>>) src(%dma_wait3A_42 : memref<10000x128xf32, #tpu.memory_space<hbm>>) dst(%arg11 : memref<64x128xf32, #tpu.memory_space<vmem>>)
        %dma_start3A_43 = arith.constant 0 : i32
        %dma_start3A_44 = arith.constant 0 : i32
        %dma_start3A_45 = tpu.memref_slice %arg10[%dma_start3A_43, %dma_start3A_44] : memref<32x64xi32, #tpu.memory_space<vmem>> -> memref<1x64xi32, #tpu.memory_space<vmem>>
        %dma_start3A_46 = tpu.memref_squeeze %dma_start3A_45 : memref<1x64xi32, #tpu.memory_space<vmem>> -> memref<64xi32, #tpu.memory_space<vmem>>
        %dma_start3A_47 = arith.constant 0 : i32
        %dma_start3A_48 = arith.constant 0 : i32
        %dma_start3A_49 = tpu.memref_slice %arg23[%dma_start3A_47, %dma_start3A_48] : memref<10240x128xf32, #tpu.memory_space<vmem_shared>> -> memref<10240x128xf32, #tpu.memory_space<vmem_shared>>
        tpu.enqueue_indirect_dma source(%arg11 : memref<64x128xf32, #tpu.memory_space<vmem>>) target(%dma_start3A_49 : memref<10240x128xf32, #tpu.memory_space<vmem_shared>>) offsets(%dma_start3A_46 : memref<64xi32, #tpu.memory_space<vmem>>) semaphore(%arg19 : memref<!tpu.dma_semaphore, #tpu.memory_space<semaphore_mem>>) {add = true}
        %dma_start3A_50 = arith.constant 2 : i32
        %dma_start3A_51 = arith.constant 0 : i32
        %dma_start3A_52 = tpu.memref_slice %arg9[%dma_start3A_50, %dma_start3A_51] : memref<32x64xi32, #tpu.memory_space<vmem>> -> memref<1x64xi32, #tpu.memory_space<vmem>>
        %dma_start3A_53 = tpu.memref_squeeze %dma_start3A_52 : memref<1x64xi32, #tpu.memory_space<vmem>> -> memref<64xi32, #tpu.memory_space<vmem>>
        %dma_start3A_54 = arith.constant 0 : i32
        %dma_start3A_55 = arith.constant 0 : i32
        %dma_start3A_56 = tpu.memref_slice %arg3[%dma_start3A_54, %dma_start3A_55] : memref<10000x128xf32, #tpu.memory_space<hbm>> -> memref<10000x128xf32, #tpu.memory_space<hbm>>
        tpu.enqueue_indirect_dma source(%dma_start3A_56 : memref<10000x128xf32, #tpu.memory_space<hbm>>) target(%arg13 : memref<64x128xf32, #tpu.memory_space<vmem>>) offsets(%dma_start3A_53 : memref<64xi32, #tpu.memory_space<vmem>>) semaphore(%arg17 : memref<!tpu.dma_semaphore, #tpu.memory_space<semaphore_mem>>)
        %dma_wait3A_57 = arith.constant 1 : i32
        %dma_wait3A_58 = arith.constant 0 : i32
        %dma_wait3A_59 = tpu.memref_slice %arg9[%dma_wait3A_57, %dma_wait3A_58] : memref<32x64xi32, #tpu.memory_space<vmem>> -> memref<1x64xi32, #tpu.memory_space<vmem>>
        %dma_wait3A_60 = tpu.memref_squeeze %dma_wait3A_59 : memref<1x64xi32, #tpu.memory_space<vmem>> -> memref<64xi32, #tpu.memory_space<vmem>>
        %dma_wait3A_61 = arith.constant 0 : i32
        %dma_wait3A_62 = arith.constant 0 : i32
        %dma_wait3A_63 = tpu.memref_slice %arg3[%dma_wait3A_61, %dma_wait3A_62] : memref<10000x128xf32, #tpu.memory_space<hbm>> -> memref<10000x128xf32, #tpu.memory_space<hbm>>
        tpu.wait_indirect_dma semaphore(%arg16 : memref<!tpu.dma_semaphore, #tpu.memory_space<semaphore_mem>>) src(%dma_wait3A_63 : memref<10000x128xf32, #tpu.memory_space<hbm>>) dst(%arg12 : memref<64x128xf32, #tpu.memory_space<vmem>>)
        %dma_start3A_64 = arith.constant 1 : i32
        %dma_start3A_65 = arith.constant 0 : i32
        %dma_start3A_66 = tpu.memref_slice %arg10[%dma_start3A_64, %dma_start3A_65] : memref<32x64xi32, #tpu.memory_space<vmem>> -> memref<1x64xi32, #tpu.memory_space<vmem>>
        %dma_start3A_67 = tpu.memref_squeeze %dma_start3A_66 : memref<1x64xi32, #tpu.memory_space<vmem>> -> memref<64xi32, #tpu.memory_space<vmem>>
        %dma_start3A_68 = arith.constant 0 : i32
        %dma_start3A_69 = arith.constant 0 : i32
        %dma_start3A_70 = tpu.memref_slice %arg23[%dma_start3A_68, %dma_start3A_69] : memref<10240x128xf32, #tpu.memory_space<vmem_shared>> -> memref<10240x128xf32, #tpu.memory_space<vmem_shared>>
        tpu.enqueue_indirect_dma source(%arg12 : memref<64x128xf32, #tpu.memory_space<vmem>>) target(%dma_start3A_70 : memref<10240x128xf32, #tpu.memory_space<vmem_shared>>) offsets(%dma_start3A_67 : memref<64xi32, #tpu.memory_space<vmem>>) semaphore(%arg20 : memref<!tpu.dma_semaphore, #tpu.memory_space<semaphore_mem>>) {add = true}
        %dma_start3A_71 = arith.constant 3 : i32
        %dma_start3A_72 = arith.constant 0 : i32
        %dma_start3A_73 = tpu.memref_slice %arg9[%dma_start3A_71, %dma_start3A_72] : memref<32x64xi32, #tpu.memory_space<vmem>> -> memref<1x64xi32, #tpu.memory_space<vmem>>
        %dma_start3A_74 = tpu.memref_squeeze %dma_start3A_73 : memref<1x64xi32, #tpu.memory_space<vmem>> -> memref<64xi32, #tpu.memory_space<vmem>>
        %dma_start3A_75 = arith.constant 0 : i32
        %dma_start3A_76 = arith.constant 0 : i32
        %dma_start3A_77 = tpu.memref_slice %arg3[%dma_start3A_75, %dma_start3A_76] : memref<10000x128xf32, #tpu.memory_space<hbm>> -> memref<10000x128xf32, #tpu.memory_space<hbm>>
        tpu.enqueue_indirect_dma source(%dma_start3A_77 : memref<10000x128xf32, #tpu.memory_space<hbm>>) target(%arg14 : memref<64x128xf32, #tpu.memory_space<vmem>>) offsets(%dma_start3A_74 : memref<64xi32, #tpu.memory_space<vmem>>) semaphore(%arg18 : memref<!tpu.dma_semaphore, #tpu.memory_space<semaphore_mem>>)
        %scan3A_78 = arith.constant 0 : i32
        %scan3A_79 = arith.constant 7 : i32
        %scan3A_80 = arith.addi %scan3A_78, %scan3A_79 : i32
        %scan3A_81 = arith.constant 1 : i32
        scf.for %scan3A_139 = %scan3A_78 to %scan3A_80 step %scan3A_81  : i32 {
          %mul3A_140 = arith.constant 1 : i32
          %mul3A_141 = arith.muli %scan3A_139, %mul3A_140 : i32
          %add3A_142 = arith.constant 0 : i32
          %add3A_143 = arith.addi %add3A_142, %mul3A_141 : i32
          %mul3A_144 = arith.constant 4 : i32
          %mul3A_145 = arith.muli %add3A_143, %mul3A_144 : i32
          %add3A_146 = arith.constant 0 : i32
          %add3A_147 = arith.addi %mul3A_145, %add3A_146 : i32
          %add3A_148 = arith.constant 2 : i32
          %add3A_149 = arith.addi %add3A_147, %add3A_148 : i32
          %dma_wait3A_150 = arith.constant 0 : i32
          %dma_wait3A_151 = tpu.memref_slice %arg9[%add3A_149, %dma_wait3A_150] : memref<32x64xi32, #tpu.memory_space<vmem>> -> memref<1x64xi32, #tpu.memory_space<vmem>>
          %dma_wait3A_152 = tpu.memref_squeeze %dma_wait3A_151 : memref<1x64xi32, #tpu.memory_space<vmem>> -> memref<64xi32, #tpu.memory_space<vmem>>
          %dma_wait3A_153 = arith.constant 0 : i32
          %dma_wait3A_154 = arith.constant 0 : i32
          %dma_wait3A_155 = tpu.memref_slice %arg3[%dma_wait3A_153, %dma_wait3A_154] : memref<10000x128xf32, #tpu.memory_space<hbm>> -> memref<10000x128xf32, #tpu.memory_space<hbm>>
          tpu.wait_indirect_dma semaphore(%arg17 : memref<!tpu.dma_semaphore, #tpu.memory_space<semaphore_mem>>) src(%dma_wait3A_155 : memref<10000x128xf32, #tpu.memory_space<hbm>>) dst(%arg13 : memref<64x128xf32, #tpu.memory_space<vmem>>)
          %dma_start3A_156 = arith.constant 0 : i32
          %dma_start3A_157 = tpu.memref_slice %arg10[%add3A_149, %dma_start3A_156] : memref<32x64xi32, #tpu.memory_space<vmem>> -> memref<1x64xi32, #tpu.memory_space<vmem>>
          %dma_start3A_158 = tpu.memref_squeeze %dma_start3A_157 : memref<1x64xi32, #tpu.memory_space<vmem>> -> memref<64xi32, #tpu.memory_space<vmem>>
          %dma_start3A_159 = arith.constant 0 : i32
          %dma_start3A_160 = arith.constant 0 : i32
          %dma_start3A_161 = tpu.memref_slice %arg23[%dma_start3A_159, %dma_start3A_160] : memref<10240x128xf32, #tpu.memory_space<vmem_shared>> -> memref<10240x128xf32, #tpu.memory_space<vmem_shared>>
          tpu.enqueue_indirect_dma source(%arg13 : memref<64x128xf32, #tpu.memory_space<vmem>>) target(%dma_start3A_161 : memref<10240x128xf32, #tpu.memory_space<vmem_shared>>) offsets(%dma_start3A_158 : memref<64xi32, #tpu.memory_space<vmem>>) semaphore(%arg21 : memref<!tpu.dma_semaphore, #tpu.memory_space<semaphore_mem>>) {add = true}
          %sub3A = arith.constant 2 : i32
          %sub3A_162 = arith.subi %add3A_149, %sub3A : i32
          %dma_wait3A_163 = arith.constant 0 : i32
          %dma_wait3A_164 = tpu.memref_slice %arg10[%sub3A_162, %dma_wait3A_163] : memref<32x64xi32, #tpu.memory_space<vmem>> -> memref<1x64xi32, #tpu.memory_space<vmem>>
          %dma_wait3A_165 = tpu.memref_squeeze %dma_wait3A_164 : memref<1x64xi32, #tpu.memory_space<vmem>> -> memref<64xi32, #tpu.memory_space<vmem>>
          %dma_wait3A_166 = arith.constant 0 : i32
          %dma_wait3A_167 = arith.constant 0 : i32
          %dma_wait3A_168 = tpu.memref_slice %arg23[%dma_wait3A_166, %dma_wait3A_167] : memref<10240x128xf32, #tpu.memory_space<vmem_shared>> -> memref<10240x128xf32, #tpu.memory_space<vmem_shared>>
          tpu.wait_indirect_dma semaphore(%arg19 : memref<!tpu.dma_semaphore, #tpu.memory_space<semaphore_mem>>) src(%arg11 : memref<64x128xf32, #tpu.memory_space<vmem>>) dst(%dma_wait3A_168 : memref<10240x128xf32, #tpu.memory_space<vmem_shared>>)
          %add3A_169 = arith.constant 2 : i32
          %add3A_170 = arith.addi %add3A_149, %add3A_169 : i32
          %dma_start3A_171 = arith.constant 0 : i32
          %dma_start3A_172 = tpu.memref_slice %arg9[%add3A_170, %dma_start3A_171] : memref<32x64xi32, #tpu.memory_space<vmem>> -> memref<1x64xi32, #tpu.memory_space<vmem>>
          %dma_start3A_173 = tpu.memref_squeeze %dma_start3A_172 : memref<1x64xi32, #tpu.memory_space<vmem>> -> memref<64xi32, #tpu.memory_space<vmem>>
          %dma_start3A_174 = arith.constant 0 : i32
          %dma_start3A_175 = arith.constant 0 : i32
          %dma_start3A_176 = tpu.memref_slice %arg3[%dma_start3A_174, %dma_start3A_175] : memref<10000x128xf32, #tpu.memory_space<hbm>> -> memref<10000x128xf32, #tpu.memory_space<hbm>>
          tpu.enqueue_indirect_dma source(%dma_start3A_176 : memref<10000x128xf32, #tpu.memory_space<hbm>>) target(%arg11 : memref<64x128xf32, #tpu.memory_space<vmem>>) offsets(%dma_start3A_173 : memref<64xi32, #tpu.memory_space<vmem>>) semaphore(%arg15 : memref<!tpu.dma_semaphore, #tpu.memory_space<semaphore_mem>>)
          %mul3A_177 = arith.constant 4 : i32
          %mul3A_178 = arith.muli %add3A_143, %mul3A_177 : i32
          %add3A_179 = arith.constant 1 : i32
          %add3A_180 = arith.addi %mul3A_178, %add3A_179 : i32
          %add3A_181 = arith.constant 2 : i32
          %add3A_182 = arith.addi %add3A_180, %add3A_181 : i32
          %dma_wait3A_183 = arith.constant 0 : i32
          %dma_wait3A_184 = tpu.memref_slice %arg9[%add3A_182, %dma_wait3A_183] : memref<32x64xi32, #tpu.memory_space<vmem>> -> memref<1x64xi32, #tpu.memory_space<vmem>>
          %dma_wait3A_185 = tpu.memref_squeeze %dma_wait3A_184 : memref<1x64xi32, #tpu.memory_space<vmem>> -> memref<64xi32, #tpu.memory_space<vmem>>
          %dma_wait3A_186 = arith.constant 0 : i32
          %dma_wait3A_187 = arith.constant 0 : i32
          %dma_wait3A_188 = tpu.memref_slice %arg3[%dma_wait3A_186, %dma_wait3A_187] : memref<10000x128xf32, #tpu.memory_space<hbm>> -> memref<10000x128xf32, #tpu.memory_space<hbm>>
          tpu.wait_indirect_dma semaphore(%arg18 : memref<!tpu.dma_semaphore, #tpu.memory_space<semaphore_mem>>) src(%dma_wait3A_188 : memref<10000x128xf32, #tpu.memory_space<hbm>>) dst(%arg14 : memref<64x128xf32, #tpu.memory_space<vmem>>)
          %dma_start3A_189 = arith.constant 0 : i32
          %dma_start3A_190 = tpu.memref_slice %arg10[%add3A_182, %dma_start3A_189] : memref<32x64xi32, #tpu.memory_space<vmem>> -> memref<1x64xi32, #tpu.memory_space<vmem>>
          %dma_start3A_191 = tpu.memref_squeeze %dma_start3A_190 : memref<1x64xi32, #tpu.memory_space<vmem>> -> memref<64xi32, #tpu.memory_space<vmem>>
          %dma_start3A_192 = arith.constant 0 : i32
          %dma_start3A_193 = arith.constant 0 : i32
          %dma_start3A_194 = tpu.memref_slice %arg23[%dma_start3A_192, %dma_start3A_193] : memref<10240x128xf32, #tpu.memory_space<vmem_shared>> -> memref<10240x128xf32, #tpu.memory_space<vmem_shared>>
          tpu.enqueue_indirect_dma source(%arg14 : memref<64x128xf32, #tpu.memory_space<vmem>>) target(%dma_start3A_194 : memref<10240x128xf32, #tpu.memory_space<vmem_shared>>) offsets(%dma_start3A_191 : memref<64xi32, #tpu.memory_space<vmem>>) semaphore(%arg22 : memref<!tpu.dma_semaphore, #tpu.memory_space<semaphore_mem>>) {add = true}
          %sub3A_195 = arith.constant 2 : i32
          %sub3A_196 = arith.subi %add3A_182, %sub3A_195 : i32
          %dma_wait3A_197 = arith.constant 0 : i32
          %dma_wait3A_198 = tpu.memref_slice %arg10[%sub3A_196, %dma_wait3A_197] : memref<32x64xi32, #tpu.memory_space<vmem>> -> memref<1x64xi32, #tpu.memory_space<vmem>>
          %dma_wait3A_199 = tpu.memref_squeeze %dma_wait3A_198 : memref<1x64xi32, #tpu.memory_space<vmem>> -> memref<64xi32, #tpu.memory_space<vmem>>
          %dma_wait3A_200 = arith.constant 0 : i32
          %dma_wait3A_201 = arith.constant 0 : i32
          %dma_wait3A_202 = tpu.memref_slice %arg23[%dma_wait3A_200, %dma_wait3A_201] : memref<10240x128xf32, #tpu.memory_space<vmem_shared>> -> memref<10240x128xf32, #tpu.memory_space<vmem_shared>>
          tpu.wait_indirect_dma semaphore(%arg20 : memref<!tpu.dma_semaphore, #tpu.memory_space<semaphore_mem>>) src(%arg12 : memref<64x128xf32, #tpu.memory_space<vmem>>) dst(%dma_wait3A_202 : memref<10240x128xf32, #tpu.memory_space<vmem_shared>>)
          %add3A_203 = arith.constant 2 : i32
          %add3A_204 = arith.addi %add3A_182, %add3A_203 : i32
          %dma_start3A_205 = arith.constant 0 : i32
          %dma_start3A_206 = tpu.memref_slice %arg9[%add3A_204, %dma_start3A_205] : memref<32x64xi32, #tpu.memory_space<vmem>> -> memref<1x64xi32, #tpu.memory_space<vmem>>
          %dma_start3A_207 = tpu.memref_squeeze %dma_start3A_206 : memref<1x64xi32, #tpu.memory_space<vmem>> -> memref<64xi32, #tpu.memory_space<vmem>>
          %dma_start3A_208 = arith.constant 0 : i32
          %dma_start3A_209 = arith.constant 0 : i32
          %dma_start3A_210 = tpu.memref_slice %arg3[%dma_start3A_208, %dma_start3A_209] : memref<10000x128xf32, #tpu.memory_space<hbm>> -> memref<10000x128xf32, #tpu.memory_space<hbm>>
          tpu.enqueue_indirect_dma source(%dma_start3A_210 : memref<10000x128xf32, #tpu.memory_space<hbm>>) target(%arg12 : memref<64x128xf32, #tpu.memory_space<vmem>>) offsets(%dma_start3A_207 : memref<64xi32, #tpu.memory_space<vmem>>) semaphore(%arg16 : memref<!tpu.dma_semaphore, #tpu.memory_space<semaphore_mem>>)
          %mul3A_211 = arith.constant 4 : i32
          %mul3A_212 = arith.muli %add3A_143, %mul3A_211 : i32
          %add3A_213 = arith.constant 2 : i32
          %add3A_214 = arith.addi %mul3A_212, %add3A_213 : i32
          %add3A_215 = arith.constant 2 : i32
          %add3A_216 = arith.addi %add3A_214, %add3A_215 : i32
          %dma_wait3A_217 = arith.constant 0 : i32
          %dma_wait3A_218 = tpu.memref_slice %arg9[%add3A_216, %dma_wait3A_217] : memref<32x64xi32, #tpu.memory_space<vmem>> -> memref<1x64xi32, #tpu.memory_space<vmem>>
          %dma_wait3A_219 = tpu.memref_squeeze %dma_wait3A_218 : memref<1x64xi32, #tpu.memory_space<vmem>> -> memref<64xi32, #tpu.memory_space<vmem>>
          %dma_wait3A_220 = arith.constant 0 : i32
          %dma_wait3A_221 = arith.constant 0 : i32
          %dma_wait3A_222 = tpu.memref_slice %arg3[%dma_wait3A_220, %dma_wait3A_221] : memref<10000x128xf32, #tpu.memory_space<hbm>> -> memref<10000x128xf32, #tpu.memory_space<hbm>>
          tpu.wait_indirect_dma semaphore(%arg15 : memref<!tpu.dma_semaphore, #tpu.memory_space<semaphore_mem>>) src(%dma_wait3A_222 : memref<10000x128xf32, #tpu.memory_space<hbm>>) dst(%arg11 : memref<64x128xf32, #tpu.memory_space<vmem>>)
          %dma_start3A_223 = arith.constant 0 : i32
          %dma_start3A_224 = tpu.memref_slice %arg10[%add3A_216, %dma_start3A_223] : memref<32x64xi32, #tpu.memory_space<vmem>> -> memref<1x64xi32, #tpu.memory_space<vmem>>
          %dma_start3A_225 = tpu.memref_squeeze %dma_start3A_224 : memref<1x64xi32, #tpu.memory_space<vmem>> -> memref<64xi32, #tpu.memory_space<vmem>>
          %dma_start3A_226 = arith.constant 0 : i32
          %dma_start3A_227 = arith.constant 0 : i32
          %dma_start3A_228 = tpu.memref_slice %arg23[%dma_start3A_226, %dma_start3A_227] : memref<10240x128xf32, #tpu.memory_space<vmem_shared>> -> memref<10240x128xf32, #tpu.memory_space<vmem_shared>>
          tpu.enqueue_indirect_dma source(%arg11 : memref<64x128xf32, #tpu.memory_space<vmem>>) target(%dma_start3A_228 : memref<10240x128xf32, #tpu.memory_space<vmem_shared>>) offsets(%dma_start3A_225 : memref<64xi32, #tpu.memory_space<vmem>>) semaphore(%arg19 : memref<!tpu.dma_semaphore, #tpu.memory_space<semaphore_mem>>) {add = true}
          %sub3A_229 = arith.constant 2 : i32
          %sub3A_230 = arith.subi %add3A_216, %sub3A_229 : i32
          %dma_wait3A_231 = arith.constant 0 : i32
          %dma_wait3A_232 = tpu.memref_slice %arg10[%sub3A_230, %dma_wait3A_231] : memref<32x64xi32, #tpu.memory_space<vmem>> -> memref<1x64xi32, #tpu.memory_space<vmem>>
          %dma_wait3A_233 = tpu.memref_squeeze %dma_wait3A_232 : memref<1x64xi32, #tpu.memory_space<vmem>> -> memref<64xi32, #tpu.memory_space<vmem>>
          %dma_wait3A_234 = arith.constant 0 : i32
          %dma_wait3A_235 = arith.constant 0 : i32
          %dma_wait3A_236 = tpu.memref_slice %arg23[%dma_wait3A_234, %dma_wait3A_235] : memref<10240x128xf32, #tpu.memory_space<vmem_shared>> -> memref<10240x128xf32, #tpu.memory_space<vmem_shared>>
          tpu.wait_indirect_dma semaphore(%arg21 : memref<!tpu.dma_semaphore, #tpu.memory_space<semaphore_mem>>) src(%arg13 : memref<64x128xf32, #tpu.memory_space<vmem>>) dst(%dma_wait3A_236 : memref<10240x128xf32, #tpu.memory_space<vmem_shared>>)
          %add3A_237 = arith.constant 2 : i32
          %add3A_238 = arith.addi %add3A_216, %add3A_237 : i32
          %dma_start3A_239 = arith.constant 0 : i32
          %dma_start3A_240 = tpu.memref_slice %arg9[%add3A_238, %dma_start3A_239] : memref<32x64xi32, #tpu.memory_space<vmem>> -> memref<1x64xi32, #tpu.memory_space<vmem>>
          %dma_start3A_241 = tpu.memref_squeeze %dma_start3A_240 : memref<1x64xi32, #tpu.memory_space<vmem>> -> memref<64xi32, #tpu.memory_space<vmem>>
          %dma_start3A_242 = arith.constant 0 : i32
          %dma_start3A_243 = arith.constant 0 : i32
          %dma_start3A_244 = tpu.memref_slice %arg3[%dma_start3A_242, %dma_start3A_243] : memref<10000x128xf32, #tpu.memory_space<hbm>> -> memref<10000x128xf32, #tpu.memory_space<hbm>>
          tpu.enqueue_indirect_dma source(%dma_start3A_244 : memref<10000x128xf32, #tpu.memory_space<hbm>>) target(%arg13 : memref<64x128xf32, #tpu.memory_space<vmem>>) offsets(%dma_start3A_241 : memref<64xi32, #tpu.memory_space<vmem>>) semaphore(%arg17 : memref<!tpu.dma_semaphore, #tpu.memory_space<semaphore_mem>>)
          %mul3A_245 = arith.constant 4 : i32
          %mul3A_246 = arith.muli %add3A_143, %mul3A_245 : i32
          %add3A_247 = arith.constant 3 : i32
          %add3A_248 = arith.addi %mul3A_246, %add3A_247 : i32
          %add3A_249 = arith.constant 2 : i32
          %add3A_250 = arith.addi %add3A_248, %add3A_249 : i32
          %dma_wait3A_251 = arith.constant 0 : i32
          %dma_wait3A_252 = tpu.memref_slice %arg9[%add3A_250, %dma_wait3A_251] : memref<32x64xi32, #tpu.memory_space<vmem>> -> memref<1x64xi32, #tpu.memory_space<vmem>>
          %dma_wait3A_253 = tpu.memref_squeeze %dma_wait3A_252 : memref<1x64xi32, #tpu.memory_space<vmem>> -> memref<64xi32, #tpu.memory_space<vmem>>
          %dma_wait3A_254 = arith.constant 0 : i32
          %dma_wait3A_255 = arith.constant 0 : i32
          %dma_wait3A_256 = tpu.memref_slice %arg3[%dma_wait3A_254, %dma_wait3A_255] : memref<10000x128xf32, #tpu.memory_space<hbm>> -> memref<10000x128xf32, #tpu.memory_space<hbm>>
          tpu.wait_indirect_dma semaphore(%arg16 : memref<!tpu.dma_semaphore, #tpu.memory_space<semaphore_mem>>) src(%dma_wait3A_256 : memref<10000x128xf32, #tpu.memory_space<hbm>>) dst(%arg12 : memref<64x128xf32, #tpu.memory_space<vmem>>)
          %dma_start3A_257 = arith.constant 0 : i32
          %dma_start3A_258 = tpu.memref_slice %arg10[%add3A_250, %dma_start3A_257] : memref<32x64xi32, #tpu.memory_space<vmem>> -> memref<1x64xi32, #tpu.memory_space<vmem>>
          %dma_start3A_259 = tpu.memref_squeeze %dma_start3A_258 : memref<1x64xi32, #tpu.memory_space<vmem>> -> memref<64xi32, #tpu.memory_space<vmem>>
          %dma_start3A_260 = arith.constant 0 : i32
          %dma_start3A_261 = arith.constant 0 : i32
          %dma_start3A_262 = tpu.memref_slice %arg23[%dma_start3A_260, %dma_start3A_261] : memref<10240x128xf32, #tpu.memory_space<vmem_shared>> -> memref<10240x128xf32, #tpu.memory_space<vmem_shared>>
          tpu.enqueue_indirect_dma source(%arg12 : memref<64x128xf32, #tpu.memory_space<vmem>>) target(%dma_start3A_262 : memref<10240x128xf32, #tpu.memory_space<vmem_shared>>) offsets(%dma_start3A_259 : memref<64xi32, #tpu.memory_space<vmem>>) semaphore(%arg20 : memref<!tpu.dma_semaphore, #tpu.memory_space<semaphore_mem>>) {add = true}
          %sub3A_263 = arith.constant 2 : i32
          %sub3A_264 = arith.subi %add3A_250, %sub3A_263 : i32
          %dma_wait3A_265 = arith.constant 0 : i32
          %dma_wait3A_266 = tpu.memref_slice %arg10[%sub3A_264, %dma_wait3A_265] : memref<32x64xi32, #tpu.memory_space<vmem>> -> memref<1x64xi32, #tpu.memory_space<vmem>>
          %dma_wait3A_267 = tpu.memref_squeeze %dma_wait3A_266 : memref<1x64xi32, #tpu.memory_space<vmem>> -> memref<64xi32, #tpu.memory_space<vmem>>
          %dma_wait3A_268 = arith.constant 0 : i32
          %dma_wait3A_269 = arith.constant 0 : i32
          %dma_wait3A_270 = tpu.memref_slice %arg23[%dma_wait3A_268, %dma_wait3A_269] : memref<10240x128xf32, #tpu.memory_space<vmem_shared>> -> memref<10240x128xf32, #tpu.memory_space<vmem_shared>>
          tpu.wait_indirect_dma semaphore(%arg22 : memref<!tpu.dma_semaphore, #tpu.memory_space<semaphore_mem>>) src(%arg14 : memref<64x128xf32, #tpu.memory_space<vmem>>) dst(%dma_wait3A_270 : memref<10240x128xf32, #tpu.memory_space<vmem_shared>>)
          %add3A_271 = arith.constant 2 : i32
          %add3A_272 = arith.addi %add3A_250, %add3A_271 : i32
          %dma_start3A_273 = arith.constant 0 : i32
          %dma_start3A_274 = tpu.memref_slice %arg9[%add3A_272, %dma_start3A_273] : memref<32x64xi32, #tpu.memory_space<vmem>> -> memref<1x64xi32, #tpu.memory_space<vmem>>
          %dma_start3A_275 = tpu.memref_squeeze %dma_start3A_274 : memref<1x64xi32, #tpu.memory_space<vmem>> -> memref<64xi32, #tpu.memory_space<vmem>>
          %dma_start3A_276 = arith.constant 0 : i32
          %dma_start3A_277 = arith.constant 0 : i32
          %dma_start3A_278 = tpu.memref_slice %arg3[%dma_start3A_276, %dma_start3A_277] : memref<10000x128xf32, #tpu.memory_space<hbm>> -> memref<10000x128xf32, #tpu.memory_space<hbm>>
          tpu.enqueue_indirect_dma source(%dma_start3A_278 : memref<10000x128xf32, #tpu.memory_space<hbm>>) target(%arg14 : memref<64x128xf32, #tpu.memory_space<vmem>>) offsets(%dma_start3A_275 : memref<64xi32, #tpu.memory_space<vmem>>) semaphore(%arg18 : memref<!tpu.dma_semaphore, #tpu.memory_space<semaphore_mem>>)
        }
        %scan3A_82 = arith.constant 7 : i32
        %dma_wait3A_83 = arith.constant 30 : i32
        %dma_wait3A_84 = arith.constant 0 : i32
        %dma_wait3A_85 = tpu.memref_slice %arg9[%dma_wait3A_83, %dma_wait3A_84] : memref<32x64xi32, #tpu.memory_space<vmem>> -> memref<1x64xi32, #tpu.memory_space<vmem>>
        %dma_wait3A_86 = tpu.memref_squeeze %dma_wait3A_85 : memref<1x64xi32, #tpu.memory_space<vmem>> -> memref<64xi32, #tpu.memory_space<vmem>>
        %dma_wait3A_87 = arith.constant 0 : i32
        %dma_wait3A_88 = arith.constant 0 : i32
        %dma_wait3A_89 = tpu.memref_slice %arg3[%dma_wait3A_87, %dma_wait3A_88] : memref<10000x128xf32, #tpu.memory_space<hbm>> -> memref<10000x128xf32, #tpu.memory_space<hbm>>
        tpu.wait_indirect_dma semaphore(%arg17 : memref<!tpu.dma_semaphore, #tpu.memory_space<semaphore_mem>>) src(%dma_wait3A_89 : memref<10000x128xf32, #tpu.memory_space<hbm>>) dst(%arg13 : memref<64x128xf32, #tpu.memory_space<vmem>>)
        %dma_start3A_90 = arith.constant 30 : i32
        %dma_start3A_91 = arith.constant 0 : i32
        %dma_start3A_92 = tpu.memref_slice %arg10[%dma_start3A_90, %dma_start3A_91] : memref<32x64xi32, #tpu.memory_space<vmem>> -> memref<1x64xi32, #tpu.memory_space<vmem>>
        %dma_start3A_93 = tpu.memref_squeeze %dma_start3A_92 : memref<1x64xi32, #tpu.memory_space<vmem>> -> memref<64xi32, #tpu.memory_space<vmem>>
        %dma_start3A_94 = arith.constant 0 : i32
        %dma_start3A_95 = arith.constant 0 : i32
        %dma_start3A_96 = tpu.memref_slice %arg23[%dma_start3A_94, %dma_start3A_95] : memref<10240x128xf32, #tpu.memory_space<vmem_shared>> -> memref<10240x128xf32, #tpu.memory_space<vmem_shared>>
        tpu.enqueue_indirect_dma source(%arg13 : memref<64x128xf32, #tpu.memory_space<vmem>>) target(%dma_start3A_96 : memref<10240x128xf32, #tpu.memory_space<vmem_shared>>) offsets(%dma_start3A_93 : memref<64xi32, #tpu.memory_space<vmem>>) semaphore(%arg21 : memref<!tpu.dma_semaphore, #tpu.memory_space<semaphore_mem>>) {add = true}
        %dma_wait3A_97 = arith.constant 31 : i32
        %dma_wait3A_98 = arith.constant 0 : i32
        %dma_wait3A_99 = tpu.memref_slice %arg9[%dma_wait3A_97, %dma_wait3A_98] : memref<32x64xi32, #tpu.memory_space<vmem>> -> memref<1x64xi32, #tpu.memory_space<vmem>>
        %dma_wait3A_100 = tpu.memref_squeeze %dma_wait3A_99 : memref<1x64xi32, #tpu.memory_space<vmem>> -> memref<64xi32, #tpu.memory_space<vmem>>
        %dma_wait3A_101 = arith.constant 0 : i32
        %dma_wait3A_102 = arith.constant 0 : i32
        %dma_wait3A_103 = tpu.memref_slice %arg3[%dma_wait3A_101, %dma_wait3A_102] : memref<10000x128xf32, #tpu.memory_space<hbm>> -> memref<10000x128xf32, #tpu.memory_space<hbm>>
        tpu.wait_indirect_dma semaphore(%arg18 : memref<!tpu.dma_semaphore, #tpu.memory_space<semaphore_mem>>) src(%dma_wait3A_103 : memref<10000x128xf32, #tpu.memory_space<hbm>>) dst(%arg14 : memref<64x128xf32, #tpu.memory_space<vmem>>)
        %dma_start3A_104 = arith.constant 31 : i32
        %dma_start3A_105 = arith.constant 0 : i32
        %dma_start3A_106 = tpu.memref_slice %arg10[%dma_start3A_104, %dma_start3A_105] : memref<32x64xi32, #tpu.memory_space<vmem>> -> memref<1x64xi32, #tpu.memory_space<vmem>>
        %dma_start3A_107 = tpu.memref_squeeze %dma_start3A_106 : memref<1x64xi32, #tpu.memory_space<vmem>> -> memref<64xi32, #tpu.memory_space<vmem>>
        %dma_start3A_108 = arith.constant 0 : i32
        %dma_start3A_109 = arith.constant 0 : i32
        %dma_start3A_110 = tpu.memref_slice %arg23[%dma_start3A_108, %dma_start3A_109] : memref<10240x128xf32, #tpu.memory_space<vmem_shared>> -> memref<10240x128xf32, #tpu.memory_space<vmem_shared>>
        tpu.enqueue_indirect_dma source(%arg14 : memref<64x128xf32, #tpu.memory_space<vmem>>) target(%dma_start3A_110 : memref<10240x128xf32, #tpu.memory_space<vmem_shared>>) offsets(%dma_start3A_107 : memref<64xi32, #tpu.memory_space<vmem>>) semaphore(%arg22 : memref<!tpu.dma_semaphore, #tpu.memory_space<semaphore_mem>>) {add = true}
        %dma_wait3A_111 = arith.constant 28 : i32
        %dma_wait3A_112 = arith.constant 0 : i32
        %dma_wait3A_113 = tpu.memref_slice %arg10[%dma_wait3A_111, %dma_wait3A_112] : memref<32x64xi32, #tpu.memory_space<vmem>> -> memref<1x64xi32, #tpu.memory_space<vmem>>
        %dma_wait3A_114 = tpu.memref_squeeze %dma_wait3A_113 : memref<1x64xi32, #tpu.memory_space<vmem>> -> memref<64xi32, #tpu.memory_space<vmem>>
        %dma_wait3A_115 = arith.constant 0 : i32
        %dma_wait3A_116 = arith.constant 0 : i32
        %dma_wait3A_117 = tpu.memref_slice %arg23[%dma_wait3A_115, %dma_wait3A_116] : memref<10240x128xf32, #tpu.memory_space<vmem_shared>> -> memref<10240x128xf32, #tpu.memory_space<vmem_shared>>
        tpu.wait_indirect_dma semaphore(%arg19 : memref<!tpu.dma_semaphore, #tpu.memory_space<semaphore_mem>>) src(%arg11 : memref<64x128xf32, #tpu.memory_space<vmem>>) dst(%dma_wait3A_117 : memref<10240x128xf32, #tpu.memory_space<vmem_shared>>)
        %dma_wait3A_118 = arith.constant 29 : i32
        %dma_wait3A_119 = arith.constant 0 : i32
        %dma_wait3A_120 = tpu.memref_slice %arg10[%dma_wait3A_118, %dma_wait3A_119] : memref<32x64xi32, #tpu.memory_space<vmem>> -> memref<1x64xi32, #tpu.memory_space<vmem>>
        %dma_wait3A_121 = tpu.memref_squeeze %dma_wait3A_120 : memref<1x64xi32, #tpu.memory_space<vmem>> -> memref<64xi32, #tpu.memory_space<vmem>>
        %dma_wait3A_122 = arith.constant 0 : i32
        %dma_wait3A_123 = arith.constant 0 : i32
        %dma_wait3A_124 = tpu.memref_slice %arg23[%dma_wait3A_122, %dma_wait3A_123] : memref<10240x128xf32, #tpu.memory_space<vmem_shared>> -> memref<10240x128xf32, #tpu.memory_space<vmem_shared>>
        tpu.wait_indirect_dma semaphore(%arg20 : memref<!tpu.dma_semaphore, #tpu.memory_space<semaphore_mem>>) src(%arg12 : memref<64x128xf32, #tpu.memory_space<vmem>>) dst(%dma_wait3A_124 : memref<10240x128xf32, #tpu.memory_space<vmem_shared>>)
        %dma_wait3A_125 = arith.constant 30 : i32
        %dma_wait3A_126 = arith.constant 0 : i32
        %dma_wait3A_127 = tpu.memref_slice %arg10[%dma_wait3A_125, %dma_wait3A_126] : memref<32x64xi32, #tpu.memory_space<vmem>> -> memref<1x64xi32, #tpu.memory_space<vmem>>
        %dma_wait3A_128 = tpu.memref_squeeze %dma_wait3A_127 : memref<1x64xi32, #tpu.memory_space<vmem>> -> memref<64xi32, #tpu.memory_space<vmem>>
        %dma_wait3A_129 = arith.constant 0 : i32
        %dma_wait3A_130 = arith.constant 0 : i32
        %dma_wait3A_131 = tpu.memref_slice %arg23[%dma_wait3A_129, %dma_wait3A_130] : memref<10240x128xf32, #tpu.memory_space<vmem_shared>> -> memref<10240x128xf32, #tpu.memory_space<vmem_shared>>
        tpu.wait_indirect_dma semaphore(%arg21 : memref<!tpu.dma_semaphore, #tpu.memory_space<semaphore_mem>>) src(%arg13 : memref<64x128xf32, #tpu.memory_space<vmem>>) dst(%dma_wait3A_131 : memref<10240x128xf32, #tpu.memory_space<vmem_shared>>)
        %dma_wait3A_132 = arith.constant 31 : i32
        %dma_wait3A_133 = arith.constant 0 : i32
        %dma_wait3A_134 = tpu.memref_slice %arg10[%dma_wait3A_132, %dma_wait3A_133] : memref<32x64xi32, #tpu.memory_space<vmem>> -> memref<1x64xi32, #tpu.memory_space<vmem>>
        %dma_wait3A_135 = tpu.memref_squeeze %dma_wait3A_134 : memref<1x64xi32, #tpu.memory_space<vmem>> -> memref<64xi32, #tpu.memory_space<vmem>>
        %dma_wait3A_136 = arith.constant 0 : i32
        %dma_wait3A_137 = arith.constant 0 : i32
        %dma_wait3A_138 = tpu.memref_slice %arg23[%dma_wait3A_136, %dma_wait3A_137] : memref<10240x128xf32, #tpu.memory_space<vmem_shared>> -> memref<10240x128xf32, #tpu.memory_space<vmem_shared>>
        tpu.wait_indirect_dma semaphore(%arg22 : memref<!tpu.dma_semaphore, #tpu.memory_space<semaphore_mem>>) src(%arg14 : memref<64x128xf32, #tpu.memory_space<vmem>>) dst(%dma_wait3A_138 : memref<10240x128xf32, #tpu.memory_space<vmem_shared>>)
      }
      %scan3A_13 = arith.constant 10 : i32
      %barrier3A_14 = arith.constant 0 : index
      tpu.barrier barrier_id(%barrier3A_14)
      %mul3A_15 = arith.constant 640 : i32
      %mul3A_16 = arith.muli %arg1, %mul3A_15 : i32
      "tpu.region"() ({
        %run_scoped3A = tpu.sem_alloc : memref<!tpu.dma_semaphore, #tpu.memory_space<semaphore_mem>>
        %dma_start3A = arith.constant 0 : i32
        %dma_start3A_17 = tpu.memref_slice %arg8[%mul3A_16, %dma_start3A] : memref<10240x128xf32, #tpu.memory_space<hbm>> -> memref<640x128xf32, #tpu.memory_space<hbm>>
        %dma_start3A_18 = arith.constant 0 : i32
        %dma_start3A_19 = tpu.memref_slice %arg23[%mul3A_16, %dma_start3A_18] : memref<10240x128xf32, #tpu.memory_space<vmem_shared>> -> memref<640x128xf32, #tpu.memory_space<vmem_shared>>
        tpu.enqueue_dma source(%dma_start3A_19 : memref<640x128xf32, #tpu.memory_space<vmem_shared>>) target(%dma_start3A_17 : memref<640x128xf32, #tpu.memory_space<hbm>>) target_semaphore(%run_scoped3A : memref<!tpu.dma_semaphore, #tpu.memory_space<semaphore_mem>>)
        %dma_wait3A = arith.constant 0 : i32
        %dma_wait3A_20 = tpu.memref_slice %arg8[%mul3A_16, %dma_wait3A] : memref<10240x128xf32, #tpu.memory_space<hbm>> -> memref<640x128xf32, #tpu.memory_space<hbm>>
        %dma_wait3A_21 = arith.constant 0 : i32
        %dma_wait3A_22 = tpu.memref_slice %arg23[%mul3A_16, %dma_wait3A_21] : memref<10240x128xf32, #tpu.memory_space<vmem_shared>> -> memref<640x128xf32, #tpu.memory_space<vmem_shared>>
        tpu.wait_dma2 semaphore(%run_scoped3A : memref<!tpu.dma_semaphore, #tpu.memory_space<semaphore_mem>>) src(%dma_wait3A_22 : memref<640x128xf32, #tpu.memory_space<vmem_shared>>) dst(%dma_wait3A_20 : memref<640x128xf32, #tpu.memory_space<hbm>>)
        tpu.yield
      }) : () -> ()
    } else {
    }
    return
  }
}

module attributes {stable_mosaic.version = 14 : i64} {
  func.func @_tc_layer1_body(%arg0: memref<10240x128xf32, #tpu.memory_space<vmem>>, %arg1: memref<10240x128xf32, #tpu.memory_space<vmem>>, %arg2: memref<10000x128xf32, #tpu.memory_space<vmem>>, %arg3: memref<128x256xf32, #tpu.memory_space<vmem>>, %arg4: memref<1x256xf32, #tpu.memory_space<vmem>>, %arg5: memref<128x256xf32, #tpu.memory_space<vmem>>, %arg6: memref<1x256xf32, #tpu.memory_space<vmem>>, %arg7: memref<1x256xf32, #tpu.memory_space<vmem>>, %arg8: memref<10000x128xf32, #tpu.memory_space<vmem>>, %arg9: memref<10000x128xf32, #tpu.memory_space<vmem>>) attributes {dimension_semantics = [], scalar_prefetch = 0 : i64, scratch_operands = 0 : i64, tpu.core_type = #tpu.core_type<tc>} {
    %get3A = arith.constant 0 : index
    %get3A_0 = arith.constant 0 : index
    %get3A_1 = vector.load %arg0[%get3A, %get3A_0] : memref<10240x128xf32, #tpu.memory_space<vmem>>, vector<10000x128xf32>
    %get3A_2 = arith.constant 0 : index
    %get3A_3 = arith.constant 0 : index
    %get3A_4 = vector.load %arg1[%get3A_2, %get3A_3] : memref<10240x128xf32, #tpu.memory_space<vmem>>, vector<10000x128xf32>
    %add3A = arith.addf %get3A_1, %get3A_4 : vector<10000x128xf32>
    %get3A_5 = arith.constant 0 : index
    %get3A_6 = arith.constant 0 : index
    %get3A_7 = vector.load %arg3[%get3A_5, %get3A_6] : memref<128x256xf32, #tpu.memory_space<vmem>>, vector<128x256xf32>
    %dot_general3A = arith.constant dense<0.000000e+00> : vector<10000x256xf32>
    %dot_general3A_8 = tpu.matmul %add3A, %get3A_7, %dot_general3A {dimension_numbers = #tpu.dot_dimension_numbers<[1], [0], [0], [1], [0, 0, 1, 1], [], []>, transpose_lhs_hint = false} : vector<10000x128xf32>, vector<128x256xf32>, vector<10000x256xf32> -> vector<10000x256xf32>
    %get3A_9 = arith.constant 0 : index
    %get3A_10 = arith.constant 0 : index
    %get3A_11 = vector.load %arg2[%get3A_9, %get3A_10] : memref<10000x128xf32, #tpu.memory_space<vmem>>, vector<10000x128xf32>
    %get3A_12 = arith.constant 0 : index
    %get3A_13 = arith.constant 0 : index
    %get3A_14 = vector.load %arg5[%get3A_12, %get3A_13] : memref<128x256xf32, #tpu.memory_space<vmem>>, vector<128x256xf32>
    %dot_general3A_15 = arith.constant dense<0.000000e+00> : vector<10000x256xf32>
    %dot_general3A_16 = tpu.matmul %get3A_11, %get3A_14, %dot_general3A_15 {dimension_numbers = #tpu.dot_dimension_numbers<[1], [0], [0], [1], [0, 0, 1, 1], [], []>, transpose_lhs_hint = false} : vector<10000x128xf32>, vector<128x256xf32>, vector<10000x256xf32> -> vector<10000x256xf32>
    %add3A_17 = arith.addf %dot_general3A_8, %dot_general3A_16 : vector<10000x256xf32>
    %get3A_18 = arith.constant 0 : index
    %get3A_19 = arith.constant 0 : index
    %get3A_20 = vector.load %arg4[%get3A_18, %get3A_19] : memref<1x256xf32, #tpu.memory_space<vmem>>, vector<1x256xf32>
    %add3A_21 = vector.broadcast %get3A_20 : vector<1x256xf32> to vector<10000x256xf32>
    %add3A_22 = arith.addf %add3A_17, %add3A_21 : vector<10000x256xf32>
    %reduce_sum3A = arith.constant dense<0.000000e+00> : vector<256xf32>
    %reduce_sum3A_23 = vector.multi_reduction <add>, %add3A_22, %reduce_sum3A [0] : vector<10000x256xf32> to vector<256xf32>
    %broadcast_in_dim3A = vector.shape_cast %reduce_sum3A_23 : vector<256xf32> to vector<1x256xf32>
    %div3A = arith.constant 1.000000e+04 : f32
    %div3A_24 = vector.broadcast %div3A : f32 to vector<1x256xf32>
    %div3A_25 = arith.divf %broadcast_in_dim3A, %div3A_24 : vector<1x256xf32>
    %sub3A = vector.broadcast %div3A_25 : vector<1x256xf32> to vector<10000x256xf32>
    %sub3A_26 = arith.subf %add3A_22, %sub3A : vector<10000x256xf32>
    %mul3A = arith.mulf %sub3A_26, %sub3A_26 : vector<10000x256xf32>
    %reduce_sum3A_27 = arith.constant dense<0.000000e+00> : vector<256xf32>
    %reduce_sum3A_28 = vector.multi_reduction <add>, %mul3A, %reduce_sum3A_27 [0] : vector<10000x256xf32> to vector<256xf32>
    %broadcast_in_dim3A_29 = vector.shape_cast %reduce_sum3A_28 : vector<256xf32> to vector<1x256xf32>
    %div3A_30 = arith.constant 1.000000e+04 : f32
    %div3A_31 = vector.broadcast %div3A_30 : f32 to vector<1x256xf32>
    %div3A_32 = arith.divf %broadcast_in_dim3A_29, %div3A_31 : vector<1x256xf32>
    %add3A_33 = arith.constant 9.99999974E-6 : f32
    %add3A_34 = vector.broadcast %add3A_33 : f32 to vector<1x256xf32>
    %add3A_35 = arith.addf %div3A_32, %add3A_34 : vector<1x256xf32>
    %rsqrt3A = math.rsqrt %add3A_35 : vector<1x256xf32>
    %mul3A_36 = vector.broadcast %rsqrt3A : vector<1x256xf32> to vector<10000x256xf32>
    %mul3A_37 = arith.mulf %sub3A_26, %mul3A_36 : vector<10000x256xf32>
    %get3A_38 = arith.constant 0 : index
    %get3A_39 = arith.constant 0 : index
    %get3A_40 = vector.load %arg6[%get3A_38, %get3A_39] : memref<1x256xf32, #tpu.memory_space<vmem>>, vector<1x256xf32>
    %mul3A_41 = vector.broadcast %get3A_40 : vector<1x256xf32> to vector<10000x256xf32>
    %mul3A_42 = arith.mulf %mul3A_37, %mul3A_41 : vector<10000x256xf32>
    %get3A_43 = arith.constant 0 : index
    %get3A_44 = arith.constant 0 : index
    %get3A_45 = vector.load %arg7[%get3A_43, %get3A_44] : memref<1x256xf32, #tpu.memory_space<vmem>>, vector<1x256xf32>
    %add3A_46 = vector.broadcast %get3A_45 : vector<1x256xf32> to vector<10000x256xf32>
    %add3A_47 = arith.addf %mul3A_42, %add3A_46 : vector<10000x256xf32>
    %max3A = arith.constant 0.000000e+00 : f32
    %max3A_48 = vector.broadcast %max3A : f32 to vector<10000x256xf32>
    %max3A_49 = arith.maximumf %add3A_47, %max3A_48 : vector<10000x256xf32>
    %slice3A = vector.extract_strided_slice %max3A_49 {offsets = [0, 0], sizes = [10000, 128], strides = [1, 1]} : vector<10000x256xf32> to vector<10000x128xf32>
    %swap3A = arith.constant 0 : index
    %swap3A_50 = arith.constant 0 : index
    %swap3A_51 = vector.load %arg8[%swap3A, %swap3A_50] : memref<10000x128xf32, #tpu.memory_space<vmem>>, vector<10000x128xf32>
    tpu.vector_store %arg8[%swap3A, %swap3A_50], %slice3A {strides = array<i32>} : memref<10000x128xf32, #tpu.memory_space<vmem>>, vector<10000x128xf32>,
    %slice3A_52 = vector.extract_strided_slice %max3A_49 {offsets = [0, 128], sizes = [10000, 128], strides = [1, 1]} : vector<10000x256xf32> to vector<10000x128xf32>
    %swap3A_53 = arith.constant 0 : index
    %swap3A_54 = arith.constant 0 : index
    %swap3A_55 = vector.load %arg9[%swap3A_53, %swap3A_54] : memref<10000x128xf32, #tpu.memory_space<vmem>>, vector<10000x128xf32>
    tpu.vector_store %arg9[%swap3A_53, %swap3A_54], %slice3A_52 {strides = array<i32>} : memref<10000x128xf32, #tpu.memory_space<vmem>>, vector<10000x128xf32>,
    return
  }
}

module attributes {stable_mosaic.version = 14 : i64} {
  func.func @_tc_layer_body(%arg0: memref<10240x128xf32, #tpu.memory_space<vmem>>, %arg1: memref<10240x128xf32, #tpu.memory_space<vmem>>, %arg2: memref<10000x128xf32, #tpu.memory_space<vmem>>, %arg3: memref<10000x128xf32, #tpu.memory_space<vmem>>, %arg4: memref<256x256xf32, #tpu.memory_space<vmem>>, %arg5: memref<1x256xf32, #tpu.memory_space<vmem>>, %arg6: memref<256x256xf32, #tpu.memory_space<vmem>>, %arg7: memref<1x256xf32, #tpu.memory_space<vmem>>, %arg8: memref<1x256xf32, #tpu.memory_space<vmem>>, %arg9: memref<10000x128xf32, #tpu.memory_space<vmem>>, %arg10: memref<10000x128xf32, #tpu.memory_space<vmem>>) attributes {dimension_semantics = [], scalar_prefetch = 0 : i64, scratch_operands = 0 : i64, tpu.core_type = #tpu.core_type<tc>} {
    %get3A = arith.constant 0 : index
    %get3A_0 = arith.constant 0 : index
    %get3A_1 = vector.load %arg0[%get3A, %get3A_0] : memref<10240x128xf32, #tpu.memory_space<vmem>>, vector<10000x128xf32>
    %get3A_2 = arith.constant 0 : index
    %get3A_3 = arith.constant 0 : index
    %get3A_4 = vector.load %arg4[%get3A_2, %get3A_3] : memref<256x256xf32, #tpu.memory_space<vmem>>, vector<128x256xf32>
    %dot_general3A = arith.constant dense<0.000000e+00> : vector<10000x256xf32>
    %dot_general3A_5 = tpu.matmul %get3A_1, %get3A_4, %dot_general3A {dimension_numbers = #tpu.dot_dimension_numbers<[1], [0], [0], [1], [0, 0, 1, 1], [], []>, transpose_lhs_hint = false} : vector<10000x128xf32>, vector<128x256xf32>, vector<10000x256xf32> -> vector<10000x256xf32>
    %get3A_6 = arith.constant 0 : index
    %get3A_7 = arith.constant 0 : index
    %get3A_8 = vector.load %arg1[%get3A_6, %get3A_7] : memref<10240x128xf32, #tpu.memory_space<vmem>>, vector<10000x128xf32>
    %get3A_9 = arith.constant 128 : index
    %get3A_10 = arith.constant 0 : index
    %get3A_11 = vector.load %arg4[%get3A_9, %get3A_10] : memref<256x256xf32, #tpu.memory_space<vmem>>, vector<128x256xf32>
    %dot_general3A_12 = arith.constant dense<0.000000e+00> : vector<10000x256xf32>
    %dot_general3A_13 = tpu.matmul %get3A_8, %get3A_11, %dot_general3A_12 {dimension_numbers = #tpu.dot_dimension_numbers<[1], [0], [0], [1], [0, 0, 1, 1], [], []>, transpose_lhs_hint = false} : vector<10000x128xf32>, vector<128x256xf32>, vector<10000x256xf32> -> vector<10000x256xf32>
    %add3A = arith.addf %dot_general3A_5, %dot_general3A_13 : vector<10000x256xf32>
    %get3A_14 = arith.constant 0 : index
    %get3A_15 = arith.constant 0 : index
    %get3A_16 = vector.load %arg2[%get3A_14, %get3A_15] : memref<10000x128xf32, #tpu.memory_space<vmem>>, vector<10000x128xf32>
    %get3A_17 = arith.constant 0 : index
    %get3A_18 = arith.constant 0 : index
    %get3A_19 = vector.load %arg6[%get3A_17, %get3A_18] : memref<256x256xf32, #tpu.memory_space<vmem>>, vector<128x256xf32>
    %dot_general3A_20 = arith.constant dense<0.000000e+00> : vector<10000x256xf32>
    %dot_general3A_21 = tpu.matmul %get3A_16, %get3A_19, %dot_general3A_20 {dimension_numbers = #tpu.dot_dimension_numbers<[1], [0], [0], [1], [0, 0, 1, 1], [], []>, transpose_lhs_hint = false} : vector<10000x128xf32>, vector<128x256xf32>, vector<10000x256xf32> -> vector<10000x256xf32>
    %add3A_22 = arith.addf %add3A, %dot_general3A_21 : vector<10000x256xf32>
    %get3A_23 = arith.constant 0 : index
    %get3A_24 = arith.constant 0 : index
    %get3A_25 = vector.load %arg3[%get3A_23, %get3A_24] : memref<10000x128xf32, #tpu.memory_space<vmem>>, vector<10000x128xf32>
    %get3A_26 = arith.constant 128 : index
    %get3A_27 = arith.constant 0 : index
    %get3A_28 = vector.load %arg6[%get3A_26, %get3A_27] : memref<256x256xf32, #tpu.memory_space<vmem>>, vector<128x256xf32>
    %dot_general3A_29 = arith.constant dense<0.000000e+00> : vector<10000x256xf32>
    %dot_general3A_30 = tpu.matmul %get3A_25, %get3A_28, %dot_general3A_29 {dimension_numbers = #tpu.dot_dimension_numbers<[1], [0], [0], [1], [0, 0, 1, 1], [], []>, transpose_lhs_hint = false} : vector<10000x128xf32>, vector<128x256xf32>, vector<10000x256xf32> -> vector<10000x256xf32>
    %add3A_31 = arith.addf %add3A_22, %dot_general3A_30 : vector<10000x256xf32>
    %get3A_32 = arith.constant 0 : index
    %get3A_33 = arith.constant 0 : index
    %get3A_34 = vector.load %arg5[%get3A_32, %get3A_33] : memref<1x256xf32, #tpu.memory_space<vmem>>, vector<1x256xf32>
    %add3A_35 = vector.broadcast %get3A_34 : vector<1x256xf32> to vector<10000x256xf32>
    %add3A_36 = arith.addf %add3A_31, %add3A_35 : vector<10000x256xf32>
    %reduce_sum3A = arith.constant dense<0.000000e+00> : vector<256xf32>
    %reduce_sum3A_37 = vector.multi_reduction <add>, %add3A_36, %reduce_sum3A [0] : vector<10000x256xf32> to vector<256xf32>
    %broadcast_in_dim3A = vector.shape_cast %reduce_sum3A_37 : vector<256xf32> to vector<1x256xf32>
    %div3A = arith.constant 1.000000e+04 : f32
    %div3A_38 = vector.broadcast %div3A : f32 to vector<1x256xf32>
    %div3A_39 = arith.divf %broadcast_in_dim3A, %div3A_38 : vector<1x256xf32>
    %sub3A = vector.broadcast %div3A_39 : vector<1x256xf32> to vector<10000x256xf32>
    %sub3A_40 = arith.subf %add3A_36, %sub3A : vector<10000x256xf32>
    %mul3A = arith.mulf %sub3A_40, %sub3A_40 : vector<10000x256xf32>
    %reduce_sum3A_41 = arith.constant dense<0.000000e+00> : vector<256xf32>
    %reduce_sum3A_42 = vector.multi_reduction <add>, %mul3A, %reduce_sum3A_41 [0] : vector<10000x256xf32> to vector<256xf32>
    %broadcast_in_dim3A_43 = vector.shape_cast %reduce_sum3A_42 : vector<256xf32> to vector<1x256xf32>
    %div3A_44 = arith.constant 1.000000e+04 : f32
    %div3A_45 = vector.broadcast %div3A_44 : f32 to vector<1x256xf32>
    %div3A_46 = arith.divf %broadcast_in_dim3A_43, %div3A_45 : vector<1x256xf32>
    %add3A_47 = arith.constant 9.99999974E-6 : f32
    %add3A_48 = vector.broadcast %add3A_47 : f32 to vector<1x256xf32>
    %add3A_49 = arith.addf %div3A_46, %add3A_48 : vector<1x256xf32>
    %rsqrt3A = math.rsqrt %add3A_49 : vector<1x256xf32>
    %mul3A_50 = vector.broadcast %rsqrt3A : vector<1x256xf32> to vector<10000x256xf32>
    %mul3A_51 = arith.mulf %sub3A_40, %mul3A_50 : vector<10000x256xf32>
    %get3A_52 = arith.constant 0 : index
    %get3A_53 = arith.constant 0 : index
    %get3A_54 = vector.load %arg7[%get3A_52, %get3A_53] : memref<1x256xf32, #tpu.memory_space<vmem>>, vector<1x256xf32>
    %mul3A_55 = vector.broadcast %get3A_54 : vector<1x256xf32> to vector<10000x256xf32>
    %mul3A_56 = arith.mulf %mul3A_51, %mul3A_55 : vector<10000x256xf32>
    %get3A_57 = arith.constant 0 : index
    %get3A_58 = arith.constant 0 : index
    %get3A_59 = vector.load %arg8[%get3A_57, %get3A_58] : memref<1x256xf32, #tpu.memory_space<vmem>>, vector<1x256xf32>
    %add3A_60 = vector.broadcast %get3A_59 : vector<1x256xf32> to vector<10000x256xf32>
    %add3A_61 = arith.addf %mul3A_56, %add3A_60 : vector<10000x256xf32>
    %max3A = arith.constant 0.000000e+00 : f32
    %max3A_62 = vector.broadcast %max3A : f32 to vector<10000x256xf32>
    %max3A_63 = arith.maximumf %add3A_61, %max3A_62 : vector<10000x256xf32>
    %slice3A = vector.extract_strided_slice %max3A_63 {offsets = [0, 0], sizes = [10000, 128], strides = [1, 1]} : vector<10000x256xf32> to vector<10000x128xf32>
    %get3A_64 = arith.constant 0 : index
    %get3A_65 = arith.constant 0 : index
    %get3A_66 = vector.load %arg2[%get3A_64, %get3A_65] : memref<10000x128xf32, #tpu.memory_space<vmem>>, vector<10000x128xf32>
    %add3A_67 = arith.addf %slice3A, %get3A_66 : vector<10000x128xf32>
    %swap3A = arith.constant 0 : index
    %swap3A_68 = arith.constant 0 : index
    %swap3A_69 = vector.load %arg9[%swap3A, %swap3A_68] : memref<10000x128xf32, #tpu.memory_space<vmem>>, vector<10000x128xf32>
    tpu.vector_store %arg9[%swap3A, %swap3A_68], %add3A_67 {strides = array<i32>} : memref<10000x128xf32, #tpu.memory_space<vmem>>, vector<10000x128xf32>,
    %slice3A_70 = vector.extract_strided_slice %max3A_63 {offsets = [0, 128], sizes = [10000, 128], strides = [1, 1]} : vector<10000x256xf32> to vector<10000x128xf32>
    %get3A_71 = arith.constant 0 : index
    %get3A_72 = arith.constant 0 : index
    %get3A_73 = vector.load %arg3[%get3A_71, %get3A_72] : memref<10000x128xf32, #tpu.memory_space<vmem>>, vector<10000x128xf32>
    %add3A_74 = arith.addf %slice3A_70, %get3A_73 : vector<10000x128xf32>
    %swap3A_75 = arith.constant 0 : index
    %swap3A_76 = arith.constant 0 : index
    %swap3A_77 = vector.load %arg10[%swap3A_75, %swap3A_76] : memref<10000x128xf32, #tpu.memory_space<vmem>>, vector<10000x128xf32>
    tpu.vector_store %arg10[%swap3A_75, %swap3A_76], %add3A_74 {strides = array<i32>} : memref<10000x128xf32, #tpu.memory_space<vmem>>, vector<10000x128xf32>,
    return
  }
}

module attributes {stable_mosaic.version = 14 : i64} {
  func.func @_tc_pool_body(%arg0: memref<10000x128xf32, #tpu.memory_space<vmem>>, %arg1: memref<10000x128xf32, #tpu.memory_space<vmem>>, %arg2: memref<1x10000xi32, #tpu.memory_space<vmem>>, %arg3: memref<256x256xf32, #tpu.memory_space<vmem>>, %arg4: memref<1x256xf32, #tpu.memory_space<vmem>>, %arg5: memref<256x10xf32, #tpu.memory_space<vmem>>, %arg6: memref<1x10xf32, #tpu.memory_space<vmem>>, %arg7: memref<64x10xf32, #tpu.memory_space<vmem>>) attributes {dimension_semantics = [], scalar_prefetch = 0 : i64, scratch_operands = 0 : i64, tpu.core_type = #tpu.core_type<tc>} {
    %iota3A = tpu.iota {dimensions = array<i32: 0>} : vector<64x10000xi32>
    %get3A = arith.constant 0 : index
    %get3A_0 = arith.constant 0 : index
    %get3A_1 = vector.load %arg2[%get3A, %get3A_0] : memref<1x10000xi32, #tpu.memory_space<vmem>>, vector<1x10000xi32>
    %eq3A = vector.broadcast %get3A_1 : vector<1x10000xi32> to vector<64x10000xi32>
    %eq3A_2 = arith.cmpi eq, %eq3A, %iota3A : vector<64x10000xi32>
    %convert_element_type3A = arith.extui %eq3A_2 : vector<64x10000xi1> to vector<64x10000xi32>
    %convert_element_type3A_3 = arith.sitofp %convert_element_type3A : vector<64x10000xi32> to vector<64x10000xf32>
    %get3A_4 = arith.constant 0 : index
    %get3A_5 = arith.constant 0 : index
    %get3A_6 = vector.load %arg0[%get3A_4, %get3A_5] : memref<10000x128xf32, #tpu.memory_space<vmem>>, vector<10000x128xf32>
    %dot_general3A = arith.constant dense<0.000000e+00> : vector<64x128xf32>
    %dot_general3A_7 = tpu.matmul %convert_element_type3A_3, %get3A_6, %dot_general3A {dimension_numbers = #tpu.dot_dimension_numbers<[1], [0], [0], [1], [0, 0, 1, 1], [], []>, transpose_lhs_hint = false} : vector<64x10000xf32>, vector<10000x128xf32>, vector<64x128xf32> -> vector<64x128xf32>
    %get3A_8 = arith.constant 0 : index
    %get3A_9 = arith.constant 0 : index
    %get3A_10 = vector.load %arg1[%get3A_8, %get3A_9] : memref<10000x128xf32, #tpu.memory_space<vmem>>, vector<10000x128xf32>
    %dot_general3A_11 = arith.constant dense<0.000000e+00> : vector<64x128xf32>
    %dot_general3A_12 = tpu.matmul %convert_element_type3A_3, %get3A_10, %dot_general3A_11 {dimension_numbers = #tpu.dot_dimension_numbers<[1], [0], [0], [1], [0, 0, 1, 1], [], []>, transpose_lhs_hint = false} : vector<64x10000xf32>, vector<10000x128xf32>, vector<64x128xf32> -> vector<64x128xf32>
    %concatenate3A = tpu.concatenate %dot_general3A_7, %dot_general3A_12 in 1 : vector<64x128xf32>, vector<64x128xf32> -> vector<64x256xf32>
    %get3A_13 = arith.constant 0 : index
    %get3A_14 = arith.constant 0 : index
    %get3A_15 = vector.load %arg3[%get3A_13, %get3A_14] : memref<256x256xf32, #tpu.memory_space<vmem>>, vector<256x256xf32>
    %dot_general3A_16 = arith.constant dense<0.000000e+00> : vector<64x256xf32>
    %dot_general3A_17 = tpu.matmul %concatenate3A, %get3A_15, %dot_general3A_16 {dimension_numbers = #tpu.dot_dimension_numbers<[1], [0], [0], [1], [0, 0, 1, 1], [], []>, transpose_lhs_hint = false} : vector<64x256xf32>, vector<256x256xf32>, vector<64x256xf32> -> vector<64x256xf32>
    %get3A_18 = arith.constant 0 : index
    %get3A_19 = arith.constant 0 : index
    %get3A_20 = vector.load %arg4[%get3A_18, %get3A_19] : memref<1x256xf32, #tpu.memory_space<vmem>>, vector<1x256xf32>
    %add3A = vector.broadcast %get3A_20 : vector<1x256xf32> to vector<64x256xf32>
    %add3A_21 = arith.addf %dot_general3A_17, %add3A : vector<64x256xf32>
    %max3A = arith.constant 0.000000e+00 : f32
    %max3A_22 = vector.broadcast %max3A : f32 to vector<64x256xf32>
    %max3A_23 = arith.maximumf %add3A_21, %max3A_22 : vector<64x256xf32>
    %get3A_24 = arith.constant 0 : index
    %get3A_25 = arith.constant 0 : index
    %get3A_26 = vector.load %arg5[%get3A_24, %get3A_25] : memref<256x10xf32, #tpu.memory_space<vmem>>, vector<256x10xf32>
    %dot_general3A_27 = arith.constant dense<0.000000e+00> : vector<64x10xf32>
    %dot_general3A_28 = tpu.matmul %max3A_23, %get3A_26, %dot_general3A_27 {dimension_numbers = #tpu.dot_dimension_numbers<[1], [0], [0], [1], [0, 0, 1, 1], [], []>, transpose_lhs_hint = false} : vector<64x256xf32>, vector<256x10xf32>, vector<64x10xf32> -> vector<64x10xf32>
    %get3A_29 = arith.constant 0 : index
    %get3A_30 = arith.constant 0 : index
    %get3A_31 = vector.load %arg6[%get3A_29, %get3A_30] : memref<1x10xf32, #tpu.memory_space<vmem>>, vector<1x10xf32>
    %add3A_32 = vector.broadcast %get3A_31 : vector<1x10xf32> to vector<64x10xf32>
    %add3A_33 = arith.addf %dot_general3A_28, %add3A_32 : vector<64x10xf32>
    %reduce_max3A = arith.constant dense<0xFF800000> : vector<64xf32>
    %reduce_max3A_34 = vector.multi_reduction <maximumf>, %add3A_33, %reduce_max3A [1] : vector<64x10xf32> to vector<64xf32>
    %broadcast_in_dim3A = vector.shape_cast %reduce_max3A_34 : vector<64xf32> to vector<64x1xf32>
    %sub3A = vector.broadcast %broadcast_in_dim3A : vector<64x1xf32> to vector<64x10xf32>
    %sub3A_35 = arith.subf %add3A_33, %sub3A : vector<64x10xf32>
    %exp3A = math.exp %sub3A_35 : vector<64x10xf32>
    %reduce_sum3A = arith.constant dense<0.000000e+00> : vector<64xf32>
    %reduce_sum3A_36 = vector.multi_reduction <add>, %exp3A, %reduce_sum3A [1] : vector<64x10xf32> to vector<64xf32>
    %broadcast_in_dim3A_37 = vector.shape_cast %reduce_sum3A_36 : vector<64xf32> to vector<64x1xf32>
    %log3A = math.log %broadcast_in_dim3A_37 : vector<64x1xf32>
    %sub3A_38 = vector.broadcast %log3A : vector<64x1xf32> to vector<64x10xf32>
    %sub3A_39 = arith.subf %sub3A_35, %sub3A_38 : vector<64x10xf32>
    %swap3A = arith.constant 0 : index
    %swap3A_40 = arith.constant 0 : index
    %swap3A_41 = vector.load %arg7[%swap3A, %swap3A_40] : memref<64x10xf32, #tpu.memory_space<vmem>>, vector<64x10xf32>
    tpu.vector_store %arg7[%swap3A, %swap3A_40], %sub3A_39 {strides = array<i32>} : memref<64x10xf32, #tpu.memory_space<vmem>>, vector<64x10xf32>,
    return
  }
}

</mosaic_0001>

<sc_bundles>
// kernel: kernel.11.cloned.1.call-start
scs
__scs_entry_jumppad:
0x0: {  	(pc) =	sbr.rel $0x88, $3  }
0x1: {  	(tag) =	ssettag $0x0;
	lr =	simm.s32 $0x1  }
0x2: {  	[smem:$0x3F86] =	sst lr;
	_ =	strace $0xD0000000  }
0x3: {  	_ = 	snop  }
0x4: {  	_ = 	snop  }
0x5: {  	_ = 	snop  }
0x6: {  	_ = 	snop  }
0x7: {  	_ = 	snop  }
__scs_overlays_trampoline_lowered:
0x8: {  	[smem:$0x3F95] =	sst s0  }
0x9: {  	[smem:$0x3F96] =	sst s1  }
0xa: {  	[smem:$0x3F97] =	sst s2  }
0xb: {  	[smem:$0x3F98] =	sst s3  }
0xc: {  	[smem:$0x3F99] =	sst s4  }
0xd: {  	[smem:$0x3F9A] =	sst s5  }
0xe: {  	[smem:$0x3F9B] =	sst s6  }
0xf: {  	[smem:$0x3F9C] =	sst s7  }
0x10: {  	[smem:$0x3F9D] =	sst s8  }
0x11: {  	[smem:$0x3F9E] =	sst s9;
	s0 =	simm.s32 @!p0 $0x0  }
0x12: {  	s1 =	sld [smem:$0x3F84];
	s0 =	simm.s32 @p0 $0x1  }
0x13: {  	[smem:$0x3F9F] =	sst s0;
	s0 =	simm.s32 @!p1 $0x0  }
0x14: {  	s2 =	sld [smem:$0x3F83];
	s0 =	simm.s32 @p1 $0x1  }
0x15: {  	[smem:$0x3FA0] =	sst s0;
	s0 =	simm.s32 @!p2 $0x0  }
0x16: {  	s3 =	sld [smem:$0x3FDB];
	s0 =	simm.s32 @p2 $0x1  }
0x17: {  	s4 =	simm.s32 $0x1BF5;
	[smem:$0x3FA2] =	sst s0  }
0x18: {  	s0 =	sld [smem:$0x3F85];
	_ =	swait.ge [sflag:s4], $0x0  }
0x19: {  	s7 =	sld [smem:$0x3F86]  }
0x1a: {  	s8 =	sadd.s32 $0xFFFFE003, lr  }
0x1b: {  	s9 =	sadd.s32 $0xFFFFFEF7, lr;
	s5 =	simm.s32 $0xFFFFFFFF;
	p2 =	slt.u32 s8, $0xFFFFF086  }
0x1c: {  	p1 =	slt.u32 s9, $0xF7A;
	s5 =	simm.s32 @!p2 $0x0  }
0x1d: {  	s5 =	simm.s32 @p1 $0x1;
	p0 =	seq.s32 s7, s2  }
0x1e: {  	s7 =	smul.u32 @!p0 $0xF7A, s2;
	p2 =	seq.s32 @!p0 s5, $0x0  }
0x1f: {  	s9 =	smul.u32 $0xF7A, s1;
	s8 =	simm.s32 @!p0 $0x1BF5;
	p2 =	por !p2, p0  }
0x20: {  	[sflag:s8] =	ssyncset.s32 @!p0 $0xFFFFF086;
	s6 =	sadd.s32 @!p0 s3, s7;
	s7 =	simm.s32 @!p0 $0x108  }
0x21: {  	s3 =	sadd.s32 s3, s9;
	s6 =	sadd.s32 @!p0 $0x88, s6;
	s7 =	simm.s32 @p2 $0x1082  }
0x22: {  	[simem:s7], [sflag:s8] =	dma.local @!p0 [hbm:s6], $0xF7A  }
0x23: {  	s9 =	sor.u32 $0xD0000000, s2;
	s6 =	simm.s32 $0x108;
	_ =	swait.ge @!p0 [sflag:s8], $0x0  }
0x24: {  	s3 =	sadd.s32 $0x88, s3;
	s6 =	simm.s32 @!p1 $0x1082;
	[sflag:s4] =	ssyncset.s32 $0xFFFFF086  }
0x25: {  	[simem:s6], [sflag:s4] =	dma.local [hbm:s3], $0xF7A  }
0x26: {  	[smem:$0x3F86] =	sst s1;
	(tag) =	ssettag s2;
	_ =	strace s9  }
0x27: {  	s1 =	sld [smem:$0x3F96]  }
0x28: {  	s2 =	sld [smem:$0x3F97]  }
0x29: {  	s4 =	sld [smem:$0x3F99]  }
0x2a: {  	p0 =	seq.s32 s5, $0x0;
	s5 =	sld [smem:$0x3F9A]  }
0x2b: {  	s6 =	sld [smem:$0x3F9B]  }
0x2c: {  	s7 =	sld [smem:$0x3F9C]  }
0x2d: {  	s3 =	simm.s32 $0x108;
	s8 =	sld [smem:$0x3F9D]  }
0x2e: {  	s3 =	simm.s32 @!p0 $0x1082;
	s9 =	sld [smem:$0x3F9E]  }
0x2f: {  	lr =	sadd.s32 s0, s3;
	s0 =	sld [smem:$0x3F95]  }
0x30: {  	s3 =	sld [smem:$0x3F98]  }
0x31: {  	[smem:$0x3FA1] =	sst s10  }
0x32: {  	s10 =	sld [smem:$0x3F9F];
	_ =	sdelay $0x3  }
0x33: {  	p0 =	seq.s32 s10, $0x1;
	s10 =	sld [smem:$0x3FA1];
	_ =	sdelay $0x3  }
0x34: {  	[smem:$0x3FA1] =	sst s10  }
0x35: {  	s10 =	sld [smem:$0x3FA0];
	_ =	sdelay $0x3  }
0x36: {  	p1 =	seq.s32 s10, $0x1;
	s10 =	sld [smem:$0x3FA1];
	_ =	sdelay $0x3  }
0x37: {  	[smem:$0x3FA1] =	sst s10  }
0x38: {  	s10 =	sld [smem:$0x3FA2]  }
0x39: {  	_ = 	snop;
	(pc) =	sbr.ind lr, $3  }
0x3a: {  	_ = 	snop  }
0x3b: {  	_ = 	snop  }
0x3c: {  	p2 =	seq.s32 s10, $0x1;
	s10 =	sld [smem:$0x3FA1]  }
0x3d: {  	_ =	shalt  }
0x3e: {  	_ =	shalt  }
0x3f: {  	_ =	shalt  }
0x40: {  	_ =	shalt  }
0x41: {  	_ =	shalt  }
0x42: {  	_ =	shalt  }
0x43: {  	_ =	shalt  }
0x44: {  	_ =	shalt  }
0x45: {  	_ =	shalt  }
0x46: {  	_ =	shalt  }
0x47: {  	_ =	shalt  }
0x48: {  	_ =	shalt  }
0x49: {  	_ =	shalt  }
0x4a: {  	_ =	shalt  }
0x4b: {  	_ =	shalt  }
0x4c: {  	_ =	shalt  }
0x4d: {  	_ =	shalt  }
0x4e: {  	_ =	shalt  }
0x4f: {  	_ =	shalt  }
0x50: {  	_ =	shalt  }
0x51: {  	_ =	shalt  }
0x52: {  	_ =	shalt  }
0x53: {  	_ =	shalt  }
0x54: {  	_ =	shalt  }
0x55: {  	_ =	shalt  }
0x56: {  	_ =	shalt  }
0x57: {  	_ =	shalt  }
0x58: {  	_ =	shalt  }
0x59: {  	_ =	shalt  }
0x5a: {  	_ =	shalt  }
0x5b: {  	_ =	shalt  }
0x5c: {  	_ =	shalt  }
0x5d: {  	_ =	shalt  }
0x5e: {  	_ =	shalt  }
0x5f: {  	_ =	shalt  }
0x60: {  	_ =	shalt  }
0x61: {  	_ =	shalt  }
0x62: {  	_ =	shalt  }
0x63: {  	_ =	shalt  }
0x64: {  	_ =	shalt  }
0x65: {  	_ =	shalt  }
0x66: {  	_ =	shalt  }
0x67: {  	_ =	shalt  }
0x68: {  	_ =	shalt  }
0x69: {  	_ =	shalt  }
0x6a: {  	_ =	shalt  }
0x6b: {  	_ =	shalt  }
0x6c: {  	_ =	shalt  }
0x6d: {  	_ =	shalt  }
0x6e: {  	_ =	shalt  }
0x6f: {  	_ =	shalt  }
0x70: {  	_ =	shalt  }
0x71: {  	_ =	shalt  }
0x72: {  	_ =	shalt  }
0x73: {  	_ =	shalt  }
0x74: {  	_ =	shalt  }
0x75: {  	_ =	shalt  }
0x76: {  	_ =	shalt  }
0x77: {  	_ =	shalt  }
0x78: {  	_ =	shalt  }
0x79: {  	_ =	shalt  }
0x7a: {  	_ =	shalt  }
0x7b: {  	_ =	shalt  }
0x7c: {  	_ =	shalt  }
0x7d: {  	_ =	shalt  }
0x7e: {  	_ =	shalt  }
0x7f: {  	_ =	shalt  }
0x80: {  	_ =	shalt  }
0x81: {  	_ =	shalt  }
0x82: {  	_ =	shalt  }
0x83: {  	_ =	shalt  }
0x84: {  	_ =	shalt  }
0x85: {  	_ =	shalt  }
0x86: {  	_ =	shalt  }
0x87: {  	_ =	shalt  }
.Lfunc_end0:
.L_simem_size_0:
called_computation_lowered:
.L_overlay_start_0:
0x88: {  	s2 =	sld [smem:$0x3FD9]  }
0x89: {  	s3 =	sld [smem:$0x3FFE];
	_ =	sdelay $0x1  }
0x8a: {  	s1 =	srdreg.scid  }
0x8b: {  	s0 =	sand.u32 $0x1, s1  }
0x8c: {  	s17 =	sshll.u32 s0, $0xA;
	s2 =	sadd.s32 s3, s2  }
0x8d: {  	s2 =	sadd.s32 s2, s17  }
0x8e: {  	[smem:$0x3FAD] =	sst s2  }
0x8f: {  	_ = 	snop  }
0x90: {  	s2 =	sld [smem:$0x3FC9];
	(tm) =	ssettm $0x1  }
0x91: {  	s18 =	sld [smem:$0x3FFB];
	_ =	sdelay $0x3  }
0x92: {  	_ =	strace s18  }
0x93: {  	s3 =	sld [smem:$0x3FFC];
	_ =	sdelay $0x3  }
0x94: {  	_ =	strace s3  }
0x95: {  	s3 =	sld [smem:$0x3FFD];
	_ =	sdelay $0x3  }
0x96: {  	_ =	strace s3  }
0x97: {  	_ =	strace $0x8FFFFFFF  }
0x98: {  	s19 =	sld [smem:$0x3FDB];
	_ =	sdelay $0x1  }
0x99: {  	s4 =	simm.s32 $_scs_section_size  }
0x9a: {  	s5 =	simm.s32 $_size__tile_overlayer_lowered;
	s6 =	simm.s32 $_tile_overlayer_lowered  }
0x9b: {  	s22 =	simm.s32 $0x1BFF;
	s21 =	sshll.u32 s6, $0x1;
	s3 =	sadd.s32 s4, s19  }
0x9c: {  	s7 =	simm.s32 $0x0;
	s20 =	sshll.u32 s5, $0x1;
	s5 =	sadd.s32 s21, s3  }
0x9d: {  	[timem:s7], [sflag:s22] =	dma.local [hbm:s5], s20  }
0x9e: {  	_ =	swait.ge [sflag:s22], s20  }
0x9f: {  	s4 =	ssub.s32 $0x0, s20;
	[sflag:s22] =	ssyncset.done $0x0  }
0xa0: {  	[sflag:s22] =	ssyncadd.s32 s4;
	_ =	sdelay $0x1  }
0xa1: {  	s23 =	simm.s32 $0x1B8B  }
0xa2: {  	_ =	swait.ge [sflag:s23], $0x1  }
0xa3: {  	[sflag:s23] =	ssyncset.done $0x0  }
0xa4: {  	s25 =	simm.s32 $0x1B8E;
	s24 =	sld [smem:$0x3FFE];
	[sflag:s23] =	ssyncadd.s32 $0xFFFFFFFF  }
0xa5: {  	s26 =	simm.s32 $execute0_lowered;
	[smem:$0x3FD2] =	sst s25  }
0xa6: {  	s5 =	sshll.u32 s26, $0x1;
	_ =	strace $0x80000046;
	[dreg:$0x1] =	wrdreg $0xFFFFFFFF  }
0xa7: {  	s28 =	simm.s32 $_size_execute0_lowered;
	s3 =	sadd.s32 s3, s5;
	[dreg:$0x0] =	wrdreg $0x0  }
0xa8: {  	s5 =	sshll.u32 s28, $0x1;
	[dreg:$0x2] =	wrdreg s3  }
0xa9: {  	[dreg:$0x3] =	wrdreg s5  }
0xaa: {  	[dreg:$0x4] =	wrdreg $0xC0  }
0xab: {  	_ =	task [dreg:s7], $0x5FFFF  }
0xac: {  	[dreg:$0x1] =	wrdreg $0xFFFFFFFF  }
0xad: {  	[dreg:$0x0] =	wrdreg $0x60  }
0xae: {  	[dreg:$0x2] =	wrdreg s2  }
0xaf: {  	[dreg:$0x3] =	wrdreg s24  }
0xb0: {  	[dreg:$0x4] =	wrdreg $0xA0000  }
0xb1: {  	[dreg:$0x5] =	wrdreg $0x9  }
0xb2: {  	_ =	task.clear_ibuf [dreg:s7], $0x6FFFF;
	_ =	strace $0x90000046  }
0xb3: {  	s29 =	simm.s32 $0x9;
	_ =	strace $0x80000048  }
0xb4: {  	_ =	swait.ge [sflag:s29], $0x1  }
0xb5: {  	[sflag:s29] =	ssyncadd.s32 $0xFFFFFFFF  }
0xb6: {  	_ =	strace $0x90000048  }
0xb7: {  	_ =	sfence  }
0xb8: {  	s30 =	sld [smem:$0x0];
	_ =	sdelay $0x2  }
0xb9: {  	s31 =	sshll.u32 s1, $0xD;
	s1 =	sshrl.u32 s1, $0x2  }
0xba: {  	s3 =	sand.u32 $0x4000, s31;
	s1 =	sadd.s32 s1, s30  }
0xbb: {  	s0 =	sor.u32 s3, s0;
	s1 =	sshll.u32 s1, $0x11  }
0xbc: {  	s0 =	sor.u32 s1, s0  }
0xbd: {  	s0 =	sadd.s32 $0x8F2B, s0  }
0xbe: {  	[sflag:s0] =	ssyncadd.remote.s32 $0x1  }
0xbf: {  	_ =	sfence.sel $0xFFFF  }
0xc0: {  	[dreg:$0x0] =	wrdreg $0xFFFFFFFF;
	(pc) =	sbr.abs _section_cstart, $3  }
0xc1: {  	[dreg:$0x1] =	wrdreg $0xFFFFFFFF  }
0xc2: {  	_ =	task.clear_ibuf [dreg:s7], $0x2FFFF;
	_ =	strace $0x9FFFFFFF  }
0xc3: {  	(tm) =	ssettm $0x7FFFFFFF  }
tec
execute0_lowered:
.L_overlay_start_1:
0x0: {  	(tag) =	ssettag $0x1  }
0x1: {  	s1 =	rddreg [dreg:$0x0]  }
0x2: {  	s0 =	rddreg [dreg:$0x1]  }
0x3: {  	s2 =	rddreg [dreg:$0x2]  }
0x4: {  	s3 =	simm.s32 $0x0;
	s4 =	srdreg.scid;
	s11 =	stileid.u32  }
0x5: {  	s16 =	simm.s32 $0x9;
	s17 =	simm.s32 $0x1000;
	s18 =	simm.s32 $0x40  }
0x6: {  	s19 =	simm.s32 $0x2000;
	s20 =	simm.s32 $0x80;
	s28 =	simm.s32 $0x180  }
0x7: {  	s29 =	simm.s32 $0x8000;
	s30 =	simm.s32 $0x3;
	s31 =	simm.s32 $0x5  }
0x8: {  	s12 =	simm.s32 $0x1F80;
	[smem:$0x7FF] =	sst s3;
	s5 =	sadd.s32 $0x7400, s0  }
0x9: {  	s4 =	sand.u32 $0x1, s4;
	s6 =	sadd.s32 $0x1B400, s0;
	s8 =	smul.u32 $0x50000, s11  }
0xa: {  	s9 =	sadd.s32 $0x2F400, s0;
	s21 =	sadd.s32 $0x31C00, s0;
	s0 =	sadd.s32 $0x59C00, s0  }
0xb: {  	s10 =	smul.u32 $0xA000, s11;
	_ =	strace $0x80000047;
	[dreg:$0x5] =	wrdreg s9  }
0xc: {  	s25 =	sshll.u32 s11, $0x6;
	s26 =	smul.u32 $0x2800, s11;
	[dreg:$0x6] =	wrdreg s21  }
0xd: {  	s7 =	ssub.s32 $0x2, s4;
	[dreg:$0x7] =	wrdreg s0;
	s15 =	sor.u32 $0x1C09, s25  }
0xe: {  	p0 =	seq.s32 s4, $0x1;
	s21 =	simm.s32 $0x4000;
	s25 =	simm.s32 $0x2  }
0xf: {  	s4 =	simm.s32 $0x6;
	s9 =	simm.s32 $0x8;
	s22 =	sshrl.u32 s7, $0x1  }
0x10: {  	s24 =	sshrl.u32 s8, $0x2;
	[dreg:$0x9] =	wrdreg s26;
	s13 =	sadd.s32 $0x5000, s10  }
.Ltmp0:
0x11: {  	s26 =	simm.s32 $0x1080;
	s8 =	simm.s32 $0x7;
	(pc) =	sbr.rel .LBB2_1-.Ltmp0, $4  }
0x12: {  	[dreg:$0x8] =	wrdreg s15;
	s23 =	ssub.s32 s7, s22;
	s7 =	sadd.s32 s24, s2  }
0x13: {  	s22 =	simm.s32 $0x1;
	s24 =	simm.s32 $0x6000;
	s0 =	smax.u32 s23, $0x1  }
0x14: {  	s11 =	sshrl.u32 s7, $0x3;
	s23 =	simm.s32 $0x100;
	[dreg:$0xa] =	wrdreg s0  }
0x15: {  	s7 =	simm.s32 $0x1F00;
	s0 =	simm.s32 $0x4;
	[dreg:$0xb] =	wrdreg s11  }
.LBB2_10:
0x16: {  	s3 =	rddreg [dreg:$0x9];
	[bflag:$0x0] =	sbarrier.arrive $0xFFFF  }
0x17: {  	s15 =	rddreg [dreg:$0x8]  }
0x18: {  	s3 =	sadd.s32 s11, s3;
	s11 =	rddreg [dreg:$0xb]  }
0x19: {  	[hbm:s3], [sflag:s15] =	dma.local [spmem:s11], $0x2800  }
0x1a: {  	_ =	swait.ge [sflag:s16], $0x2800  }
0x1b: {  	s14 =	sadd.s32 $0x1, s14;
	s3 =	rddreg [dreg:$0xa]  }
0x1c: {  	p1 =	sne.s32 s14, s3  }
.Ltmp1:
0x1d: {  	_ = 	snop;
	(pc) =	sbr.rel @!p1 .LBB2_11-.Ltmp1, $3  }
0x1e: {  	_ =	sdelay $0x1  }
0x1f: {  	[sflag:s16] =	ssyncset.done $0x0  }
0x20: {  	[sflag:s16] =	ssyncadd.s32 $0xFFFFD800;
	s3 =	smov.u32 s14  }
.LBB2_1:
0x21: {  	[dreg:$0x4] =	wrdreg s3  }
0x22: {  	s14 =	rddreg [dreg:$0x5]  }
0x23: {  	[spmem:s11], [sflag:s15] =	dma.local [hbm:s14], $0x2800  }
.Ltmp2:
0x24: {  	_ =	swait.ge [sflag:s16], $0x2800;
	(pc) =	sbr.rel @!p0 .LBB2_2-.Ltmp2, $4  }
0x25: {  	[sflag:s16] =	ssyncset.done $0x0  }
0x26: {  	[sflag:s16] =	ssyncadd.s32 $0xFFFFD800  }
0x27: {  	[bflag:$0x0] =	sbarrier.arrive $0xFFFF  }
0x28: {  	s14 =	simm.s32 $0x0;
	s11 =	simm.s32 $0x0  }
.LBB2_6:
0x29: {  	s3 =	sshll.u32 s11, $0xC  }
0x2a: {  	s3 =	sadd.s32 s3, s13  }
0x2b: {  	s3 =	sshrl.u32 s3, $0x3  }
0x2c: {  	s15 =	simm.s32 $0x0;
	s14 =	sadd.s32 s5, s3  }
0x2d: {  	[tilespmem:s15], [sflag:$0x9] =	stream.linear.gather [hbm4b:s14+s15], $0x1000, $0x38;
	[tilespmem:$0x1E000] =	vst v63  }
0x2e: {  	_ =	swait.ge [sflag:s16], $0x1000  }
0x2f: {  	[sflag:s16] =	ssyncset.done $0x0  }
0x30: {  	s3 =	sadd.s32 s6, s3;
	[sflag:s16] =	ssyncadd.s32 $0xFFFFF000  }
0x31: {  	[tilespmem:s17], [sflag:$0x9] =	stream.linear.gather [hbm4b:s3+s15], $0x1000, $0x38;
	[tilespmem:$0x1E000] =	vst v63  }
0x32: {  	_ =	swait.ge [sflag:s16], $0x1000  }
0x33: {  	[sflag:s16] =	ssyncset.done $0x0  }
0x34: {  	[sflag:s16] =	ssyncadd.s32 $0xFFFFF000  }
0x35: {  	[tilespmem:s19], [sflag:$0x1] =	stream.indirect.gather [hbm4b:s1+s18], $0x80, s15, s18, $0xb8;
	[tilespmem:$0x1E000] =	vst v63  }
0x36: {  	_ = 	snop  }
0x37: {  	[tilespmem:s21], [sflag:$0x2] =	stream.indirect.gather [hbm4b:s1+s18], $0x80, s20, s18, $0xb8;
	[tilespmem:$0x1E000] =	vst v63  }
0x38: {  	_ =	swait.ge [sflag:s22], $0x2000  }
0x39: {  	[sflag:s22] =	ssyncset.done $0x0  }
0x3a: {  	[sflag:s22] =	ssyncadd.s32 $0xFFFFE000  }
0x3b: {  	[spmem:s2] =	stream.indirect.scatter.add.f32 [tilespmem:s19], [sflag:$0x5], $0x80, s17, s18, $0xb8;
	[tilespmem:$0x1E000] =	vst v63  }
0x3c: {  	_ = 	snop  }
0x3d: {  	[tilespmem:s24], [sflag:$0x3] =	stream.indirect.gather [hbm4b:s1+s18], $0x80, s23, s18, $0xb8;
	[tilespmem:$0x1E000] =	vst v63  }
0x3e: {  	_ =	swait.ge [sflag:s25], $0x2000  }
0x3f: {  	[sflag:s25] =	ssyncset.done $0x0  }
0x40: {  	[sflag:s25] =	ssyncadd.s32 $0xFFFFE000  }
0x41: {  	[spmem:s2] =	stream.indirect.scatter.add.f32 [tilespmem:s21], [sflag:$0x6], $0x80, s26, s18, $0xb8;
	[tilespmem:$0x1E000] =	vst v63  }
0x42: {  	_ = 	snop  }
0x43: {  	[tilespmem:s29], [sflag:$0x4] =	stream.indirect.gather [hbm4b:s1+s18], $0x80, s28, s18, $0xb8;
	[tilespmem:$0x1E000] =	vst v63  }
0x44: {  	_ =	swait.ge [sflag:s30], $0x2000  }
0x45: {  	[sflag:s30] =	ssyncset.done $0x0  }
0x46: {  	s15 =	simm.s32 $0x1100;
	[sflag:s30] =	ssyncadd.s32 $0xFFFFE000  }
0x47: {  	[spmem:s2] =	stream.indirect.scatter.add.f32 [tilespmem:s24], [sflag:$0x7], $0x80, s15, s18, $0xb8;
	[tilespmem:$0x1E000] =	vst v63  }
0x48: {  	_ =	swait.ge [sflag:s31], $0x2000  }
0x49: {  	[sflag:s31] =	ssyncset.done $0x0  }
0x4a: {  	s14 =	simm.s32 $0x200;
	[sflag:s31] =	ssyncadd.s32 $0xFFFFE000  }
0x4b: {  	[tilespmem:s19], [sflag:$0x1] =	stream.indirect.gather [hbm4b:s1+s18], $0x80, s14, s18, $0xb8;
	[tilespmem:$0x1E000] =	vst v63  }
0x4c: {  	_ =	swait.ge [sflag:s0], $0x2000  }
0x4d: {  	[sflag:s0] =	ssyncset.done $0x0  }
0x4e: {  	s15 =	simm.s32 $0x1180;
	[sflag:s0] =	ssyncadd.s32 $0xFFFFE000  }
0x4f: {  	[spmem:s2] =	stream.indirect.scatter.add.f32 [tilespmem:s29], [sflag:$0x8], $0x80, s15, s18, $0xb8;
	[tilespmem:$0x1E000] =	vst v63  }
0x50: {  	_ =	swait.ge [sflag:s4], $0x2000  }
0x51: {  	[sflag:s4] =	ssyncset.done $0x0  }
0x52: {  	s14 =	simm.s32 $0x280;
	[sflag:s4] =	ssyncadd.s32 $0xFFFFE000  }
0x53: {  	[tilespmem:s21], [sflag:$0x2] =	stream.indirect.gather [hbm4b:s1+s18], $0x80, s14, s18, $0xb8;
	[tilespmem:$0x1E000] =	vst v63  }
0x54: {  	_ =	swait.ge [sflag:s22], $0x2000  }
0x55: {  	[sflag:s22] =	ssyncset.done $0x0  }
0x56: {  	s15 =	simm.s32 $0x1200;
	[sflag:s22] =	ssyncadd.s32 $0xFFFFE000  }
0x57: {  	[spmem:s2] =	stream.indirect.scatter.add.f32 [tilespmem:s19], [sflag:$0x5], $0x80, s15, s18, $0xb8;
	[tilespmem:$0x1E000] =	vst v63  }
0x58: {  	_ =	swait.ge [sflag:s8], $0x2000  }
0x59: {  	[sflag:s8] =	ssyncset.done $0x0  }
0x5a: {  	s14 =	simm.s32 $0x300;
	[sflag:s8] =	ssyncadd.s32 $0xFFFFE000  }
0x5b: {  	[tilespmem:s24], [sflag:$0x3] =	stream.indirect.gather [hbm4b:s1+s18], $0x80, s14, s18, $0xb8;
	[tilespmem:$0x1E000] =	vst v63  }
0x5c: {  	_ =	swait.ge [sflag:s25], $0x2000  }
0x5d: {  	[sflag:s25] =	ssyncset.done $0x0  }
0x5e: {  	s15 =	simm.s32 $0x1280;
	[sflag:s25] =	ssyncadd.s32 $0xFFFFE000  }
0x5f: {  	[spmem:s2] =	stream.indirect.scatter.add.f32 [tilespmem:s21], [sflag:$0x6], $0x80, s15, s18, $0xb8;
	[tilespmem:$0x1E000] =	vst v63  }
0x60: {  	_ =	swait.ge [sflag:s9], $0x2000  }
0x61: {  	[sflag:s9] =	ssyncset.done $0x0  }
0x62: {  	s14 =	simm.s32 $0x800;
	s15 =	simm.s32 $0x380;
	[sflag:s9] =	ssyncadd.s32 $0xFFFFE000  }
.LBB2_7:
0x63: {  	[tilespmem:s29], [sflag:$0x4] =	stream.indirect.gather [hbm4b:s1+s18], $0x80, s15, s18, $0xb8;
	[tilespmem:$0x1E000] =	vst v63  }
0x64: {  	s3 =	smov.u32 s14  }
0x65: {  	p1 =	sne.s32 s14, $0x3000;
	s14 =	sadd.s32 $0x800, s14;
	_ =	swait.ge [sflag:s30], $0x2000  }
0x66: {  	s15 =	sshra.s32 s3, $0x2;
	[sflag:s30] =	ssyncset.done $0x0  }
0x67: {  	s3 =	sadd.s32 $0x1100, s15;
	[sflag:s30] =	ssyncadd.s32 $0xFFFFE000  }
0x68: {  	[spmem:s2] =	stream.indirect.scatter.add.f32 [tilespmem:s24], [sflag:$0x7], $0x80, s3, s18, $0xb8;
	[tilespmem:$0x1E000] =	vst v63  }
0x69: {  	_ =	swait.ge [sflag:s31], $0x2000  }
0x6a: {  	[sflag:s31] =	ssyncset.done $0x0  }
0x6b: {  	s3 =	sadd.s32 $0x200, s15;
	[sflag:s31] =	ssyncadd.s32 $0xFFFFE000  }
0x6c: {  	[tilespmem:s19], [sflag:$0x1] =	stream.indirect.gather [hbm4b:s1+s18], $0x80, s3, s18, $0xb8;
	[tilespmem:$0x1E000] =	vst v63  }
0x6d: {  	_ =	swait.ge [sflag:s0], $0x2000  }
0x6e: {  	[sflag:s0] =	ssyncset.done $0x0  }
0x6f: {  	s3 =	sadd.s32 $0x1180, s15;
	[sflag:s0] =	ssyncadd.s32 $0xFFFFE000  }
0x70: {  	[spmem:s2] =	stream.indirect.scatter.add.f32 [tilespmem:s29], [sflag:$0x8], $0x80, s3, s18, $0xb8;
	[tilespmem:$0x1E000] =	vst v63  }
0x71: {  	_ =	swait.ge [sflag:s4], $0x2000  }
0x72: {  	[sflag:s4] =	ssyncset.done $0x0  }
0x73: {  	s3 =	sadd.s32 $0x280, s15;
	[sflag:s4] =	ssyncadd.s32 $0xFFFFE000  }
0x74: {  	[tilespmem:s21], [sflag:$0x2] =	stream.indirect.gather [hbm4b:s1+s18], $0x80, s3, s18, $0xb8;
	[tilespmem:$0x1E000] =	vst v63  }
0x75: {  	_ =	swait.ge [sflag:s22], $0x2000  }
0x76: {  	[sflag:s22] =	ssyncset.done $0x0  }
0x77: {  	s3 =	sadd.s32 $0x1200, s15;
	[sflag:s22] =	ssyncadd.s32 $0xFFFFE000  }
0x78: {  	[spmem:s2] =	stream.indirect.scatter.add.f32 [tilespmem:s19], [sflag:$0x5], $0x80, s3, s18, $0xb8;
	[tilespmem:$0x1E000] =	vst v63  }
0x79: {  	_ =	swait.ge [sflag:s8], $0x2000  }
0x7a: {  	[sflag:s8] =	ssyncset.done $0x0  }
0x7b: {  	s3 =	sadd.s32 $0x300, s15;
	[sflag:s8] =	ssyncadd.s32 $0xFFFFE000  }
0x7c: {  	[tilespmem:s24], [sflag:$0x3] =	stream.indirect.gather [hbm4b:s1+s18], $0x80, s3, s18, $0xb8;
	[tilespmem:$0x1E000] =	vst v63  }
0x7d: {  	_ =	swait.ge [sflag:s25], $0x2000  }
0x7e: {  	[sflag:s25] =	ssyncset.done $0x0  }
.Ltmp3:
0x7f: {  	s3 =	sadd.s32 $0x1280, s15;
	[sflag:s25] =	ssyncadd.s32 $0xFFFFE000;
	(pc) =	sbr.rel @p1 .LBB2_7-.Ltmp3, $4  }
0x80: {  	[spmem:s2] =	stream.indirect.scatter.add.f32 [tilespmem:s21], [sflag:$0x6], $0x80, s3, s18, $0xb8;
	[tilespmem:$0x1E000] =	vst v63  }
0x81: {  	_ =	swait.ge [sflag:s9], $0x2000  }
0x82: {  	[sflag:s9] =	ssyncset.done $0x0  }
0x83: {  	s15 =	sadd.s32 $0x380, s15;
	[sflag:s9] =	ssyncadd.s32 $0xFFFFE000  }
0x84: {  	[tilespmem:s29], [sflag:$0x4] =	stream.indirect.gather [hbm4b:s1+s18], $0x80, s15, s18, $0xb8;
	[tilespmem:$0x1E000] =	vst v63  }
0x85: {  	_ =	swait.ge [sflag:s30], $0x2000  }
0x86: {  	[sflag:s30] =	ssyncset.done $0x0  }
0x87: {  	[sflag:s30] =	ssyncadd.s32 $0xFFFFE000  }
0x88: {  	[spmem:s2] =	stream.indirect.scatter.add.f32 [tilespmem:s24], [sflag:$0x7], $0x80, s7, s18, $0xb8;
	[tilespmem:$0x1E000] =	vst v63  }
0x89: {  	_ =	swait.ge [sflag:s0], $0x2000  }
0x8a: {  	[sflag:s0] =	ssyncset.done $0x0  }
0x8b: {  	[sflag:s0] =	ssyncadd.s32 $0xFFFFE000  }
0x8c: {  	[spmem:s2] =	stream.indirect.scatter.add.f32 [tilespmem:s29], [sflag:$0x8], $0x80, s12, s18, $0xb8;
	[tilespmem:$0x1E000] =	vst v63  }
0x8d: {  	_ =	swait.ge [sflag:s31], $0x2000  }
0x8e: {  	[sflag:s31] =	ssyncset.done $0x0  }
0x8f: {  	[sflag:s31] =	ssyncadd.s32 $0xFFFFE000  }
0x90: {  	_ =	swait.ge [sflag:s4], $0x2000  }
0x91: {  	[sflag:s4] =	ssyncset.done $0x0  }
0x92: {  	s11 =	sadd.s32 $0x1, s11;
	[sflag:s4] =	ssyncadd.s32 $0xFFFFE000  }
0x93: {  	p1 =	sne.s32 s11, $0x5;
	_ =	swait.ge [sflag:s8], $0x2000  }
.Ltmp4:
0x94: {  	[sflag:s8] =	ssyncset.done $0x0;
	(pc) =	sbr.rel @p1 .LBB2_6-.Ltmp4, $4  }
0x95: {  	[sflag:s8] =	ssyncadd.s32 $0xFFFFE000  }
0x96: {  	_ =	swait.ge [sflag:s9], $0x2000  }
0x97: {  	[sflag:s9] =	ssyncset.done $0x0  }
0x98: {  	[sflag:s9] =	ssyncadd.s32 $0xFFFFE000  }
.Ltmp5:
0x99: {  	(pc) =	sbr.rel .LBB2_10-.Ltmp5, $3  }
0x9a: {  	_ =	sdelay $0x1  }
0x9b: {  	s11 =	rddreg [dreg:$0x7]  }
0x9c: {  	s14 =	rddreg [dreg:$0x4]  }
.LBB2_2:
0x9d: {  	s11 =	sshll.u32 s14, $0xC  }
0x9e: {  	s11 =	sadd.s32 s10, s11  }
0x9f: {  	s11 =	sshrl.u32 s11, $0x3  }
0xa0: {  	s3 =	simm.s32 $0x0;
	s15 =	sadd.s32 s5, s11  }
0xa1: {  	[tilespmem:s3], [sflag:$0x9] =	stream.linear.gather [hbm4b:s15+s3], $0x1000, $0x38;
	[tilespmem:$0x1E000] =	vst v63  }
0xa2: {  	_ =	swait.ge [sflag:s16], $0x1000  }
0xa3: {  	[sflag:s16] =	ssyncset.done $0x0  }
0xa4: {  	s11 =	sadd.s32 s6, s11;
	[sflag:s16] =	ssyncadd.s32 $0xFFFFF000  }
0xa5: {  	[tilespmem:s17], [sflag:$0x9] =	stream.linear.gather [hbm4b:s11+s3], $0x1000, $0x38;
	[tilespmem:$0x1E000] =	vst v63  }
0xa6: {  	_ =	swait.ge [sflag:s16], $0x1000  }
0xa7: {  	[sflag:s16] =	ssyncset.done $0x0  }
0xa8: {  	[sflag:s16] =	ssyncadd.s32 $0xFFFFF000  }
0xa9: {  	[tilespmem:s19], [sflag:$0x1] =	stream.indirect.gather [hbm4b:s1+s18], $0x80, s3, s18, $0xb8;
	[tilespmem:$0x1E000] =	vst v63  }
0xaa: {  	_ = 	snop  }
0xab: {  	[tilespmem:s21], [sflag:$0x2] =	stream.indirect.gather [hbm4b:s1+s18], $0x80, s20, s18, $0xb8;
	[tilespmem:$0x1E000] =	vst v63  }
0xac: {  	_ =	swait.ge [sflag:s22], $0x2000  }
0xad: {  	[sflag:s22] =	ssyncset.done $0x0  }
0xae: {  	[sflag:s22] =	ssyncadd.s32 $0xFFFFE000  }
0xaf: {  	[spmem:s2] =	stream.indirect.scatter.add.f32 [tilespmem:s19], [sflag:$0x5], $0x80, s17, s18, $0xb8;
	[tilespmem:$0x1E000] =	vst v63  }
0xb0: {  	_ = 	snop  }
0xb1: {  	[tilespmem:s24], [sflag:$0x3] =	stream.indirect.gather [hbm4b:s1+s18], $0x80, s23, s18, $0xb8;
	[tilespmem:$0x1E000] =	vst v63  }
0xb2: {  	_ =	swait.ge [sflag:s25], $0x2000  }
0xb3: {  	[sflag:s25] =	ssyncset.done $0x0  }
0xb4: {  	[sflag:s25] =	ssyncadd.s32 $0xFFFFE000  }
0xb5: {  	[spmem:s2] =	stream.indirect.scatter.add.f32 [tilespmem:s21], [sflag:$0x6], $0x80, s26, s18, $0xb8;
	[tilespmem:$0x1E000] =	vst v63  }
0xb6: {  	_ = 	snop  }
0xb7: {  	[tilespmem:s29], [sflag:$0x4] =	stream.indirect.gather [hbm4b:s1+s18], $0x80, s28, s18, $0xb8;
	[tilespmem:$0x1E000] =	vst v63  }
0xb8: {  	_ =	swait.ge [sflag:s30], $0x2000  }
0xb9: {  	[sflag:s30] =	ssyncset.done $0x0  }
0xba: {  	s15 =	simm.s32 $0x1100;
	[sflag:s30] =	ssyncadd.s32 $0xFFFFE000  }
0xbb: {  	[spmem:s2] =	stream.indirect.scatter.add.f32 [tilespmem:s24], [sflag:$0x7], $0x80, s15, s18, $0xb8;
	[tilespmem:$0x1E000] =	vst v63  }
0xbc: {  	_ =	swait.ge [sflag:s31], $0x2000  }
0xbd: {  	[sflag:s31] =	ssyncset.done $0x0  }
0xbe: {  	s11 =	simm.s32 $0x200;
	[sflag:s31] =	ssyncadd.s32 $0xFFFFE000  }
0xbf: {  	[tilespmem:s19], [sflag:$0x1] =	stream.indirect.gather [hbm4b:s1+s18], $0x80, s11, s18, $0xb8;
	[tilespmem:$0x1E000] =	vst v63  }
0xc0: {  	_ =	swait.ge [sflag:s0], $0x2000  }
0xc1: {  	[sflag:s0] =	ssyncset.done $0x0  }
0xc2: {  	s15 =	simm.s32 $0x1180;
	[sflag:s0] =	ssyncadd.s32 $0xFFFFE000  }
0xc3: {  	[spmem:s2] =	stream.indirect.scatter.add.f32 [tilespmem:s29], [sflag:$0x8], $0x80, s15, s18, $0xb8;
	[tilespmem:$0x1E000] =	vst v63  }
0xc4: {  	_ =	swait.ge [sflag:s4], $0x2000  }
0xc5: {  	[sflag:s4] =	ssyncset.done $0x0  }
0xc6: {  	s11 =	simm.s32 $0x280;
	[sflag:s4] =	ssyncadd.s32 $0xFFFFE000  }
0xc7: {  	[tilespmem:s21], [sflag:$0x2] =	stream.indirect.gather [hbm4b:s1+s18], $0x80, s11, s18, $0xb8;
	[tilespmem:$0x1E000] =	vst v63  }
0xc8: {  	_ =	swait.ge [sflag:s22], $0x2000  }
0xc9: {  	[sflag:s22] =	ssyncset.done $0x0  }
0xca: {  	s15 =	simm.s32 $0x1200;
	[sflag:s22] =	ssyncadd.s32 $0xFFFFE000  }
0xcb: {  	[spmem:s2] =	stream.indirect.scatter.add.f32 [tilespmem:s19], [sflag:$0x5], $0x80, s15, s18, $0xb8;
	[tilespmem:$0x1E000] =	vst v63  }
0xcc: {  	_ =	swait.ge [sflag:s8], $0x2000  }
0xcd: {  	[sflag:s8] =	ssyncset.done $0x0  }
0xce: {  	s11 =	simm.s32 $0x300;
	[sflag:s8] =	ssyncadd.s32 $0xFFFFE000  }
0xcf: {  	[tilespmem:s24], [sflag:$0x3] =	stream.indirect.gather [hbm4b:s1+s18], $0x80, s11, s18, $0xb8;
	[tilespmem:$0x1E000] =	vst v63  }
0xd0: {  	_ =	swait.ge [sflag:s25], $0x2000  }
0xd1: {  	[sflag:s25] =	ssyncset.done $0x0  }
0xd2: {  	s15 =	simm.s32 $0x1280;
	[sflag:s25] =	ssyncadd.s32 $0xFFFFE000  }
0xd3: {  	[spmem:s2] =	stream.indirect.scatter.add.f32 [tilespmem:s21], [sflag:$0x6], $0x80, s15, s18, $0xb8;
	[tilespmem:$0x1E000] =	vst v63  }
0xd4: {  	_ =	swait.ge [sflag:s9], $0x2000  }
0xd5: {  	[sflag:s9] =	ssyncset.done $0x0  }
0xd6: {  	s11 =	simm.s32 $0x800;
	s15 =	simm.s32 $0x380;
	[sflag:s9] =	ssyncadd.s32 $0xFFFFE000  }
.LBB2_3:
0xd7: {  	[tilespmem:s29], [sflag:$0x4] =	stream.indirect.gather [hbm4b:s1+s18], $0x80, s15, s18, $0xb8;
	[tilespmem:$0x1E000] =	vst v63  }
0xd8: {  	s3 =	smov.u32 s11  }
0xd9: {  	p1 =	sne.s32 s11, $0x3000;
	s11 =	sadd.s32 $0x800, s11;
	_ =	swait.ge [sflag:s30], $0x2000  }
0xda: {  	s15 =	sshra.s32 s3, $0x2;
	[sflag:s30] =	ssyncset.done $0x0  }
0xdb: {  	s3 =	sadd.s32 $0x1100, s15;
	[sflag:s30] =	ssyncadd.s32 $0xFFFFE000  }
0xdc: {  	[spmem:s2] =	stream.indirect.scatter.add.f32 [tilespmem:s24], [sflag:$0x7], $0x80, s3, s18, $0xb8;
	[tilespmem:$0x1E000] =	vst v63  }
0xdd: {  	_ =	swait.ge [sflag:s31], $0x2000  }
0xde: {  	[sflag:s31] =	ssyncset.done $0x0  }
0xdf: {  	s3 =	sadd.s32 $0x200, s15;
	[sflag:s31] =	ssyncadd.s32 $0xFFFFE000  }
0xe0: {  	[tilespmem:s19], [sflag:$0x1] =	stream.indirect.gather [hbm4b:s1+s18], $0x80, s3, s18, $0xb8;
	[tilespmem:$0x1E000] =	vst v63  }
0xe1: {  	_ =	swait.ge [sflag:s0], $0x2000  }
0xe2: {  	[sflag:s0] =	ssyncset.done $0x0  }
0xe3: {  	s3 =	sadd.s32 $0x1180, s15;
	[sflag:s0] =	ssyncadd.s32 $0xFFFFE000  }
0xe4: {  	[spmem:s2] =	stream.indirect.scatter.add.f32 [tilespmem:s29], [sflag:$0x8], $0x80, s3, s18, $0xb8;
	[tilespmem:$0x1E000] =	vst v63  }
0xe5: {  	_ =	swait.ge [sflag:s4], $0x2000  }
0xe6: {  	[sflag:s4] =	ssyncset.done $0x0  }
0xe7: {  	s3 =	sadd.s32 $0x280, s15;
	[sflag:s4] =	ssyncadd.s32 $0xFFFFE000  }
0xe8: {  	[tilespmem:s21], [sflag:$0x2] =	stream.indirect.gather [hbm4b:s1+s18], $0x80, s3, s18, $0xb8;
	[tilespmem:$0x1E000] =	vst v63  }
0xe9: {  	_ =	swait.ge [sflag:s22], $0x2000  }
0xea: {  	[sflag:s22] =	ssyncset.done $0x0  }
0xeb: {  	s3 =	sadd.s32 $0x1200, s15;
	[sflag:s22] =	ssyncadd.s32 $0xFFFFE000  }
0xec: {  	[spmem:s2] =	stream.indirect.scatter.add.f32 [tilespmem:s19], [sflag:$0x5], $0x80, s3, s18, $0xb8;
	[tilespmem:$0x1E000] =	vst v63  }
0xed: {  	_ =	swait.ge [sflag:s8], $0x2000  }
0xee: {  	[sflag:s8] =	ssyncset.done $0x0  }
0xef: {  	s3 =	sadd.s32 $0x300, s15;
	[sflag:s8] =	ssyncadd.s32 $0xFFFFE000  }
0xf0: {  	[tilespmem:s24], [sflag:$0x3] =	stream.indirect.gather [hbm4b:s1+s18], $0x80, s3, s18, $0xb8;
	[tilespmem:$0x1E000] =	vst v63  }
0xf1: {  	_ =	swait.ge [sflag:s25], $0x2000  }
0xf2: {  	[sflag:s25] =	ssyncset.done $0x0  }
.Ltmp6:
0xf3: {  	s3 =	sadd.s32 $0x1280, s15;
	[sflag:s25] =	ssyncadd.s32 $0xFFFFE000;
	(pc) =	sbr.rel @p1 .LBB2_3-.Ltmp6, $4  }
0xf4: {  	[spmem:s2] =	stream.indirect.scatter.add.f32 [tilespmem:s21], [sflag:$0x6], $0x80, s3, s18, $0xb8;
	[tilespmem:$0x1E000] =	vst v63  }
0xf5: {  	_ =	swait.ge [sflag:s9], $0x2000  }
0xf6: {  	[sflag:s9] =	ssyncset.done $0x0  }
0xf7: {  	s15 =	sadd.s32 $0x380, s15;
	[sflag:s9] =	ssyncadd.s32 $0xFFFFE000  }
0xf8: {  	[tilespmem:s29], [sflag:$0x4] =	stream.indirect.gather [hbm4b:s1+s18], $0x80, s15, s18, $0xb8;
	[tilespmem:$0x1E000] =	vst v63  }
0xf9: {  	_ =	swait.ge [sflag:s30], $0x2000  }
0xfa: {  	[sflag:s30] =	ssyncset.done $0x0  }
0xfb: {  	[sflag:s30] =	ssyncadd.s32 $0xFFFFE000  }
0xfc: {  	[spmem:s2] =	stream.indirect.scatter.add.f32 [tilespmem:s24], [sflag:$0x7], $0x80, s7, s18, $0xb8;
	[tilespmem:$0x1E000] =	vst v63  }
0xfd: {  	_ =	swait.ge [sflag:s0], $0x2000  }
0xfe: {  	[sflag:s0] =	ssyncset.done $0x0  }
0xff: {  	[sflag:s0] =	ssyncadd.s32 $0xFFFFE000  }
0x100: {  	[spmem:s2] =	stream.indirect.scatter.add.f32 [tilespmem:s29], [sflag:$0x8], $0x80, s12, s18, $0xb8;
	[tilespmem:$0x1E000] =	vst v63  }
0x101: {  	_ =	swait.ge [sflag:s31], $0x2000  }
0x102: {  	[sflag:s31] =	ssyncset.done $0x0  }
0x103: {  	[sflag:s31] =	ssyncadd.s32 $0xFFFFE000  }
0x104: {  	_ =	swait.ge [sflag:s4], $0x2000  }
0x105: {  	[sflag:s4] =	ssyncset.done $0x0  }
0x106: {  	s14 =	sadd.s32 $0x1, s14;
	[sflag:s4] =	ssyncadd.s32 $0xFFFFE000  }
0x107: {  	p1 =	seq.s32 s14, $0x5;
	_ =	swait.ge [sflag:s8], $0x2000  }
.Ltmp7:
0x108: {  	[sflag:s8] =	ssyncset.done $0x0;
	(pc) =	sbr.rel @!p1 .LBB2_2-.Ltmp7, $4  }
0x109: {  	[sflag:s8] =	ssyncadd.s32 $0xFFFFE000  }
0x10a: {  	_ =	swait.ge [sflag:s9], $0x2000  }
0x10b: {  	[sflag:s9] =	ssyncset.done $0x0  }
0x10c: {  	[sflag:s9] =	ssyncadd.s32 $0xFFFFE000  }
.Ltmp8:
0x10d: {  	(pc) =	sbr.rel .LBB2_10-.Ltmp8, $3  }
0x10e: {  	_ =	sdelay $0x1  }
0x10f: {  	s11 =	rddreg [dreg:$0x6]  }
0x110: {  	s14 =	rddreg [dreg:$0x4]  }
.LBB2_11:
0x111: {  	_ =	sfence.sel $0x180000  }
0x112: {  	[bflag:$0x0] =	sbarrier.arrive $0xFFFF  }
0x113: {  	_ =	strace $0x90000047  }
0x114: {  	s0 =	stileid.u32;
	[bflag:$0x2] =	sbarrier.arrive $0xFFFF  }
0x115: {  	p0 =	sne.s32 s0, $0x0;
	s0 =	rddreg [dreg:$0x3]  }
0x116: {  	s0 =	sadd.s32 @!p0 $0x100000, s0  }
0x117: {  	[sflag:s0] =	ssyncadd.tile.s32 @!p0 $0x1;
	_ =	shalt  }
.Lfunc_end2:
_tile_overlayer_lowered:
.L_overlay_start_2:
0x118: {  	(tag) =	ssettag $0x2  }
0x119: {  	s0 =	rddreg [dreg:$0x0];
	s2 =	stileid.u32  }
0x11a: {  	s1 =	rddreg [dreg:$0x1];
	p0 =	sne.s32 s2, $0x0  }
0x11b: {  	s3 =	rddreg [dreg:$0x2];
	[bflag:$0x3] =	sbarrier.arrive $0xFFFF;
	s2 =	simm.s32 @!p0 $0x1C09  }
0x11c: {  	[timem:s3], [sflag:s2] =	dma.local @!p0 [hbm:s0], s1  }
0x11d: {  	s0 =	simm.s32 @!p0 $0x9  }
0x11e: {  	_ =	swait.ge @!p0 [sflag:s0], s1  }
0x11f: {  	s1 =	ssub.s32 @!p0 $0x0, s1;
	[sflag:s0] =	ssyncset.done @!p0 $0x0  }
0x120: {  	[sflag:s0] =	ssyncadd.s32 @!p0 s1  }
0x121: {  	[bflag:$0x3] =	sbarrier.arrive $0xFFFF  }
0x122: {  	_ =	shalt  }

// kernel: kernel.14.cloned.1.call-start
scs
__scs_entry_jumppad:
0x0: {  	(pc) =	sbr.rel $0x88, $3  }
0x1: {  	(tag) =	ssettag $0x0;
	lr =	simm.s32 $0x1  }
0x2: {  	[smem:$0x3F86] =	sst lr;
	_ =	strace $0xD0000000  }
0x3: {  	_ = 	snop  }
0x4: {  	_ = 	snop  }
0x5: {  	_ = 	snop  }
0x6: {  	_ = 	snop  }
0x7: {  	_ = 	snop  }
__scs_overlays_trampoline_lowered:
0x8: {  	[smem:$0x3F95] =	sst s0  }
0x9: {  	[smem:$0x3F96] =	sst s1  }
0xa: {  	[smem:$0x3F97] =	sst s2  }
0xb: {  	[smem:$0x3F98] =	sst s3  }
0xc: {  	[smem:$0x3F99] =	sst s4  }
0xd: {  	[smem:$0x3F9A] =	sst s5  }
0xe: {  	[smem:$0x3F9B] =	sst s6  }
0xf: {  	[smem:$0x3F9C] =	sst s7  }
0x10: {  	[smem:$0x3F9D] =	sst s8  }
0x11: {  	[smem:$0x3F9E] =	sst s9;
	s0 =	simm.s32 @!p0 $0x0  }
0x12: {  	s1 =	sld [smem:$0x3F84];
	s0 =	simm.s32 @p0 $0x1  }
0x13: {  	[smem:$0x3F9F] =	sst s0;
	s0 =	simm.s32 @!p1 $0x0  }
0x14: {  	s2 =	sld [smem:$0x3F83];
	s0 =	simm.s32 @p1 $0x1  }
0x15: {  	[smem:$0x3FA0] =	sst s0;
	s0 =	simm.s32 @!p2 $0x0  }
0x16: {  	s3 =	sld [smem:$0x3FDB];
	s0 =	simm.s32 @p2 $0x1  }
0x17: {  	s4 =	simm.s32 $0x1BF5;
	[smem:$0x3FA2] =	sst s0  }
0x18: {  	s0 =	sld [smem:$0x3F85];
	_ =	swait.ge [sflag:s4], $0x0  }
0x19: {  	s7 =	sld [smem:$0x3F86]  }
0x1a: {  	s8 =	sadd.s32 $0xFFFFE003, lr  }
0x1b: {  	s9 =	sadd.s32 $0xFFFFFEF7, lr;
	s5 =	simm.s32 $0xFFFFFFFF;
	p2 =	slt.u32 s8, $0xFFFFF086  }
0x1c: {  	p1 =	slt.u32 s9, $0xF7A;
	s5 =	simm.s32 @!p2 $0x0  }
0x1d: {  	s5 =	simm.s32 @p1 $0x1;
	p0 =	seq.s32 s7, s2  }
0x1e: {  	s7 =	smul.u32 @!p0 $0xF7A, s2;
	p2 =	seq.s32 @!p0 s5, $0x0  }
0x1f: {  	s9 =	smul.u32 $0xF7A, s1;
	s8 =	simm.s32 @!p0 $0x1BF5;
	p2 =	por !p2, p0  }
0x20: {  	[sflag:s8] =	ssyncset.s32 @!p0 $0xFFFFF086;
	s6 =	sadd.s32 @!p0 s3, s7;
	s7 =	simm.s32 @!p0 $0x108  }
0x21: {  	s3 =	sadd.s32 s3, s9;
	s6 =	sadd.s32 @!p0 $0x88, s6;
	s7 =	simm.s32 @p2 $0x1082  }
0x22: {  	[simem:s7], [sflag:s8] =	dma.local @!p0 [hbm:s6], $0xF7A  }
0x23: {  	s9 =	sor.u32 $0xD0000000, s2;
	s6 =	simm.s32 $0x108;
	_ =	swait.ge @!p0 [sflag:s8], $0x0  }
0x24: {  	s3 =	sadd.s32 $0x88, s3;
	s6 =	simm.s32 @!p1 $0x1082;
	[sflag:s4] =	ssyncset.s32 $0xFFFFF086  }
0x25: {  	[simem:s6], [sflag:s4] =	dma.local [hbm:s3], $0xF7A  }
0x26: {  	[smem:$0x3F86] =	sst s1;
	(tag) =	ssettag s2;
	_ =	strace s9  }
0x27: {  	s1 =	sld [smem:$0x3F96]  }
0x28: {  	s2 =	sld [smem:$0x3F97]  }
0x29: {  	s4 =	sld [smem:$0x3F99]  }
0x2a: {  	p0 =	seq.s32 s5, $0x0;
	s5 =	sld [smem:$0x3F9A]  }
0x2b: {  	s6 =	sld [smem:$0x3F9B]  }
0x2c: {  	s7 =	sld [smem:$0x3F9C]  }
0x2d: {  	s3 =	simm.s32 $0x108;
	s8 =	sld [smem:$0x3F9D]  }
0x2e: {  	s3 =	simm.s32 @!p0 $0x1082;
	s9 =	sld [smem:$0x3F9E]  }
0x2f: {  	lr =	sadd.s32 s0, s3;
	s0 =	sld [smem:$0x3F95]  }
0x30: {  	s3 =	sld [smem:$0x3F98]  }
0x31: {  	[smem:$0x3FA1] =	sst s10  }
0x32: {  	s10 =	sld [smem:$0x3F9F];
	_ =	sdelay $0x3  }
0x33: {  	p0 =	seq.s32 s10, $0x1;
	s10 =	sld [smem:$0x3FA1];
	_ =	sdelay $0x3  }
0x34: {  	[smem:$0x3FA1] =	sst s10  }
0x35: {  	s10 =	sld [smem:$0x3FA0];
	_ =	sdelay $0x3  }
0x36: {  	p1 =	seq.s32 s10, $0x1;
	s10 =	sld [smem:$0x3FA1];
	_ =	sdelay $0x3  }
0x37: {  	[smem:$0x3FA1] =	sst s10  }
0x38: {  	s10 =	sld [smem:$0x3FA2]  }
0x39: {  	_ = 	snop;
	(pc) =	sbr.ind lr, $3  }
0x3a: {  	_ = 	snop  }
0x3b: {  	_ = 	snop  }
0x3c: {  	p2 =	seq.s32 s10, $0x1;
	s10 =	sld [smem:$0x3FA1]  }
0x3d: {  	_ =	shalt  }
0x3e: {  	_ =	shalt  }
0x3f: {  	_ =	shalt  }
0x40: {  	_ =	shalt  }
0x41: {  	_ =	shalt  }
0x42: {  	_ =	shalt  }
0x43: {  	_ =	shalt  }
0x44: {  	_ =	shalt  }
0x45: {  	_ =	shalt  }
0x46: {  	_ =	shalt  }
0x47: {  	_ =	shalt  }
0x48: {  	_ =	shalt  }
0x49: {  	_ =	shalt  }
0x4a: {  	_ =	shalt  }
0x4b: {  	_ =	shalt  }
0x4c: {  	_ =	shalt  }
0x4d: {  	_ =	shalt  }
0x4e: {  	_ =	shalt  }
0x4f: {  	_ =	shalt  }
0x50: {  	_ =	shalt  }
0x51: {  	_ =	shalt  }
0x52: {  	_ =	shalt  }
0x53: {  	_ =	shalt  }
0x54: {  	_ =	shalt  }
0x55: {  	_ =	shalt  }
0x56: {  	_ =	shalt  }
0x57: {  	_ =	shalt  }
0x58: {  	_ =	shalt  }
0x59: {  	_ =	shalt  }
0x5a: {  	_ =	shalt  }
0x5b: {  	_ =	shalt  }
0x5c: {  	_ =	shalt  }
0x5d: {  	_ =	shalt  }
0x5e: {  	_ =	shalt  }
0x5f: {  	_ =	shalt  }
0x60: {  	_ =	shalt  }
0x61: {  	_ =	shalt  }
0x62: {  	_ =	shalt  }
0x63: {  	_ =	shalt  }
0x64: {  	_ =	shalt  }
0x65: {  	_ =	shalt  }
0x66: {  	_ =	shalt  }
0x67: {  	_ =	shalt  }
0x68: {  	_ =	shalt  }
0x69: {  	_ =	shalt  }
0x6a: {  	_ =	shalt  }
0x6b: {  	_ =	shalt  }
0x6c: {  	_ =	shalt  }
0x6d: {  	_ =	shalt  }
0x6e: {  	_ =	shalt  }
0x6f: {  	_ =	shalt  }
0x70: {  	_ =	shalt  }
0x71: {  	_ =	shalt  }
0x72: {  	_ =	shalt  }
0x73: {  	_ =	shalt  }
0x74: {  	_ =	shalt  }
0x75: {  	_ =	shalt  }
0x76: {  	_ =	shalt  }
0x77: {  	_ =	shalt  }
0x78: {  	_ =	shalt  }
0x79: {  	_ =	shalt  }
0x7a: {  	_ =	shalt  }
0x7b: {  	_ =	shalt  }
0x7c: {  	_ =	shalt  }
0x7d: {  	_ =	shalt  }
0x7e: {  	_ =	shalt  }
0x7f: {  	_ =	shalt  }
0x80: {  	_ =	shalt  }
0x81: {  	_ =	shalt  }
0x82: {  	_ =	shalt  }
0x83: {  	_ =	shalt  }
0x84: {  	_ =	shalt  }
0x85: {  	_ =	shalt  }
0x86: {  	_ =	shalt  }
0x87: {  	_ =	shalt  }
.Lfunc_end0:
.L_simem_size_0:
called_computation.1_lowered:
.L_overlay_start_0:
0x88: {  	s2 =	sld [smem:$0x3FD9]  }
0x89: {  	s3 =	sld [smem:$0x3FFE];
	_ =	sdelay $0x1  }
0x8a: {  	s1 =	srdreg.scid  }
0x8b: {  	s0 =	sand.u32 $0x1, s1  }
0x8c: {  	s16 =	sshll.u32 s0, $0xA;
	s2 =	sadd.s32 s3, s2  }
0x8d: {  	s2 =	sadd.s32 s2, s16  }
0x8e: {  	[smem:$0x3FAD] =	sst s2  }
0x8f: {  	_ = 	snop  }
0x90: {  	(tm) =	ssettm $0x1  }
0x91: {  	s17 =	sld [smem:$0x3FFB];
	_ =	sdelay $0x3  }
0x92: {  	_ =	strace s17  }
0x93: {  	s2 =	sld [smem:$0x3FFC];
	_ =	sdelay $0x3  }
0x94: {  	_ =	strace s2  }
0x95: {  	s2 =	sld [smem:$0x3FFD];
	_ =	sdelay $0x3  }
0x96: {  	_ =	strace s2  }
0x97: {  	_ =	strace $0x8FFFFFFF  }
0x98: {  	s18 =	sld [smem:$0x3FDB];
	_ =	sdelay $0x1  }
0x99: {  	s19 =	simm.s32 $_scs_section_size  }
0x9a: {  	s4 =	simm.s32 $_size__tile_overlayer_lowered;
	s5 =	simm.s32 $_tile_overlayer_lowered  }
0x9b: {  	s22 =	simm.s32 $0x1BFF;
	s21 =	sshll.u32 s5, $0x1;
	s2 =	sadd.s32 s19, s18  }
0x9c: {  	s6 =	simm.s32 $0x0;
	s20 =	sshll.u32 s4, $0x1;
	s4 =	sadd.s32 s21, s2  }
0x9d: {  	[timem:s6], [sflag:s22] =	dma.local [hbm:s4], s20  }
0x9e: {  	_ =	swait.ge [sflag:s22], s20  }
0x9f: {  	s3 =	ssub.s32 $0x0, s20;
	[sflag:s22] =	ssyncset.done $0x0  }
0xa0: {  	[sflag:s22] =	ssyncadd.s32 s3;
	_ =	sdelay $0x1  }
0xa1: {  	s23 =	simm.s32 $0x1B8B  }
0xa2: {  	_ =	swait.ge [sflag:s23], $0x1  }
0xa3: {  	[sflag:s23] =	ssyncset.done $0x0  }
0xa4: {  	s25 =	simm.s32 $0x1B8E;
	s24 =	sld [smem:$0x3FFE];
	[sflag:s23] =	ssyncadd.s32 $0xFFFFFFFF  }
0xa5: {  	s26 =	simm.s32 $execute0_lowered;
	[smem:$0x3FD2] =	sst s25  }
0xa6: {  	s4 =	sshll.u32 s26, $0x1;
	_ =	strace $0x80000049;
	[dreg:$0x1] =	wrdreg $0xFFFFFFFF  }
0xa7: {  	s28 =	simm.s32 $_size_execute0_lowered;
	s2 =	sadd.s32 s2, s4;
	[dreg:$0x0] =	wrdreg $0x0  }
0xa8: {  	s4 =	sshll.u32 s28, $0x1;
	[dreg:$0x2] =	wrdreg s2  }
0xa9: {  	[dreg:$0x3] =	wrdreg s4  }
0xaa: {  	[dreg:$0x4] =	wrdreg $0xC0  }
0xab: {  	_ =	task [dreg:s6], $0x5FFFF  }
0xac: {  	[dreg:$0x1] =	wrdreg $0xFFFFFFFF  }
0xad: {  	[dreg:$0x0] =	wrdreg $0x60  }
0xae: {  	[dreg:$0x2] =	wrdreg s24  }
0xaf: {  	[dreg:$0x3] =	wrdreg $0xA0000  }
0xb0: {  	[dreg:$0x4] =	wrdreg $0x9  }
0xb1: {  	_ =	task.clear_ibuf [dreg:s6], $0x5FFFF;
	_ =	strace $0x90000049  }
0xb2: {  	s29 =	simm.s32 $0x9;
	_ =	strace $0x8000004B  }
0xb3: {  	_ =	swait.ge [sflag:s29], $0x1  }
0xb4: {  	[sflag:s29] =	ssyncadd.s32 $0xFFFFFFFF  }
0xb5: {  	_ =	strace $0x9000004B  }
0xb6: {  	_ =	sfence  }
0xb7: {  	s30 =	sld [smem:$0x0];
	_ =	sdelay $0x2  }
0xb8: {  	s31 =	sshll.u32 s1, $0xD;
	s1 =	sshrl.u32 s1, $0x2  }
0xb9: {  	s3 =	sand.u32 $0x4000, s31;
	s1 =	sadd.s32 s1, s30  }
0xba: {  	s0 =	sor.u32 s3, s0;
	s1 =	sshll.u32 s1, $0x11  }
0xbb: {  	s0 =	sor.u32 s1, s0  }
0xbc: {  	s0 =	sadd.s32 $0x8F2B, s0  }
0xbd: {  	[sflag:s0] =	ssyncadd.remote.s32 $0x1  }
0xbe: {  	_ =	sfence.sel $0xFFFF  }
0xbf: {  	[dreg:$0x0] =	wrdreg $0xFFFFFFFF;
	(pc) =	sbr.abs _section_cstart, $3  }
0xc0: {  	[dreg:$0x1] =	wrdreg $0xFFFFFFFF  }
0xc1: {  	_ =	task.clear_ibuf [dreg:s6], $0x2FFFF;
	_ =	strace $0x9FFFFFFF  }
0xc2: {  	(tm) =	ssettm $0x7FFFFFFF  }
0xc3: {  	_ =	shalt  }
tec
execute0_lowered:
.L_overlay_start_1:
0x0: {  	(tag) =	ssettag $0x1  }
0x1: {  	s0 =	rddreg [dreg:$0x0]  }
0x2: {  	s1 =	rddreg [dreg:$0x1];
	s2 =	simm.s32 $0x0  }
0x3: {  	s3 =	srdreg.scid;
	s10 =	stileid.u32;
	s16 =	simm.s32 $0x9  }
0x4: {  	s17 =	simm.s32 $0x1000;
	s18 =	simm.s32 $0x40;
	s19 =	simm.s32 $0x2000  }
0x5: {  	s20 =	simm.s32 $0x80;
	s21 =	simm.s32 $0x4000;
	s28 =	simm.s32 $0x180  }
0x6: {  	s29 =	simm.s32 $0x8000;
	s30 =	simm.s32 $0x3;
	s31 =	simm.s32 $0x5  }
0x7: {  	s13 =	simm.s32 $0x1F80;
	[smem:$0x7FF] =	sst s2;
	s4 =	sadd.s32 $0x31C00, s0  }
0x8: {  	s5 =	sadd.s32 $0x58E00, s0;
	s6 =	sadd.s32 $0x7400, s0;
	s7 =	sadd.s32 $0x1B400, s0  }
0x9: {  	s3 =	sand.u32 $0x1, s3;
	s8 =	smul.u32 $0x50000, s10;
	s9 =	sadd.s32 $0x2F400, s0  }
0xa: {  	s22 =	sadd.s32 $0x80000, s0;
	s0 =	sadd.s32 $0xA8000, s0;
	s25 =	sshll.u32 s10, $0x6  }
0xb: {  	s12 =	smul.u32 $0xA000, s10;
	_ =	strace $0x8000004A;
	[dreg:$0x4] =	wrdreg s9  }
0xc: {  	s26 =	smul.u32 $0x2800, s10;
	s10 =	simm.s32 $0x8;
	[dreg:$0x5] =	wrdreg s22  }
0xd: {  	s23 =	ssub.s32 $0x2, s3;
	[dreg:$0x6] =	wrdreg s0;
	s11 =	sor.u32 $0x1C09, s25  }
0xe: {  	p0 =	seq.s32 s3, $0x1;
	s22 =	simm.s32 $0x1;
	s25 =	simm.s32 $0x2  }
0xf: {  	s3 =	simm.s32 $0x6;
	s9 =	simm.s32 $0x7;
	s24 =	sshrl.u32 s23, $0x1  }
.Ltmp0:
0x10: {  	s8 =	sshrl.u32 s8, $0x2;
	[dreg:$0x8] =	wrdreg s26;
	(pc) =	sbr.rel .LBB2_1-.Ltmp0, $4  }
0x11: {  	s26 =	simm.s32 $0x1080;
	[dreg:$0x7] =	wrdreg s11;
	s0 =	ssub.s32 s23, s24  }
0x12: {  	s8 =	sadd.s32 s8, s1;
	s23 =	simm.s32 $0x100;
	s0 =	smax.u32 s0, $0x1  }
0x13: {  	s24 =	simm.s32 $0x6000;
	s15 =	sshrl.u32 s8, $0x3;
	[dreg:$0x9] =	wrdreg s0  }
0x14: {  	s8 =	simm.s32 $0x1F00;
	s0 =	simm.s32 $0x4;
	[dreg:$0xa] =	wrdreg s15  }
.LBB2_10:
0x15: {  	s2 =	rddreg [dreg:$0x8];
	[bflag:$0x0] =	sbarrier.arrive $0xFFFF  }
0x16: {  	s2 =	sadd.s32 s11, s2;
	s11 =	rddreg [dreg:$0x7]  }
0x17: {  	s15 =	rddreg [dreg:$0xa]  }
0x18: {  	[hbm:s2], [sflag:s11] =	dma.local [spmem:s15], $0x2800  }
0x19: {  	_ =	swait.ge [sflag:s16], $0x2800  }
0x1a: {  	s14 =	sadd.s32 $0x1, s14;
	s2 =	rddreg [dreg:$0x9]  }
0x1b: {  	p1 =	sne.s32 s14, s2  }
.Ltmp1:
0x1c: {  	_ = 	snop;
	(pc) =	sbr.rel @!p1 .LBB2_11-.Ltmp1, $3  }
0x1d: {  	_ =	sdelay $0x1  }
0x1e: {  	[sflag:s16] =	ssyncset.done $0x0  }
0x1f: {  	[sflag:s16] =	ssyncadd.s32 $0xFFFFD800;
	s2 =	smov.u32 s14  }
.LBB2_1:
0x20: {  	[dreg:$0x3] =	wrdreg s2  }
0x21: {  	s14 =	rddreg [dreg:$0x4]  }
0x22: {  	[spmem:s15], [sflag:s11] =	dma.local [hbm:s14], $0x2800  }
.Ltmp2:
0x23: {  	_ =	swait.ge [sflag:s16], $0x2800;
	(pc) =	sbr.rel @!p0 .LBB2_2-.Ltmp2, $4  }
0x24: {  	[sflag:s16] =	ssyncset.done $0x0  }
0x25: {  	[sflag:s16] =	ssyncadd.s32 $0xFFFFD800  }
0x26: {  	[bflag:$0x0] =	sbarrier.arrive $0xFFFF  }
0x27: {  	s14 =	simm.s32 $0x0;
	s11 =	simm.s32 $0x0  }
.LBB2_6:
0x28: {  	s2 =	sshll.u32 s11, $0xC  }
0x29: {  	s2 =	sadd.s32 s12, s2  }
0x2a: {  	s2 =	sshrl.u32 s2, $0x3  }
0x2b: {  	s15 =	simm.s32 $0x0;
	s14 =	sadd.s32 s6, s2  }
0x2c: {  	[tilespmem:s15], [sflag:$0x9] =	stream.linear.gather [hbm4b:s14+s15], $0x1000, $0x38;
	[tilespmem:$0x1E000] =	vst v63  }
0x2d: {  	_ =	swait.ge [sflag:s16], $0x1000  }
0x2e: {  	[sflag:s16] =	ssyncset.done $0x0  }
0x2f: {  	s2 =	sadd.s32 s7, s2;
	[sflag:s16] =	ssyncadd.s32 $0xFFFFF000  }
0x30: {  	[tilespmem:s17], [sflag:$0x9] =	stream.linear.gather [hbm4b:s2+s15], $0x1000, $0x38;
	[tilespmem:$0x1E000] =	vst v63  }
0x31: {  	_ =	swait.ge [sflag:s16], $0x1000  }
0x32: {  	[sflag:s16] =	ssyncset.done $0x0  }
0x33: {  	[sflag:s16] =	ssyncadd.s32 $0xFFFFF000  }
0x34: {  	[tilespmem:s19], [sflag:$0x1] =	stream.indirect.gather [hbm4b:s5+s18], $0x80, s15, s18, $0xb8;
	[tilespmem:$0x1E000] =	vst v63  }
0x35: {  	_ = 	snop  }
0x36: {  	[tilespmem:s21], [sflag:$0x2] =	stream.indirect.gather [hbm4b:s5+s18], $0x80, s20, s18, $0xb8;
	[tilespmem:$0x1E000] =	vst v63  }
0x37: {  	_ =	swait.ge [sflag:s22], $0x2000  }
0x38: {  	[sflag:s22] =	ssyncset.done $0x0  }
0x39: {  	[sflag:s22] =	ssyncadd.s32 $0xFFFFE000  }
0x3a: {  	[spmem:s1] =	stream.indirect.scatter.add.f32 [tilespmem:s19], [sflag:$0x5], $0x80, s17, s18, $0xb8;
	[tilespmem:$0x1E000] =	vst v63  }
0x3b: {  	_ = 	snop  }
0x3c: {  	[tilespmem:s24], [sflag:$0x3] =	stream.indirect.gather [hbm4b:s5+s18], $0x80, s23, s18, $0xb8;
	[tilespmem:$0x1E000] =	vst v63  }
0x3d: {  	_ =	swait.ge [sflag:s25], $0x2000  }
0x3e: {  	[sflag:s25] =	ssyncset.done $0x0  }
0x3f: {  	[sflag:s25] =	ssyncadd.s32 $0xFFFFE000  }
0x40: {  	[spmem:s1] =	stream.indirect.scatter.add.f32 [tilespmem:s21], [sflag:$0x6], $0x80, s26, s18, $0xb8;
	[tilespmem:$0x1E000] =	vst v63  }
0x41: {  	_ = 	snop  }
0x42: {  	[tilespmem:s29], [sflag:$0x4] =	stream.indirect.gather [hbm4b:s5+s18], $0x80, s28, s18, $0xb8;
	[tilespmem:$0x1E000] =	vst v63  }
0x43: {  	_ =	swait.ge [sflag:s30], $0x2000  }
0x44: {  	[sflag:s30] =	ssyncset.done $0x0  }
0x45: {  	s15 =	simm.s32 $0x1100;
	[sflag:s30] =	ssyncadd.s32 $0xFFFFE000  }
0x46: {  	[spmem:s1] =	stream.indirect.scatter.add.f32 [tilespmem:s24], [sflag:$0x7], $0x80, s15, s18, $0xb8;
	[tilespmem:$0x1E000] =	vst v63  }
0x47: {  	_ =	swait.ge [sflag:s31], $0x2000  }
0x48: {  	[sflag:s31] =	ssyncset.done $0x0  }
0x49: {  	s14 =	simm.s32 $0x200;
	[sflag:s31] =	ssyncadd.s32 $0xFFFFE000  }
0x4a: {  	[tilespmem:s19], [sflag:$0x1] =	stream.indirect.gather [hbm4b:s5+s18], $0x80, s14, s18, $0xb8;
	[tilespmem:$0x1E000] =	vst v63  }
0x4b: {  	_ =	swait.ge [sflag:s0], $0x2000  }
0x4c: {  	[sflag:s0] =	ssyncset.done $0x0  }
0x4d: {  	s15 =	simm.s32 $0x1180;
	[sflag:s0] =	ssyncadd.s32 $0xFFFFE000  }
0x4e: {  	[spmem:s1] =	stream.indirect.scatter.add.f32 [tilespmem:s29], [sflag:$0x8], $0x80, s15, s18, $0xb8;
	[tilespmem:$0x1E000] =	vst v63  }
0x4f: {  	_ =	swait.ge [sflag:s3], $0x2000  }
0x50: {  	[sflag:s3] =	ssyncset.done $0x0  }
0x51: {  	s14 =	simm.s32 $0x280;
	[sflag:s3] =	ssyncadd.s32 $0xFFFFE000  }
0x52: {  	[tilespmem:s21], [sflag:$0x2] =	stream.indirect.gather [hbm4b:s5+s18], $0x80, s14, s18, $0xb8;
	[tilespmem:$0x1E000] =	vst v63  }
0x53: {  	_ =	swait.ge [sflag:s22], $0x2000  }
0x54: {  	[sflag:s22] =	ssyncset.done $0x0  }
0x55: {  	s15 =	simm.s32 $0x1200;
	[sflag:s22] =	ssyncadd.s32 $0xFFFFE000  }
0x56: {  	[spmem:s1] =	stream.indirect.scatter.add.f32 [tilespmem:s19], [sflag:$0x5], $0x80, s15, s18, $0xb8;
	[tilespmem:$0x1E000] =	vst v63  }
0x57: {  	_ =	swait.ge [sflag:s9], $0x2000  }
0x58: {  	[sflag:s9] =	ssyncset.done $0x0  }
0x59: {  	s14 =	simm.s32 $0x300;
	[sflag:s9] =	ssyncadd.s32 $0xFFFFE000  }
0x5a: {  	[tilespmem:s24], [sflag:$0x3] =	stream.indirect.gather [hbm4b:s5+s18], $0x80, s14, s18, $0xb8;
	[tilespmem:$0x1E000] =	vst v63  }
0x5b: {  	_ =	swait.ge [sflag:s25], $0x2000  }
0x5c: {  	[sflag:s25] =	ssyncset.done $0x0  }
0x5d: {  	s15 =	simm.s32 $0x1280;
	[sflag:s25] =	ssyncadd.s32 $0xFFFFE000  }
0x5e: {  	[spmem:s1] =	stream.indirect.scatter.add.f32 [tilespmem:s21], [sflag:$0x6], $0x80, s15, s18, $0xb8;
	[tilespmem:$0x1E000] =	vst v63  }
0x5f: {  	_ =	swait.ge [sflag:s10], $0x2000  }
0x60: {  	[sflag:s10] =	ssyncset.done $0x0  }
0x61: {  	s14 =	simm.s32 $0x800;
	s15 =	simm.s32 $0x380;
	[sflag:s10] =	ssyncadd.s32 $0xFFFFE000  }
.LBB2_7:
0x62: {  	[tilespmem:s29], [sflag:$0x4] =	stream.indirect.gather [hbm4b:s5+s18], $0x80, s15, s18, $0xb8;
	[tilespmem:$0x1E000] =	vst v63  }
0x63: {  	s2 =	smov.u32 s14  }
0x64: {  	p1 =	sne.s32 s14, $0x3000;
	s14 =	sadd.s32 $0x800, s14;
	_ =	swait.ge [sflag:s30], $0x2000  }
0x65: {  	s15 =	sshra.s32 s2, $0x2;
	[sflag:s30] =	ssyncset.done $0x0  }
0x66: {  	s2 =	sadd.s32 $0x1100, s15;
	[sflag:s30] =	ssyncadd.s32 $0xFFFFE000  }
0x67: {  	[spmem:s1] =	stream.indirect.scatter.add.f32 [tilespmem:s24], [sflag:$0x7], $0x80, s2, s18, $0xb8;
	[tilespmem:$0x1E000] =	vst v63  }
0x68: {  	_ =	swait.ge [sflag:s31], $0x2000  }
0x69: {  	[sflag:s31] =	ssyncset.done $0x0  }
0x6a: {  	s2 =	sadd.s32 $0x200, s15;
	[sflag:s31] =	ssyncadd.s32 $0xFFFFE000  }
0x6b: {  	[tilespmem:s19], [sflag:$0x1] =	stream.indirect.gather [hbm4b:s5+s18], $0x80, s2, s18, $0xb8;
	[tilespmem:$0x1E000] =	vst v63  }
0x6c: {  	_ =	swait.ge [sflag:s0], $0x2000  }
0x6d: {  	[sflag:s0] =	ssyncset.done $0x0  }
0x6e: {  	s2 =	sadd.s32 $0x1180, s15;
	[sflag:s0] =	ssyncadd.s32 $0xFFFFE000  }
0x6f: {  	[spmem:s1] =	stream.indirect.scatter.add.f32 [tilespmem:s29], [sflag:$0x8], $0x80, s2, s18, $0xb8;
	[tilespmem:$0x1E000] =	vst v63  }
0x70: {  	_ =	swait.ge [sflag:s3], $0x2000  }
0x71: {  	[sflag:s3] =	ssyncset.done $0x0  }
0x72: {  	s2 =	sadd.s32 $0x280, s15;
	[sflag:s3] =	ssyncadd.s32 $0xFFFFE000  }
0x73: {  	[tilespmem:s21], [sflag:$0x2] =	stream.indirect.gather [hbm4b:s5+s18], $0x80, s2, s18, $0xb8;
	[tilespmem:$0x1E000] =	vst v63  }
0x74: {  	_ =	swait.ge [sflag:s22], $0x2000  }
0x75: {  	[sflag:s22] =	ssyncset.done $0x0  }
0x76: {  	s2 =	sadd.s32 $0x1200, s15;
	[sflag:s22] =	ssyncadd.s32 $0xFFFFE000  }
0x77: {  	[spmem:s1] =	stream.indirect.scatter.add.f32 [tilespmem:s19], [sflag:$0x5], $0x80, s2, s18, $0xb8;
	[tilespmem:$0x1E000] =	vst v63  }
0x78: {  	_ =	swait.ge [sflag:s9], $0x2000  }
0x79: {  	[sflag:s9] =	ssyncset.done $0x0  }
0x7a: {  	s2 =	sadd.s32 $0x300, s15;
	[sflag:s9] =	ssyncadd.s32 $0xFFFFE000  }
0x7b: {  	[tilespmem:s24], [sflag:$0x3] =	stream.indirect.gather [hbm4b:s5+s18], $0x80, s2, s18, $0xb8;
	[tilespmem:$0x1E000] =	vst v63  }
0x7c: {  	_ =	swait.ge [sflag:s25], $0x2000  }
0x7d: {  	[sflag:s25] =	ssyncset.done $0x0  }
.Ltmp3:
0x7e: {  	s2 =	sadd.s32 $0x1280, s15;
	[sflag:s25] =	ssyncadd.s32 $0xFFFFE000;
	(pc) =	sbr.rel @p1 .LBB2_7-.Ltmp3, $4  }
0x7f: {  	[spmem:s1] =	stream.indirect.scatter.add.f32 [tilespmem:s21], [sflag:$0x6], $0x80, s2, s18, $0xb8;
	[tilespmem:$0x1E000] =	vst v63  }
0x80: {  	_ =	swait.ge [sflag:s10], $0x2000  }
0x81: {  	[sflag:s10] =	ssyncset.done $0x0  }
0x82: {  	s15 =	sadd.s32 $0x380, s15;
	[sflag:s10] =	ssyncadd.s32 $0xFFFFE000  }
0x83: {  	[tilespmem:s29], [sflag:$0x4] =	stream.indirect.gather [hbm4b:s5+s18], $0x80, s15, s18, $0xb8;
	[tilespmem:$0x1E000] =	vst v63  }
0x84: {  	_ =	swait.ge [sflag:s30], $0x2000  }
0x85: {  	[sflag:s30] =	ssyncset.done $0x0  }
0x86: {  	[sflag:s30] =	ssyncadd.s32 $0xFFFFE000  }
0x87: {  	[spmem:s1] =	stream.indirect.scatter.add.f32 [tilespmem:s24], [sflag:$0x7], $0x80, s8, s18, $0xb8;
	[tilespmem:$0x1E000] =	vst v63  }
0x88: {  	_ =	swait.ge [sflag:s0], $0x2000  }
0x89: {  	[sflag:s0] =	ssyncset.done $0x0  }
0x8a: {  	[sflag:s0] =	ssyncadd.s32 $0xFFFFE000  }
0x8b: {  	[spmem:s1] =	stream.indirect.scatter.add.f32 [tilespmem:s29], [sflag:$0x8], $0x80, s13, s18, $0xb8;
	[tilespmem:$0x1E000] =	vst v63  }
0x8c: {  	_ =	swait.ge [sflag:s31], $0x2000  }
0x8d: {  	[sflag:s31] =	ssyncset.done $0x0  }
0x8e: {  	[sflag:s31] =	ssyncadd.s32 $0xFFFFE000  }
0x8f: {  	_ =	swait.ge [sflag:s3], $0x2000  }
0x90: {  	[sflag:s3] =	ssyncset.done $0x0  }
0x91: {  	s11 =	sadd.s32 $0x1, s11;
	[sflag:s3] =	ssyncadd.s32 $0xFFFFE000  }
0x92: {  	p1 =	sne.s32 s11, $0xA;
	_ =	swait.ge [sflag:s9], $0x2000  }
.Ltmp4:
0x93: {  	[sflag:s9] =	ssyncset.done $0x0;
	(pc) =	sbr.rel @p1 .LBB2_6-.Ltmp4, $4  }
0x94: {  	[sflag:s9] =	ssyncadd.s32 $0xFFFFE000  }
0x95: {  	_ =	swait.ge [sflag:s10], $0x2000  }
0x96: {  	[sflag:s10] =	ssyncset.done $0x0  }
0x97: {  	[sflag:s10] =	ssyncadd.s32 $0xFFFFE000  }
.Ltmp5:
0x98: {  	(pc) =	sbr.rel .LBB2_10-.Ltmp5, $3  }
0x99: {  	_ =	sdelay $0x1  }
0x9a: {  	s11 =	rddreg [dreg:$0x6]  }
0x9b: {  	s14 =	rddreg [dreg:$0x3]  }
.LBB2_2:
0x9c: {  	s11 =	sshll.u32 s14, $0xC  }
0x9d: {  	s11 =	sadd.s32 s12, s11  }
0x9e: {  	s11 =	sshrl.u32 s11, $0x3  }
0x9f: {  	s2 =	simm.s32 $0x0;
	s15 =	sadd.s32 s6, s11  }
0xa0: {  	[tilespmem:s2], [sflag:$0x9] =	stream.linear.gather [hbm4b:s15+s2], $0x1000, $0x38;
	[tilespmem:$0x1E000] =	vst v63  }
0xa1: {  	_ =	swait.ge [sflag:s16], $0x1000  }
0xa2: {  	[sflag:s16] =	ssyncset.done $0x0  }
0xa3: {  	s11 =	sadd.s32 s7, s11;
	[sflag:s16] =	ssyncadd.s32 $0xFFFFF000  }
0xa4: {  	[tilespmem:s17], [sflag:$0x9] =	stream.linear.gather [hbm4b:s11+s2], $0x1000, $0x38;
	[tilespmem:$0x1E000] =	vst v63  }
0xa5: {  	_ =	swait.ge [sflag:s16], $0x1000  }
0xa6: {  	[sflag:s16] =	ssyncset.done $0x0  }
0xa7: {  	[sflag:s16] =	ssyncadd.s32 $0xFFFFF000  }
0xa8: {  	[tilespmem:s19], [sflag:$0x1] =	stream.indirect.gather [hbm4b:s4+s18], $0x80, s2, s18, $0xb8;
	[tilespmem:$0x1E000] =	vst v63  }
0xa9: {  	_ = 	snop  }
0xaa: {  	[tilespmem:s21], [sflag:$0x2] =	stream.indirect.gather [hbm4b:s4+s18], $0x80, s20, s18, $0xb8;
	[tilespmem:$0x1E000] =	vst v63  }
0xab: {  	_ =	swait.ge [sflag:s22], $0x2000  }
0xac: {  	[sflag:s22] =	ssyncset.done $0x0  }
0xad: {  	[sflag:s22] =	ssyncadd.s32 $0xFFFFE000  }
0xae: {  	[spmem:s1] =	stream.indirect.scatter.add.f32 [tilespmem:s19], [sflag:$0x5], $0x80, s17, s18, $0xb8;
	[tilespmem:$0x1E000] =	vst v63  }
0xaf: {  	_ = 	snop  }
0xb0: {  	[tilespmem:s24], [sflag:$0x3] =	stream.indirect.gather [hbm4b:s4+s18], $0x80, s23, s18, $0xb8;
	[tilespmem:$0x1E000] =	vst v63  }
0xb1: {  	_ =	swait.ge [sflag:s25], $0x2000  }
0xb2: {  	[sflag:s25] =	ssyncset.done $0x0  }
0xb3: {  	[sflag:s25] =	ssyncadd.s32 $0xFFFFE000  }
0xb4: {  	[spmem:s1] =	stream.indirect.scatter.add.f32 [tilespmem:s21], [sflag:$0x6], $0x80, s26, s18, $0xb8;
	[tilespmem:$0x1E000] =	vst v63  }
0xb5: {  	_ = 	snop  }
0xb6: {  	[tilespmem:s29], [sflag:$0x4] =	stream.indirect.gather [hbm4b:s4+s18], $0x80, s28, s18, $0xb8;
	[tilespmem:$0x1E000] =	vst v63  }
0xb7: {  	_ =	swait.ge [sflag:s30], $0x2000  }
0xb8: {  	[sflag:s30] =	ssyncset.done $0x0  }
0xb9: {  	s15 =	simm.s32 $0x1100;
	[sflag:s30] =	ssyncadd.s32 $0xFFFFE000  }
0xba: {  	[spmem:s1] =	stream.indirect.scatter.add.f32 [tilespmem:s24], [sflag:$0x7], $0x80, s15, s18, $0xb8;
	[tilespmem:$0x1E000] =	vst v63  }
0xbb: {  	_ =	swait.ge [sflag:s31], $0x2000  }
0xbc: {  	[sflag:s31] =	ssyncset.done $0x0  }
0xbd: {  	s11 =	simm.s32 $0x200;
	[sflag:s31] =	ssyncadd.s32 $0xFFFFE000  }
0xbe: {  	[tilespmem:s19], [sflag:$0x1] =	stream.indirect.gather [hbm4b:s4+s18], $0x80, s11, s18, $0xb8;
	[tilespmem:$0x1E000] =	vst v63  }
0xbf: {  	_ =	swait.ge [sflag:s0], $0x2000  }
0xc0: {  	[sflag:s0] =	ssyncset.done $0x0  }
0xc1: {  	s15 =	simm.s32 $0x1180;
	[sflag:s0] =	ssyncadd.s32 $0xFFFFE000  }
0xc2: {  	[spmem:s1] =	stream.indirect.scatter.add.f32 [tilespmem:s29], [sflag:$0x8], $0x80, s15, s18, $0xb8;
	[tilespmem:$0x1E000] =	vst v63  }
0xc3: {  	_ =	swait.ge [sflag:s3], $0x2000  }
0xc4: {  	[sflag:s3] =	ssyncset.done $0x0  }
0xc5: {  	s11 =	simm.s32 $0x280;
	[sflag:s3] =	ssyncadd.s32 $0xFFFFE000  }
0xc6: {  	[tilespmem:s21], [sflag:$0x2] =	stream.indirect.gather [hbm4b:s4+s18], $0x80, s11, s18, $0xb8;
	[tilespmem:$0x1E000] =	vst v63  }
0xc7: {  	_ =	swait.ge [sflag:s22], $0x2000  }
0xc8: {  	[sflag:s22] =	ssyncset.done $0x0  }
0xc9: {  	s15 =	simm.s32 $0x1200;
	[sflag:s22] =	ssyncadd.s32 $0xFFFFE000  }
0xca: {  	[spmem:s1] =	stream.indirect.scatter.add.f32 [tilespmem:s19], [sflag:$0x5], $0x80, s15, s18, $0xb8;
	[tilespmem:$0x1E000] =	vst v63  }
0xcb: {  	_ =	swait.ge [sflag:s9], $0x2000  }
0xcc: {  	[sflag:s9] =	ssyncset.done $0x0  }
0xcd: {  	s11 =	simm.s32 $0x300;
	[sflag:s9] =	ssyncadd.s32 $0xFFFFE000  }
0xce: {  	[tilespmem:s24], [sflag:$0x3] =	stream.indirect.gather [hbm4b:s4+s18], $0x80, s11, s18, $0xb8;
	[tilespmem:$0x1E000] =	vst v63  }
0xcf: {  	_ =	swait.ge [sflag:s25], $0x2000  }
0xd0: {  	[sflag:s25] =	ssyncset.done $0x0  }
0xd1: {  	s15 =	simm.s32 $0x1280;
	[sflag:s25] =	ssyncadd.s32 $0xFFFFE000  }
0xd2: {  	[spmem:s1] =	stream.indirect.scatter.add.f32 [tilespmem:s21], [sflag:$0x6], $0x80, s15, s18, $0xb8;
	[tilespmem:$0x1E000] =	vst v63  }
0xd3: {  	_ =	swait.ge [sflag:s10], $0x2000  }
0xd4: {  	[sflag:s10] =	ssyncset.done $0x0  }
0xd5: {  	s11 =	simm.s32 $0x800;
	s15 =	simm.s32 $0x380;
	[sflag:s10] =	ssyncadd.s32 $0xFFFFE000  }
.LBB2_3:
0xd6: {  	[tilespmem:s29], [sflag:$0x4] =	stream.indirect.gather [hbm4b:s4+s18], $0x80, s15, s18, $0xb8;
	[tilespmem:$0x1E000] =	vst v63  }
0xd7: {  	s2 =	smov.u32 s11  }
0xd8: {  	p1 =	sne.s32 s11, $0x3000;
	s11 =	sadd.s32 $0x800, s11;
	_ =	swait.ge [sflag:s30], $0x2000  }
0xd9: {  	s15 =	sshra.s32 s2, $0x2;
	[sflag:s30] =	ssyncset.done $0x0  }
0xda: {  	s2 =	sadd.s32 $0x1100, s15;
	[sflag:s30] =	ssyncadd.s32 $0xFFFFE000  }
0xdb: {  	[spmem:s1] =	stream.indirect.scatter.add.f32 [tilespmem:s24], [sflag:$0x7], $0x80, s2, s18, $0xb8;
	[tilespmem:$0x1E000] =	vst v63  }
0xdc: {  	_ =	swait.ge [sflag:s31], $0x2000  }
0xdd: {  	[sflag:s31] =	ssyncset.done $0x0  }
0xde: {  	s2 =	sadd.s32 $0x200, s15;
	[sflag:s31] =	ssyncadd.s32 $0xFFFFE000  }
0xdf: {  	[tilespmem:s19], [sflag:$0x1] =	stream.indirect.gather [hbm4b:s4+s18], $0x80, s2, s18, $0xb8;
	[tilespmem:$0x1E000] =	vst v63  }
0xe0: {  	_ =	swait.ge [sflag:s0], $0x2000  }
0xe1: {  	[sflag:s0] =	ssyncset.done $0x0  }
0xe2: {  	s2 =	sadd.s32 $0x1180, s15;
	[sflag:s0] =	ssyncadd.s32 $0xFFFFE000  }
0xe3: {  	[spmem:s1] =	stream.indirect.scatter.add.f32 [tilespmem:s29], [sflag:$0x8], $0x80, s2, s18, $0xb8;
	[tilespmem:$0x1E000] =	vst v63  }
0xe4: {  	_ =	swait.ge [sflag:s3], $0x2000  }
0xe5: {  	[sflag:s3] =	ssyncset.done $0x0  }
0xe6: {  	s2 =	sadd.s32 $0x280, s15;
	[sflag:s3] =	ssyncadd.s32 $0xFFFFE000  }
0xe7: {  	[tilespmem:s21], [sflag:$0x2] =	stream.indirect.gather [hbm4b:s4+s18], $0x80, s2, s18, $0xb8;
	[tilespmem:$0x1E000] =	vst v63  }
0xe8: {  	_ =	swait.ge [sflag:s22], $0x2000  }
0xe9: {  	[sflag:s22] =	ssyncset.done $0x0  }
0xea: {  	s2 =	sadd.s32 $0x1200, s15;
	[sflag:s22] =	ssyncadd.s32 $0xFFFFE000  }
0xeb: {  	[spmem:s1] =	stream.indirect.scatter.add.f32 [tilespmem:s19], [sflag:$0x5], $0x80, s2, s18, $0xb8;
	[tilespmem:$0x1E000] =	vst v63  }
0xec: {  	_ =	swait.ge [sflag:s9], $0x2000  }
0xed: {  	[sflag:s9] =	ssyncset.done $0x0  }
0xee: {  	s2 =	sadd.s32 $0x300, s15;
	[sflag:s9] =	ssyncadd.s32 $0xFFFFE000  }
0xef: {  	[tilespmem:s24], [sflag:$0x3] =	stream.indirect.gather [hbm4b:s4+s18], $0x80, s2, s18, $0xb8;
	[tilespmem:$0x1E000] =	vst v63  }
0xf0: {  	_ =	swait.ge [sflag:s25], $0x2000  }
0xf1: {  	[sflag:s25] =	ssyncset.done $0x0  }
.Ltmp6:
0xf2: {  	s2 =	sadd.s32 $0x1280, s15;
	[sflag:s25] =	ssyncadd.s32 $0xFFFFE000;
	(pc) =	sbr.rel @p1 .LBB2_3-.Ltmp6, $4  }
0xf3: {  	[spmem:s1] =	stream.indirect.scatter.add.f32 [tilespmem:s21], [sflag:$0x6], $0x80, s2, s18, $0xb8;
	[tilespmem:$0x1E000] =	vst v63  }
0xf4: {  	_ =	swait.ge [sflag:s10], $0x2000  }
0xf5: {  	[sflag:s10] =	ssyncset.done $0x0  }
0xf6: {  	s15 =	sadd.s32 $0x380, s15;
	[sflag:s10] =	ssyncadd.s32 $0xFFFFE000  }
0xf7: {  	[tilespmem:s29], [sflag:$0x4] =	stream.indirect.gather [hbm4b:s4+s18], $0x80, s15, s18, $0xb8;
	[tilespmem:$0x1E000] =	vst v63  }
0xf8: {  	_ =	swait.ge [sflag:s30], $0x2000  }
0xf9: {  	[sflag:s30] =	ssyncset.done $0x0  }
0xfa: {  	[sflag:s30] =	ssyncadd.s32 $0xFFFFE000  }
0xfb: {  	[spmem:s1] =	stream.indirect.scatter.add.f32 [tilespmem:s24], [sflag:$0x7], $0x80, s8, s18, $0xb8;
	[tilespmem:$0x1E000] =	vst v63  }
0xfc: {  	_ =	swait.ge [sflag:s0], $0x2000  }
0xfd: {  	[sflag:s0] =	ssyncset.done $0x0  }
0xfe: {  	[sflag:s0] =	ssyncadd.s32 $0xFFFFE000  }
0xff: {  	[spmem:s1] =	stream.indirect.scatter.add.f32 [tilespmem:s29], [sflag:$0x8], $0x80, s13, s18, $0xb8;
	[tilespmem:$0x1E000] =	vst v63  }
0x100: {  	_ =	swait.ge [sflag:s31], $0x2000  }
0x101: {  	[sflag:s31] =	ssyncset.done $0x0  }
0x102: {  	[sflag:s31] =	ssyncadd.s32 $0xFFFFE000  }
0x103: {  	_ =	swait.ge [sflag:s3], $0x2000  }
0x104: {  	[sflag:s3] =	ssyncset.done $0x0  }
0x105: {  	s14 =	sadd.s32 $0x1, s14;
	[sflag:s3] =	ssyncadd.s32 $0xFFFFE000  }
0x106: {  	p1 =	seq.s32 s14, $0xA;
	_ =	swait.ge [sflag:s9], $0x2000  }
.Ltmp7:
0x107: {  	[sflag:s9] =	ssyncset.done $0x0;
	(pc) =	sbr.rel @!p1 .LBB2_2-.Ltmp7, $4  }
0x108: {  	[sflag:s9] =	ssyncadd.s32 $0xFFFFE000  }
0x109: {  	_ =	swait.ge [sflag:s10], $0x2000  }
0x10a: {  	[sflag:s10] =	ssyncset.done $0x0  }
0x10b: {  	[sflag:s10] =	ssyncadd.s32 $0xFFFFE000  }
.Ltmp8:
0x10c: {  	(pc) =	sbr.rel .LBB2_10-.Ltmp8, $3  }
0x10d: {  	_ =	sdelay $0x1  }
0x10e: {  	s11 =	rddreg [dreg:$0x5]  }
0x10f: {  	s14 =	rddreg [dreg:$0x3]  }
.LBB2_11:
0x110: {  	_ =	sfence.sel $0x180000  }
0x111: {  	[bflag:$0x0] =	sbarrier.arrive $0xFFFF  }
0x112: {  	_ =	strace $0x9000004A  }
0x113: {  	s0 =	stileid.u32;
	[bflag:$0x2] =	sbarrier.arrive $0xFFFF  }
0x114: {  	p0 =	sne.s32 s0, $0x0;
	s0 =	rddreg [dreg:$0x2]  }
0x115: {  	s0 =	sadd.s32 @!p0 $0x100000, s0  }
0x116: {  	[sflag:s0] =	ssyncadd.tile.s32 @!p0 $0x1;
	_ =	shalt  }
.Lfunc_end2:
_tile_overlayer_lowered:
.L_overlay_start_2:
0x117: {  	(tag) =	ssettag $0x2  }
0x118: {  	s0 =	rddreg [dreg:$0x0];
	s2 =	stileid.u32  }
0x119: {  	s1 =	rddreg [dreg:$0x1];
	p0 =	sne.s32 s2, $0x0  }
0x11a: {  	s3 =	rddreg [dreg:$0x2];
	[bflag:$0x3] =	sbarrier.arrive $0xFFFF;
	s2 =	simm.s32 @!p0 $0x1C09  }
0x11b: {  	[timem:s3], [sflag:s2] =	dma.local @!p0 [hbm:s0], s1  }
0x11c: {  	s0 =	simm.s32 @!p0 $0x9  }
0x11d: {  	_ =	swait.ge @!p0 [sflag:s0], s1  }
0x11e: {  	s1 =	ssub.s32 @!p0 $0x0, s1;
	[sflag:s0] =	ssyncset.done @!p0 $0x0  }
0x11f: {  	[sflag:s0] =	ssyncadd.s32 @!p0 s1  }
0x120: {  	[bflag:$0x3] =	sbarrier.arrive $0xFFFF  }
0x121: {  	_ =	shalt  }

// kernel: kernel.17.cloned.1.call-start
scs
__scs_entry_jumppad:
0x0: {  	(pc) =	sbr.rel $0x88, $3  }
0x1: {  	(tag) =	ssettag $0x0;
	lr =	simm.s32 $0x1  }
0x2: {  	[smem:$0x3F86] =	sst lr;
	_ =	strace $0xD0000000  }
0x3: {  	_ = 	snop  }
0x4: {  	_ = 	snop  }
0x5: {  	_ = 	snop  }
0x6: {  	_ = 	snop  }
0x7: {  	_ = 	snop  }
__scs_overlays_trampoline_lowered:
0x8: {  	[smem:$0x3F95] =	sst s0  }
0x9: {  	[smem:$0x3F96] =	sst s1  }
0xa: {  	[smem:$0x3F97] =	sst s2  }
0xb: {  	[smem:$0x3F98] =	sst s3  }
0xc: {  	[smem:$0x3F99] =	sst s4  }
0xd: {  	[smem:$0x3F9A] =	sst s5  }
0xe: {  	[smem:$0x3F9B] =	sst s6  }
0xf: {  	[smem:$0x3F9C] =	sst s7  }
0x10: {  	[smem:$0x3F9D] =	sst s8  }
0x11: {  	[smem:$0x3F9E] =	sst s9;
	s0 =	simm.s32 @!p0 $0x0  }
0x12: {  	s1 =	sld [smem:$0x3F84];
	s0 =	simm.s32 @p0 $0x1  }
0x13: {  	[smem:$0x3F9F] =	sst s0;
	s0 =	simm.s32 @!p1 $0x0  }
0x14: {  	s2 =	sld [smem:$0x3F83];
	s0 =	simm.s32 @p1 $0x1  }
0x15: {  	[smem:$0x3FA0] =	sst s0;
	s0 =	simm.s32 @!p2 $0x0  }
0x16: {  	s3 =	sld [smem:$0x3FDB];
	s0 =	simm.s32 @p2 $0x1  }
0x17: {  	s4 =	simm.s32 $0x1BF5;
	[smem:$0x3FA2] =	sst s0  }
0x18: {  	s0 =	sld [smem:$0x3F85];
	_ =	swait.ge [sflag:s4], $0x0  }
0x19: {  	s7 =	sld [smem:$0x3F86]  }
0x1a: {  	s8 =	sadd.s32 $0xFFFFE003, lr  }
0x1b: {  	s9 =	sadd.s32 $0xFFFFFEF7, lr;
	s5 =	simm.s32 $0xFFFFFFFF;
	p2 =	slt.u32 s8, $0xFFFFF086  }
0x1c: {  	p1 =	slt.u32 s9, $0xF7A;
	s5 =	simm.s32 @!p2 $0x0  }
0x1d: {  	s5 =	simm.s32 @p1 $0x1;
	p0 =	seq.s32 s7, s2  }
0x1e: {  	s7 =	smul.u32 @!p0 $0xF7A, s2;
	p2 =	seq.s32 @!p0 s5, $0x0  }
0x1f: {  	s9 =	smul.u32 $0xF7A, s1;
	s8 =	simm.s32 @!p0 $0x1BF5;
	p2 =	por !p2, p0  }
0x20: {  	[sflag:s8] =	ssyncset.s32 @!p0 $0xFFFFF086;
	s6 =	sadd.s32 @!p0 s3, s7;
	s7 =	simm.s32 @!p0 $0x108  }
0x21: {  	s3 =	sadd.s32 s3, s9;
	s6 =	sadd.s32 @!p0 $0x88, s6;
	s7 =	simm.s32 @p2 $0x1082  }
0x22: {  	[simem:s7], [sflag:s8] =	dma.local @!p0 [hbm:s6], $0xF7A  }
0x23: {  	s9 =	sor.u32 $0xD0000000, s2;
	s6 =	simm.s32 $0x108;
	_ =	swait.ge @!p0 [sflag:s8], $0x0  }
0x24: {  	s3 =	sadd.s32 $0x88, s3;
	s6 =	simm.s32 @!p1 $0x1082;
	[sflag:s4] =	ssyncset.s32 $0xFFFFF086  }
0x25: {  	[simem:s6], [sflag:s4] =	dma.local [hbm:s3], $0xF7A  }
0x26: {  	[smem:$0x3F86] =	sst s1;
	(tag) =	ssettag s2;
	_ =	strace s9  }
0x27: {  	s1 =	sld [smem:$0x3F96]  }
0x28: {  	s2 =	sld [smem:$0x3F97]  }
0x29: {  	s4 =	sld [smem:$0x3F99]  }
0x2a: {  	p0 =	seq.s32 s5, $0x0;
	s5 =	sld [smem:$0x3F9A]  }
0x2b: {  	s6 =	sld [smem:$0x3F9B]  }
0x2c: {  	s7 =	sld [smem:$0x3F9C]  }
0x2d: {  	s3 =	simm.s32 $0x108;
	s8 =	sld [smem:$0x3F9D]  }
0x2e: {  	s3 =	simm.s32 @!p0 $0x1082;
	s9 =	sld [smem:$0x3F9E]  }
0x2f: {  	lr =	sadd.s32 s0, s3;
	s0 =	sld [smem:$0x3F95]  }
0x30: {  	s3 =	sld [smem:$0x3F98]  }
0x31: {  	[smem:$0x3FA1] =	sst s10  }
0x32: {  	s10 =	sld [smem:$0x3F9F];
	_ =	sdelay $0x3  }
0x33: {  	p0 =	seq.s32 s10, $0x1;
	s10 =	sld [smem:$0x3FA1];
	_ =	sdelay $0x3  }
0x34: {  	[smem:$0x3FA1] =	sst s10  }
0x35: {  	s10 =	sld [smem:$0x3FA0];
	_ =	sdelay $0x3  }
0x36: {  	p1 =	seq.s32 s10, $0x1;
	s10 =	sld [smem:$0x3FA1];
	_ =	sdelay $0x3  }
0x37: {  	[smem:$0x3FA1] =	sst s10  }
0x38: {  	s10 =	sld [smem:$0x3FA2]  }
0x39: {  	_ = 	snop;
	(pc) =	sbr.ind lr, $3  }
0x3a: {  	_ = 	snop  }
0x3b: {  	_ = 	snop  }
0x3c: {  	p2 =	seq.s32 s10, $0x1;
	s10 =	sld [smem:$0x3FA1]  }
0x3d: {  	_ =	shalt  }
0x3e: {  	_ =	shalt  }
0x3f: {  	_ =	shalt  }
0x40: {  	_ =	shalt  }
0x41: {  	_ =	shalt  }
0x42: {  	_ =	shalt  }
0x43: {  	_ =	shalt  }
0x44: {  	_ =	shalt  }
0x45: {  	_ =	shalt  }
0x46: {  	_ =	shalt  }
0x47: {  	_ =	shalt  }
0x48: {  	_ =	shalt  }
0x49: {  	_ =	shalt  }
0x4a: {  	_ =	shalt  }
0x4b: {  	_ =	shalt  }
0x4c: {  	_ =	shalt  }
0x4d: {  	_ =	shalt  }
0x4e: {  	_ =	shalt  }
0x4f: {  	_ =	shalt  }
0x50: {  	_ =	shalt  }
0x51: {  	_ =	shalt  }
0x52: {  	_ =	shalt  }
0x53: {  	_ =	shalt  }
0x54: {  	_ =	shalt  }
0x55: {  	_ =	shalt  }
0x56: {  	_ =	shalt  }
0x57: {  	_ =	shalt  }
0x58: {  	_ =	shalt  }
0x59: {  	_ =	shalt  }
0x5a: {  	_ =	shalt  }
0x5b: {  	_ =	shalt  }
0x5c: {  	_ =	shalt  }
0x5d: {  	_ =	shalt  }
0x5e: {  	_ =	shalt  }
0x5f: {  	_ =	shalt  }
0x60: {  	_ =	shalt  }
0x61: {  	_ =	shalt  }
0x62: {  	_ =	shalt  }
0x63: {  	_ =	shalt  }
0x64: {  	_ =	shalt  }
0x65: {  	_ =	shalt  }
0x66: {  	_ =	shalt  }
0x67: {  	_ =	shalt  }
0x68: {  	_ =	shalt  }
0x69: {  	_ =	shalt  }
0x6a: {  	_ =	shalt  }
0x6b: {  	_ =	shalt  }
0x6c: {  	_ =	shalt  }
0x6d: {  	_ =	shalt  }
0x6e: {  	_ =	shalt  }
0x6f: {  	_ =	shalt  }
0x70: {  	_ =	shalt  }
0x71: {  	_ =	shalt  }
0x72: {  	_ =	shalt  }
0x73: {  	_ =	shalt  }
0x74: {  	_ =	shalt  }
0x75: {  	_ =	shalt  }
0x76: {  	_ =	shalt  }
0x77: {  	_ =	shalt  }
0x78: {  	_ =	shalt  }
0x79: {  	_ =	shalt  }
0x7a: {  	_ =	shalt  }
0x7b: {  	_ =	shalt  }
0x7c: {  	_ =	shalt  }
0x7d: {  	_ =	shalt  }
0x7e: {  	_ =	shalt  }
0x7f: {  	_ =	shalt  }
0x80: {  	_ =	shalt  }
0x81: {  	_ =	shalt  }
0x82: {  	_ =	shalt  }
0x83: {  	_ =	shalt  }
0x84: {  	_ =	shalt  }
0x85: {  	_ =	shalt  }
0x86: {  	_ =	shalt  }
0x87: {  	_ =	shalt  }
.Lfunc_end0:
.L_simem_size_0:
called_computation.2_lowered:
.L_overlay_start_0:
0x88: {  	s2 =	sld [smem:$0x3FD9]  }
0x89: {  	s3 =	sld [smem:$0x3FFE];
	_ =	sdelay $0x1  }
0x8a: {  	s1 =	srdreg.scid  }
0x8b: {  	s0 =	sand.u32 $0x1, s1  }
0x8c: {  	s16 =	sshll.u32 s0, $0xA;
	s2 =	sadd.s32 s3, s2  }
0x8d: {  	s2 =	sadd.s32 s2, s16  }
0x8e: {  	[smem:$0x3FAD] =	sst s2  }
0x8f: {  	_ = 	snop  }
0x90: {  	(tm) =	ssettm $0x1  }
0x91: {  	s17 =	sld [smem:$0x3FFB];
	_ =	sdelay $0x3  }
0x92: {  	_ =	strace s17  }
0x93: {  	s2 =	sld [smem:$0x3FFC];
	_ =	sdelay $0x3  }
0x94: {  	_ =	strace s2  }
0x95: {  	s2 =	sld [smem:$0x3FFD];
	_ =	sdelay $0x3  }
0x96: {  	_ =	strace s2  }
0x97: {  	_ =	strace $0x8FFFFFFF  }
0x98: {  	s18 =	sld [smem:$0x3FDB];
	_ =	sdelay $0x1  }
0x99: {  	s19 =	simm.s32 $_scs_section_size  }
0x9a: {  	s4 =	simm.s32 $_size__tile_overlayer_lowered;
	s5 =	simm.s32 $_tile_overlayer_lowered  }
0x9b: {  	s22 =	simm.s32 $0x1BFF;
	s21 =	sshll.u32 s5, $0x1;
	s2 =	sadd.s32 s19, s18  }
0x9c: {  	s6 =	simm.s32 $0x0;
	s20 =	sshll.u32 s4, $0x1;
	s4 =	sadd.s32 s21, s2  }
0x9d: {  	[timem:s6], [sflag:s22] =	dma.local [hbm:s4], s20  }
0x9e: {  	_ =	swait.ge [sflag:s22], s20  }
0x9f: {  	s3 =	ssub.s32 $0x0, s20;
	[sflag:s22] =	ssyncset.done $0x0  }
0xa0: {  	[sflag:s22] =	ssyncadd.s32 s3;
	_ =	sdelay $0x1  }
0xa1: {  	s23 =	simm.s32 $0x1B8B  }
0xa2: {  	_ =	swait.ge [sflag:s23], $0x1  }
0xa3: {  	[sflag:s23] =	ssyncset.done $0x0  }
0xa4: {  	s25 =	simm.s32 $0x1B8E;
	s24 =	sld [smem:$0x3FFE];
	[sflag:s23] =	ssyncadd.s32 $0xFFFFFFFF  }
0xa5: {  	s26 =	simm.s32 $execute0_lowered;
	[smem:$0x3FD2] =	sst s25  }
0xa6: {  	s4 =	sshll.u32 s26, $0x1;
	_ =	strace $0x8000004C;
	[dreg:$0x1] =	wrdreg $0xFFFFFFFF  }
0xa7: {  	s28 =	simm.s32 $_size_execute0_lowered;
	s2 =	sadd.s32 s2, s4;
	[dreg:$0x0] =	wrdreg $0x0  }
0xa8: {  	s4 =	sshll.u32 s28, $0x1;
	[dreg:$0x2] =	wrdreg s2  }
0xa9: {  	[dreg:$0x3] =	wrdreg s4  }
0xaa: {  	[dreg:$0x4] =	wrdreg $0xC0  }
0xab: {  	_ =	task [dreg:s6], $0x5FFFF  }
0xac: {  	[dreg:$0x1] =	wrdreg $0xFFFFFFFF  }
0xad: {  	[dreg:$0x0] =	wrdreg $0x60  }
0xae: {  	[dreg:$0x2] =	wrdreg s24  }
0xaf: {  	[dreg:$0x3] =	wrdreg $0xA0000  }
0xb0: {  	[dreg:$0x4] =	wrdreg $0x9  }
0xb1: {  	_ =	task.clear_ibuf [dreg:s6], $0x5FFFF;
	_ =	strace $0x9000004C  }
0xb2: {  	s29 =	simm.s32 $0x9;
	_ =	strace $0x8000004E  }
0xb3: {  	_ =	swait.ge [sflag:s29], $0x1  }
0xb4: {  	[sflag:s29] =	ssyncadd.s32 $0xFFFFFFFF  }
0xb5: {  	_ =	strace $0x9000004E  }
0xb6: {  	_ =	sfence  }
0xb7: {  	s30 =	sld [smem:$0x0];
	_ =	sdelay $0x2  }
0xb8: {  	s31 =	sshll.u32 s1, $0xD;
	s1 =	sshrl.u32 s1, $0x2  }
0xb9: {  	s3 =	sand.u32 $0x4000, s31;
	s1 =	sadd.s32 s1, s30  }
0xba: {  	s0 =	sor.u32 s3, s0;
	s1 =	sshll.u32 s1, $0x11  }
0xbb: {  	s0 =	sor.u32 s1, s0  }
0xbc: {  	s0 =	sadd.s32 $0x8F2B, s0  }
0xbd: {  	[sflag:s0] =	ssyncadd.remote.s32 $0x1  }
0xbe: {  	_ =	sfence.sel $0xFFFF  }
0xbf: {  	[dreg:$0x0] =	wrdreg $0xFFFFFFFF;
	(pc) =	sbr.abs _section_cstart, $3  }
0xc0: {  	[dreg:$0x1] =	wrdreg $0xFFFFFFFF  }
0xc1: {  	_ =	task.clear_ibuf [dreg:s6], $0x2FFFF;
	_ =	strace $0x9FFFFFFF  }
0xc2: {  	(tm) =	ssettm $0x7FFFFFFF  }
0xc3: {  	_ =	shalt  }
tec
execute0_lowered:
.L_overlay_start_1:
0x0: {  	(tag) =	ssettag $0x1  }
0x1: {  	s0 =	rddreg [dreg:$0x0]  }
0x2: {  	s1 =	rddreg [dreg:$0x1];
	s2 =	simm.s32 $0x0  }
0x3: {  	s3 =	srdreg.scid;
	s10 =	stileid.u32;
	s16 =	simm.s32 $0x9  }
0x4: {  	s17 =	simm.s32 $0x1000;
	s18 =	simm.s32 $0x40;
	s19 =	simm.s32 $0x2000  }
0x5: {  	s20 =	simm.s32 $0x80;
	s21 =	simm.s32 $0x4000;
	s28 =	simm.s32 $0x180  }
0x6: {  	s29 =	simm.s32 $0x8000;
	s30 =	simm.s32 $0x3;
	s31 =	simm.s32 $0x5  }
0x7: {  	s13 =	simm.s32 $0x1F80;
	[smem:$0x7FF] =	sst s2;
	s4 =	sadd.s32 $0x31C00, s0  }
0x8: {  	s5 =	sadd.s32 $0x58E00, s0;
	s6 =	sadd.s32 $0x7400, s0;
	s7 =	sadd.s32 $0x1B400, s0  }
0x9: {  	s3 =	sand.u32 $0x1, s3;
	s8 =	smul.u32 $0x50000, s10;
	s9 =	sadd.s32 $0x2F400, s0  }
0xa: {  	s22 =	sadd.s32 $0x80000, s0;
	s0 =	sadd.s32 $0xA8000, s0;
	s25 =	sshll.u32 s10, $0x6  }
0xb: {  	s12 =	smul.u32 $0xA000, s10;
	_ =	strace $0x8000004D;
	[dreg:$0x4] =	wrdreg s9  }
0xc: {  	s26 =	smul.u32 $0x2800, s10;
	s10 =	simm.s32 $0x8;
	[dreg:$0x5] =	wrdreg s22  }
0xd: {  	s23 =	ssub.s32 $0x2, s3;
	[dreg:$0x6] =	wrdreg s0;
	s11 =	sor.u32 $0x1C09, s25  }
0xe: {  	p0 =	seq.s32 s3, $0x1;
	s22 =	simm.s32 $0x1;
	s25 =	simm.s32 $0x2  }
0xf: {  	s3 =	simm.s32 $0x6;
	s9 =	simm.s32 $0x7;
	s24 =	sshrl.u32 s23, $0x1  }
.Ltmp0:
0x10: {  	s8 =	sshrl.u32 s8, $0x2;
	[dreg:$0x8] =	wrdreg s26;
	(pc) =	sbr.rel .LBB2_1-.Ltmp0, $4  }
0x11: {  	s26 =	simm.s32 $0x1080;
	[dreg:$0x7] =	wrdreg s11;
	s0 =	ssub.s32 s23, s24  }
0x12: {  	s8 =	sadd.s32 s8, s1;
	s23 =	simm.s32 $0x100;
	s0 =	smax.u32 s0, $0x1  }
0x13: {  	s24 =	simm.s32 $0x6000;
	s15 =	sshrl.u32 s8, $0x3;
	[dreg:$0x9] =	wrdreg s0  }
0x14: {  	s8 =	simm.s32 $0x1F00;
	s0 =	simm.s32 $0x4;
	[dreg:$0xa] =	wrdreg s15  }
.LBB2_10:
0x15: {  	s2 =	rddreg [dreg:$0x8];
	[bflag:$0x0] =	sbarrier.arrive $0xFFFF  }
0x16: {  	s2 =	sadd.s32 s11, s2;
	s11 =	rddreg [dreg:$0x7]  }
0x17: {  	s15 =	rddreg [dreg:$0xa]  }
0x18: {  	[hbm:s2], [sflag:s11] =	dma.local [spmem:s15], $0x2800  }
0x19: {  	_ =	swait.ge [sflag:s16], $0x2800  }
0x1a: {  	s14 =	sadd.s32 $0x1, s14;
	s2 =	rddreg [dreg:$0x9]  }
0x1b: {  	p1 =	sne.s32 s14, s2  }
.Ltmp1:
0x1c: {  	_ = 	snop;
	(pc) =	sbr.rel @!p1 .LBB2_11-.Ltmp1, $3  }
0x1d: {  	_ =	sdelay $0x1  }
0x1e: {  	[sflag:s16] =	ssyncset.done $0x0  }
0x1f: {  	[sflag:s16] =	ssyncadd.s32 $0xFFFFD800;
	s2 =	smov.u32 s14  }
.LBB2_1:
0x20: {  	[dreg:$0x3] =	wrdreg s2  }
0x21: {  	s14 =	rddreg [dreg:$0x4]  }
0x22: {  	[spmem:s15], [sflag:s11] =	dma.local [hbm:s14], $0x2800  }
.Ltmp2:
0x23: {  	_ =	swait.ge [sflag:s16], $0x2800;
	(pc) =	sbr.rel @!p0 .LBB2_2-.Ltmp2, $4  }
0x24: {  	[sflag:s16] =	ssyncset.done $0x0  }
0x25: {  	[sflag:s16] =	ssyncadd.s32 $0xFFFFD800  }
0x26: {  	[bflag:$0x0] =	sbarrier.arrive $0xFFFF  }
0x27: {  	s14 =	simm.s32 $0x0;
	s11 =	simm.s32 $0x0  }
.LBB2_6:
0x28: {  	s2 =	sshll.u32 s11, $0xC  }
0x29: {  	s2 =	sadd.s32 s12, s2  }
0x2a: {  	s2 =	sshrl.u32 s2, $0x3  }
0x2b: {  	s15 =	simm.s32 $0x0;
	s14 =	sadd.s32 s6, s2  }
0x2c: {  	[tilespmem:s15], [sflag:$0x9] =	stream.linear.gather [hbm4b:s14+s15], $0x1000, $0x38;
	[tilespmem:$0x1E000] =	vst v63  }
0x2d: {  	_ =	swait.ge [sflag:s16], $0x1000  }
0x2e: {  	[sflag:s16] =	ssyncset.done $0x0  }
0x2f: {  	s2 =	sadd.s32 s7, s2;
	[sflag:s16] =	ssyncadd.s32 $0xFFFFF000  }
0x30: {  	[tilespmem:s17], [sflag:$0x9] =	stream.linear.gather [hbm4b:s2+s15], $0x1000, $0x38;
	[tilespmem:$0x1E000] =	vst v63  }
0x31: {  	_ =	swait.ge [sflag:s16], $0x1000  }
0x32: {  	[sflag:s16] =	ssyncset.done $0x0  }
0x33: {  	[sflag:s16] =	ssyncadd.s32 $0xFFFFF000  }
0x34: {  	[tilespmem:s19], [sflag:$0x1] =	stream.indirect.gather [hbm4b:s5+s18], $0x80, s15, s18, $0xb8;
	[tilespmem:$0x1E000] =	vst v63  }
0x35: {  	_ = 	snop  }
0x36: {  	[tilespmem:s21], [sflag:$0x2] =	stream.indirect.gather [hbm4b:s5+s18], $0x80, s20, s18, $0xb8;
	[tilespmem:$0x1E000] =	vst v63  }
0x37: {  	_ =	swait.ge [sflag:s22], $0x2000  }
0x38: {  	[sflag:s22] =	ssyncset.done $0x0  }
0x39: {  	[sflag:s22] =	ssyncadd.s32 $0xFFFFE000  }
0x3a: {  	[spmem:s1] =	stream.indirect.scatter.add.f32 [tilespmem:s19], [sflag:$0x5], $0x80, s17, s18, $0xb8;
	[tilespmem:$0x1E000] =	vst v63  }
0x3b: {  	_ = 	snop  }
0x3c: {  	[tilespmem:s24], [sflag:$0x3] =	stream.indirect.gather [hbm4b:s5+s18], $0x80, s23, s18, $0xb8;
	[tilespmem:$0x1E000] =	vst v63  }
0x3d: {  	_ =	swait.ge [sflag:s25], $0x2000  }
0x3e: {  	[sflag:s25] =	ssyncset.done $0x0  }
0x3f: {  	[sflag:s25] =	ssyncadd.s32 $0xFFFFE000  }
0x40: {  	[spmem:s1] =	stream.indirect.scatter.add.f32 [tilespmem:s21], [sflag:$0x6], $0x80, s26, s18, $0xb8;
	[tilespmem:$0x1E000] =	vst v63  }
0x41: {  	_ = 	snop  }
0x42: {  	[tilespmem:s29], [sflag:$0x4] =	stream.indirect.gather [hbm4b:s5+s18], $0x80, s28, s18, $0xb8;
	[tilespmem:$0x1E000] =	vst v63  }
0x43: {  	_ =	swait.ge [sflag:s30], $0x2000  }
0x44: {  	[sflag:s30] =	ssyncset.done $0x0  }
0x45: {  	s15 =	simm.s32 $0x1100;
	[sflag:s30] =	ssyncadd.s32 $0xFFFFE000  }
0x46: {  	[spmem:s1] =	stream.indirect.scatter.add.f32 [tilespmem:s24], [sflag:$0x7], $0x80, s15, s18, $0xb8;
	[tilespmem:$0x1E000] =	vst v63  }
0x47: {  	_ =	swait.ge [sflag:s31], $0x2000  }
0x48: {  	[sflag:s31] =	ssyncset.done $0x0  }
0x49: {  	s14 =	simm.s32 $0x200;
	[sflag:s31] =	ssyncadd.s32 $0xFFFFE000  }
0x4a: {  	[tilespmem:s19], [sflag:$0x1] =	stream.indirect.gather [hbm4b:s5+s18], $0x80, s14, s18, $0xb8;
	[tilespmem:$0x1E000] =	vst v63  }
0x4b: {  	_ =	swait.ge [sflag:s0], $0x2000  }
0x4c: {  	[sflag:s0] =	ssyncset.done $0x0  }
0x4d: {  	s15 =	simm.s32 $0x1180;
	[sflag:s0] =	ssyncadd.s32 $0xFFFFE000  }
0x4e: {  	[spmem:s1] =	stream.indirect.scatter.add.f32 [tilespmem:s29], [sflag:$0x8], $0x80, s15, s18, $0xb8;
	[tilespmem:$0x1E000] =	vst v63  }
0x4f: {  	_ =	swait.ge [sflag:s3], $0x2000  }
0x50: {  	[sflag:s3] =	ssyncset.done $0x0  }
0x51: {  	s14 =	simm.s32 $0x280;
	[sflag:s3] =	ssyncadd.s32 $0xFFFFE000  }
0x52: {  	[tilespmem:s21], [sflag:$0x2] =	stream.indirect.gather [hbm4b:s5+s18], $0x80, s14, s18, $0xb8;
	[tilespmem:$0x1E000] =	vst v63  }
0x53: {  	_ =	swait.ge [sflag:s22], $0x2000  }
0x54: {  	[sflag:s22] =	ssyncset.done $0x0  }
0x55: {  	s15 =	simm.s32 $0x1200;
	[sflag:s22] =	ssyncadd.s32 $0xFFFFE000  }
0x56: {  	[spmem:s1] =	stream.indirect.scatter.add.f32 [tilespmem:s19], [sflag:$0x5], $0x80, s15, s18, $0xb8;
	[tilespmem:$0x1E000] =	vst v63  }
0x57: {  	_ =	swait.ge [sflag:s9], $0x2000  }
0x58: {  	[sflag:s9] =	ssyncset.done $0x0  }
0x59: {  	s14 =	simm.s32 $0x300;
	[sflag:s9] =	ssyncadd.s32 $0xFFFFE000  }
0x5a: {  	[tilespmem:s24], [sflag:$0x3] =	stream.indirect.gather [hbm4b:s5+s18], $0x80, s14, s18, $0xb8;
	[tilespmem:$0x1E000] =	vst v63  }
0x5b: {  	_ =	swait.ge [sflag:s25], $0x2000  }
0x5c: {  	[sflag:s25] =	ssyncset.done $0x0  }
0x5d: {  	s15 =	simm.s32 $0x1280;
	[sflag:s25] =	ssyncadd.s32 $0xFFFFE000  }
0x5e: {  	[spmem:s1] =	stream.indirect.scatter.add.f32 [tilespmem:s21], [sflag:$0x6], $0x80, s15, s18, $0xb8;
	[tilespmem:$0x1E000] =	vst v63  }
0x5f: {  	_ =	swait.ge [sflag:s10], $0x2000  }
0x60: {  	[sflag:s10] =	ssyncset.done $0x0  }
0x61: {  	s14 =	simm.s32 $0x800;
	s15 =	simm.s32 $0x380;
	[sflag:s10] =	ssyncadd.s32 $0xFFFFE000  }
.LBB2_7:
0x62: {  	[tilespmem:s29], [sflag:$0x4] =	stream.indirect.gather [hbm4b:s5+s18], $0x80, s15, s18, $0xb8;
	[tilespmem:$0x1E000] =	vst v63  }
0x63: {  	s2 =	smov.u32 s14  }
0x64: {  	p1 =	sne.s32 s14, $0x3000;
	s14 =	sadd.s32 $0x800, s14;
	_ =	swait.ge [sflag:s30], $0x2000  }
0x65: {  	s15 =	sshra.s32 s2, $0x2;
	[sflag:s30] =	ssyncset.done $0x0  }
0x66: {  	s2 =	sadd.s32 $0x1100, s15;
	[sflag:s30] =	ssyncadd.s32 $0xFFFFE000  }
0x67: {  	[spmem:s1] =	stream.indirect.scatter.add.f32 [tilespmem:s24], [sflag:$0x7], $0x80, s2, s18, $0xb8;
	[tilespmem:$0x1E000] =	vst v63  }
0x68: {  	_ =	swait.ge [sflag:s31], $0x2000  }
0x69: {  	[sflag:s31] =	ssyncset.done $0x0  }
0x6a: {  	s2 =	sadd.s32 $0x200, s15;
	[sflag:s31] =	ssyncadd.s32 $0xFFFFE000  }
0x6b: {  	[tilespmem:s19], [sflag:$0x1] =	stream.indirect.gather [hbm4b:s5+s18], $0x80, s2, s18, $0xb8;
	[tilespmem:$0x1E000] =	vst v63  }
0x6c: {  	_ =	swait.ge [sflag:s0], $0x2000  }
0x6d: {  	[sflag:s0] =	ssyncset.done $0x0  }
0x6e: {  	s2 =	sadd.s32 $0x1180, s15;
	[sflag:s0] =	ssyncadd.s32 $0xFFFFE000  }
0x6f: {  	[spmem:s1] =	stream.indirect.scatter.add.f32 [tilespmem:s29], [sflag:$0x8], $0x80, s2, s18, $0xb8;
	[tilespmem:$0x1E000] =	vst v63  }
0x70: {  	_ =	swait.ge [sflag:s3], $0x2000  }
0x71: {  	[sflag:s3] =	ssyncset.done $0x0  }
0x72: {  	s2 =	sadd.s32 $0x280, s15;
	[sflag:s3] =	ssyncadd.s32 $0xFFFFE000  }
0x73: {  	[tilespmem:s21], [sflag:$0x2] =	stream.indirect.gather [hbm4b:s5+s18], $0x80, s2, s18, $0xb8;
	[tilespmem:$0x1E000] =	vst v63  }
0x74: {  	_ =	swait.ge [sflag:s22], $0x2000  }
0x75: {  	[sflag:s22] =	ssyncset.done $0x0  }
0x76: {  	s2 =	sadd.s32 $0x1200, s15;
	[sflag:s22] =	ssyncadd.s32 $0xFFFFE000  }
0x77: {  	[spmem:s1] =	stream.indirect.scatter.add.f32 [tilespmem:s19], [sflag:$0x5], $0x80, s2, s18, $0xb8;
	[tilespmem:$0x1E000] =	vst v63  }
0x78: {  	_ =	swait.ge [sflag:s9], $0x2000  }
0x79: {  	[sflag:s9] =	ssyncset.done $0x0  }
0x7a: {  	s2 =	sadd.s32 $0x300, s15;
	[sflag:s9] =	ssyncadd.s32 $0xFFFFE000  }
0x7b: {  	[tilespmem:s24], [sflag:$0x3] =	stream.indirect.gather [hbm4b:s5+s18], $0x80, s2, s18, $0xb8;
	[tilespmem:$0x1E000] =	vst v63  }
0x7c: {  	_ =	swait.ge [sflag:s25], $0x2000  }
0x7d: {  	[sflag:s25] =	ssyncset.done $0x0  }
.Ltmp3:
0x7e: {  	s2 =	sadd.s32 $0x1280, s15;
	[sflag:s25] =	ssyncadd.s32 $0xFFFFE000;
	(pc) =	sbr.rel @p1 .LBB2_7-.Ltmp3, $4  }
0x7f: {  	[spmem:s1] =	stream.indirect.scatter.add.f32 [tilespmem:s21], [sflag:$0x6], $0x80, s2, s18, $0xb8;
	[tilespmem:$0x1E000] =	vst v63  }
0x80: {  	_ =	swait.ge [sflag:s10], $0x2000  }
0x81: {  	[sflag:s10] =	ssyncset.done $0x0  }
0x82: {  	s15 =	sadd.s32 $0x380, s15;
	[sflag:s10] =	ssyncadd.s32 $0xFFFFE000  }
0x83: {  	[tilespmem:s29], [sflag:$0x4] =	stream.indirect.gather [hbm4b:s5+s18], $0x80, s15, s18, $0xb8;
	[tilespmem:$0x1E000] =	vst v63  }
0x84: {  	_ =	swait.ge [sflag:s30], $0x2000  }
0x85: {  	[sflag:s30] =	ssyncset.done $0x0  }
0x86: {  	[sflag:s30] =	ssyncadd.s32 $0xFFFFE000  }
0x87: {  	[spmem:s1] =	stream.indirect.scatter.add.f32 [tilespmem:s24], [sflag:$0x7], $0x80, s8, s18, $0xb8;
	[tilespmem:$0x1E000] =	vst v63  }
0x88: {  	_ =	swait.ge [sflag:s0], $0x2000  }
0x89: {  	[sflag:s0] =	ssyncset.done $0x0  }
0x8a: {  	[sflag:s0] =	ssyncadd.s32 $0xFFFFE000  }
0x8b: {  	[spmem:s1] =	stream.indirect.scatter.add.f32 [tilespmem:s29], [sflag:$0x8], $0x80, s13, s18, $0xb8;
	[tilespmem:$0x1E000] =	vst v63  }
0x8c: {  	_ =	swait.ge [sflag:s31], $0x2000  }
0x8d: {  	[sflag:s31] =	ssyncset.done $0x0  }
0x8e: {  	[sflag:s31] =	ssyncadd.s32 $0xFFFFE000  }
0x8f: {  	_ =	swait.ge [sflag:s3], $0x2000  }
0x90: {  	[sflag:s3] =	ssyncset.done $0x0  }
0x91: {  	s11 =	sadd.s32 $0x1, s11;
	[sflag:s3] =	ssyncadd.s32 $0xFFFFE000  }
0x92: {  	p1 =	sne.s32 s11, $0xA;
	_ =	swait.ge [sflag:s9], $0x2000  }
.Ltmp4:
0x93: {  	[sflag:s9] =	ssyncset.done $0x0;
	(pc) =	sbr.rel @p1 .LBB2_6-.Ltmp4, $4  }
0x94: {  	[sflag:s9] =	ssyncadd.s32 $0xFFFFE000  }
0x95: {  	_ =	swait.ge [sflag:s10], $0x2000  }
0x96: {  	[sflag:s10] =	ssyncset.done $0x0  }
0x97: {  	[sflag:s10] =	ssyncadd.s32 $0xFFFFE000  }
.Ltmp5:
0x98: {  	(pc) =	sbr.rel .LBB2_10-.Ltmp5, $3  }
0x99: {  	_ =	sdelay $0x1  }
0x9a: {  	s11 =	rddreg [dreg:$0x6]  }
0x9b: {  	s14 =	rddreg [dreg:$0x3]  }
.LBB2_2:
0x9c: {  	s11 =	sshll.u32 s14, $0xC  }
0x9d: {  	s11 =	sadd.s32 s12, s11  }
0x9e: {  	s11 =	sshrl.u32 s11, $0x3  }
0x9f: {  	s2 =	simm.s32 $0x0;
	s15 =	sadd.s32 s6, s11  }
0xa0: {  	[tilespmem:s2], [sflag:$0x9] =	stream.linear.gather [hbm4b:s15+s2], $0x1000, $0x38;
	[tilespmem:$0x1E000] =	vst v63  }
0xa1: {  	_ =	swait.ge [sflag:s16], $0x1000  }
0xa2: {  	[sflag:s16] =	ssyncset.done $0x0  }
0xa3: {  	s11 =	sadd.s32 s7, s11;
	[sflag:s16] =	ssyncadd.s32 $0xFFFFF000  }
0xa4: {  	[tilespmem:s17], [sflag:$0x9] =	stream.linear.gather [hbm4b:s11+s2], $0x1000, $0x38;
	[tilespmem:$0x1E000] =	vst v63  }
0xa5: {  	_ =	swait.ge [sflag:s16], $0x1000  }
0xa6: {  	[sflag:s16] =	ssyncset.done $0x0  }
0xa7: {  	[sflag:s16] =	ssyncadd.s32 $0xFFFFF000  }
0xa8: {  	[tilespmem:s19], [sflag:$0x1] =	stream.indirect.gather [hbm4b:s4+s18], $0x80, s2, s18, $0xb8;
	[tilespmem:$0x1E000] =	vst v63  }
0xa9: {  	_ = 	snop  }
0xaa: {  	[tilespmem:s21], [sflag:$0x2] =	stream.indirect.gather [hbm4b:s4+s18], $0x80, s20, s18, $0xb8;
	[tilespmem:$0x1E000] =	vst v63  }
0xab: {  	_ =	swait.ge [sflag:s22], $0x2000  }
0xac: {  	[sflag:s22] =	ssyncset.done $0x0  }
0xad: {  	[sflag:s22] =	ssyncadd.s32 $0xFFFFE000  }
0xae: {  	[spmem:s1] =	stream.indirect.scatter.add.f32 [tilespmem:s19], [sflag:$0x5], $0x80, s17, s18, $0xb8;
	[tilespmem:$0x1E000] =	vst v63  }
0xaf: {  	_ = 	snop  }
0xb0: {  	[tilespmem:s24], [sflag:$0x3] =	stream.indirect.gather [hbm4b:s4+s18], $0x80, s23, s18, $0xb8;
	[tilespmem:$0x1E000] =	vst v63  }
0xb1: {  	_ =	swait.ge [sflag:s25], $0x2000  }
0xb2: {  	[sflag:s25] =	ssyncset.done $0x0  }
0xb3: {  	[sflag:s25] =	ssyncadd.s32 $0xFFFFE000  }
0xb4: {  	[spmem:s1] =	stream.indirect.scatter.add.f32 [tilespmem:s21], [sflag:$0x6], $0x80, s26, s18, $0xb8;
	[tilespmem:$0x1E000] =	vst v63  }
0xb5: {  	_ = 	snop  }
0xb6: {  	[tilespmem:s29], [sflag:$0x4] =	stream.indirect.gather [hbm4b:s4+s18], $0x80, s28, s18, $0xb8;
	[tilespmem:$0x1E000] =	vst v63  }
0xb7: {  	_ =	swait.ge [sflag:s30], $0x2000  }
0xb8: {  	[sflag:s30] =	ssyncset.done $0x0  }
0xb9: {  	s15 =	simm.s32 $0x1100;
	[sflag:s30] =	ssyncadd.s32 $0xFFFFE000  }
0xba: {  	[spmem:s1] =	stream.indirect.scatter.add.f32 [tilespmem:s24], [sflag:$0x7], $0x80, s15, s18, $0xb8;
	[tilespmem:$0x1E000] =	vst v63  }
0xbb: {  	_ =	swait.ge [sflag:s31], $0x2000  }
0xbc: {  	[sflag:s31] =	ssyncset.done $0x0  }
0xbd: {  	s11 =	simm.s32 $0x200;
	[sflag:s31] =	ssyncadd.s32 $0xFFFFE000  }
0xbe: {  	[tilespmem:s19], [sflag:$0x1] =	stream.indirect.gather [hbm4b:s4+s18], $0x80, s11, s18, $0xb8;
	[tilespmem:$0x1E000] =	vst v63  }
0xbf: {  	_ =	swait.ge [sflag:s0], $0x2000  }
0xc0: {  	[sflag:s0] =	ssyncset.done $0x0  }
0xc1: {  	s15 =	simm.s32 $0x1180;
	[sflag:s0] =	ssyncadd.s32 $0xFFFFE000  }
0xc2: {  	[spmem:s1] =	stream.indirect.scatter.add.f32 [tilespmem:s29], [sflag:$0x8], $0x80, s15, s18, $0xb8;
	[tilespmem:$0x1E000] =	vst v63  }
0xc3: {  	_ =	swait.ge [sflag:s3], $0x2000  }
0xc4: {  	[sflag:s3] =	ssyncset.done $0x0  }
0xc5: {  	s11 =	simm.s32 $0x280;
	[sflag:s3] =	ssyncadd.s32 $0xFFFFE000  }
0xc6: {  	[tilespmem:s21], [sflag:$0x2] =	stream.indirect.gather [hbm4b:s4+s18], $0x80, s11, s18, $0xb8;
	[tilespmem:$0x1E000] =	vst v63  }
0xc7: {  	_ =	swait.ge [sflag:s22], $0x2000  }
0xc8: {  	[sflag:s22] =	ssyncset.done $0x0  }
0xc9: {  	s15 =	simm.s32 $0x1200;
	[sflag:s22] =	ssyncadd.s32 $0xFFFFE000  }
0xca: {  	[spmem:s1] =	stream.indirect.scatter.add.f32 [tilespmem:s19], [sflag:$0x5], $0x80, s15, s18, $0xb8;
	[tilespmem:$0x1E000] =	vst v63  }
0xcb: {  	_ =	swait.ge [sflag:s9], $0x2000  }
0xcc: {  	[sflag:s9] =	ssyncset.done $0x0  }
0xcd: {  	s11 =	simm.s32 $0x300;
	[sflag:s9] =	ssyncadd.s32 $0xFFFFE000  }
0xce: {  	[tilespmem:s24], [sflag:$0x3] =	stream.indirect.gather [hbm4b:s4+s18], $0x80, s11, s18, $0xb8;
	[tilespmem:$0x1E000] =	vst v63  }
0xcf: {  	_ =	swait.ge [sflag:s25], $0x2000  }
0xd0: {  	[sflag:s25] =	ssyncset.done $0x0  }
0xd1: {  	s15 =	simm.s32 $0x1280;
	[sflag:s25] =	ssyncadd.s32 $0xFFFFE000  }
0xd2: {  	[spmem:s1] =	stream.indirect.scatter.add.f32 [tilespmem:s21], [sflag:$0x6], $0x80, s15, s18, $0xb8;
	[tilespmem:$0x1E000] =	vst v63  }
0xd3: {  	_ =	swait.ge [sflag:s10], $0x2000  }
0xd4: {  	[sflag:s10] =	ssyncset.done $0x0  }
0xd5: {  	s11 =	simm.s32 $0x800;
	s15 =	simm.s32 $0x380;
	[sflag:s10] =	ssyncadd.s32 $0xFFFFE000  }
.LBB2_3:
0xd6: {  	[tilespmem:s29], [sflag:$0x4] =	stream.indirect.gather [hbm4b:s4+s18], $0x80, s15, s18, $0xb8;
	[tilespmem:$0x1E000] =	vst v63  }
0xd7: {  	s2 =	smov.u32 s11  }
0xd8: {  	p1 =	sne.s32 s11, $0x3000;
	s11 =	sadd.s32 $0x800, s11;
	_ =	swait.ge [sflag:s30], $0x2000  }
0xd9: {  	s15 =	sshra.s32 s2, $0x2;
	[sflag:s30] =	ssyncset.done $0x0  }
0xda: {  	s2 =	sadd.s32 $0x1100, s15;
	[sflag:s30] =	ssyncadd.s32 $0xFFFFE000  }
0xdb: {  	[spmem:s1] =	stream.indirect.scatter.add.f32 [tilespmem:s24], [sflag:$0x7], $0x80, s2, s18, $0xb8;
	[tilespmem:$0x1E000] =	vst v63  }
0xdc: {  	_ =	swait.ge [sflag:s31], $0x2000  }
0xdd: {  	[sflag:s31] =	ssyncset.done $0x0  }
0xde: {  	s2 =	sadd.s32 $0x200, s15;
	[sflag:s31] =	ssyncadd.s32 $0xFFFFE000  }
0xdf: {  	[tilespmem:s19], [sflag:$0x1] =	stream.indirect.gather [hbm4b:s4+s18], $0x80, s2, s18, $0xb8;
	[tilespmem:$0x1E000] =	vst v63  }
0xe0: {  	_ =	swait.ge [sflag:s0], $0x2000  }
0xe1: {  	[sflag:s0] =	ssyncset.done $0x0  }
0xe2: {  	s2 =	sadd.s32 $0x1180, s15;
	[sflag:s0] =	ssyncadd.s32 $0xFFFFE000  }
0xe3: {  	[spmem:s1] =	stream.indirect.scatter.add.f32 [tilespmem:s29], [sflag:$0x8], $0x80, s2, s18, $0xb8;
	[tilespmem:$0x1E000] =	vst v63  }
0xe4: {  	_ =	swait.ge [sflag:s3], $0x2000  }
0xe5: {  	[sflag:s3] =	ssyncset.done $0x0  }
0xe6: {  	s2 =	sadd.s32 $0x280, s15;
	[sflag:s3] =	ssyncadd.s32 $0xFFFFE000  }
0xe7: {  	[tilespmem:s21], [sflag:$0x2] =	stream.indirect.gather [hbm4b:s4+s18], $0x80, s2, s18, $0xb8;
	[tilespmem:$0x1E000] =	vst v63  }
0xe8: {  	_ =	swait.ge [sflag:s22], $0x2000  }
0xe9: {  	[sflag:s22] =	ssyncset.done $0x0  }
0xea: {  	s2 =	sadd.s32 $0x1200, s15;
	[sflag:s22] =	ssyncadd.s32 $0xFFFFE000  }
0xeb: {  	[spmem:s1] =	stream.indirect.scatter.add.f32 [tilespmem:s19], [sflag:$0x5], $0x80, s2, s18, $0xb8;
	[tilespmem:$0x1E000] =	vst v63  }
0xec: {  	_ =	swait.ge [sflag:s9], $0x2000  }
0xed: {  	[sflag:s9] =	ssyncset.done $0x0  }
0xee: {  	s2 =	sadd.s32 $0x300, s15;
	[sflag:s9] =	ssyncadd.s32 $0xFFFFE000  }
0xef: {  	[tilespmem:s24], [sflag:$0x3] =	stream.indirect.gather [hbm4b:s4+s18], $0x80, s2, s18, $0xb8;
	[tilespmem:$0x1E000] =	vst v63  }
0xf0: {  	_ =	swait.ge [sflag:s25], $0x2000  }
0xf1: {  	[sflag:s25] =	ssyncset.done $0x0  }
.Ltmp6:
0xf2: {  	s2 =	sadd.s32 $0x1280, s15;
	[sflag:s25] =	ssyncadd.s32 $0xFFFFE000;
	(pc) =	sbr.rel @p1 .LBB2_3-.Ltmp6, $4  }
0xf3: {  	[spmem:s1] =	stream.indirect.scatter.add.f32 [tilespmem:s21], [sflag:$0x6], $0x80, s2, s18, $0xb8;
	[tilespmem:$0x1E000] =	vst v63  }
0xf4: {  	_ =	swait.ge [sflag:s10], $0x2000  }
0xf5: {  	[sflag:s10] =	ssyncset.done $0x0  }
0xf6: {  	s15 =	sadd.s32 $0x380, s15;
	[sflag:s10] =	ssyncadd.s32 $0xFFFFE000  }
0xf7: {  	[tilespmem:s29], [sflag:$0x4] =	stream.indirect.gather [hbm4b:s4+s18], $0x80, s15, s18, $0xb8;
	[tilespmem:$0x1E000] =	vst v63  }
0xf8: {  	_ =	swait.ge [sflag:s30], $0x2000  }
0xf9: {  	[sflag:s30] =	ssyncset.done $0x0  }
0xfa: {  	[sflag:s30] =	ssyncadd.s32 $0xFFFFE000  }
0xfb: {  	[spmem:s1] =	stream.indirect.scatter.add.f32 [tilespmem:s24], [sflag:$0x7], $0x80, s8, s18, $0xb8;
	[tilespmem:$0x1E000] =	vst v63  }
0xfc: {  	_ =	swait.ge [sflag:s0], $0x2000  }
0xfd: {  	[sflag:s0] =	ssyncset.done $0x0  }
0xfe: {  	[sflag:s0] =	ssyncadd.s32 $0xFFFFE000  }
0xff: {  	[spmem:s1] =	stream.indirect.scatter.add.f32 [tilespmem:s29], [sflag:$0x8], $0x80, s13, s18, $0xb8;
	[tilespmem:$0x1E000] =	vst v63  }
0x100: {  	_ =	swait.ge [sflag:s31], $0x2000  }
0x101: {  	[sflag:s31] =	ssyncset.done $0x0  }
0x102: {  	[sflag:s31] =	ssyncadd.s32 $0xFFFFE000  }
0x103: {  	_ =	swait.ge [sflag:s3], $0x2000  }
0x104: {  	[sflag:s3] =	ssyncset.done $0x0  }
0x105: {  	s14 =	sadd.s32 $0x1, s14;
	[sflag:s3] =	ssyncadd.s32 $0xFFFFE000  }
0x106: {  	p1 =	seq.s32 s14, $0xA;
	_ =	swait.ge [sflag:s9], $0x2000  }
.Ltmp7:
0x107: {  	[sflag:s9] =	ssyncset.done $0x0;
	(pc) =	sbr.rel @!p1 .LBB2_2-.Ltmp7, $4  }
0x108: {  	[sflag:s9] =	ssyncadd.s32 $0xFFFFE000  }
0x109: {  	_ =	swait.ge [sflag:s10], $0x2000  }
0x10a: {  	[sflag:s10] =	ssyncset.done $0x0  }
0x10b: {  	[sflag:s10] =	ssyncadd.s32 $0xFFFFE000  }
.Ltmp8:
0x10c: {  	(pc) =	sbr.rel .LBB2_10-.Ltmp8, $3  }
0x10d: {  	_ =	sdelay $0x1  }
0x10e: {  	s11 =	rddreg [dreg:$0x5]  }
0x10f: {  	s14 =	rddreg [dreg:$0x3]  }
.LBB2_11:
0x110: {  	_ =	sfence.sel $0x180000  }
0x111: {  	[bflag:$0x0] =	sbarrier.arrive $0xFFFF  }
0x112: {  	_ =	strace $0x9000004D  }
0x113: {  	s0 =	stileid.u32;
	[bflag:$0x2] =	sbarrier.arrive $0xFFFF  }
0x114: {  	p0 =	sne.s32 s0, $0x0;
	s0 =	rddreg [dreg:$0x2]  }
0x115: {  	s0 =	sadd.s32 @!p0 $0x100000, s0  }
0x116: {  	[sflag:s0] =	ssyncadd.tile.s32 @!p0 $0x1;
	_ =	shalt  }
.Lfunc_end2:
_tile_overlayer_lowered:
.L_overlay_start_2:
0x117: {  	(tag) =	ssettag $0x2  }
0x118: {  	s0 =	rddreg [dreg:$0x0];
	s2 =	stileid.u32  }
0x119: {  	s1 =	rddreg [dreg:$0x1];
	p0 =	sne.s32 s2, $0x0  }
0x11a: {  	s3 =	rddreg [dreg:$0x2];
	[bflag:$0x3] =	sbarrier.arrive $0xFFFF;
	s2 =	simm.s32 @!p0 $0x1C09  }
0x11b: {  	[timem:s3], [sflag:s2] =	dma.local @!p0 [hbm:s0], s1  }
0x11c: {  	s0 =	simm.s32 @!p0 $0x9  }
0x11d: {  	_ =	swait.ge @!p0 [sflag:s0], s1  }
0x11e: {  	s1 =	ssub.s32 @!p0 $0x0, s1;
	[sflag:s0] =	ssyncset.done @!p0 $0x0  }
0x11f: {  	[sflag:s0] =	ssyncadd.s32 @!p0 s1  }
0x120: {  	[bflag:$0x3] =	sbarrier.arrive $0xFFFF  }
0x121: {  	_ =	shalt  }

// kernel: kernel.20.cloned.1.call-start
scs
__scs_entry_jumppad:
0x0: {  	(pc) =	sbr.rel $0x88, $3  }
0x1: {  	(tag) =	ssettag $0x0;
	lr =	simm.s32 $0x1  }
0x2: {  	[smem:$0x3F86] =	sst lr;
	_ =	strace $0xD0000000  }
0x3: {  	_ = 	snop  }
0x4: {  	_ = 	snop  }
0x5: {  	_ = 	snop  }
0x6: {  	_ = 	snop  }
0x7: {  	_ = 	snop  }
__scs_overlays_trampoline_lowered:
0x8: {  	[smem:$0x3F95] =	sst s0  }
0x9: {  	[smem:$0x3F96] =	sst s1  }
0xa: {  	[smem:$0x3F97] =	sst s2  }
0xb: {  	[smem:$0x3F98] =	sst s3  }
0xc: {  	[smem:$0x3F99] =	sst s4  }
0xd: {  	[smem:$0x3F9A] =	sst s5  }
0xe: {  	[smem:$0x3F9B] =	sst s6  }
0xf: {  	[smem:$0x3F9C] =	sst s7  }
0x10: {  	[smem:$0x3F9D] =	sst s8  }
0x11: {  	[smem:$0x3F9E] =	sst s9;
	s0 =	simm.s32 @!p0 $0x0  }
0x12: {  	s1 =	sld [smem:$0x3F84];
	s0 =	simm.s32 @p0 $0x1  }
0x13: {  	[smem:$0x3F9F] =	sst s0;
	s0 =	simm.s32 @!p1 $0x0  }
0x14: {  	s2 =	sld [smem:$0x3F83];
	s0 =	simm.s32 @p1 $0x1  }
0x15: {  	[smem:$0x3FA0] =	sst s0;
	s0 =	simm.s32 @!p2 $0x0  }
0x16: {  	s3 =	sld [smem:$0x3FDB];
	s0 =	simm.s32 @p2 $0x1  }
0x17: {  	s4 =	simm.s32 $0x1BF5;
	[smem:$0x3FA2] =	sst s0  }
0x18: {  	s0 =	sld [smem:$0x3F85];
	_ =	swait.ge [sflag:s4], $0x0  }
0x19: {  	s7 =	sld [smem:$0x3F86]  }
0x1a: {  	s8 =	sadd.s32 $0xFFFFE003, lr  }
0x1b: {  	s9 =	sadd.s32 $0xFFFFFEF7, lr;
	s5 =	simm.s32 $0xFFFFFFFF;
	p2 =	slt.u32 s8, $0xFFFFF086  }
0x1c: {  	p1 =	slt.u32 s9, $0xF7A;
	s5 =	simm.s32 @!p2 $0x0  }
0x1d: {  	s5 =	simm.s32 @p1 $0x1;
	p0 =	seq.s32 s7, s2  }
0x1e: {  	s7 =	smul.u32 @!p0 $0xF7A, s2;
	p2 =	seq.s32 @!p0 s5, $0x0  }
0x1f: {  	s9 =	smul.u32 $0xF7A, s1;
	s8 =	simm.s32 @!p0 $0x1BF5;
	p2 =	por !p2, p0  }
0x20: {  	[sflag:s8] =	ssyncset.s32 @!p0 $0xFFFFF086;
	s6 =	sadd.s32 @!p0 s3, s7;
	s7 =	simm.s32 @!p0 $0x108  }
0x21: {  	s3 =	sadd.s32 s3, s9;
	s6 =	sadd.s32 @!p0 $0x88, s6;
	s7 =	simm.s32 @p2 $0x1082  }
0x22: {  	[simem:s7], [sflag:s8] =	dma.local @!p0 [hbm:s6], $0xF7A  }
0x23: {  	s9 =	sor.u32 $0xD0000000, s2;
	s6 =	simm.s32 $0x108;
	_ =	swait.ge @!p0 [sflag:s8], $0x0  }
0x24: {  	s3 =	sadd.s32 $0x88, s3;
	s6 =	simm.s32 @!p1 $0x1082;
	[sflag:s4] =	ssyncset.s32 $0xFFFFF086  }
0x25: {  	[simem:s6], [sflag:s4] =	dma.local [hbm:s3], $0xF7A  }
0x26: {  	[smem:$0x3F86] =	sst s1;
	(tag) =	ssettag s2;
	_ =	strace s9  }
0x27: {  	s1 =	sld [smem:$0x3F96]  }
0x28: {  	s2 =	sld [smem:$0x3F97]  }
0x29: {  	s4 =	sld [smem:$0x3F99]  }
0x2a: {  	p0 =	seq.s32 s5, $0x0;
	s5 =	sld [smem:$0x3F9A]  }
0x2b: {  	s6 =	sld [smem:$0x3F9B]  }
0x2c: {  	s7 =	sld [smem:$0x3F9C]  }
0x2d: {  	s3 =	simm.s32 $0x108;
	s8 =	sld [smem:$0x3F9D]  }
0x2e: {  	s3 =	simm.s32 @!p0 $0x1082;
	s9 =	sld [smem:$0x3F9E]  }
0x2f: {  	lr =	sadd.s32 s0, s3;
	s0 =	sld [smem:$0x3F95]  }
0x30: {  	s3 =	sld [smem:$0x3F98]  }
0x31: {  	[smem:$0x3FA1] =	sst s10  }
0x32: {  	s10 =	sld [smem:$0x3F9F];
	_ =	sdelay $0x3  }
0x33: {  	p0 =	seq.s32 s10, $0x1;
	s10 =	sld [smem:$0x3FA1];
	_ =	sdelay $0x3  }
0x34: {  	[smem:$0x3FA1] =	sst s10  }
0x35: {  	s10 =	sld [smem:$0x3FA0];
	_ =	sdelay $0x3  }
0x36: {  	p1 =	seq.s32 s10, $0x1;
	s10 =	sld [smem:$0x3FA1];
	_ =	sdelay $0x3  }
0x37: {  	[smem:$0x3FA1] =	sst s10  }
0x38: {  	s10 =	sld [smem:$0x3FA2]  }
0x39: {  	_ = 	snop;
	(pc) =	sbr.ind lr, $3  }
0x3a: {  	_ = 	snop  }
0x3b: {  	_ = 	snop  }
0x3c: {  	p2 =	seq.s32 s10, $0x1;
	s10 =	sld [smem:$0x3FA1]  }
0x3d: {  	_ =	shalt  }
0x3e: {  	_ =	shalt  }
0x3f: {  	_ =	shalt  }
0x40: {  	_ =	shalt  }
0x41: {  	_ =	shalt  }
0x42: {  	_ =	shalt  }
0x43: {  	_ =	shalt  }
0x44: {  	_ =	shalt  }
0x45: {  	_ =	shalt  }
0x46: {  	_ =	shalt  }
0x47: {  	_ =	shalt  }
0x48: {  	_ =	shalt  }
0x49: {  	_ =	shalt  }
0x4a: {  	_ =	shalt  }
0x4b: {  	_ =	shalt  }
0x4c: {  	_ =	shalt  }
0x4d: {  	_ =	shalt  }
0x4e: {  	_ =	shalt  }
0x4f: {  	_ =	shalt  }
0x50: {  	_ =	shalt  }
0x51: {  	_ =	shalt  }
0x52: {  	_ =	shalt  }
0x53: {  	_ =	shalt  }
0x54: {  	_ =	shalt  }
0x55: {  	_ =	shalt  }
0x56: {  	_ =	shalt  }
0x57: {  	_ =	shalt  }
0x58: {  	_ =	shalt  }
0x59: {  	_ =	shalt  }
0x5a: {  	_ =	shalt  }
0x5b: {  	_ =	shalt  }
0x5c: {  	_ =	shalt  }
0x5d: {  	_ =	shalt  }
0x5e: {  	_ =	shalt  }
0x5f: {  	_ =	shalt  }
0x60: {  	_ =	shalt  }
0x61: {  	_ =	shalt  }
0x62: {  	_ =	shalt  }
0x63: {  	_ =	shalt  }
0x64: {  	_ =	shalt  }
0x65: {  	_ =	shalt  }
0x66: {  	_ =	shalt  }
0x67: {  	_ =	shalt  }
0x68: {  	_ =	shalt  }
0x69: {  	_ =	shalt  }
0x6a: {  	_ =	shalt  }
0x6b: {  	_ =	shalt  }
0x6c: {  	_ =	shalt  }
0x6d: {  	_ =	shalt  }
0x6e: {  	_ =	shalt  }
0x6f: {  	_ =	shalt  }
0x70: {  	_ =	shalt  }
0x71: {  	_ =	shalt  }
0x72: {  	_ =	shalt  }
0x73: {  	_ =	shalt  }
0x74: {  	_ =	shalt  }
0x75: {  	_ =	shalt  }
0x76: {  	_ =	shalt  }
0x77: {  	_ =	shalt  }
0x78: {  	_ =	shalt  }
0x79: {  	_ =	shalt  }
0x7a: {  	_ =	shalt  }
0x7b: {  	_ =	shalt  }
0x7c: {  	_ =	shalt  }
0x7d: {  	_ =	shalt  }
0x7e: {  	_ =	shalt  }
0x7f: {  	_ =	shalt  }
0x80: {  	_ =	shalt  }
0x81: {  	_ =	shalt  }
0x82: {  	_ =	shalt  }
0x83: {  	_ =	shalt  }
0x84: {  	_ =	shalt  }
0x85: {  	_ =	shalt  }
0x86: {  	_ =	shalt  }
0x87: {  	_ =	shalt  }
.Lfunc_end0:
.L_simem_size_0:
called_computation.3_lowered:
.L_overlay_start_0:
0x88: {  	s2 =	sld [smem:$0x3FD9]  }
0x89: {  	s3 =	sld [smem:$0x3FFE];
	_ =	sdelay $0x1  }
0x8a: {  	s1 =	srdreg.scid  }
0x8b: {  	s0 =	sand.u32 $0x1, s1  }
0x8c: {  	s16 =	sshll.u32 s0, $0xA;
	s2 =	sadd.s32 s3, s2  }
0x8d: {  	s2 =	sadd.s32 s2, s16  }
0x8e: {  	[smem:$0x3FAD] =	sst s2  }
0x8f: {  	_ = 	snop  }
0x90: {  	(tm) =	ssettm $0x1  }
0x91: {  	s17 =	sld [smem:$0x3FFB];
	_ =	sdelay $0x3  }
0x92: {  	_ =	strace s17  }
0x93: {  	s2 =	sld [smem:$0x3FFC];
	_ =	sdelay $0x3  }
0x94: {  	_ =	strace s2  }
0x95: {  	s2 =	sld [smem:$0x3FFD];
	_ =	sdelay $0x3  }
0x96: {  	_ =	strace s2  }
0x97: {  	_ =	strace $0x8FFFFFFF  }
0x98: {  	s18 =	sld [smem:$0x3FDB];
	_ =	sdelay $0x1  }
0x99: {  	s19 =	simm.s32 $_scs_section_size  }
0x9a: {  	s4 =	simm.s32 $_size__tile_overlayer_lowered;
	s5 =	simm.s32 $_tile_overlayer_lowered  }
0x9b: {  	s22 =	simm.s32 $0x1BFF;
	s21 =	sshll.u32 s5, $0x1;
	s2 =	sadd.s32 s19, s18  }
0x9c: {  	s6 =	simm.s32 $0x0;
	s20 =	sshll.u32 s4, $0x1;
	s4 =	sadd.s32 s21, s2  }
0x9d: {  	[timem:s6], [sflag:s22] =	dma.local [hbm:s4], s20  }
0x9e: {  	_ =	swait.ge [sflag:s22], s20  }
0x9f: {  	s3 =	ssub.s32 $0x0, s20;
	[sflag:s22] =	ssyncset.done $0x0  }
0xa0: {  	[sflag:s22] =	ssyncadd.s32 s3;
	_ =	sdelay $0x1  }
0xa1: {  	s23 =	simm.s32 $0x1B8B  }
0xa2: {  	_ =	swait.ge [sflag:s23], $0x1  }
0xa3: {  	[sflag:s23] =	ssyncset.done $0x0  }
0xa4: {  	s25 =	simm.s32 $0x1B8E;
	s24 =	sld [smem:$0x3FFE];
	[sflag:s23] =	ssyncadd.s32 $0xFFFFFFFF  }
0xa5: {  	s26 =	simm.s32 $execute0_lowered;
	[smem:$0x3FD2] =	sst s25  }
0xa6: {  	s4 =	sshll.u32 s26, $0x1;
	_ =	strace $0x8000004F;
	[dreg:$0x1] =	wrdreg $0xFFFFFFFF  }
0xa7: {  	s28 =	simm.s32 $_size_execute0_lowered;
	s2 =	sadd.s32 s2, s4;
	[dreg:$0x0] =	wrdreg $0x0  }
0xa8: {  	s4 =	sshll.u32 s28, $0x1;
	[dreg:$0x2] =	wrdreg s2  }
0xa9: {  	[dreg:$0x3] =	wrdreg s4  }
0xaa: {  	[dreg:$0x4] =	wrdreg $0xC0  }
0xab: {  	_ =	task [dreg:s6], $0x5FFFF  }
0xac: {  	[dreg:$0x1] =	wrdreg $0xFFFFFFFF  }
0xad: {  	[dreg:$0x0] =	wrdreg $0x60  }
0xae: {  	[dreg:$0x2] =	wrdreg s24  }
0xaf: {  	[dreg:$0x3] =	wrdreg $0xA0000  }
0xb0: {  	[dreg:$0x4] =	wrdreg $0x9  }
0xb1: {  	_ =	task.clear_ibuf [dreg:s6], $0x5FFFF;
	_ =	strace $0x9000004F  }
0xb2: {  	s29 =	simm.s32 $0x9;
	_ =	strace $0x80000051  }
0xb3: {  	_ =	swait.ge [sflag:s29], $0x1  }
0xb4: {  	[sflag:s29] =	ssyncadd.s32 $0xFFFFFFFF  }
0xb5: {  	_ =	strace $0x90000051  }
0xb6: {  	_ =	sfence  }
0xb7: {  	s30 =	sld [smem:$0x0];
	_ =	sdelay $0x2  }
0xb8: {  	s31 =	sshll.u32 s1, $0xD;
	s1 =	sshrl.u32 s1, $0x2  }
0xb9: {  	s3 =	sand.u32 $0x4000, s31;
	s1 =	sadd.s32 s1, s30  }
0xba: {  	s0 =	sor.u32 s3, s0;
	s1 =	sshll.u32 s1, $0x11  }
0xbb: {  	s0 =	sor.u32 s1, s0  }
0xbc: {  	s0 =	sadd.s32 $0x8F2B, s0  }
0xbd: {  	[sflag:s0] =	ssyncadd.remote.s32 $0x1  }
0xbe: {  	_ =	sfence.sel $0xFFFF  }
0xbf: {  	[dreg:$0x0] =	wrdreg $0xFFFFFFFF;
	(pc) =	sbr.abs _section_cstart, $3  }
0xc0: {  	[dreg:$0x1] =	wrdreg $0xFFFFFFFF  }
0xc1: {  	_ =	task.clear_ibuf [dreg:s6], $0x2FFFF;
	_ =	strace $0x9FFFFFFF  }
0xc2: {  	(tm) =	ssettm $0x7FFFFFFF  }
0xc3: {  	_ =	shalt  }
tec
execute0_lowered:
.L_overlay_start_1:
0x0: {  	(tag) =	ssettag $0x1  }
0x1: {  	s0 =	rddreg [dreg:$0x0]  }
0x2: {  	s1 =	rddreg [dreg:$0x1];
	s2 =	simm.s32 $0x0  }
0x3: {  	s3 =	srdreg.scid;
	s10 =	stileid.u32;
	s16 =	simm.s32 $0x9  }
0x4: {  	s17 =	simm.s32 $0x1000;
	s18 =	simm.s32 $0x40;
	s19 =	simm.s32 $0x2000  }
0x5: {  	s20 =	simm.s32 $0x80;
	s21 =	simm.s32 $0x4000;
	s28 =	simm.s32 $0x180  }
0x6: {  	s29 =	simm.s32 $0x8000;
	s30 =	simm.s32 $0x3;
	s31 =	simm.s32 $0x5  }
0x7: {  	s13 =	simm.s32 $0x1F80;
	[smem:$0x7FF] =	sst s2;
	s4 =	sadd.s32 $0x31C00, s0  }
0x8: {  	s5 =	sadd.s32 $0x58E00, s0;
	s6 =	sadd.s32 $0x7400, s0;
	s7 =	sadd.s32 $0x1B400, s0  }
0x9: {  	s3 =	sand.u32 $0x1, s3;
	s8 =	smul.u32 $0x50000, s10;
	s9 =	sadd.s32 $0x2F400, s0  }
0xa: {  	s22 =	sadd.s32 $0x80000, s0;
	s0 =	sadd.s32 $0xA8000, s0;
	s25 =	sshll.u32 s10, $0x6  }
0xb: {  	s12 =	smul.u32 $0xA000, s10;
	_ =	strace $0x80000050;
	[dreg:$0x4] =	wrdreg s9  }
0xc: {  	s26 =	smul.u32 $0x2800, s10;
	s10 =	simm.s32 $0x8;
	[dreg:$0x5] =	wrdreg s22  }
0xd: {  	s23 =	ssub.s32 $0x2, s3;
	[dreg:$0x6] =	wrdreg s0;
	s11 =	sor.u32 $0x1C09, s25  }
0xe: {  	p0 =	seq.s32 s3, $0x1;
	s22 =	simm.s32 $0x1;
	s25 =	simm.s32 $0x2  }
0xf: {  	s3 =	simm.s32 $0x6;
	s9 =	simm.s32 $0x7;
	s24 =	sshrl.u32 s23, $0x1  }
.Ltmp0:
0x10: {  	s8 =	sshrl.u32 s8, $0x2;
	[dreg:$0x8] =	wrdreg s26;
	(pc) =	sbr.rel .LBB2_1-.Ltmp0, $4  }
0x11: {  	s26 =	simm.s32 $0x1080;
	[dreg:$0x7] =	wrdreg s11;
	s0 =	ssub.s32 s23, s24  }
0x12: {  	s8 =	sadd.s32 s8, s1;
	s23 =	simm.s32 $0x100;
	s0 =	smax.u32 s0, $0x1  }
0x13: {  	s24 =	simm.s32 $0x6000;
	s15 =	sshrl.u32 s8, $0x3;
	[dreg:$0x9] =	wrdreg s0  }
0x14: {  	s8 =	simm.s32 $0x1F00;
	s0 =	simm.s32 $0x4;
	[dreg:$0xa] =	wrdreg s15  }
.LBB2_10:
0x15: {  	s2 =	rddreg [dreg:$0x8];
	[bflag:$0x0] =	sbarrier.arrive $0xFFFF  }
0x16: {  	s2 =	sadd.s32 s11, s2;
	s11 =	rddreg [dreg:$0x7]  }
0x17: {  	s15 =	rddreg [dreg:$0xa]  }
0x18: {  	[hbm:s2], [sflag:s11] =	dma.local [spmem:s15], $0x2800  }
0x19: {  	_ =	swait.ge [sflag:s16], $0x2800  }
0x1a: {  	s14 =	sadd.s32 $0x1, s14;
	s2 =	rddreg [dreg:$0x9]  }
0x1b: {  	p1 =	sne.s32 s14, s2  }
.Ltmp1:
0x1c: {  	_ = 	snop;
	(pc) =	sbr.rel @!p1 .LBB2_11-.Ltmp1, $3  }
0x1d: {  	_ =	sdelay $0x1  }
0x1e: {  	[sflag:s16] =	ssyncset.done $0x0  }
0x1f: {  	[sflag:s16] =	ssyncadd.s32 $0xFFFFD800;
	s2 =	smov.u32 s14  }
.LBB2_1:
0x20: {  	[dreg:$0x3] =	wrdreg s2  }
0x21: {  	s14 =	rddreg [dreg:$0x4]  }
0x22: {  	[spmem:s15], [sflag:s11] =	dma.local [hbm:s14], $0x2800  }
.Ltmp2:
0x23: {  	_ =	swait.ge [sflag:s16], $0x2800;
	(pc) =	sbr.rel @!p0 .LBB2_2-.Ltmp2, $4  }
0x24: {  	[sflag:s16] =	ssyncset.done $0x0  }
0x25: {  	[sflag:s16] =	ssyncadd.s32 $0xFFFFD800  }
0x26: {  	[bflag:$0x0] =	sbarrier.arrive $0xFFFF  }
0x27: {  	s14 =	simm.s32 $0x0;
	s11 =	simm.s32 $0x0  }
.LBB2_6:
0x28: {  	s2 =	sshll.u32 s11, $0xC  }
0x29: {  	s2 =	sadd.s32 s12, s2  }
0x2a: {  	s2 =	sshrl.u32 s2, $0x3  }
0x2b: {  	s15 =	simm.s32 $0x0;
	s14 =	sadd.s32 s6, s2  }
0x2c: {  	[tilespmem:s15], [sflag:$0x9] =	stream.linear.gather [hbm4b:s14+s15], $0x1000, $0x38;
	[tilespmem:$0x1E000] =	vst v63  }
0x2d: {  	_ =	swait.ge [sflag:s16], $0x1000  }
0x2e: {  	[sflag:s16] =	ssyncset.done $0x0  }
0x2f: {  	s2 =	sadd.s32 s7, s2;
	[sflag:s16] =	ssyncadd.s32 $0xFFFFF000  }
0x30: {  	[tilespmem:s17], [sflag:$0x9] =	stream.linear.gather [hbm4b:s2+s15], $0x1000, $0x38;
	[tilespmem:$0x1E000] =	vst v63  }
0x31: {  	_ =	swait.ge [sflag:s16], $0x1000  }
0x32: {  	[sflag:s16] =	ssyncset.done $0x0  }
0x33: {  	[sflag:s16] =	ssyncadd.s32 $0xFFFFF000  }
0x34: {  	[tilespmem:s19], [sflag:$0x1] =	stream.indirect.gather [hbm4b:s5+s18], $0x80, s15, s18, $0xb8;
	[tilespmem:$0x1E000] =	vst v63  }
0x35: {  	_ = 	snop  }
0x36: {  	[tilespmem:s21], [sflag:$0x2] =	stream.indirect.gather [hbm4b:s5+s18], $0x80, s20, s18, $0xb8;
	[tilespmem:$0x1E000] =	vst v63  }
0x37: {  	_ =	swait.ge [sflag:s22], $0x2000  }
0x38: {  	[sflag:s22] =	ssyncset.done $0x0  }
0x39: {  	[sflag:s22] =	ssyncadd.s32 $0xFFFFE000  }
0x3a: {  	[spmem:s1] =	stream.indirect.scatter.add.f32 [tilespmem:s19], [sflag:$0x5], $0x80, s17, s18, $0xb8;
	[tilespmem:$0x1E000] =	vst v63  }
0x3b: {  	_ = 	snop  }
0x3c: {  	[tilespmem:s24], [sflag:$0x3] =	stream.indirect.gather [hbm4b:s5+s18], $0x80, s23, s18, $0xb8;
	[tilespmem:$0x1E000] =	vst v63  }
0x3d: {  	_ =	swait.ge [sflag:s25], $0x2000  }
0x3e: {  	[sflag:s25] =	ssyncset.done $0x0  }
0x3f: {  	[sflag:s25] =	ssyncadd.s32 $0xFFFFE000  }
0x40: {  	[spmem:s1] =	stream.indirect.scatter.add.f32 [tilespmem:s21], [sflag:$0x6], $0x80, s26, s18, $0xb8;
	[tilespmem:$0x1E000] =	vst v63  }
0x41: {  	_ = 	snop  }
0x42: {  	[tilespmem:s29], [sflag:$0x4] =	stream.indirect.gather [hbm4b:s5+s18], $0x80, s28, s18, $0xb8;
	[tilespmem:$0x1E000] =	vst v63  }
0x43: {  	_ =	swait.ge [sflag:s30], $0x2000  }
0x44: {  	[sflag:s30] =	ssyncset.done $0x0  }
0x45: {  	s15 =	simm.s32 $0x1100;
	[sflag:s30] =	ssyncadd.s32 $0xFFFFE000  }
0x46: {  	[spmem:s1] =	stream.indirect.scatter.add.f32 [tilespmem:s24], [sflag:$0x7], $0x80, s15, s18, $0xb8;
	[tilespmem:$0x1E000] =	vst v63  }
0x47: {  	_ =	swait.ge [sflag:s31], $0x2000  }
0x48: {  	[sflag:s31] =	ssyncset.done $0x0  }
0x49: {  	s14 =	simm.s32 $0x200;
	[sflag:s31] =	ssyncadd.s32 $0xFFFFE000  }
0x4a: {  	[tilespmem:s19], [sflag:$0x1] =	stream.indirect.gather [hbm4b:s5+s18], $0x80, s14, s18, $0xb8;
	[tilespmem:$0x1E000] =	vst v63  }
0x4b: {  	_ =	swait.ge [sflag:s0], $0x2000  }
0x4c: {  	[sflag:s0] =	ssyncset.done $0x0  }
0x4d: {  	s15 =	simm.s32 $0x1180;
	[sflag:s0] =	ssyncadd.s32 $0xFFFFE000  }
0x4e: {  	[spmem:s1] =	stream.indirect.scatter.add.f32 [tilespmem:s29], [sflag:$0x8], $0x80, s15, s18, $0xb8;
	[tilespmem:$0x1E000] =	vst v63  }
0x4f: {  	_ =	swait.ge [sflag:s3], $0x2000  }
0x50: {  	[sflag:s3] =	ssyncset.done $0x0  }
0x51: {  	s14 =	simm.s32 $0x280;
	[sflag:s3] =	ssyncadd.s32 $0xFFFFE000  }
0x52: {  	[tilespmem:s21], [sflag:$0x2] =	stream.indirect.gather [hbm4b:s5+s18], $0x80, s14, s18, $0xb8;
	[tilespmem:$0x1E000] =	vst v63  }
0x53: {  	_ =	swait.ge [sflag:s22], $0x2000  }
0x54: {  	[sflag:s22] =	ssyncset.done $0x0  }
0x55: {  	s15 =	simm.s32 $0x1200;
	[sflag:s22] =	ssyncadd.s32 $0xFFFFE000  }
0x56: {  	[spmem:s1] =	stream.indirect.scatter.add.f32 [tilespmem:s19], [sflag:$0x5], $0x80, s15, s18, $0xb8;
	[tilespmem:$0x1E000] =	vst v63  }
0x57: {  	_ =	swait.ge [sflag:s9], $0x2000  }
0x58: {  	[sflag:s9] =	ssyncset.done $0x0  }
0x59: {  	s14 =	simm.s32 $0x300;
	[sflag:s9] =	ssyncadd.s32 $0xFFFFE000  }
0x5a: {  	[tilespmem:s24], [sflag:$0x3] =	stream.indirect.gather [hbm4b:s5+s18], $0x80, s14, s18, $0xb8;
	[tilespmem:$0x1E000] =	vst v63  }
0x5b: {  	_ =	swait.ge [sflag:s25], $0x2000  }
0x5c: {  	[sflag:s25] =	ssyncset.done $0x0  }
0x5d: {  	s15 =	simm.s32 $0x1280;
	[sflag:s25] =	ssyncadd.s32 $0xFFFFE000  }
0x5e: {  	[spmem:s1] =	stream.indirect.scatter.add.f32 [tilespmem:s21], [sflag:$0x6], $0x80, s15, s18, $0xb8;
	[tilespmem:$0x1E000] =	vst v63  }
0x5f: {  	_ =	swait.ge [sflag:s10], $0x2000  }
0x60: {  	[sflag:s10] =	ssyncset.done $0x0  }
0x61: {  	s14 =	simm.s32 $0x800;
	s15 =	simm.s32 $0x380;
	[sflag:s10] =	ssyncadd.s32 $0xFFFFE000  }
.LBB2_7:
0x62: {  	[tilespmem:s29], [sflag:$0x4] =	stream.indirect.gather [hbm4b:s5+s18], $0x80, s15, s18, $0xb8;
	[tilespmem:$0x1E000] =	vst v63  }
0x63: {  	s2 =	smov.u32 s14  }
0x64: {  	p1 =	sne.s32 s14, $0x3000;
	s14 =	sadd.s32 $0x800, s14;
	_ =	swait.ge [sflag:s30], $0x2000  }
0x65: {  	s15 =	sshra.s32 s2, $0x2;
	[sflag:s30] =	ssyncset.done $0x0  }
0x66: {  	s2 =	sadd.s32 $0x1100, s15;
	[sflag:s30] =	ssyncadd.s32 $0xFFFFE000  }
0x67: {  	[spmem:s1] =	stream.indirect.scatter.add.f32 [tilespmem:s24], [sflag:$0x7], $0x80, s2, s18, $0xb8;
	[tilespmem:$0x1E000] =	vst v63  }
0x68: {  	_ =	swait.ge [sflag:s31], $0x2000  }
0x69: {  	[sflag:s31] =	ssyncset.done $0x0  }
0x6a: {  	s2 =	sadd.s32 $0x200, s15;
	[sflag:s31] =	ssyncadd.s32 $0xFFFFE000  }
0x6b: {  	[tilespmem:s19], [sflag:$0x1] =	stream.indirect.gather [hbm4b:s5+s18], $0x80, s2, s18, $0xb8;
	[tilespmem:$0x1E000] =	vst v63  }
0x6c: {  	_ =	swait.ge [sflag:s0], $0x2000  }
0x6d: {  	[sflag:s0] =	ssyncset.done $0x0  }
0x6e: {  	s2 =	sadd.s32 $0x1180, s15;
	[sflag:s0] =	ssyncadd.s32 $0xFFFFE000  }
0x6f: {  	[spmem:s1] =	stream.indirect.scatter.add.f32 [tilespmem:s29], [sflag:$0x8], $0x80, s2, s18, $0xb8;
	[tilespmem:$0x1E000] =	vst v63  }
0x70: {  	_ =	swait.ge [sflag:s3], $0x2000  }
0x71: {  	[sflag:s3] =	ssyncset.done $0x0  }
0x72: {  	s2 =	sadd.s32 $0x280, s15;
	[sflag:s3] =	ssyncadd.s32 $0xFFFFE000  }
0x73: {  	[tilespmem:s21], [sflag:$0x2] =	stream.indirect.gather [hbm4b:s5+s18], $0x80, s2, s18, $0xb8;
	[tilespmem:$0x1E000] =	vst v63  }
0x74: {  	_ =	swait.ge [sflag:s22], $0x2000  }
0x75: {  	[sflag:s22] =	ssyncset.done $0x0  }
0x76: {  	s2 =	sadd.s32 $0x1200, s15;
	[sflag:s22] =	ssyncadd.s32 $0xFFFFE000  }
0x77: {  	[spmem:s1] =	stream.indirect.scatter.add.f32 [tilespmem:s19], [sflag:$0x5], $0x80, s2, s18, $0xb8;
	[tilespmem:$0x1E000] =	vst v63  }
0x78: {  	_ =	swait.ge [sflag:s9], $0x2000  }
0x79: {  	[sflag:s9] =	ssyncset.done $0x0  }
0x7a: {  	s2 =	sadd.s32 $0x300, s15;
	[sflag:s9] =	ssyncadd.s32 $0xFFFFE000  }
0x7b: {  	[tilespmem:s24], [sflag:$0x3] =	stream.indirect.gather [hbm4b:s5+s18], $0x80, s2, s18, $0xb8;
	[tilespmem:$0x1E000] =	vst v63  }
0x7c: {  	_ =	swait.ge [sflag:s25], $0x2000  }
0x7d: {  	[sflag:s25] =	ssyncset.done $0x0  }
.Ltmp3:
0x7e: {  	s2 =	sadd.s32 $0x1280, s15;
	[sflag:s25] =	ssyncadd.s32 $0xFFFFE000;
	(pc) =	sbr.rel @p1 .LBB2_7-.Ltmp3, $4  }
0x7f: {  	[spmem:s1] =	stream.indirect.scatter.add.f32 [tilespmem:s21], [sflag:$0x6], $0x80, s2, s18, $0xb8;
	[tilespmem:$0x1E000] =	vst v63  }
0x80: {  	_ =	swait.ge [sflag:s10], $0x2000  }
0x81: {  	[sflag:s10] =	ssyncset.done $0x0  }
0x82: {  	s15 =	sadd.s32 $0x380, s15;
	[sflag:s10] =	ssyncadd.s32 $0xFFFFE000  }
0x83: {  	[tilespmem:s29], [sflag:$0x4] =	stream.indirect.gather [hbm4b:s5+s18], $0x80, s15, s18, $0xb8;
	[tilespmem:$0x1E000] =	vst v63  }
0x84: {  	_ =	swait.ge [sflag:s30], $0x2000  }
0x85: {  	[sflag:s30] =	ssyncset.done $0x0  }
0x86: {  	[sflag:s30] =	ssyncadd.s32 $0xFFFFE000  }
0x87: {  	[spmem:s1] =	stream.indirect.scatter.add.f32 [tilespmem:s24], [sflag:$0x7], $0x80, s8, s18, $0xb8;
	[tilespmem:$0x1E000] =	vst v63  }
0x88: {  	_ =	swait.ge [sflag:s0], $0x2000  }
0x89: {  	[sflag:s0] =	ssyncset.done $0x0  }
0x8a: {  	[sflag:s0] =	ssyncadd.s32 $0xFFFFE000  }
0x8b: {  	[spmem:s1] =	stream.indirect.scatter.add.f32 [tilespmem:s29], [sflag:$0x8], $0x80, s13, s18, $0xb8;
	[tilespmem:$0x1E000] =	vst v63  }
0x8c: {  	_ =	swait.ge [sflag:s31], $0x2000  }
0x8d: {  	[sflag:s31] =	ssyncset.done $0x0  }
0x8e: {  	[sflag:s31] =	ssyncadd.s32 $0xFFFFE000  }
0x8f: {  	_ =	swait.ge [sflag:s3], $0x2000  }
0x90: {  	[sflag:s3] =	ssyncset.done $0x0  }
0x91: {  	s11 =	sadd.s32 $0x1, s11;
	[sflag:s3] =	ssyncadd.s32 $0xFFFFE000  }
0x92: {  	p1 =	sne.s32 s11, $0xA;
	_ =	swait.ge [sflag:s9], $0x2000  }
.Ltmp4:
0x93: {  	[sflag:s9] =	ssyncset.done $0x0;
	(pc) =	sbr.rel @p1 .LBB2_6-.Ltmp4, $4  }
0x94: {  	[sflag:s9] =	ssyncadd.s32 $0xFFFFE000  }
0x95: {  	_ =	swait.ge [sflag:s10], $0x2000  }
0x96: {  	[sflag:s10] =	ssyncset.done $0x0  }
0x97: {  	[sflag:s10] =	ssyncadd.s32 $0xFFFFE000  }
.Ltmp5:
0x98: {  	(pc) =	sbr.rel .LBB2_10-.Ltmp5, $3  }
0x99: {  	_ =	sdelay $0x1  }
0x9a: {  	s11 =	rddreg [dreg:$0x6]  }
0x9b: {  	s14 =	rddreg [dreg:$0x3]  }
.LBB2_2:
0x9c: {  	s11 =	sshll.u32 s14, $0xC  }
0x9d: {  	s11 =	sadd.s32 s12, s11  }
0x9e: {  	s11 =	sshrl.u32 s11, $0x3  }
0x9f: {  	s2 =	simm.s32 $0x0;
	s15 =	sadd.s32 s6, s11  }
0xa0: {  	[tilespmem:s2], [sflag:$0x9] =	stream.linear.gather [hbm4b:s15+s2], $0x1000, $0x38;
	[tilespmem:$0x1E000] =	vst v63  }
0xa1: {  	_ =	swait.ge [sflag:s16], $0x1000  }
0xa2: {  	[sflag:s16] =	ssyncset.done $0x0  }
0xa3: {  	s11 =	sadd.s32 s7, s11;
	[sflag:s16] =	ssyncadd.s32 $0xFFFFF000  }
0xa4: {  	[tilespmem:s17], [sflag:$0x9] =	stream.linear.gather [hbm4b:s11+s2], $0x1000, $0x38;
	[tilespmem:$0x1E000] =	vst v63  }
0xa5: {  	_ =	swait.ge [sflag:s16], $0x1000  }
0xa6: {  	[sflag:s16] =	ssyncset.done $0x0  }
0xa7: {  	[sflag:s16] =	ssyncadd.s32 $0xFFFFF000  }
0xa8: {  	[tilespmem:s19], [sflag:$0x1] =	stream.indirect.gather [hbm4b:s4+s18], $0x80, s2, s18, $0xb8;
	[tilespmem:$0x1E000] =	vst v63  }
0xa9: {  	_ = 	snop  }
0xaa: {  	[tilespmem:s21], [sflag:$0x2] =	stream.indirect.gather [hbm4b:s4+s18], $0x80, s20, s18, $0xb8;
	[tilespmem:$0x1E000] =	vst v63  }
0xab: {  	_ =	swait.ge [sflag:s22], $0x2000  }
0xac: {  	[sflag:s22] =	ssyncset.done $0x0  }
0xad: {  	[sflag:s22] =	ssyncadd.s32 $0xFFFFE000  }
0xae: {  	[spmem:s1] =	stream.indirect.scatter.add.f32 [tilespmem:s19], [sflag:$0x5], $0x80, s17, s18, $0xb8;
	[tilespmem:$0x1E000] =	vst v63  }
0xaf: {  	_ = 	snop  }
0xb0: {  	[tilespmem:s24], [sflag:$0x3] =	stream.indirect.gather [hbm4b:s4+s18], $0x80, s23, s18, $0xb8;
	[tilespmem:$0x1E000] =	vst v63  }
0xb1: {  	_ =	swait.ge [sflag:s25], $0x2000  }
0xb2: {  	[sflag:s25] =	ssyncset.done $0x0  }
0xb3: {  	[sflag:s25] =	ssyncadd.s32 $0xFFFFE000  }
0xb4: {  	[spmem:s1] =	stream.indirect.scatter.add.f32 [tilespmem:s21], [sflag:$0x6], $0x80, s26, s18, $0xb8;
	[tilespmem:$0x1E000] =	vst v63  }
0xb5: {  	_ = 	snop  }
0xb6: {  	[tilespmem:s29], [sflag:$0x4] =	stream.indirect.gather [hbm4b:s4+s18], $0x80, s28, s18, $0xb8;
	[tilespmem:$0x1E000] =	vst v63  }
0xb7: {  	_ =	swait.ge [sflag:s30], $0x2000  }
0xb8: {  	[sflag:s30] =	ssyncset.done $0x0  }
0xb9: {  	s15 =	simm.s32 $0x1100;
	[sflag:s30] =	ssyncadd.s32 $0xFFFFE000  }
0xba: {  	[spmem:s1] =	stream.indirect.scatter.add.f32 [tilespmem:s24], [sflag:$0x7], $0x80, s15, s18, $0xb8;
	[tilespmem:$0x1E000] =	vst v63  }
0xbb: {  	_ =	swait.ge [sflag:s31], $0x2000  }
0xbc: {  	[sflag:s31] =	ssyncset.done $0x0  }
0xbd: {  	s11 =	simm.s32 $0x200;
	[sflag:s31] =	ssyncadd.s32 $0xFFFFE000  }
0xbe: {  	[tilespmem:s19], [sflag:$0x1] =	stream.indirect.gather [hbm4b:s4+s18], $0x80, s11, s18, $0xb8;
	[tilespmem:$0x1E000] =	vst v63  }
0xbf: {  	_ =	swait.ge [sflag:s0], $0x2000  }
0xc0: {  	[sflag:s0] =	ssyncset.done $0x0  }
0xc1: {  	s15 =	simm.s32 $0x1180;
	[sflag:s0] =	ssyncadd.s32 $0xFFFFE000  }
0xc2: {  	[spmem:s1] =	stream.indirect.scatter.add.f32 [tilespmem:s29], [sflag:$0x8], $0x80, s15, s18, $0xb8;
	[tilespmem:$0x1E000] =	vst v63  }
0xc3: {  	_ =	swait.ge [sflag:s3], $0x2000  }
0xc4: {  	[sflag:s3] =	ssyncset.done $0x0  }
0xc5: {  	s11 =	simm.s32 $0x280;
	[sflag:s3] =	ssyncadd.s32 $0xFFFFE000  }
0xc6: {  	[tilespmem:s21], [sflag:$0x2] =	stream.indirect.gather [hbm4b:s4+s18], $0x80, s11, s18, $0xb8;
	[tilespmem:$0x1E000] =	vst v63  }
0xc7: {  	_ =	swait.ge [sflag:s22], $0x2000  }
0xc8: {  	[sflag:s22] =	ssyncset.done $0x0  }
0xc9: {  	s15 =	simm.s32 $0x1200;
	[sflag:s22] =	ssyncadd.s32 $0xFFFFE000  }
0xca: {  	[spmem:s1] =	stream.indirect.scatter.add.f32 [tilespmem:s19], [sflag:$0x5], $0x80, s15, s18, $0xb8;
	[tilespmem:$0x1E000] =	vst v63  }
0xcb: {  	_ =	swait.ge [sflag:s9], $0x2000  }
0xcc: {  	[sflag:s9] =	ssyncset.done $0x0  }
0xcd: {  	s11 =	simm.s32 $0x300;
	[sflag:s9] =	ssyncadd.s32 $0xFFFFE000  }
0xce: {  	[tilespmem:s24], [sflag:$0x3] =	stream.indirect.gather [hbm4b:s4+s18], $0x80, s11, s18, $0xb8;
	[tilespmem:$0x1E000] =	vst v63  }
0xcf: {  	_ =	swait.ge [sflag:s25], $0x2000  }
0xd0: {  	[sflag:s25] =	ssyncset.done $0x0  }
0xd1: {  	s15 =	simm.s32 $0x1280;
	[sflag:s25] =	ssyncadd.s32 $0xFFFFE000  }
0xd2: {  	[spmem:s1] =	stream.indirect.scatter.add.f32 [tilespmem:s21], [sflag:$0x6], $0x80, s15, s18, $0xb8;
	[tilespmem:$0x1E000] =	vst v63  }
0xd3: {  	_ =	swait.ge [sflag:s10], $0x2000  }
0xd4: {  	[sflag:s10] =	ssyncset.done $0x0  }
0xd5: {  	s11 =	simm.s32 $0x800;
	s15 =	simm.s32 $0x380;
	[sflag:s10] =	ssyncadd.s32 $0xFFFFE000  }
.LBB2_3:
0xd6: {  	[tilespmem:s29], [sflag:$0x4] =	stream.indirect.gather [hbm4b:s4+s18], $0x80, s15, s18, $0xb8;
	[tilespmem:$0x1E000] =	vst v63  }
0xd7: {  	s2 =	smov.u32 s11  }
0xd8: {  	p1 =	sne.s32 s11, $0x3000;
	s11 =	sadd.s32 $0x800, s11;
	_ =	swait.ge [sflag:s30], $0x2000  }
0xd9: {  	s15 =	sshra.s32 s2, $0x2;
	[sflag:s30] =	ssyncset.done $0x0  }
0xda: {  	s2 =	sadd.s32 $0x1100, s15;
	[sflag:s30] =	ssyncadd.s32 $0xFFFFE000  }
0xdb: {  	[spmem:s1] =	stream.indirect.scatter.add.f32 [tilespmem:s24], [sflag:$0x7], $0x80, s2, s18, $0xb8;
	[tilespmem:$0x1E000] =	vst v63  }
0xdc: {  	_ =	swait.ge [sflag:s31], $0x2000  }
0xdd: {  	[sflag:s31] =	ssyncset.done $0x0  }
0xde: {  	s2 =	sadd.s32 $0x200, s15;
	[sflag:s31] =	ssyncadd.s32 $0xFFFFE000  }
0xdf: {  	[tilespmem:s19], [sflag:$0x1] =	stream.indirect.gather [hbm4b:s4+s18], $0x80, s2, s18, $0xb8;
	[tilespmem:$0x1E000] =	vst v63  }
0xe0: {  	_ =	swait.ge [sflag:s0], $0x2000  }
0xe1: {  	[sflag:s0] =	ssyncset.done $0x0  }
0xe2: {  	s2 =	sadd.s32 $0x1180, s15;
	[sflag:s0] =	ssyncadd.s32 $0xFFFFE000  }
0xe3: {  	[spmem:s1] =	stream.indirect.scatter.add.f32 [tilespmem:s29], [sflag:$0x8], $0x80, s2, s18, $0xb8;
	[tilespmem:$0x1E000] =	vst v63  }
0xe4: {  	_ =	swait.ge [sflag:s3], $0x2000  }
0xe5: {  	[sflag:s3] =	ssyncset.done $0x0  }
0xe6: {  	s2 =	sadd.s32 $0x280, s15;
	[sflag:s3] =	ssyncadd.s32 $0xFFFFE000  }
0xe7: {  	[tilespmem:s21], [sflag:$0x2] =	stream.indirect.gather [hbm4b:s4+s18], $0x80, s2, s18, $0xb8;
	[tilespmem:$0x1E000] =	vst v63  }
0xe8: {  	_ =	swait.ge [sflag:s22], $0x2000  }
0xe9: {  	[sflag:s22] =	ssyncset.done $0x0  }
0xea: {  	s2 =	sadd.s32 $0x1200, s15;
	[sflag:s22] =	ssyncadd.s32 $0xFFFFE000  }
0xeb: {  	[spmem:s1] =	stream.indirect.scatter.add.f32 [tilespmem:s19], [sflag:$0x5], $0x80, s2, s18, $0xb8;
	[tilespmem:$0x1E000] =	vst v63  }
0xec: {  	_ =	swait.ge [sflag:s9], $0x2000  }
0xed: {  	[sflag:s9] =	ssyncset.done $0x0  }
0xee: {  	s2 =	sadd.s32 $0x300, s15;
	[sflag:s9] =	ssyncadd.s32 $0xFFFFE000  }
0xef: {  	[tilespmem:s24], [sflag:$0x3] =	stream.indirect.gather [hbm4b:s4+s18], $0x80, s2, s18, $0xb8;
	[tilespmem:$0x1E000] =	vst v63  }
0xf0: {  	_ =	swait.ge [sflag:s25], $0x2000  }
0xf1: {  	[sflag:s25] =	ssyncset.done $0x0  }
.Ltmp6:
0xf2: {  	s2 =	sadd.s32 $0x1280, s15;
	[sflag:s25] =	ssyncadd.s32 $0xFFFFE000;
	(pc) =	sbr.rel @p1 .LBB2_3-.Ltmp6, $4  }
0xf3: {  	[spmem:s1] =	stream.indirect.scatter.add.f32 [tilespmem:s21], [sflag:$0x6], $0x80, s2, s18, $0xb8;
	[tilespmem:$0x1E000] =	vst v63  }
0xf4: {  	_ =	swait.ge [sflag:s10], $0x2000  }
0xf5: {  	[sflag:s10] =	ssyncset.done $0x0  }
0xf6: {  	s15 =	sadd.s32 $0x380, s15;
	[sflag:s10] =	ssyncadd.s32 $0xFFFFE000  }
0xf7: {  	[tilespmem:s29], [sflag:$0x4] =	stream.indirect.gather [hbm4b:s4+s18], $0x80, s15, s18, $0xb8;
	[tilespmem:$0x1E000] =	vst v63  }
0xf8: {  	_ =	swait.ge [sflag:s30], $0x2000  }
0xf9: {  	[sflag:s30] =	ssyncset.done $0x0  }
0xfa: {  	[sflag:s30] =	ssyncadd.s32 $0xFFFFE000  }
0xfb: {  	[spmem:s1] =	stream.indirect.scatter.add.f32 [tilespmem:s24], [sflag:$0x7], $0x80, s8, s18, $0xb8;
	[tilespmem:$0x1E000] =	vst v63  }
0xfc: {  	_ =	swait.ge [sflag:s0], $0x2000  }
0xfd: {  	[sflag:s0] =	ssyncset.done $0x0  }
0xfe: {  	[sflag:s0] =	ssyncadd.s32 $0xFFFFE000  }
0xff: {  	[spmem:s1] =	stream.indirect.scatter.add.f32 [tilespmem:s29], [sflag:$0x8], $0x80, s13, s18, $0xb8;
	[tilespmem:$0x1E000] =	vst v63  }
0x100: {  	_ =	swait.ge [sflag:s31], $0x2000  }
0x101: {  	[sflag:s31] =	ssyncset.done $0x0  }
0x102: {  	[sflag:s31] =	ssyncadd.s32 $0xFFFFE000  }
0x103: {  	_ =	swait.ge [sflag:s3], $0x2000  }
0x104: {  	[sflag:s3] =	ssyncset.done $0x0  }
0x105: {  	s14 =	sadd.s32 $0x1, s14;
	[sflag:s3] =	ssyncadd.s32 $0xFFFFE000  }
0x106: {  	p1 =	seq.s32 s14, $0xA;
	_ =	swait.ge [sflag:s9], $0x2000  }
.Ltmp7:
0x107: {  	[sflag:s9] =	ssyncset.done $0x0;
	(pc) =	sbr.rel @!p1 .LBB2_2-.Ltmp7, $4  }
0x108: {  	[sflag:s9] =	ssyncadd.s32 $0xFFFFE000  }
0x109: {  	_ =	swait.ge [sflag:s10], $0x2000  }
0x10a: {  	[sflag:s10] =	ssyncset.done $0x0  }
0x10b: {  	[sflag:s10] =	ssyncadd.s32 $0xFFFFE000  }
.Ltmp8:
0x10c: {  	(pc) =	sbr.rel .LBB2_10-.Ltmp8, $3  }
0x10d: {  	_ =	sdelay $0x1  }
0x10e: {  	s11 =	rddreg [dreg:$0x5]  }
0x10f: {  	s14 =	rddreg [dreg:$0x3]  }
.LBB2_11:
0x110: {  	_ =	sfence.sel $0x180000  }
0x111: {  	[bflag:$0x0] =	sbarrier.arrive $0xFFFF  }
0x112: {  	_ =	strace $0x90000050  }
0x113: {  	s0 =	stileid.u32;
	[bflag:$0x2] =	sbarrier.arrive $0xFFFF  }
0x114: {  	p0 =	sne.s32 s0, $0x0;
	s0 =	rddreg [dreg:$0x2]  }
0x115: {  	s0 =	sadd.s32 @!p0 $0x100000, s0  }
0x116: {  	[sflag:s0] =	ssyncadd.tile.s32 @!p0 $0x1;
	_ =	shalt  }
.Lfunc_end2:
_tile_overlayer_lowered:
.L_overlay_start_2:
0x117: {  	(tag) =	ssettag $0x2  }
0x118: {  	s0 =	rddreg [dreg:$0x0];
	s2 =	stileid.u32  }
0x119: {  	s1 =	rddreg [dreg:$0x1];
	p0 =	sne.s32 s2, $0x0  }
0x11a: {  	s3 =	rddreg [dreg:$0x2];
	[bflag:$0x3] =	sbarrier.arrive $0xFFFF;
	s2 =	simm.s32 @!p0 $0x1C09  }
0x11b: {  	[timem:s3], [sflag:s2] =	dma.local @!p0 [hbm:s0], s1  }
0x11c: {  	s0 =	simm.s32 @!p0 $0x9  }
0x11d: {  	_ =	swait.ge @!p0 [sflag:s0], s1  }
0x11e: {  	s1 =	ssub.s32 @!p0 $0x0, s1;
	[sflag:s0] =	ssyncset.done @!p0 $0x0  }
0x11f: {  	[sflag:s0] =	ssyncadd.s32 @!p0 s1  }
0x120: {  	[bflag:$0x3] =	sbarrier.arrive $0xFFFF  }
0x121: {  	_ =	shalt  }

</sc_bundles>
